<compile_context>
chip_gen: v7x
topology: tpu7x:2x2x1
jax: 0.10.2.dev20260603
libtpu: 0.0.44.dev20260713+nightly
codegen_flags: <defaults>
</compile_context>

<pallas_src>
import jax
import jax.numpy as jnp
from jax import lax
from jax.experimental import pallas as pl
from jax.experimental.pallas import tpu as pltpu
from jax.experimental.pallas import tpu_sc as plsc

_LANES = 16
_CH = 80
_NBUF = 10
_NC = 2
_NS = 16
_PAD = 8192


def kernel(lyrics_ids, mask, table):
    B, S = lyrics_ids.shape
    V, D = table.shape
    N = B * S
    n_units = _NC * _NS
    per_w = N // n_units
    n_ch = per_w // _CH
    n_outer = n_ch // _NBUF

    ids = lyrics_ids.reshape(N).astype(jnp.int32)
    msk = mask.reshape(N).astype(jnp.int32)
    table_x = jnp.concatenate(
        [table, jnp.broadcast_to(table[0], (_PAD, D))], axis=0
    )

    mesh = plsc.VectorSubcoreMesh(core_axis_name="c", subcore_axis_name="s")

    @pl.kernel(
        out_type=jax.ShapeDtypeStruct((N, D), table.dtype),
        mesh=mesh,
        scratch_types=[
            pltpu.VMEM((per_w,), jnp.int32),
            pltpu.VMEM((per_w,), jnp.int32),
            pltpu.VMEM((_NBUF, _CH, D), jnp.float32),
            pltpu.SemaphoreType.DMA((_NBUF,)),
            pltpu.SemaphoreType.DMA((_NBUF,)),
        ],
    )
    def sc_gather(table_hbm, ids_hbm, msk_hbm, out_hbm,
                  idx_v, msk_v, rows_v, gsem, wsem):
        wid = lax.axis_index("c") * _NS + lax.axis_index("s")
        base = wid * per_w
        iota = lax.iota(jnp.int32, _LANES)

        ld_ids = pltpu.make_async_copy(
            ids_hbm.at[pl.ds(base, per_w)], idx_v, gsem.at[0]
        )
        ld_msk = pltpu.make_async_copy(
            msk_hbm.at[pl.ds(base, per_w)], msk_v, gsem.at[1]
        )
        ld_ids.start()
        ld_msk.start()
        ld_ids.wait()
        ld_msk.wait()

        def mask_chunk(chunk):
            for g in range(_CH // _LANES):
                c = chunk * _CH + g * _LANES
                slc = pl.ds(c, _LANES)
                p = V + ((c + wid * 32) & (_PAD - 1)) + iota
                idx_v.at[slc][...] = (
                    p + (idx_v.at[slc][...] - p) * msk_v.at[slc][...]
                )

        def gather(chunk, b):
            return pltpu.make_async_copy(
                table_hbm.at[idx_v.at[pl.ds(chunk * _CH, _CH)]],
                rows_v.at[b],
                gsem.at[b],
            )

        def writeback(chunk, b):
            return pltpu.make_async_copy(
                rows_v.at[b],
                out_hbm.at[pl.ds(base + chunk * _CH, _CH)],
                wsem.at[b],
            )

        for b in range(_NBUF):
            mask_chunk(b)
            gather(b, b).start()

        @pl.loop(0, n_outer)
        def _(o):
            for b in range(_NBUF):
                chunk = o * _NBUF + b
                gather(chunk, b).wait()
                writeback(chunk, b).start()
            for b in range(_NBUF):
                chunk = o * _NBUF + b
                writeback(chunk, b).wait()

                @pl.when(o < n_outer - 1)
                def _():
                    mask_chunk(chunk + _NBUF)
                    gather(chunk + _NBUF, b).start()

    out = sc_gather(table_x, ids, msk)
    return out

# --- scband reference (transcript-rebuilt; emitter-appended) ---
"""Pipeline reference for scband-model-32787780338133 (READ-ONLY COPY).

The authoritative reference and input builder live on the scoring server;
editing this copy changes nothing except your own understanding.
"""

import jax, jax.numpy as jnp
import numpy as np

VOCAB = 100000
EMBED_DIM = 128
BATCH = 1024
SEQ = 200

def setup_inputs(seed: int = 0) -> dict:
    key = jax.random.key(seed)
    k1, k2, k3 = jax.random.split(key, 3)
    lyrics_ids = jax.random.randint(k1, (BATCH, SEQ), 0, VOCAB, dtype=jnp.int64 if jax.config.jax_enable_x64 else jnp.int32)
    mask = jax.random.randint(k2, (BATCH, SEQ), 0, 2, dtype=lyrics_ids.dtype)
    table = jax.random.normal(k3, (VOCAB, EMBED_DIM), dtype=jnp.float32)
    return {"lyrics_ids": lyrics_ids, "mask": mask, "table": table}

def reference(lyrics_ids, mask, table):
    # masked = lyrics_ids * mask  (mask zeros out padded positions -> index 0)
    masked = lyrics_ids * mask
    # embs = self.embeddings(masked)
    embs = jnp.take(table, masked, axis=0)
    return embs

if __name__ == "__main__":
    import jax
    _d = setup_inputs()
    print(jax.jit(kernel)(*tuple(_d.values())))

</pallas_src>

<mosaic_0001>
#map = affine_map<(d0, d1) -> (0, 0)>
#map1 = affine_map<(d0, d1) -> (0)>
module attributes {stable_mosaic.version = 14 : i64} {
  func.func @sc_gather(%arg0: i32, %arg1: i32, %arg2: memref<108192x128xf32, #tpu.memory_space<hbm>>, %arg3: memref<204800xi32, #tpu.memory_space<hbm>>, %arg4: memref<204800xi32, #tpu.memory_space<hbm>>, %arg5: memref<204800x128xf32, #tpu.memory_space<hbm>>, %arg6: memref<6400xi32, #tpu.memory_space<vmem>>, %arg7: memref<6400xi32, #tpu.memory_space<vmem>>, %arg8: memref<10x80x128xf32, #tpu.memory_space<vmem>>, %arg9: memref<10x!tpu.dma_semaphore, #tpu.memory_space<semaphore_mem>>, %arg10: memref<10x!tpu.dma_semaphore, #tpu.memory_space<semaphore_mem>>) attributes {dimension_semantics = [#tpu.dimension_semantics<core_parallel>, #tpu.dimension_semantics<subcore_parallel>], iteration_bounds = array<i64: 2, 16>, scalar_prefetch = 0 : i64, scratch_operands = 5 : i64, tpu.core_type = #tpu.core_type<sc_vector_subcore>, window_params = [{transform_indices = #map}, {transform_indices = #map1}, {transform_indices = #map1}, {transform_indices = #map}]} {
    %mul3A = arith.constant 16 : i32
    %mul3A_0 = arith.muli %arg0, %mul3A : i32
    %add3A = arith.addi %mul3A_0, %arg1 : i32
    %mul3A_1 = arith.constant 6400 : i32
    %mul3A_2 = arith.muli %add3A, %mul3A_1 : i32
    %iota3A = tpu.iota {dimensions = array<i32: 0>} : vector<16xi32>
    %dma_start3A = arith.constant 0 : i32
    %dma_start3A_3 = tpu.memref_slice %arg3[%mul3A_2] : memref<204800xi32, #tpu.memory_space<hbm>> -> memref<6400xi32, #tpu.memory_space<hbm>>
    %dma_start3A_4 = tpu.memref_slice %arg9[%dma_start3A] : memref<10x!tpu.dma_semaphore, #tpu.memory_space<semaphore_mem>> -> memref<1x!tpu.dma_semaphore, #tpu.memory_space<semaphore_mem>>
    %dma_start3A_5 = tpu.memref_squeeze %dma_start3A_4 : memref<1x!tpu.dma_semaphore, #tpu.memory_space<semaphore_mem>> -> memref<!tpu.dma_semaphore, #tpu.memory_space<semaphore_mem>>
    %dma_start3A_6 = tpu.memref_slice %arg3[%mul3A_2] : memref<204800xi32, #tpu.memory_space<hbm>> -> memref<6400xi32, #tpu.memory_space<hbm>>
    tpu.enqueue_dma source(%dma_start3A_6 : memref<6400xi32, #tpu.memory_space<hbm>>) target(%arg6 : memref<6400xi32, #tpu.memory_space<vmem>>) target_semaphore(%dma_start3A_5 : memref<!tpu.dma_semaphore, #tpu.memory_space<semaphore_mem>>)
    %dma_start3A_7 = arith.constant 1 : i32
    %dma_start3A_8 = tpu.memref_slice %arg4[%mul3A_2] : memref<204800xi32, #tpu.memory_space<hbm>> -> memref<6400xi32, #tpu.memory_space<hbm>>
    %dma_start3A_9 = tpu.memref_slice %arg9[%dma_start3A_7] : memref<10x!tpu.dma_semaphore, #tpu.memory_space<semaphore_mem>> -> memref<1x!tpu.dma_semaphore, #tpu.memory_space<semaphore_mem>>
    %dma_start3A_10 = tpu.memref_squeeze %dma_start3A_9 : memref<1x!tpu.dma_semaphore, #tpu.memory_space<semaphore_mem>> -> memref<!tpu.dma_semaphore, #tpu.memory_space<semaphore_mem>>
    %dma_start3A_11 = tpu.memref_slice %arg4[%mul3A_2] : memref<204800xi32, #tpu.memory_space<hbm>> -> memref<6400xi32, #tpu.memory_space<hbm>>
    tpu.enqueue_dma source(%dma_start3A_11 : memref<6400xi32, #tpu.memory_space<hbm>>) target(%arg7 : memref<6400xi32, #tpu.memory_space<vmem>>) target_semaphore(%dma_start3A_10 : memref<!tpu.dma_semaphore, #tpu.memory_space<semaphore_mem>>)
    %dma_wait3A = arith.constant 0 : i32
    %dma_wait3A_12 = tpu.memref_slice %arg3[%mul3A_2] : memref<204800xi32, #tpu.memory_space<hbm>> -> memref<6400xi32, #tpu.memory_space<hbm>>
    %dma_wait3A_13 = tpu.memref_slice %arg9[%dma_wait3A] : memref<10x!tpu.dma_semaphore, #tpu.memory_space<semaphore_mem>> -> memref<1x!tpu.dma_semaphore, #tpu.memory_space<semaphore_mem>>
    %dma_wait3A_14 = tpu.memref_squeeze %dma_wait3A_13 : memref<1x!tpu.dma_semaphore, #tpu.memory_space<semaphore_mem>> -> memref<!tpu.dma_semaphore, #tpu.memory_space<semaphore_mem>>
    %dma_wait3A_15 = tpu.memref_slice %arg3[%mul3A_2] : memref<204800xi32, #tpu.memory_space<hbm>> -> memref<6400xi32, #tpu.memory_space<hbm>>
    tpu.wait_dma2 semaphore(%dma_wait3A_14 : memref<!tpu.dma_semaphore, #tpu.memory_space<semaphore_mem>>) src(%dma_wait3A_15 : memref<6400xi32, #tpu.memory_space<hbm>>) dst(%arg6 : memref<6400xi32, #tpu.memory_space<vmem>>)
    %dma_wait3A_16 = arith.constant 1 : i32
    %dma_wait3A_17 = tpu.memref_slice %arg4[%mul3A_2] : memref<204800xi32, #tpu.memory_space<hbm>> -> memref<6400xi32, #tpu.memory_space<hbm>>
    %dma_wait3A_18 = tpu.memref_slice %arg9[%dma_wait3A_16] : memref<10x!tpu.dma_semaphore, #tpu.memory_space<semaphore_mem>> -> memref<1x!tpu.dma_semaphore, #tpu.memory_space<semaphore_mem>>
    %dma_wait3A_19 = tpu.memref_squeeze %dma_wait3A_18 : memref<1x!tpu.dma_semaphore, #tpu.memory_space<semaphore_mem>> -> memref<!tpu.dma_semaphore, #tpu.memory_space<semaphore_mem>>
    %dma_wait3A_20 = tpu.memref_slice %arg4[%mul3A_2] : memref<204800xi32, #tpu.memory_space<hbm>> -> memref<6400xi32, #tpu.memory_space<hbm>>
    tpu.wait_dma2 semaphore(%dma_wait3A_19 : memref<!tpu.dma_semaphore, #tpu.memory_space<semaphore_mem>>) src(%dma_wait3A_20 : memref<6400xi32, #tpu.memory_space<hbm>>) dst(%arg7 : memref<6400xi32, #tpu.memory_space<vmem>>)
    %mul3A_21 = arith.constant 32 : i32
    %mul3A_22 = arith.muli %add3A, %mul3A_21 : i32
    %add3A_23 = arith.constant 0 : i32
    %add3A_24 = arith.addi %add3A_23, %mul3A_22 : i32
    %and3A = arith.constant 8191 : i32
    %and3A_25 = arith.andi %add3A_24, %and3A : i32
    %add3A_26 = arith.constant 100000 : i32
    %add3A_27 = arith.addi %add3A_26, %and3A_25 : i32
    %add3A_28 = vector.broadcast %add3A_27 : i32 to vector<16xi32>
    %add3A_29 = arith.addi %add3A_28, %iota3A : vector<16xi32>
    %get3A = arith.constant 0 : index
    %get3A_30 = tpu.vector_load %arg6[%get3A] {strides = array<i32>} : memref<6400xi32, #tpu.memory_space<vmem>>, vector<16xi32>,
    %get3A_31 = vector.shape_cast %get3A_30 : vector<16xi32> to vector<16xi32>
    %sub3A = arith.subi %get3A_31, %add3A_29 : vector<16xi32>
    %get3A_32 = arith.constant 0 : index
    %get3A_33 = tpu.vector_load %arg7[%get3A_32] {strides = array<i32>} : memref<6400xi32, #tpu.memory_space<vmem>>, vector<16xi32>,
    %get3A_34 = vector.shape_cast %get3A_33 : vector<16xi32> to vector<16xi32>
    %mul3A_35 = arith.muli %sub3A, %get3A_34 : vector<16xi32>
    %add3A_36 = arith.addi %add3A_29, %mul3A_35 : vector<16xi32>
    %swap3A = arith.constant 0 : index
    %swap3A_37 = tpu.vector_load %arg6[%swap3A] {strides = array<i32>} : memref<6400xi32, #tpu.memory_space<vmem>>, vector<16xi32>,
    %swap3A_38 = vector.shape_cast %swap3A_37 : vector<16xi32> to vector<16xi32>
    %swap3A_39 = vector.shape_cast %add3A_36 : vector<16xi32> to vector<16xi32>
    tpu.vector_store %arg6[%swap3A], %swap3A_39 {strides = array<i32>} : memref<6400xi32, #tpu.memory_space<vmem>>, vector<16xi32>,
    %mul3A_40 = arith.constant 32 : i32
    %mul3A_41 = arith.muli %add3A, %mul3A_40 : i32
    %add3A_42 = arith.constant 16 : i32
    %add3A_43 = arith.addi %add3A_42, %mul3A_41 : i32
    %and3A_44 = arith.constant 8191 : i32
    %and3A_45 = arith.andi %add3A_43, %and3A_44 : i32
    %add3A_46 = arith.constant 100000 : i32
    %add3A_47 = arith.addi %add3A_46, %and3A_45 : i32
    %add3A_48 = vector.broadcast %add3A_47 : i32 to vector<16xi32>
    %add3A_49 = arith.addi %add3A_48, %iota3A : vector<16xi32>
    %get3A_50 = arith.constant 16 : index
    %get3A_51 = tpu.vector_load %arg6[%get3A_50] {strides = array<i32>} : memref<6400xi32, #tpu.memory_space<vmem>>, vector<16xi32>,
    %get3A_52 = vector.shape_cast %get3A_51 : vector<16xi32> to vector<16xi32>
    %sub3A_53 = arith.subi %get3A_52, %add3A_49 : vector<16xi32>
    %get3A_54 = arith.constant 16 : index
    %get3A_55 = tpu.vector_load %arg7[%get3A_54] {strides = array<i32>} : memref<6400xi32, #tpu.memory_space<vmem>>, vector<16xi32>,
    %get3A_56 = vector.shape_cast %get3A_55 : vector<16xi32> to vector<16xi32>
    %mul3A_57 = arith.muli %sub3A_53, %get3A_56 : vector<16xi32>
    %add3A_58 = arith.addi %add3A_49, %mul3A_57 : vector<16xi32>
    %swap3A_59 = arith.constant 16 : index
    %swap3A_60 = tpu.vector_load %arg6[%swap3A_59] {strides = array<i32>} : memref<6400xi32, #tpu.memory_space<vmem>>, vector<16xi32>,
    %swap3A_61 = vector.shape_cast %swap3A_60 : vector<16xi32> to vector<16xi32>
    %swap3A_62 = vector.shape_cast %add3A_58 : vector<16xi32> to vector<16xi32>
    tpu.vector_store %arg6[%swap3A_59], %swap3A_62 {strides = array<i32>} : memref<6400xi32, #tpu.memory_space<vmem>>, vector<16xi32>,
    %mul3A_63 = arith.constant 32 : i32
    %mul3A_64 = arith.muli %add3A, %mul3A_63 : i32
    %add3A_65 = arith.constant 32 : i32
    %add3A_66 = arith.addi %add3A_65, %mul3A_64 : i32
    %and3A_67 = arith.constant 8191 : i32
    %and3A_68 = arith.andi %add3A_66, %and3A_67 : i32
    %add3A_69 = arith.constant 100000 : i32
    %add3A_70 = arith.addi %add3A_69, %and3A_68 : i32
    %add3A_71 = vector.broadcast %add3A_70 : i32 to vector<16xi32>
    %add3A_72 = arith.addi %add3A_71, %iota3A : vector<16xi32>
    %get3A_73 = arith.constant 32 : index
    %get3A_74 = tpu.vector_load %arg6[%get3A_73] {strides = array<i32>} : memref<6400xi32, #tpu.memory_space<vmem>>, vector<16xi32>,
    %get3A_75 = vector.shape_cast %get3A_74 : vector<16xi32> to vector<16xi32>
    %sub3A_76 = arith.subi %get3A_75, %add3A_72 : vector<16xi32>
    %get3A_77 = arith.constant 32 : index
    %get3A_78 = tpu.vector_load %arg7[%get3A_77] {strides = array<i32>} : memref<6400xi32, #tpu.memory_space<vmem>>, vector<16xi32>,
    %get3A_79 = vector.shape_cast %get3A_78 : vector<16xi32> to vector<16xi32>
    %mul3A_80 = arith.muli %sub3A_76, %get3A_79 : vector<16xi32>
    %add3A_81 = arith.addi %add3A_72, %mul3A_80 : vector<16xi32>
    %swap3A_82 = arith.constant 32 : index
    %swap3A_83 = tpu.vector_load %arg6[%swap3A_82] {strides = array<i32>} : memref<6400xi32, #tpu.memory_space<vmem>>, vector<16xi32>,
    %swap3A_84 = vector.shape_cast %swap3A_83 : vector<16xi32> to vector<16xi32>
    %swap3A_85 = vector.shape_cast %add3A_81 : vector<16xi32> to vector<16xi32>
    tpu.vector_store %arg6[%swap3A_82], %swap3A_85 {strides = array<i32>} : memref<6400xi32, #tpu.memory_space<vmem>>, vector<16xi32>,
    %mul3A_86 = arith.constant 32 : i32
    %mul3A_87 = arith.muli %add3A, %mul3A_86 : i32
    %add3A_88 = arith.constant 48 : i32
    %add3A_89 = arith.addi %add3A_88, %mul3A_87 : i32
    %and3A_90 = arith.constant 8191 : i32
    %and3A_91 = arith.andi %add3A_89, %and3A_90 : i32
    %add3A_92 = arith.constant 100000 : i32
    %add3A_93 = arith.addi %add3A_92, %and3A_91 : i32
    %add3A_94 = vector.broadcast %add3A_93 : i32 to vector<16xi32>
    %add3A_95 = arith.addi %add3A_94, %iota3A : vector<16xi32>
    %get3A_96 = arith.constant 48 : index
    %get3A_97 = tpu.vector_load %arg6[%get3A_96] {strides = array<i32>} : memref<6400xi32, #tpu.memory_space<vmem>>, vector<16xi32>,
    %get3A_98 = vector.shape_cast %get3A_97 : vector<16xi32> to vector<16xi32>
    %sub3A_99 = arith.subi %get3A_98, %add3A_95 : vector<16xi32>
    %get3A_100 = arith.constant 48 : index
    %get3A_101 = tpu.vector_load %arg7[%get3A_100] {strides = array<i32>} : memref<6400xi32, #tpu.memory_space<vmem>>, vector<16xi32>,
    %get3A_102 = vector.shape_cast %get3A_101 : vector<16xi32> to vector<16xi32>
    %mul3A_103 = arith.muli %sub3A_99, %get3A_102 : vector<16xi32>
    %add3A_104 = arith.addi %add3A_95, %mul3A_103 : vector<16xi32>
    %swap3A_105 = arith.constant 48 : index
    %swap3A_106 = tpu.vector_load %arg6[%swap3A_105] {strides = array<i32>} : memref<6400xi32, #tpu.memory_space<vmem>>, vector<16xi32>,
    %swap3A_107 = vector.shape_cast %swap3A_106 : vector<16xi32> to vector<16xi32>
    %swap3A_108 = vector.shape_cast %add3A_104 : vector<16xi32> to vector<16xi32>
    tpu.vector_store %arg6[%swap3A_105], %swap3A_108 {strides = array<i32>} : memref<6400xi32, #tpu.memory_space<vmem>>, vector<16xi32>,
    %mul3A_109 = arith.constant 32 : i32
    %mul3A_110 = arith.muli %add3A, %mul3A_109 : i32
    %add3A_111 = arith.constant 64 : i32
    %add3A_112 = arith.addi %add3A_111, %mul3A_110 : i32
    %and3A_113 = arith.constant 8191 : i32
    %and3A_114 = arith.andi %add3A_112, %and3A_113 : i32
    %add3A_115 = arith.constant 100000 : i32
    %add3A_116 = arith.addi %add3A_115, %and3A_114 : i32
    %add3A_117 = vector.broadcast %add3A_116 : i32 to vector<16xi32>
    %add3A_118 = arith.addi %add3A_117, %iota3A : vector<16xi32>
    %get3A_119 = arith.constant 64 : index
    %get3A_120 = tpu.vector_load %arg6[%get3A_119] {strides = array<i32>} : memref<6400xi32, #tpu.memory_space<vmem>>, vector<16xi32>,
    %get3A_121 = vector.shape_cast %get3A_120 : vector<16xi32> to vector<16xi32>
    %sub3A_122 = arith.subi %get3A_121, %add3A_118 : vector<16xi32>
    %get3A_123 = arith.constant 64 : index
    %get3A_124 = tpu.vector_load %arg7[%get3A_123] {strides = array<i32>} : memref<6400xi32, #tpu.memory_space<vmem>>, vector<16xi32>,
    %get3A_125 = vector.shape_cast %get3A_124 : vector<16xi32> to vector<16xi32>
    %mul3A_126 = arith.muli %sub3A_122, %get3A_125 : vector<16xi32>
    %add3A_127 = arith.addi %add3A_118, %mul3A_126 : vector<16xi32>
    %swap3A_128 = arith.constant 64 : index
    %swap3A_129 = tpu.vector_load %arg6[%swap3A_128] {strides = array<i32>} : memref<6400xi32, #tpu.memory_space<vmem>>, vector<16xi32>,
    %swap3A_130 = vector.shape_cast %swap3A_129 : vector<16xi32> to vector<16xi32>
    %swap3A_131 = vector.shape_cast %add3A_127 : vector<16xi32> to vector<16xi32>
    tpu.vector_store %arg6[%swap3A_128], %swap3A_131 {strides = array<i32>} : memref<6400xi32, #tpu.memory_space<vmem>>, vector<16xi32>,
    %dma_start3A_132 = arith.constant 0 : i32
    %dma_start3A_133 = arith.constant 0 : i32
    %dma_start3A_134 = arith.constant 0 : i32
    %dma_start3A_135 = arith.constant 0 : i32
    %dma_start3A_136 = tpu.memref_slice %arg8[%dma_start3A_132, %dma_start3A_134, %dma_start3A_135] : memref<10x80x128xf32, #tpu.memory_space<vmem>> -> memref<1x80x128xf32, #tpu.memory_space<vmem>>
    %dma_start3A_137 = tpu.memref_squeeze %dma_start3A_136 : memref<1x80x128xf32, #tpu.memory_space<vmem>> -> memref<80x128xf32, #tpu.memory_space<vmem>>
    %dma_start3A_138 = arith.constant 0 : i32
    %dma_start3A_139 = tpu.memref_slice %arg6[%dma_start3A_138] : memref<6400xi32, #tpu.memory_space<vmem>> -> memref<80xi32, #tpu.memory_space<vmem>>
    %dma_start3A_140 = arith.constant 0 : i32
    %dma_start3A_141 = arith.constant 0 : i32
    %dma_start3A_142 = tpu.memref_slice %arg2[%dma_start3A_140, %dma_start3A_141] : memref<108192x128xf32, #tpu.memory_space<hbm>> -> memref<108192x128xf32, #tpu.memory_space<hbm>>
    %dma_start3A_143 = tpu.memref_slice %arg9[%dma_start3A_133] : memref<10x!tpu.dma_semaphore, #tpu.memory_space<semaphore_mem>> -> memref<1x!tpu.dma_semaphore, #tpu.memory_space<semaphore_mem>>
    %dma_start3A_144 = tpu.memref_squeeze %dma_start3A_143 : memref<1x!tpu.dma_semaphore, #tpu.memory_space<semaphore_mem>> -> memref<!tpu.dma_semaphore, #tpu.memory_space<semaphore_mem>>
    tpu.enqueue_indirect_dma source(%dma_start3A_142 : memref<108192x128xf32, #tpu.memory_space<hbm>>) target(%dma_start3A_137 : memref<80x128xf32, #tpu.memory_space<vmem>>) offsets(%dma_start3A_139 : memref<80xi32, #tpu.memory_space<vmem>>) semaphore(%dma_start3A_144 : memref<!tpu.dma_semaphore, #tpu.memory_space<semaphore_mem>>)
    %mul3A_145 = arith.constant 32 : i32
    %mul3A_146 = arith.muli %add3A, %mul3A_145 : i32
    %add3A_147 = arith.constant 80 : i32
    %add3A_148 = arith.addi %add3A_147, %mul3A_146 : i32
    %and3A_149 = arith.constant 8191 : i32
    %and3A_150 = arith.andi %add3A_148, %and3A_149 : i32
    %add3A_151 = arith.constant 100000 : i32
    %add3A_152 = arith.addi %add3A_151, %and3A_150 : i32
    %add3A_153 = vector.broadcast %add3A_152 : i32 to vector<16xi32>
    %add3A_154 = arith.addi %add3A_153, %iota3A : vector<16xi32>
    %get3A_155 = arith.constant 80 : index
    %get3A_156 = tpu.vector_load %arg6[%get3A_155] {strides = array<i32>} : memref<6400xi32, #tpu.memory_space<vmem>>, vector<16xi32>,
    %get3A_157 = vector.shape_cast %get3A_156 : vector<16xi32> to vector<16xi32>
    %sub3A_158 = arith.subi %get3A_157, %add3A_154 : vector<16xi32>
    %get3A_159 = arith.constant 80 : index
    %get3A_160 = tpu.vector_load %arg7[%get3A_159] {strides = array<i32>} : memref<6400xi32, #tpu.memory_space<vmem>>, vector<16xi32>,
    %get3A_161 = vector.shape_cast %get3A_160 : vector<16xi32> to vector<16xi32>
    %mul3A_162 = arith.muli %sub3A_158, %get3A_161 : vector<16xi32>
    %add3A_163 = arith.addi %add3A_154, %mul3A_162 : vector<16xi32>
    %swap3A_164 = arith.constant 80 : index
    %swap3A_165 = tpu.vector_load %arg6[%swap3A_164] {strides = array<i32>} : memref<6400xi32, #tpu.memory_space<vmem>>, vector<16xi32>,
    %swap3A_166 = vector.shape_cast %swap3A_165 : vector<16xi32> to vector<16xi32>
    %swap3A_167 = vector.shape_cast %add3A_163 : vector<16xi32> to vector<16xi32>
    tpu.vector_store %arg6[%swap3A_164], %swap3A_167 {strides = array<i32>} : memref<6400xi32, #tpu.memory_space<vmem>>, vector<16xi32>,
    %mul3A_168 = arith.constant 32 : i32
    %mul3A_169 = arith.muli %add3A, %mul3A_168 : i32
    %add3A_170 = arith.constant 96 : i32
    %add3A_171 = arith.addi %add3A_170, %mul3A_169 : i32
    %and3A_172 = arith.constant 8191 : i32
    %and3A_173 = arith.andi %add3A_171, %and3A_172 : i32
    %add3A_174 = arith.constant 100000 : i32
    %add3A_175 = arith.addi %add3A_174, %and3A_173 : i32
    %add3A_176 = vector.broadcast %add3A_175 : i32 to vector<16xi32>
    %add3A_177 = arith.addi %add3A_176, %iota3A : vector<16xi32>
    %get3A_178 = arith.constant 96 : index
    %get3A_179 = tpu.vector_load %arg6[%get3A_178] {strides = array<i32>} : memref<6400xi32, #tpu.memory_space<vmem>>, vector<16xi32>,
    %get3A_180 = vector.shape_cast %get3A_179 : vector<16xi32> to vector<16xi32>
    %sub3A_181 = arith.subi %get3A_180, %add3A_177 : vector<16xi32>
    %get3A_182 = arith.constant 96 : index
    %get3A_183 = tpu.vector_load %arg7[%get3A_182] {strides = array<i32>} : memref<6400xi32, #tpu.memory_space<vmem>>, vector<16xi32>,
    %get3A_184 = vector.shape_cast %get3A_183 : vector<16xi32> to vector<16xi32>
    %mul3A_185 = arith.muli %sub3A_181, %get3A_184 : vector<16xi32>
    %add3A_186 = arith.addi %add3A_177, %mul3A_185 : vector<16xi32>
    %swap3A_187 = arith.constant 96 : index
    %swap3A_188 = tpu.vector_load %arg6[%swap3A_187] {strides = array<i32>} : memref<6400xi32, #tpu.memory_space<vmem>>, vector<16xi32>,
    %swap3A_189 = vector.shape_cast %swap3A_188 : vector<16xi32> to vector<16xi32>
    %swap3A_190 = vector.shape_cast %add3A_186 : vector<16xi32> to vector<16xi32>
    tpu.vector_store %arg6[%swap3A_187], %swap3A_190 {strides = array<i32>} : memref<6400xi32, #tpu.memory_space<vmem>>, vector<16xi32>,
    %mul3A_191 = arith.constant 32 : i32
    %mul3A_192 = arith.muli %add3A, %mul3A_191 : i32
    %add3A_193 = arith.constant 112 : i32
    %add3A_194 = arith.addi %add3A_193, %mul3A_192 : i32
    %and3A_195 = arith.constant 8191 : i32
    %and3A_196 = arith.andi %add3A_194, %and3A_195 : i32
    %add3A_197 = arith.constant 100000 : i32
    %add3A_198 = arith.addi %add3A_197, %and3A_196 : i32
    %add3A_199 = vector.broadcast %add3A_198 : i32 to vector<16xi32>
    %add3A_200 = arith.addi %add3A_199, %iota3A : vector<16xi32>
    %get3A_201 = arith.constant 112 : index
    %get3A_202 = tpu.vector_load %arg6[%get3A_201] {strides = array<i32>} : memref<6400xi32, #tpu.memory_space<vmem>>, vector<16xi32>,
    %get3A_203 = vector.shape_cast %get3A_202 : vector<16xi32> to vector<16xi32>
    %sub3A_204 = arith.subi %get3A_203, %add3A_200 : vector<16xi32>
    %get3A_205 = arith.constant 112 : index
    %get3A_206 = tpu.vector_load %arg7[%get3A_205] {strides = array<i32>} : memref<6400xi32, #tpu.memory_space<vmem>>, vector<16xi32>,
    %get3A_207 = vector.shape_cast %get3A_206 : vector<16xi32> to vector<16xi32>
    %mul3A_208 = arith.muli %sub3A_204, %get3A_207 : vector<16xi32>
    %add3A_209 = arith.addi %add3A_200, %mul3A_208 : vector<16xi32>
    %swap3A_210 = arith.constant 112 : index
    %swap3A_211 = tpu.vector_load %arg6[%swap3A_210] {strides = array<i32>} : memref<6400xi32, #tpu.memory_space<vmem>>, vector<16xi32>,
    %swap3A_212 = vector.shape_cast %swap3A_211 : vector<16xi32> to vector<16xi32>
    %swap3A_213 = vector.shape_cast %add3A_209 : vector<16xi32> to vector<16xi32>
    tpu.vector_store %arg6[%swap3A_210], %swap3A_213 {strides = array<i32>} : memref<6400xi32, #tpu.memory_space<vmem>>, vector<16xi32>,
    %mul3A_214 = arith.constant 32 : i32
    %mul3A_215 = arith.muli %add3A, %mul3A_214 : i32
    %add3A_216 = arith.constant 128 : i32
    %add3A_217 = arith.addi %add3A_216, %mul3A_215 : i32
    %and3A_218 = arith.constant 8191 : i32
    %and3A_219 = arith.andi %add3A_217, %and3A_218 : i32
    %add3A_220 = arith.constant 100000 : i32
    %add3A_221 = arith.addi %add3A_220, %and3A_219 : i32
    %add3A_222 = vector.broadcast %add3A_221 : i32 to vector<16xi32>
    %add3A_223 = arith.addi %add3A_222, %iota3A : vector<16xi32>
    %get3A_224 = arith.constant 128 : index
    %get3A_225 = tpu.vector_load %arg6[%get3A_224] {strides = array<i32>} : memref<6400xi32, #tpu.memory_space<vmem>>, vector<16xi32>,
    %get3A_226 = vector.shape_cast %get3A_225 : vector<16xi32> to vector<16xi32>
    %sub3A_227 = arith.subi %get3A_226, %add3A_223 : vector<16xi32>
    %get3A_228 = arith.constant 128 : index
    %get3A_229 = tpu.vector_load %arg7[%get3A_228] {strides = array<i32>} : memref<6400xi32, #tpu.memory_space<vmem>>, vector<16xi32>,
    %get3A_230 = vector.shape_cast %get3A_229 : vector<16xi32> to vector<16xi32>
    %mul3A_231 = arith.muli %sub3A_227, %get3A_230 : vector<16xi32>
    %add3A_232 = arith.addi %add3A_223, %mul3A_231 : vector<16xi32>
    %swap3A_233 = arith.constant 128 : index
    %swap3A_234 = tpu.vector_load %arg6[%swap3A_233] {strides = array<i32>} : memref<6400xi32, #tpu.memory_space<vmem>>, vector<16xi32>,
    %swap3A_235 = vector.shape_cast %swap3A_234 : vector<16xi32> to vector<16xi32>
    %swap3A_236 = vector.shape_cast %add3A_232 : vector<16xi32> to vector<16xi32>
    tpu.vector_store %arg6[%swap3A_233], %swap3A_236 {strides = array<i32>} : memref<6400xi32, #tpu.memory_space<vmem>>, vector<16xi32>,
    %mul3A_237 = arith.constant 32 : i32
    %mul3A_238 = arith.muli %add3A, %mul3A_237 : i32
    %add3A_239 = arith.constant 144 : i32
    %add3A_240 = arith.addi %add3A_239, %mul3A_238 : i32
    %and3A_241 = arith.constant 8191 : i32
    %and3A_242 = arith.andi %add3A_240, %and3A_241 : i32
    %add3A_243 = arith.constant 100000 : i32
    %add3A_244 = arith.addi %add3A_243, %and3A_242 : i32
    %add3A_245 = vector.broadcast %add3A_244 : i32 to vector<16xi32>
    %add3A_246 = arith.addi %add3A_245, %iota3A : vector<16xi32>
    %get3A_247 = arith.constant 144 : index
    %get3A_248 = tpu.vector_load %arg6[%get3A_247] {strides = array<i32>} : memref<6400xi32, #tpu.memory_space<vmem>>, vector<16xi32>,
    %get3A_249 = vector.shape_cast %get3A_248 : vector<16xi32> to vector<16xi32>
    %sub3A_250 = arith.subi %get3A_249, %add3A_246 : vector<16xi32>
    %get3A_251 = arith.constant 144 : index
    %get3A_252 = tpu.vector_load %arg7[%get3A_251] {strides = array<i32>} : memref<6400xi32, #tpu.memory_space<vmem>>, vector<16xi32>,
    %get3A_253 = vector.shape_cast %get3A_252 : vector<16xi32> to vector<16xi32>
    %mul3A_254 = arith.muli %sub3A_250, %get3A_253 : vector<16xi32>
    %add3A_255 = arith.addi %add3A_246, %mul3A_254 : vector<16xi32>
    %swap3A_256 = arith.constant 144 : index
    %swap3A_257 = tpu.vector_load %arg6[%swap3A_256] {strides = array<i32>} : memref<6400xi32, #tpu.memory_space<vmem>>, vector<16xi32>,
    %swap3A_258 = vector.shape_cast %swap3A_257 : vector<16xi32> to vector<16xi32>
    %swap3A_259 = vector.shape_cast %add3A_255 : vector<16xi32> to vector<16xi32>
    tpu.vector_store %arg6[%swap3A_256], %swap3A_259 {strides = array<i32>} : memref<6400xi32, #tpu.memory_space<vmem>>, vector<16xi32>,
    %dma_start3A_260 = arith.constant 1 : i32
    %dma_start3A_261 = arith.constant 1 : i32
    %dma_start3A_262 = arith.constant 0 : i32
    %dma_start3A_263 = arith.constant 0 : i32
    %dma_start3A_264 = tpu.memref_slice %arg8[%dma_start3A_260, %dma_start3A_262, %dma_start3A_263] : memref<10x80x128xf32, #tpu.memory_space<vmem>> -> memref<1x80x128xf32, #tpu.memory_space<vmem>>
    %dma_start3A_265 = tpu.memref_squeeze %dma_start3A_264 : memref<1x80x128xf32, #tpu.memory_space<vmem>> -> memref<80x128xf32, #tpu.memory_space<vmem>>
    %dma_start3A_266 = arith.constant 80 : i32
    %dma_start3A_267 = tpu.memref_slice %arg6[%dma_start3A_266] : memref<6400xi32, #tpu.memory_space<vmem>> -> memref<80xi32, #tpu.memory_space<vmem>>
    %dma_start3A_268 = arith.constant 0 : i32
    %dma_start3A_269 = arith.constant 0 : i32
    %dma_start3A_270 = tpu.memref_slice %arg2[%dma_start3A_268, %dma_start3A_269] : memref<108192x128xf32, #tpu.memory_space<hbm>> -> memref<108192x128xf32, #tpu.memory_space<hbm>>
    %dma_start3A_271 = tpu.memref_slice %arg9[%dma_start3A_261] : memref<10x!tpu.dma_semaphore, #tpu.memory_space<semaphore_mem>> -> memref<1x!tpu.dma_semaphore, #tpu.memory_space<semaphore_mem>>
    %dma_start3A_272 = tpu.memref_squeeze %dma_start3A_271 : memref<1x!tpu.dma_semaphore, #tpu.memory_space<semaphore_mem>> -> memref<!tpu.dma_semaphore, #tpu.memory_space<semaphore_mem>>
    tpu.enqueue_indirect_dma source(%dma_start3A_270 : memref<108192x128xf32, #tpu.memory_space<hbm>>) target(%dma_start3A_265 : memref<80x128xf32, #tpu.memory_space<vmem>>) offsets(%dma_start3A_267 : memref<80xi32, #tpu.memory_space<vmem>>) semaphore(%dma_start3A_272 : memref<!tpu.dma_semaphore, #tpu.memory_space<semaphore_mem>>)
    %mul3A_273 = arith.constant 32 : i32
    %mul3A_274 = arith.muli %add3A, %mul3A_273 : i32
    %add3A_275 = arith.constant 160 : i32
    %add3A_276 = arith.addi %add3A_275, %mul3A_274 : i32
    %and3A_277 = arith.constant 8191 : i32
    %and3A_278 = arith.andi %add3A_276, %and3A_277 : i32
    %add3A_279 = arith.constant 100000 : i32
    %add3A_280 = arith.addi %add3A_279, %and3A_278 : i32
    %add3A_281 = vector.broadcast %add3A_280 : i32 to vector<16xi32>
    %add3A_282 = arith.addi %add3A_281, %iota3A : vector<16xi32>
    %get3A_283 = arith.constant 160 : index
    %get3A_284 = tpu.vector_load %arg6[%get3A_283] {strides = array<i32>} : memref<6400xi32, #tpu.memory_space<vmem>>, vector<16xi32>,
    %get3A_285 = vector.shape_cast %get3A_284 : vector<16xi32> to vector<16xi32>
    %sub3A_286 = arith.subi %get3A_285, %add3A_282 : vector<16xi32>
    %get3A_287 = arith.constant 160 : index
    %get3A_288 = tpu.vector_load %arg7[%get3A_287] {strides = array<i32>} : memref<6400xi32, #tpu.memory_space<vmem>>, vector<16xi32>,
    %get3A_289 = vector.shape_cast %get3A_288 : vector<16xi32> to vector<16xi32>
    %mul3A_290 = arith.muli %sub3A_286, %get3A_289 : vector<16xi32>
    %add3A_291 = arith.addi %add3A_282, %mul3A_290 : vector<16xi32>
    %swap3A_292 = arith.constant 160 : index
    %swap3A_293 = tpu.vector_load %arg6[%swap3A_292] {strides = array<i32>} : memref<6400xi32, #tpu.memory_space<vmem>>, vector<16xi32>,
    %swap3A_294 = vector.shape_cast %swap3A_293 : vector<16xi32> to vector<16xi32>
    %swap3A_295 = vector.shape_cast %add3A_291 : vector<16xi32> to vector<16xi32>
    tpu.vector_store %arg6[%swap3A_292], %swap3A_295 {strides = array<i32>} : memref<6400xi32, #tpu.memory_space<vmem>>, vector<16xi32>,
    %mul3A_296 = arith.constant 32 : i32
    %mul3A_297 = arith.muli %add3A, %mul3A_296 : i32
    %add3A_298 = arith.constant 176 : i32
    %add3A_299 = arith.addi %add3A_298, %mul3A_297 : i32
    %and3A_300 = arith.constant 8191 : i32
    %and3A_301 = arith.andi %add3A_299, %and3A_300 : i32
    %add3A_302 = arith.constant 100000 : i32
    %add3A_303 = arith.addi %add3A_302, %and3A_301 : i32
    %add3A_304 = vector.broadcast %add3A_303 : i32 to vector<16xi32>
    %add3A_305 = arith.addi %add3A_304, %iota3A : vector<16xi32>
    %get3A_306 = arith.constant 176 : index
    %get3A_307 = tpu.vector_load %arg6[%get3A_306] {strides = array<i32>} : memref<6400xi32, #tpu.memory_space<vmem>>, vector<16xi32>,
    %get3A_308 = vector.shape_cast %get3A_307 : vector<16xi32> to vector<16xi32>
    %sub3A_309 = arith.subi %get3A_308, %add3A_305 : vector<16xi32>
    %get3A_310 = arith.constant 176 : index
    %get3A_311 = tpu.vector_load %arg7[%get3A_310] {strides = array<i32>} : memref<6400xi32, #tpu.memory_space<vmem>>, vector<16xi32>,
    %get3A_312 = vector.shape_cast %get3A_311 : vector<16xi32> to vector<16xi32>
    %mul3A_313 = arith.muli %sub3A_309, %get3A_312 : vector<16xi32>
    %add3A_314 = arith.addi %add3A_305, %mul3A_313 : vector<16xi32>
    %swap3A_315 = arith.constant 176 : index
    %swap3A_316 = tpu.vector_load %arg6[%swap3A_315] {strides = array<i32>} : memref<6400xi32, #tpu.memory_space<vmem>>, vector<16xi32>,
    %swap3A_317 = vector.shape_cast %swap3A_316 : vector<16xi32> to vector<16xi32>
    %swap3A_318 = vector.shape_cast %add3A_314 : vector<16xi32> to vector<16xi32>
    tpu.vector_store %arg6[%swap3A_315], %swap3A_318 {strides = array<i32>} : memref<6400xi32, #tpu.memory_space<vmem>>, vector<16xi32>,
    %mul3A_319 = arith.constant 32 : i32
    %mul3A_320 = arith.muli %add3A, %mul3A_319 : i32
    %add3A_321 = arith.constant 192 : i32
    %add3A_322 = arith.addi %add3A_321, %mul3A_320 : i32
    %and3A_323 = arith.constant 8191 : i32
    %and3A_324 = arith.andi %add3A_322, %and3A_323 : i32
    %add3A_325 = arith.constant 100000 : i32
    %add3A_326 = arith.addi %add3A_325, %and3A_324 : i32
    %add3A_327 = vector.broadcast %add3A_326 : i32 to vector<16xi32>
    %add3A_328 = arith.addi %add3A_327, %iota3A : vector<16xi32>
    %get3A_329 = arith.constant 192 : index
    %get3A_330 = tpu.vector_load %arg6[%get3A_329] {strides = array<i32>} : memref<6400xi32, #tpu.memory_space<vmem>>, vector<16xi32>,
    %get3A_331 = vector.shape_cast %get3A_330 : vector<16xi32> to vector<16xi32>
    %sub3A_332 = arith.subi %get3A_331, %add3A_328 : vector<16xi32>
    %get3A_333 = arith.constant 192 : index
    %get3A_334 = tpu.vector_load %arg7[%get3A_333] {strides = array<i32>} : memref<6400xi32, #tpu.memory_space<vmem>>, vector<16xi32>,
    %get3A_335 = vector.shape_cast %get3A_334 : vector<16xi32> to vector<16xi32>
    %mul3A_336 = arith.muli %sub3A_332, %get3A_335 : vector<16xi32>
    %add3A_337 = arith.addi %add3A_328, %mul3A_336 : vector<16xi32>
    %swap3A_338 = arith.constant 192 : index
    %swap3A_339 = tpu.vector_load %arg6[%swap3A_338] {strides = array<i32>} : memref<6400xi32, #tpu.memory_space<vmem>>, vector<16xi32>,
    %swap3A_340 = vector.shape_cast %swap3A_339 : vector<16xi32> to vector<16xi32>
    %swap3A_341 = vector.shape_cast %add3A_337 : vector<16xi32> to vector<16xi32>
    tpu.vector_store %arg6[%swap3A_338], %swap3A_341 {strides = array<i32>} : memref<6400xi32, #tpu.memory_space<vmem>>, vector<16xi32>,
    %mul3A_342 = arith.constant 32 : i32
    %mul3A_343 = arith.muli %add3A, %mul3A_342 : i32
    %add3A_344 = arith.constant 208 : i32
    %add3A_345 = arith.addi %add3A_344, %mul3A_343 : i32
    %and3A_346 = arith.constant 8191 : i32
    %and3A_347 = arith.andi %add3A_345, %and3A_346 : i32
    %add3A_348 = arith.constant 100000 : i32
    %add3A_349 = arith.addi %add3A_348, %and3A_347 : i32
    %add3A_350 = vector.broadcast %add3A_349 : i32 to vector<16xi32>
    %add3A_351 = arith.addi %add3A_350, %iota3A : vector<16xi32>
    %get3A_352 = arith.constant 208 : index
    %get3A_353 = tpu.vector_load %arg6[%get3A_352] {strides = array<i32>} : memref<6400xi32, #tpu.memory_space<vmem>>, vector<16xi32>,
    %get3A_354 = vector.shape_cast %get3A_353 : vector<16xi32> to vector<16xi32>
    %sub3A_355 = arith.subi %get3A_354, %add3A_351 : vector<16xi32>
    %get3A_356 = arith.constant 208 : index
    %get3A_357 = tpu.vector_load %arg7[%get3A_356] {strides = array<i32>} : memref<6400xi32, #tpu.memory_space<vmem>>, vector<16xi32>,
    %get3A_358 = vector.shape_cast %get3A_357 : vector<16xi32> to vector<16xi32>
    %mul3A_359 = arith.muli %sub3A_355, %get3A_358 : vector<16xi32>
    %add3A_360 = arith.addi %add3A_351, %mul3A_359 : vector<16xi32>
    %swap3A_361 = arith.constant 208 : index
    %swap3A_362 = tpu.vector_load %arg6[%swap3A_361] {strides = array<i32>} : memref<6400xi32, #tpu.memory_space<vmem>>, vector<16xi32>,
    %swap3A_363 = vector.shape_cast %swap3A_362 : vector<16xi32> to vector<16xi32>
    %swap3A_364 = vector.shape_cast %add3A_360 : vector<16xi32> to vector<16xi32>
    tpu.vector_store %arg6[%swap3A_361], %swap3A_364 {strides = array<i32>} : memref<6400xi32, #tpu.memory_space<vmem>>, vector<16xi32>,
    %mul3A_365 = arith.constant 32 : i32
    %mul3A_366 = arith.muli %add3A, %mul3A_365 : i32
    %add3A_367 = arith.constant 224 : i32
    %add3A_368 = arith.addi %add3A_367, %mul3A_366 : i32
    %and3A_369 = arith.constant 8191 : i32
    %and3A_370 = arith.andi %add3A_368, %and3A_369 : i32
    %add3A_371 = arith.constant 100000 : i32
    %add3A_372 = arith.addi %add3A_371, %and3A_370 : i32
    %add3A_373 = vector.broadcast %add3A_372 : i32 to vector<16xi32>
    %add3A_374 = arith.addi %add3A_373, %iota3A : vector<16xi32>
    %get3A_375 = arith.constant 224 : index
    %get3A_376 = tpu.vector_load %arg6[%get3A_375] {strides = array<i32>} : memref<6400xi32, #tpu.memory_space<vmem>>, vector<16xi32>,
    %get3A_377 = vector.shape_cast %get3A_376 : vector<16xi32> to vector<16xi32>
    %sub3A_378 = arith.subi %get3A_377, %add3A_374 : vector<16xi32>
    %get3A_379 = arith.constant 224 : index
    %get3A_380 = tpu.vector_load %arg7[%get3A_379] {strides = array<i32>} : memref<6400xi32, #tpu.memory_space<vmem>>, vector<16xi32>,
    %get3A_381 = vector.shape_cast %get3A_380 : vector<16xi32> to vector<16xi32>
    %mul3A_382 = arith.muli %sub3A_378, %get3A_381 : vector<16xi32>
    %add3A_383 = arith.addi %add3A_374, %mul3A_382 : vector<16xi32>
    %swap3A_384 = arith.constant 224 : index
    %swap3A_385 = tpu.vector_load %arg6[%swap3A_384] {strides = array<i32>} : memref<6400xi32, #tpu.memory_space<vmem>>, vector<16xi32>,
    %swap3A_386 = vector.shape_cast %swap3A_385 : vector<16xi32> to vector<16xi32>
    %swap3A_387 = vector.shape_cast %add3A_383 : vector<16xi32> to vector<16xi32>
    tpu.vector_store %arg6[%swap3A_384], %swap3A_387 {strides = array<i32>} : memref<6400xi32, #tpu.memory_space<vmem>>, vector<16xi32>,
    %dma_start3A_388 = arith.constant 2 : i32
    %dma_start3A_389 = arith.constant 2 : i32
    %dma_start3A_390 = arith.constant 0 : i32
    %dma_start3A_391 = arith.constant 0 : i32
    %dma_start3A_392 = tpu.memref_slice %arg8[%dma_start3A_388, %dma_start3A_390, %dma_start3A_391] : memref<10x80x128xf32, #tpu.memory_space<vmem>> -> memref<1x80x128xf32, #tpu.memory_space<vmem>>
    %dma_start3A_393 = tpu.memref_squeeze %dma_start3A_392 : memref<1x80x128xf32, #tpu.memory_space<vmem>> -> memref<80x128xf32, #tpu.memory_space<vmem>>
    %dma_start3A_394 = arith.constant 160 : i32
    %dma_start3A_395 = tpu.memref_slice %arg6[%dma_start3A_394] : memref<6400xi32, #tpu.memory_space<vmem>> -> memref<80xi32, #tpu.memory_space<vmem>>
    %dma_start3A_396 = arith.constant 0 : i32
    %dma_start3A_397 = arith.constant 0 : i32
    %dma_start3A_398 = tpu.memref_slice %arg2[%dma_start3A_396, %dma_start3A_397] : memref<108192x128xf32, #tpu.memory_space<hbm>> -> memref<108192x128xf32, #tpu.memory_space<hbm>>
    %dma_start3A_399 = tpu.memref_slice %arg9[%dma_start3A_389] : memref<10x!tpu.dma_semaphore, #tpu.memory_space<semaphore_mem>> -> memref<1x!tpu.dma_semaphore, #tpu.memory_space<semaphore_mem>>
    %dma_start3A_400 = tpu.memref_squeeze %dma_start3A_399 : memref<1x!tpu.dma_semaphore, #tpu.memory_space<semaphore_mem>> -> memref<!tpu.dma_semaphore, #tpu.memory_space<semaphore_mem>>
    tpu.enqueue_indirect_dma source(%dma_start3A_398 : memref<108192x128xf32, #tpu.memory_space<hbm>>) target(%dma_start3A_393 : memref<80x128xf32, #tpu.memory_space<vmem>>) offsets(%dma_start3A_395 : memref<80xi32, #tpu.memory_space<vmem>>) semaphore(%dma_start3A_400 : memref<!tpu.dma_semaphore, #tpu.memory_space<semaphore_mem>>)
    %mul3A_401 = arith.constant 32 : i32
    %mul3A_402 = arith.muli %add3A, %mul3A_401 : i32
    %add3A_403 = arith.constant 240 : i32
    %add3A_404 = arith.addi %add3A_403, %mul3A_402 : i32
    %and3A_405 = arith.constant 8191 : i32
    %and3A_406 = arith.andi %add3A_404, %and3A_405 : i32
    %add3A_407 = arith.constant 100000 : i32
    %add3A_408 = arith.addi %add3A_407, %and3A_406 : i32
    %add3A_409 = vector.broadcast %add3A_408 : i32 to vector<16xi32>
    %add3A_410 = arith.addi %add3A_409, %iota3A : vector<16xi32>
    %get3A_411 = arith.constant 240 : index
    %get3A_412 = tpu.vector_load %arg6[%get3A_411] {strides = array<i32>} : memref<6400xi32, #tpu.memory_space<vmem>>, vector<16xi32>,
    %get3A_413 = vector.shape_cast %get3A_412 : vector<16xi32> to vector<16xi32>
    %sub3A_414 = arith.subi %get3A_413, %add3A_410 : vector<16xi32>
    %get3A_415 = arith.constant 240 : index
    %get3A_416 = tpu.vector_load %arg7[%get3A_415] {strides = array<i32>} : memref<6400xi32, #tpu.memory_space<vmem>>, vector<16xi32>,
    %get3A_417 = vector.shape_cast %get3A_416 : vector<16xi32> to vector<16xi32>
    %mul3A_418 = arith.muli %sub3A_414, %get3A_417 : vector<16xi32>
    %add3A_419 = arith.addi %add3A_410, %mul3A_418 : vector<16xi32>
    %swap3A_420 = arith.constant 240 : index
    %swap3A_421 = tpu.vector_load %arg6[%swap3A_420] {strides = array<i32>} : memref<6400xi32, #tpu.memory_space<vmem>>, vector<16xi32>,
    %swap3A_422 = vector.shape_cast %swap3A_421 : vector<16xi32> to vector<16xi32>
    %swap3A_423 = vector.shape_cast %add3A_419 : vector<16xi32> to vector<16xi32>
    tpu.vector_store %arg6[%swap3A_420], %swap3A_423 {strides = array<i32>} : memref<6400xi32, #tpu.memory_space<vmem>>, vector<16xi32>,
    %mul3A_424 = arith.constant 32 : i32
    %mul3A_425 = arith.muli %add3A, %mul3A_424 : i32
    %add3A_426 = arith.constant 256 : i32
    %add3A_427 = arith.addi %add3A_426, %mul3A_425 : i32
    %and3A_428 = arith.constant 8191 : i32
    %and3A_429 = arith.andi %add3A_427, %and3A_428 : i32
    %add3A_430 = arith.constant 100000 : i32
    %add3A_431 = arith.addi %add3A_430, %and3A_429 : i32
    %add3A_432 = vector.broadcast %add3A_431 : i32 to vector<16xi32>
    %add3A_433 = arith.addi %add3A_432, %iota3A : vector<16xi32>
    %get3A_434 = arith.constant 256 : index
    %get3A_435 = tpu.vector_load %arg6[%get3A_434] {strides = array<i32>} : memref<6400xi32, #tpu.memory_space<vmem>>, vector<16xi32>,
    %get3A_436 = vector.shape_cast %get3A_435 : vector<16xi32> to vector<16xi32>
    %sub3A_437 = arith.subi %get3A_436, %add3A_433 : vector<16xi32>
    %get3A_438 = arith.constant 256 : index
    %get3A_439 = tpu.vector_load %arg7[%get3A_438] {strides = array<i32>} : memref<6400xi32, #tpu.memory_space<vmem>>, vector<16xi32>,
    %get3A_440 = vector.shape_cast %get3A_439 : vector<16xi32> to vector<16xi32>
    %mul3A_441 = arith.muli %sub3A_437, %get3A_440 : vector<16xi32>
    %add3A_442 = arith.addi %add3A_433, %mul3A_441 : vector<16xi32>
    %swap3A_443 = arith.constant 256 : index
    %swap3A_444 = tpu.vector_load %arg6[%swap3A_443] {strides = array<i32>} : memref<6400xi32, #tpu.memory_space<vmem>>, vector<16xi32>,
    %swap3A_445 = vector.shape_cast %swap3A_444 : vector<16xi32> to vector<16xi32>
    %swap3A_446 = vector.shape_cast %add3A_442 : vector<16xi32> to vector<16xi32>
    tpu.vector_store %arg6[%swap3A_443], %swap3A_446 {strides = array<i32>} : memref<6400xi32, #tpu.memory_space<vmem>>, vector<16xi32>,
    %mul3A_447 = arith.constant 32 : i32
    %mul3A_448 = arith.muli %add3A, %mul3A_447 : i32
    %add3A_449 = arith.constant 272 : i32
    %add3A_450 = arith.addi %add3A_449, %mul3A_448 : i32
    %and3A_451 = arith.constant 8191 : i32
    %and3A_452 = arith.andi %add3A_450, %and3A_451 : i32
    %add3A_453 = arith.constant 100000 : i32
    %add3A_454 = arith.addi %add3A_453, %and3A_452 : i32
    %add3A_455 = vector.broadcast %add3A_454 : i32 to vector<16xi32>
    %add3A_456 = arith.addi %add3A_455, %iota3A : vector<16xi32>
    %get3A_457 = arith.constant 272 : index
    %get3A_458 = tpu.vector_load %arg6[%get3A_457] {strides = array<i32>} : memref<6400xi32, #tpu.memory_space<vmem>>, vector<16xi32>,
    %get3A_459 = vector.shape_cast %get3A_458 : vector<16xi32> to vector<16xi32>
    %sub3A_460 = arith.subi %get3A_459, %add3A_456 : vector<16xi32>
    %get3A_461 = arith.constant 272 : index
    %get3A_462 = tpu.vector_load %arg7[%get3A_461] {strides = array<i32>} : memref<6400xi32, #tpu.memory_space<vmem>>, vector<16xi32>,
    %get3A_463 = vector.shape_cast %get3A_462 : vector<16xi32> to vector<16xi32>
    %mul3A_464 = arith.muli %sub3A_460, %get3A_463 : vector<16xi32>
    %add3A_465 = arith.addi %add3A_456, %mul3A_464 : vector<16xi32>
    %swap3A_466 = arith.constant 272 : index
    %swap3A_467 = tpu.vector_load %arg6[%swap3A_466] {strides = array<i32>} : memref<6400xi32, #tpu.memory_space<vmem>>, vector<16xi32>,
    %swap3A_468 = vector.shape_cast %swap3A_467 : vector<16xi32> to vector<16xi32>
    %swap3A_469 = vector.shape_cast %add3A_465 : vector<16xi32> to vector<16xi32>
    tpu.vector_store %arg6[%swap3A_466], %swap3A_469 {strides = array<i32>} : memref<6400xi32, #tpu.memory_space<vmem>>, vector<16xi32>,
    %mul3A_470 = arith.constant 32 : i32
    %mul3A_471 = arith.muli %add3A, %mul3A_470 : i32
    %add3A_472 = arith.constant 288 : i32
    %add3A_473 = arith.addi %add3A_472, %mul3A_471 : i32
    %and3A_474 = arith.constant 8191 : i32
    %and3A_475 = arith.andi %add3A_473, %and3A_474 : i32
    %add3A_476 = arith.constant 100000 : i32
    %add3A_477 = arith.addi %add3A_476, %and3A_475 : i32
    %add3A_478 = vector.broadcast %add3A_477 : i32 to vector<16xi32>
    %add3A_479 = arith.addi %add3A_478, %iota3A : vector<16xi32>
    %get3A_480 = arith.constant 288 : index
    %get3A_481 = tpu.vector_load %arg6[%get3A_480] {strides = array<i32>} : memref<6400xi32, #tpu.memory_space<vmem>>, vector<16xi32>,
    %get3A_482 = vector.shape_cast %get3A_481 : vector<16xi32> to vector<16xi32>
    %sub3A_483 = arith.subi %get3A_482, %add3A_479 : vector<16xi32>
    %get3A_484 = arith.constant 288 : index
    %get3A_485 = tpu.vector_load %arg7[%get3A_484] {strides = array<i32>} : memref<6400xi32, #tpu.memory_space<vmem>>, vector<16xi32>,
    %get3A_486 = vector.shape_cast %get3A_485 : vector<16xi32> to vector<16xi32>
    %mul3A_487 = arith.muli %sub3A_483, %get3A_486 : vector<16xi32>
    %add3A_488 = arith.addi %add3A_479, %mul3A_487 : vector<16xi32>
    %swap3A_489 = arith.constant 288 : index
    %swap3A_490 = tpu.vector_load %arg6[%swap3A_489] {strides = array<i32>} : memref<6400xi32, #tpu.memory_space<vmem>>, vector<16xi32>,
    %swap3A_491 = vector.shape_cast %swap3A_490 : vector<16xi32> to vector<16xi32>
    %swap3A_492 = vector.shape_cast %add3A_488 : vector<16xi32> to vector<16xi32>
    tpu.vector_store %arg6[%swap3A_489], %swap3A_492 {strides = array<i32>} : memref<6400xi32, #tpu.memory_space<vmem>>, vector<16xi32>,
    %mul3A_493 = arith.constant 32 : i32
    %mul3A_494 = arith.muli %add3A, %mul3A_493 : i32
    %add3A_495 = arith.constant 304 : i32
    %add3A_496 = arith.addi %add3A_495, %mul3A_494 : i32
    %and3A_497 = arith.constant 8191 : i32
    %and3A_498 = arith.andi %add3A_496, %and3A_497 : i32
    %add3A_499 = arith.constant 100000 : i32
    %add3A_500 = arith.addi %add3A_499, %and3A_498 : i32
    %add3A_501 = vector.broadcast %add3A_500 : i32 to vector<16xi32>
    %add3A_502 = arith.addi %add3A_501, %iota3A : vector<16xi32>
    %get3A_503 = arith.constant 304 : index
    %get3A_504 = tpu.vector_load %arg6[%get3A_503] {strides = array<i32>} : memref<6400xi32, #tpu.memory_space<vmem>>, vector<16xi32>,
    %get3A_505 = vector.shape_cast %get3A_504 : vector<16xi32> to vector<16xi32>
    %sub3A_506 = arith.subi %get3A_505, %add3A_502 : vector<16xi32>
    %get3A_507 = arith.constant 304 : index
    %get3A_508 = tpu.vector_load %arg7[%get3A_507] {strides = array<i32>} : memref<6400xi32, #tpu.memory_space<vmem>>, vector<16xi32>,
    %get3A_509 = vector.shape_cast %get3A_508 : vector<16xi32> to vector<16xi32>
    %mul3A_510 = arith.muli %sub3A_506, %get3A_509 : vector<16xi32>
    %add3A_511 = arith.addi %add3A_502, %mul3A_510 : vector<16xi32>
    %swap3A_512 = arith.constant 304 : index
    %swap3A_513 = tpu.vector_load %arg6[%swap3A_512] {strides = array<i32>} : memref<6400xi32, #tpu.memory_space<vmem>>, vector<16xi32>,
    %swap3A_514 = vector.shape_cast %swap3A_513 : vector<16xi32> to vector<16xi32>
    %swap3A_515 = vector.shape_cast %add3A_511 : vector<16xi32> to vector<16xi32>
    tpu.vector_store %arg6[%swap3A_512], %swap3A_515 {strides = array<i32>} : memref<6400xi32, #tpu.memory_space<vmem>>, vector<16xi32>,
    %dma_start3A_516 = arith.constant 3 : i32
    %dma_start3A_517 = arith.constant 3 : i32
    %dma_start3A_518 = arith.constant 0 : i32
    %dma_start3A_519 = arith.constant 0 : i32
    %dma_start3A_520 = tpu.memref_slice %arg8[%dma_start3A_516, %dma_start3A_518, %dma_start3A_519] : memref<10x80x128xf32, #tpu.memory_space<vmem>> -> memref<1x80x128xf32, #tpu.memory_space<vmem>>
    %dma_start3A_521 = tpu.memref_squeeze %dma_start3A_520 : memref<1x80x128xf32, #tpu.memory_space<vmem>> -> memref<80x128xf32, #tpu.memory_space<vmem>>
    %dma_start3A_522 = arith.constant 240 : i32
    %dma_start3A_523 = tpu.memref_slice %arg6[%dma_start3A_522] : memref<6400xi32, #tpu.memory_space<vmem>> -> memref<80xi32, #tpu.memory_space<vmem>>
    %dma_start3A_524 = arith.constant 0 : i32
    %dma_start3A_525 = arith.constant 0 : i32
    %dma_start3A_526 = tpu.memref_slice %arg2[%dma_start3A_524, %dma_start3A_525] : memref<108192x128xf32, #tpu.memory_space<hbm>> -> memref<108192x128xf32, #tpu.memory_space<hbm>>
    %dma_start3A_527 = tpu.memref_slice %arg9[%dma_start3A_517] : memref<10x!tpu.dma_semaphore, #tpu.memory_space<semaphore_mem>> -> memref<1x!tpu.dma_semaphore, #tpu.memory_space<semaphore_mem>>
    %dma_start3A_528 = tpu.memref_squeeze %dma_start3A_527 : memref<1x!tpu.dma_semaphore, #tpu.memory_space<semaphore_mem>> -> memref<!tpu.dma_semaphore, #tpu.memory_space<semaphore_mem>>
    tpu.enqueue_indirect_dma source(%dma_start3A_526 : memref<108192x128xf32, #tpu.memory_space<hbm>>) target(%dma_start3A_521 : memref<80x128xf32, #tpu.memory_space<vmem>>) offsets(%dma_start3A_523 : memref<80xi32, #tpu.memory_space<vmem>>) semaphore(%dma_start3A_528 : memref<!tpu.dma_semaphore, #tpu.memory_space<semaphore_mem>>)
    %mul3A_529 = arith.constant 32 : i32
    %mul3A_530 = arith.muli %add3A, %mul3A_529 : i32
    %add3A_531 = arith.constant 320 : i32
    %add3A_532 = arith.addi %add3A_531, %mul3A_530 : i32
    %and3A_533 = arith.constant 8191 : i32
    %and3A_534 = arith.andi %add3A_532, %and3A_533 : i32
    %add3A_535 = arith.constant 100000 : i32
    %add3A_536 = arith.addi %add3A_535, %and3A_534 : i32
    %add3A_537 = vector.broadcast %add3A_536 : i32 to vector<16xi32>
    %add3A_538 = arith.addi %add3A_537, %iota3A : vector<16xi32>
    %get3A_539 = arith.constant 320 : index
    %get3A_540 = tpu.vector_load %arg6[%get3A_539] {strides = array<i32>} : memref<6400xi32, #tpu.memory_space<vmem>>, vector<16xi32>,
    %get3A_541 = vector.shape_cast %get3A_540 : vector<16xi32> to vector<16xi32>
    %sub3A_542 = arith.subi %get3A_541, %add3A_538 : vector<16xi32>
    %get3A_543 = arith.constant 320 : index
    %get3A_544 = tpu.vector_load %arg7[%get3A_543] {strides = array<i32>} : memref<6400xi32, #tpu.memory_space<vmem>>, vector<16xi32>,
    %get3A_545 = vector.shape_cast %get3A_544 : vector<16xi32> to vector<16xi32>
    %mul3A_546 = arith.muli %sub3A_542, %get3A_545 : vector<16xi32>
    %add3A_547 = arith.addi %add3A_538, %mul3A_546 : vector<16xi32>
    %swap3A_548 = arith.constant 320 : index
    %swap3A_549 = tpu.vector_load %arg6[%swap3A_548] {strides = array<i32>} : memref<6400xi32, #tpu.memory_space<vmem>>, vector<16xi32>,
    %swap3A_550 = vector.shape_cast %swap3A_549 : vector<16xi32> to vector<16xi32>
    %swap3A_551 = vector.shape_cast %add3A_547 : vector<16xi32> to vector<16xi32>
    tpu.vector_store %arg6[%swap3A_548], %swap3A_551 {strides = array<i32>} : memref<6400xi32, #tpu.memory_space<vmem>>, vector<16xi32>,
    %mul3A_552 = arith.constant 32 : i32
    %mul3A_553 = arith.muli %add3A, %mul3A_552 : i32
    %add3A_554 = arith.constant 336 : i32
    %add3A_555 = arith.addi %add3A_554, %mul3A_553 : i32
    %and3A_556 = arith.constant 8191 : i32
    %and3A_557 = arith.andi %add3A_555, %and3A_556 : i32
    %add3A_558 = arith.constant 100000 : i32
    %add3A_559 = arith.addi %add3A_558, %and3A_557 : i32
    %add3A_560 = vector.broadcast %add3A_559 : i32 to vector<16xi32>
    %add3A_561 = arith.addi %add3A_560, %iota3A : vector<16xi32>
    %get3A_562 = arith.constant 336 : index
    %get3A_563 = tpu.vector_load %arg6[%get3A_562] {strides = array<i32>} : memref<6400xi32, #tpu.memory_space<vmem>>, vector<16xi32>,
    %get3A_564 = vector.shape_cast %get3A_563 : vector<16xi32> to vector<16xi32>
    %sub3A_565 = arith.subi %get3A_564, %add3A_561 : vector<16xi32>
    %get3A_566 = arith.constant 336 : index
    %get3A_567 = tpu.vector_load %arg7[%get3A_566] {strides = array<i32>} : memref<6400xi32, #tpu.memory_space<vmem>>, vector<16xi32>,
    %get3A_568 = vector.shape_cast %get3A_567 : vector<16xi32> to vector<16xi32>
    %mul3A_569 = arith.muli %sub3A_565, %get3A_568 : vector<16xi32>
    %add3A_570 = arith.addi %add3A_561, %mul3A_569 : vector<16xi32>
    %swap3A_571 = arith.constant 336 : index
    %swap3A_572 = tpu.vector_load %arg6[%swap3A_571] {strides = array<i32>} : memref<6400xi32, #tpu.memory_space<vmem>>, vector<16xi32>,
    %swap3A_573 = vector.shape_cast %swap3A_572 : vector<16xi32> to vector<16xi32>
    %swap3A_574 = vector.shape_cast %add3A_570 : vector<16xi32> to vector<16xi32>
    tpu.vector_store %arg6[%swap3A_571], %swap3A_574 {strides = array<i32>} : memref<6400xi32, #tpu.memory_space<vmem>>, vector<16xi32>,
    %mul3A_575 = arith.constant 32 : i32
    %mul3A_576 = arith.muli %add3A, %mul3A_575 : i32
    %add3A_577 = arith.constant 352 : i32
    %add3A_578 = arith.addi %add3A_577, %mul3A_576 : i32
    %and3A_579 = arith.constant 8191 : i32
    %and3A_580 = arith.andi %add3A_578, %and3A_579 : i32
    %add3A_581 = arith.constant 100000 : i32
    %add3A_582 = arith.addi %add3A_581, %and3A_580 : i32
    %add3A_583 = vector.broadcast %add3A_582 : i32 to vector<16xi32>
    %add3A_584 = arith.addi %add3A_583, %iota3A : vector<16xi32>
    %get3A_585 = arith.constant 352 : index
    %get3A_586 = tpu.vector_load %arg6[%get3A_585] {strides = array<i32>} : memref<6400xi32, #tpu.memory_space<vmem>>, vector<16xi32>,
    %get3A_587 = vector.shape_cast %get3A_586 : vector<16xi32> to vector<16xi32>
    %sub3A_588 = arith.subi %get3A_587, %add3A_584 : vector<16xi32>
    %get3A_589 = arith.constant 352 : index
    %get3A_590 = tpu.vector_load %arg7[%get3A_589] {strides = array<i32>} : memref<6400xi32, #tpu.memory_space<vmem>>, vector<16xi32>,
    %get3A_591 = vector.shape_cast %get3A_590 : vector<16xi32> to vector<16xi32>
    %mul3A_592 = arith.muli %sub3A_588, %get3A_591 : vector<16xi32>
    %add3A_593 = arith.addi %add3A_584, %mul3A_592 : vector<16xi32>
    %swap3A_594 = arith.constant 352 : index
    %swap3A_595 = tpu.vector_load %arg6[%swap3A_594] {strides = array<i32>} : memref<6400xi32, #tpu.memory_space<vmem>>, vector<16xi32>,
    %swap3A_596 = vector.shape_cast %swap3A_595 : vector<16xi32> to vector<16xi32>
    %swap3A_597 = vector.shape_cast %add3A_593 : vector<16xi32> to vector<16xi32>
    tpu.vector_store %arg6[%swap3A_594], %swap3A_597 {strides = array<i32>} : memref<6400xi32, #tpu.memory_space<vmem>>, vector<16xi32>,
    %mul3A_598 = arith.constant 32 : i32
    %mul3A_599 = arith.muli %add3A, %mul3A_598 : i32
    %add3A_600 = arith.constant 368 : i32
    %add3A_601 = arith.addi %add3A_600, %mul3A_599 : i32
    %and3A_602 = arith.constant 8191 : i32
    %and3A_603 = arith.andi %add3A_601, %and3A_602 : i32
    %add3A_604 = arith.constant 100000 : i32
    %add3A_605 = arith.addi %add3A_604, %and3A_603 : i32
    %add3A_606 = vector.broadcast %add3A_605 : i32 to vector<16xi32>
    %add3A_607 = arith.addi %add3A_606, %iota3A : vector<16xi32>
    %get3A_608 = arith.constant 368 : index
    %get3A_609 = tpu.vector_load %arg6[%get3A_608] {strides = array<i32>} : memref<6400xi32, #tpu.memory_space<vmem>>, vector<16xi32>,
    %get3A_610 = vector.shape_cast %get3A_609 : vector<16xi32> to vector<16xi32>
    %sub3A_611 = arith.subi %get3A_610, %add3A_607 : vector<16xi32>
    %get3A_612 = arith.constant 368 : index
    %get3A_613 = tpu.vector_load %arg7[%get3A_612] {strides = array<i32>} : memref<6400xi32, #tpu.memory_space<vmem>>, vector<16xi32>,
    %get3A_614 = vector.shape_cast %get3A_613 : vector<16xi32> to vector<16xi32>
    %mul3A_615 = arith.muli %sub3A_611, %get3A_614 : vector<16xi32>
    %add3A_616 = arith.addi %add3A_607, %mul3A_615 : vector<16xi32>
    %swap3A_617 = arith.constant 368 : index
    %swap3A_618 = tpu.vector_load %arg6[%swap3A_617] {strides = array<i32>} : memref<6400xi32, #tpu.memory_space<vmem>>, vector<16xi32>,
    %swap3A_619 = vector.shape_cast %swap3A_618 : vector<16xi32> to vector<16xi32>
    %swap3A_620 = vector.shape_cast %add3A_616 : vector<16xi32> to vector<16xi32>
    tpu.vector_store %arg6[%swap3A_617], %swap3A_620 {strides = array<i32>} : memref<6400xi32, #tpu.memory_space<vmem>>, vector<16xi32>,
    %mul3A_621 = arith.constant 32 : i32
    %mul3A_622 = arith.muli %add3A, %mul3A_621 : i32
    %add3A_623 = arith.constant 384 : i32
    %add3A_624 = arith.addi %add3A_623, %mul3A_622 : i32
    %and3A_625 = arith.constant 8191 : i32
    %and3A_626 = arith.andi %add3A_624, %and3A_625 : i32
    %add3A_627 = arith.constant 100000 : i32
    %add3A_628 = arith.addi %add3A_627, %and3A_626 : i32
    %add3A_629 = vector.broadcast %add3A_628 : i32 to vector<16xi32>
    %add3A_630 = arith.addi %add3A_629, %iota3A : vector<16xi32>
    %get3A_631 = arith.constant 384 : index
    %get3A_632 = tpu.vector_load %arg6[%get3A_631] {strides = array<i32>} : memref<6400xi32, #tpu.memory_space<vmem>>, vector<16xi32>,
    %get3A_633 = vector.shape_cast %get3A_632 : vector<16xi32> to vector<16xi32>
    %sub3A_634 = arith.subi %get3A_633, %add3A_630 : vector<16xi32>
    %get3A_635 = arith.constant 384 : index
    %get3A_636 = tpu.vector_load %arg7[%get3A_635] {strides = array<i32>} : memref<6400xi32, #tpu.memory_space<vmem>>, vector<16xi32>,
    %get3A_637 = vector.shape_cast %get3A_636 : vector<16xi32> to vector<16xi32>
    %mul3A_638 = arith.muli %sub3A_634, %get3A_637 : vector<16xi32>
    %add3A_639 = arith.addi %add3A_630, %mul3A_638 : vector<16xi32>
    %swap3A_640 = arith.constant 384 : index
    %swap3A_641 = tpu.vector_load %arg6[%swap3A_640] {strides = array<i32>} : memref<6400xi32, #tpu.memory_space<vmem>>, vector<16xi32>,
    %swap3A_642 = vector.shape_cast %swap3A_641 : vector<16xi32> to vector<16xi32>
    %swap3A_643 = vector.shape_cast %add3A_639 : vector<16xi32> to vector<16xi32>
    tpu.vector_store %arg6[%swap3A_640], %swap3A_643 {strides = array<i32>} : memref<6400xi32, #tpu.memory_space<vmem>>, vector<16xi32>,
    %dma_start3A_644 = arith.constant 4 : i32
    %dma_start3A_645 = arith.constant 4 : i32
    %dma_start3A_646 = arith.constant 0 : i32
    %dma_start3A_647 = arith.constant 0 : i32
    %dma_start3A_648 = tpu.memref_slice %arg8[%dma_start3A_644, %dma_start3A_646, %dma_start3A_647] : memref<10x80x128xf32, #tpu.memory_space<vmem>> -> memref<1x80x128xf32, #tpu.memory_space<vmem>>
    %dma_start3A_649 = tpu.memref_squeeze %dma_start3A_648 : memref<1x80x128xf32, #tpu.memory_space<vmem>> -> memref<80x128xf32, #tpu.memory_space<vmem>>
    %dma_start3A_650 = arith.constant 320 : i32
    %dma_start3A_651 = tpu.memref_slice %arg6[%dma_start3A_650] : memref<6400xi32, #tpu.memory_space<vmem>> -> memref<80xi32, #tpu.memory_space<vmem>>
    %dma_start3A_652 = arith.constant 0 : i32
    %dma_start3A_653 = arith.constant 0 : i32
    %dma_start3A_654 = tpu.memref_slice %arg2[%dma_start3A_652, %dma_start3A_653] : memref<108192x128xf32, #tpu.memory_space<hbm>> -> memref<108192x128xf32, #tpu.memory_space<hbm>>
    %dma_start3A_655 = tpu.memref_slice %arg9[%dma_start3A_645] : memref<10x!tpu.dma_semaphore, #tpu.memory_space<semaphore_mem>> -> memref<1x!tpu.dma_semaphore, #tpu.memory_space<semaphore_mem>>
    %dma_start3A_656 = tpu.memref_squeeze %dma_start3A_655 : memref<1x!tpu.dma_semaphore, #tpu.memory_space<semaphore_mem>> -> memref<!tpu.dma_semaphore, #tpu.memory_space<semaphore_mem>>
    tpu.enqueue_indirect_dma source(%dma_start3A_654 : memref<108192x128xf32, #tpu.memory_space<hbm>>) target(%dma_start3A_649 : memref<80x128xf32, #tpu.memory_space<vmem>>) offsets(%dma_start3A_651 : memref<80xi32, #tpu.memory_space<vmem>>) semaphore(%dma_start3A_656 : memref<!tpu.dma_semaphore, #tpu.memory_space<semaphore_mem>>)
    %mul3A_657 = arith.constant 32 : i32
    %mul3A_658 = arith.muli %add3A, %mul3A_657 : i32
    %add3A_659 = arith.constant 400 : i32
    %add3A_660 = arith.addi %add3A_659, %mul3A_658 : i32
    %and3A_661 = arith.constant 8191 : i32
    %and3A_662 = arith.andi %add3A_660, %and3A_661 : i32
    %add3A_663 = arith.constant 100000 : i32
    %add3A_664 = arith.addi %add3A_663, %and3A_662 : i32
    %add3A_665 = vector.broadcast %add3A_664 : i32 to vector<16xi32>
    %add3A_666 = arith.addi %add3A_665, %iota3A : vector<16xi32>
    %get3A_667 = arith.constant 400 : index
    %get3A_668 = tpu.vector_load %arg6[%get3A_667] {strides = array<i32>} : memref<6400xi32, #tpu.memory_space<vmem>>, vector<16xi32>,
    %get3A_669 = vector.shape_cast %get3A_668 : vector<16xi32> to vector<16xi32>
    %sub3A_670 = arith.subi %get3A_669, %add3A_666 : vector<16xi32>
    %get3A_671 = arith.constant 400 : index
    %get3A_672 = tpu.vector_load %arg7[%get3A_671] {strides = array<i32>} : memref<6400xi32, #tpu.memory_space<vmem>>, vector<16xi32>,
    %get3A_673 = vector.shape_cast %get3A_672 : vector<16xi32> to vector<16xi32>
    %mul3A_674 = arith.muli %sub3A_670, %get3A_673 : vector<16xi32>
    %add3A_675 = arith.addi %add3A_666, %mul3A_674 : vector<16xi32>
    %swap3A_676 = arith.constant 400 : index
    %swap3A_677 = tpu.vector_load %arg6[%swap3A_676] {strides = array<i32>} : memref<6400xi32, #tpu.memory_space<vmem>>, vector<16xi32>,
    %swap3A_678 = vector.shape_cast %swap3A_677 : vector<16xi32> to vector<16xi32>
    %swap3A_679 = vector.shape_cast %add3A_675 : vector<16xi32> to vector<16xi32>
    tpu.vector_store %arg6[%swap3A_676], %swap3A_679 {strides = array<i32>} : memref<6400xi32, #tpu.memory_space<vmem>>, vector<16xi32>,
    %mul3A_680 = arith.constant 32 : i32
    %mul3A_681 = arith.muli %add3A, %mul3A_680 : i32
    %add3A_682 = arith.constant 416 : i32
    %add3A_683 = arith.addi %add3A_682, %mul3A_681 : i32
    %and3A_684 = arith.constant 8191 : i32
    %and3A_685 = arith.andi %add3A_683, %and3A_684 : i32
    %add3A_686 = arith.constant 100000 : i32
    %add3A_687 = arith.addi %add3A_686, %and3A_685 : i32
    %add3A_688 = vector.broadcast %add3A_687 : i32 to vector<16xi32>
    %add3A_689 = arith.addi %add3A_688, %iota3A : vector<16xi32>
    %get3A_690 = arith.constant 416 : index
    %get3A_691 = tpu.vector_load %arg6[%get3A_690] {strides = array<i32>} : memref<6400xi32, #tpu.memory_space<vmem>>, vector<16xi32>,
    %get3A_692 = vector.shape_cast %get3A_691 : vector<16xi32> to vector<16xi32>
    %sub3A_693 = arith.subi %get3A_692, %add3A_689 : vector<16xi32>
    %get3A_694 = arith.constant 416 : index
    %get3A_695 = tpu.vector_load %arg7[%get3A_694] {strides = array<i32>} : memref<6400xi32, #tpu.memory_space<vmem>>, vector<16xi32>,
    %get3A_696 = vector.shape_cast %get3A_695 : vector<16xi32> to vector<16xi32>
    %mul3A_697 = arith.muli %sub3A_693, %get3A_696 : vector<16xi32>
    %add3A_698 = arith.addi %add3A_689, %mul3A_697 : vector<16xi32>
    %swap3A_699 = arith.constant 416 : index
    %swap3A_700 = tpu.vector_load %arg6[%swap3A_699] {strides = array<i32>} : memref<6400xi32, #tpu.memory_space<vmem>>, vector<16xi32>,
    %swap3A_701 = vector.shape_cast %swap3A_700 : vector<16xi32> to vector<16xi32>
    %swap3A_702 = vector.shape_cast %add3A_698 : vector<16xi32> to vector<16xi32>
    tpu.vector_store %arg6[%swap3A_699], %swap3A_702 {strides = array<i32>} : memref<6400xi32, #tpu.memory_space<vmem>>, vector<16xi32>,
    %mul3A_703 = arith.constant 32 : i32
    %mul3A_704 = arith.muli %add3A, %mul3A_703 : i32
    %add3A_705 = arith.constant 432 : i32
    %add3A_706 = arith.addi %add3A_705, %mul3A_704 : i32
    %and3A_707 = arith.constant 8191 : i32
    %and3A_708 = arith.andi %add3A_706, %and3A_707 : i32
    %add3A_709 = arith.constant 100000 : i32
    %add3A_710 = arith.addi %add3A_709, %and3A_708 : i32
    %add3A_711 = vector.broadcast %add3A_710 : i32 to vector<16xi32>
    %add3A_712 = arith.addi %add3A_711, %iota3A : vector<16xi32>
    %get3A_713 = arith.constant 432 : index
    %get3A_714 = tpu.vector_load %arg6[%get3A_713] {strides = array<i32>} : memref<6400xi32, #tpu.memory_space<vmem>>, vector<16xi32>,
    %get3A_715 = vector.shape_cast %get3A_714 : vector<16xi32> to vector<16xi32>
    %sub3A_716 = arith.subi %get3A_715, %add3A_712 : vector<16xi32>
    %get3A_717 = arith.constant 432 : index
    %get3A_718 = tpu.vector_load %arg7[%get3A_717] {strides = array<i32>} : memref<6400xi32, #tpu.memory_space<vmem>>, vector<16xi32>,
    %get3A_719 = vector.shape_cast %get3A_718 : vector<16xi32> to vector<16xi32>
    %mul3A_720 = arith.muli %sub3A_716, %get3A_719 : vector<16xi32>
    %add3A_721 = arith.addi %add3A_712, %mul3A_720 : vector<16xi32>
    %swap3A_722 = arith.constant 432 : index
    %swap3A_723 = tpu.vector_load %arg6[%swap3A_722] {strides = array<i32>} : memref<6400xi32, #tpu.memory_space<vmem>>, vector<16xi32>,
    %swap3A_724 = vector.shape_cast %swap3A_723 : vector<16xi32> to vector<16xi32>
    %swap3A_725 = vector.shape_cast %add3A_721 : vector<16xi32> to vector<16xi32>
    tpu.vector_store %arg6[%swap3A_722], %swap3A_725 {strides = array<i32>} : memref<6400xi32, #tpu.memory_space<vmem>>, vector<16xi32>,
    %mul3A_726 = arith.constant 32 : i32
    %mul3A_727 = arith.muli %add3A, %mul3A_726 : i32
    %add3A_728 = arith.constant 448 : i32
    %add3A_729 = arith.addi %add3A_728, %mul3A_727 : i32
    %and3A_730 = arith.constant 8191 : i32
    %and3A_731 = arith.andi %add3A_729, %and3A_730 : i32
    %add3A_732 = arith.constant 100000 : i32
    %add3A_733 = arith.addi %add3A_732, %and3A_731 : i32
    %add3A_734 = vector.broadcast %add3A_733 : i32 to vector<16xi32>
    %add3A_735 = arith.addi %add3A_734, %iota3A : vector<16xi32>
    %get3A_736 = arith.constant 448 : index
    %get3A_737 = tpu.vector_load %arg6[%get3A_736] {strides = array<i32>} : memref<6400xi32, #tpu.memory_space<vmem>>, vector<16xi32>,
    %get3A_738 = vector.shape_cast %get3A_737 : vector<16xi32> to vector<16xi32>
    %sub3A_739 = arith.subi %get3A_738, %add3A_735 : vector<16xi32>
    %get3A_740 = arith.constant 448 : index
    %get3A_741 = tpu.vector_load %arg7[%get3A_740] {strides = array<i32>} : memref<6400xi32, #tpu.memory_space<vmem>>, vector<16xi32>,
    %get3A_742 = vector.shape_cast %get3A_741 : vector<16xi32> to vector<16xi32>
    %mul3A_743 = arith.muli %sub3A_739, %get3A_742 : vector<16xi32>
    %add3A_744 = arith.addi %add3A_735, %mul3A_743 : vector<16xi32>
    %swap3A_745 = arith.constant 448 : index
    %swap3A_746 = tpu.vector_load %arg6[%swap3A_745] {strides = array<i32>} : memref<6400xi32, #tpu.memory_space<vmem>>, vector<16xi32>,
    %swap3A_747 = vector.shape_cast %swap3A_746 : vector<16xi32> to vector<16xi32>
    %swap3A_748 = vector.shape_cast %add3A_744 : vector<16xi32> to vector<16xi32>
    tpu.vector_store %arg6[%swap3A_745], %swap3A_748 {strides = array<i32>} : memref<6400xi32, #tpu.memory_space<vmem>>, vector<16xi32>,
    %mul3A_749 = arith.constant 32 : i32
    %mul3A_750 = arith.muli %add3A, %mul3A_749 : i32
    %add3A_751 = arith.constant 464 : i32
    %add3A_752 = arith.addi %add3A_751, %mul3A_750 : i32
    %and3A_753 = arith.constant 8191 : i32
    %and3A_754 = arith.andi %add3A_752, %and3A_753 : i32
    %add3A_755 = arith.constant 100000 : i32
    %add3A_756 = arith.addi %add3A_755, %and3A_754 : i32
    %add3A_757 = vector.broadcast %add3A_756 : i32 to vector<16xi32>
    %add3A_758 = arith.addi %add3A_757, %iota3A : vector<16xi32>
    %get3A_759 = arith.constant 464 : index
    %get3A_760 = tpu.vector_load %arg6[%get3A_759] {strides = array<i32>} : memref<6400xi32, #tpu.memory_space<vmem>>, vector<16xi32>,
    %get3A_761 = vector.shape_cast %get3A_760 : vector<16xi32> to vector<16xi32>
    %sub3A_762 = arith.subi %get3A_761, %add3A_758 : vector<16xi32>
    %get3A_763 = arith.constant 464 : index
    %get3A_764 = tpu.vector_load %arg7[%get3A_763] {strides = array<i32>} : memref<6400xi32, #tpu.memory_space<vmem>>, vector<16xi32>,
    %get3A_765 = vector.shape_cast %get3A_764 : vector<16xi32> to vector<16xi32>
    %mul3A_766 = arith.muli %sub3A_762, %get3A_765 : vector<16xi32>
    %add3A_767 = arith.addi %add3A_758, %mul3A_766 : vector<16xi32>
    %swap3A_768 = arith.constant 464 : index
    %swap3A_769 = tpu.vector_load %arg6[%swap3A_768] {strides = array<i32>} : memref<6400xi32, #tpu.memory_space<vmem>>, vector<16xi32>,
    %swap3A_770 = vector.shape_cast %swap3A_769 : vector<16xi32> to vector<16xi32>
    %swap3A_771 = vector.shape_cast %add3A_767 : vector<16xi32> to vector<16xi32>
    tpu.vector_store %arg6[%swap3A_768], %swap3A_771 {strides = array<i32>} : memref<6400xi32, #tpu.memory_space<vmem>>, vector<16xi32>,
    %dma_start3A_772 = arith.constant 5 : i32
    %dma_start3A_773 = arith.constant 5 : i32
    %dma_start3A_774 = arith.constant 0 : i32
    %dma_start3A_775 = arith.constant 0 : i32
    %dma_start3A_776 = tpu.memref_slice %arg8[%dma_start3A_772, %dma_start3A_774, %dma_start3A_775] : memref<10x80x128xf32, #tpu.memory_space<vmem>> -> memref<1x80x128xf32, #tpu.memory_space<vmem>>
    %dma_start3A_777 = tpu.memref_squeeze %dma_start3A_776 : memref<1x80x128xf32, #tpu.memory_space<vmem>> -> memref<80x128xf32, #tpu.memory_space<vmem>>
    %dma_start3A_778 = arith.constant 400 : i32
    %dma_start3A_779 = tpu.memref_slice %arg6[%dma_start3A_778] : memref<6400xi32, #tpu.memory_space<vmem>> -> memref<80xi32, #tpu.memory_space<vmem>>
    %dma_start3A_780 = arith.constant 0 : i32
    %dma_start3A_781 = arith.constant 0 : i32
    %dma_start3A_782 = tpu.memref_slice %arg2[%dma_start3A_780, %dma_start3A_781] : memref<108192x128xf32, #tpu.memory_space<hbm>> -> memref<108192x128xf32, #tpu.memory_space<hbm>>
    %dma_start3A_783 = tpu.memref_slice %arg9[%dma_start3A_773] : memref<10x!tpu.dma_semaphore, #tpu.memory_space<semaphore_mem>> -> memref<1x!tpu.dma_semaphore, #tpu.memory_space<semaphore_mem>>
    %dma_start3A_784 = tpu.memref_squeeze %dma_start3A_783 : memref<1x!tpu.dma_semaphore, #tpu.memory_space<semaphore_mem>> -> memref<!tpu.dma_semaphore, #tpu.memory_space<semaphore_mem>>
    tpu.enqueue_indirect_dma source(%dma_start3A_782 : memref<108192x128xf32, #tpu.memory_space<hbm>>) target(%dma_start3A_777 : memref<80x128xf32, #tpu.memory_space<vmem>>) offsets(%dma_start3A_779 : memref<80xi32, #tpu.memory_space<vmem>>) semaphore(%dma_start3A_784 : memref<!tpu.dma_semaphore, #tpu.memory_space<semaphore_mem>>)
    %mul3A_785 = arith.constant 32 : i32
    %mul3A_786 = arith.muli %add3A, %mul3A_785 : i32
    %add3A_787 = arith.constant 480 : i32
    %add3A_788 = arith.addi %add3A_787, %mul3A_786 : i32
    %and3A_789 = arith.constant 8191 : i32
    %and3A_790 = arith.andi %add3A_788, %and3A_789 : i32
    %add3A_791 = arith.constant 100000 : i32
    %add3A_792 = arith.addi %add3A_791, %and3A_790 : i32
    %add3A_793 = vector.broadcast %add3A_792 : i32 to vector<16xi32>
    %add3A_794 = arith.addi %add3A_793, %iota3A : vector<16xi32>
    %get3A_795 = arith.constant 480 : index
    %get3A_796 = tpu.vector_load %arg6[%get3A_795] {strides = array<i32>} : memref<6400xi32, #tpu.memory_space<vmem>>, vector<16xi32>,
    %get3A_797 = vector.shape_cast %get3A_796 : vector<16xi32> to vector<16xi32>
    %sub3A_798 = arith.subi %get3A_797, %add3A_794 : vector<16xi32>
    %get3A_799 = arith.constant 480 : index
    %get3A_800 = tpu.vector_load %arg7[%get3A_799] {strides = array<i32>} : memref<6400xi32, #tpu.memory_space<vmem>>, vector<16xi32>,
    %get3A_801 = vector.shape_cast %get3A_800 : vector<16xi32> to vector<16xi32>
    %mul3A_802 = arith.muli %sub3A_798, %get3A_801 : vector<16xi32>
    %add3A_803 = arith.addi %add3A_794, %mul3A_802 : vector<16xi32>
    %swap3A_804 = arith.constant 480 : index
    %swap3A_805 = tpu.vector_load %arg6[%swap3A_804] {strides = array<i32>} : memref<6400xi32, #tpu.memory_space<vmem>>, vector<16xi32>,
    %swap3A_806 = vector.shape_cast %swap3A_805 : vector<16xi32> to vector<16xi32>
    %swap3A_807 = vector.shape_cast %add3A_803 : vector<16xi32> to vector<16xi32>
    tpu.vector_store %arg6[%swap3A_804], %swap3A_807 {strides = array<i32>} : memref<6400xi32, #tpu.memory_space<vmem>>, vector<16xi32>,
    %mul3A_808 = arith.constant 32 : i32
    %mul3A_809 = arith.muli %add3A, %mul3A_808 : i32
    %add3A_810 = arith.constant 496 : i32
    %add3A_811 = arith.addi %add3A_810, %mul3A_809 : i32
    %and3A_812 = arith.constant 8191 : i32
    %and3A_813 = arith.andi %add3A_811, %and3A_812 : i32
    %add3A_814 = arith.constant 100000 : i32
    %add3A_815 = arith.addi %add3A_814, %and3A_813 : i32
    %add3A_816 = vector.broadcast %add3A_815 : i32 to vector<16xi32>
    %add3A_817 = arith.addi %add3A_816, %iota3A : vector<16xi32>
    %get3A_818 = arith.constant 496 : index
    %get3A_819 = tpu.vector_load %arg6[%get3A_818] {strides = array<i32>} : memref<6400xi32, #tpu.memory_space<vmem>>, vector<16xi32>,
    %get3A_820 = vector.shape_cast %get3A_819 : vector<16xi32> to vector<16xi32>
    %sub3A_821 = arith.subi %get3A_820, %add3A_817 : vector<16xi32>
    %get3A_822 = arith.constant 496 : index
    %get3A_823 = tpu.vector_load %arg7[%get3A_822] {strides = array<i32>} : memref<6400xi32, #tpu.memory_space<vmem>>, vector<16xi32>,
    %get3A_824 = vector.shape_cast %get3A_823 : vector<16xi32> to vector<16xi32>
    %mul3A_825 = arith.muli %sub3A_821, %get3A_824 : vector<16xi32>
    %add3A_826 = arith.addi %add3A_817, %mul3A_825 : vector<16xi32>
    %swap3A_827 = arith.constant 496 : index
    %swap3A_828 = tpu.vector_load %arg6[%swap3A_827] {strides = array<i32>} : memref<6400xi32, #tpu.memory_space<vmem>>, vector<16xi32>,
    %swap3A_829 = vector.shape_cast %swap3A_828 : vector<16xi32> to vector<16xi32>
    %swap3A_830 = vector.shape_cast %add3A_826 : vector<16xi32> to vector<16xi32>
    tpu.vector_store %arg6[%swap3A_827], %swap3A_830 {strides = array<i32>} : memref<6400xi32, #tpu.memory_space<vmem>>, vector<16xi32>,
    %mul3A_831 = arith.constant 32 : i32
    %mul3A_832 = arith.muli %add3A, %mul3A_831 : i32
    %add3A_833 = arith.constant 512 : i32
    %add3A_834 = arith.addi %add3A_833, %mul3A_832 : i32
    %and3A_835 = arith.constant 8191 : i32
    %and3A_836 = arith.andi %add3A_834, %and3A_835 : i32
    %add3A_837 = arith.constant 100000 : i32
    %add3A_838 = arith.addi %add3A_837, %and3A_836 : i32
    %add3A_839 = vector.broadcast %add3A_838 : i32 to vector<16xi32>
    %add3A_840 = arith.addi %add3A_839, %iota3A : vector<16xi32>
    %get3A_841 = arith.constant 512 : index
    %get3A_842 = tpu.vector_load %arg6[%get3A_841] {strides = array<i32>} : memref<6400xi32, #tpu.memory_space<vmem>>, vector<16xi32>,
    %get3A_843 = vector.shape_cast %get3A_842 : vector<16xi32> to vector<16xi32>
    %sub3A_844 = arith.subi %get3A_843, %add3A_840 : vector<16xi32>
    %get3A_845 = arith.constant 512 : index
    %get3A_846 = tpu.vector_load %arg7[%get3A_845] {strides = array<i32>} : memref<6400xi32, #tpu.memory_space<vmem>>, vector<16xi32>,
    %get3A_847 = vector.shape_cast %get3A_846 : vector<16xi32> to vector<16xi32>
    %mul3A_848 = arith.muli %sub3A_844, %get3A_847 : vector<16xi32>
    %add3A_849 = arith.addi %add3A_840, %mul3A_848 : vector<16xi32>
    %swap3A_850 = arith.constant 512 : index
    %swap3A_851 = tpu.vector_load %arg6[%swap3A_850] {strides = array<i32>} : memref<6400xi32, #tpu.memory_space<vmem>>, vector<16xi32>,
    %swap3A_852 = vector.shape_cast %swap3A_851 : vector<16xi32> to vector<16xi32>
    %swap3A_853 = vector.shape_cast %add3A_849 : vector<16xi32> to vector<16xi32>
    tpu.vector_store %arg6[%swap3A_850], %swap3A_853 {strides = array<i32>} : memref<6400xi32, #tpu.memory_space<vmem>>, vector<16xi32>,
    %mul3A_854 = arith.constant 32 : i32
    %mul3A_855 = arith.muli %add3A, %mul3A_854 : i32
    %add3A_856 = arith.constant 528 : i32
    %add3A_857 = arith.addi %add3A_856, %mul3A_855 : i32
    %and3A_858 = arith.constant 8191 : i32
    %and3A_859 = arith.andi %add3A_857, %and3A_858 : i32
    %add3A_860 = arith.constant 100000 : i32
    %add3A_861 = arith.addi %add3A_860, %and3A_859 : i32
    %add3A_862 = vector.broadcast %add3A_861 : i32 to vector<16xi32>
    %add3A_863 = arith.addi %add3A_862, %iota3A : vector<16xi32>
    %get3A_864 = arith.constant 528 : index
    %get3A_865 = tpu.vector_load %arg6[%get3A_864] {strides = array<i32>} : memref<6400xi32, #tpu.memory_space<vmem>>, vector<16xi32>,
    %get3A_866 = vector.shape_cast %get3A_865 : vector<16xi32> to vector<16xi32>
    %sub3A_867 = arith.subi %get3A_866, %add3A_863 : vector<16xi32>
    %get3A_868 = arith.constant 528 : index
    %get3A_869 = tpu.vector_load %arg7[%get3A_868] {strides = array<i32>} : memref<6400xi32, #tpu.memory_space<vmem>>, vector<16xi32>,
    %get3A_870 = vector.shape_cast %get3A_869 : vector<16xi32> to vector<16xi32>
    %mul3A_871 = arith.muli %sub3A_867, %get3A_870 : vector<16xi32>
    %add3A_872 = arith.addi %add3A_863, %mul3A_871 : vector<16xi32>
    %swap3A_873 = arith.constant 528 : index
    %swap3A_874 = tpu.vector_load %arg6[%swap3A_873] {strides = array<i32>} : memref<6400xi32, #tpu.memory_space<vmem>>, vector<16xi32>,
    %swap3A_875 = vector.shape_cast %swap3A_874 : vector<16xi32> to vector<16xi32>
    %swap3A_876 = vector.shape_cast %add3A_872 : vector<16xi32> to vector<16xi32>
    tpu.vector_store %arg6[%swap3A_873], %swap3A_876 {strides = array<i32>} : memref<6400xi32, #tpu.memory_space<vmem>>, vector<16xi32>,
    %mul3A_877 = arith.constant 32 : i32
    %mul3A_878 = arith.muli %add3A, %mul3A_877 : i32
    %add3A_879 = arith.constant 544 : i32
    %add3A_880 = arith.addi %add3A_879, %mul3A_878 : i32
    %and3A_881 = arith.constant 8191 : i32
    %and3A_882 = arith.andi %add3A_880, %and3A_881 : i32
    %add3A_883 = arith.constant 100000 : i32
    %add3A_884 = arith.addi %add3A_883, %and3A_882 : i32
    %add3A_885 = vector.broadcast %add3A_884 : i32 to vector<16xi32>
    %add3A_886 = arith.addi %add3A_885, %iota3A : vector<16xi32>
    %get3A_887 = arith.constant 544 : index
    %get3A_888 = tpu.vector_load %arg6[%get3A_887] {strides = array<i32>} : memref<6400xi32, #tpu.memory_space<vmem>>, vector<16xi32>,
    %get3A_889 = vector.shape_cast %get3A_888 : vector<16xi32> to vector<16xi32>
    %sub3A_890 = arith.subi %get3A_889, %add3A_886 : vector<16xi32>
    %get3A_891 = arith.constant 544 : index
    %get3A_892 = tpu.vector_load %arg7[%get3A_891] {strides = array<i32>} : memref<6400xi32, #tpu.memory_space<vmem>>, vector<16xi32>,
    %get3A_893 = vector.shape_cast %get3A_892 : vector<16xi32> to vector<16xi32>
    %mul3A_894 = arith.muli %sub3A_890, %get3A_893 : vector<16xi32>
    %add3A_895 = arith.addi %add3A_886, %mul3A_894 : vector<16xi32>
    %swap3A_896 = arith.constant 544 : index
    %swap3A_897 = tpu.vector_load %arg6[%swap3A_896] {strides = array<i32>} : memref<6400xi32, #tpu.memory_space<vmem>>, vector<16xi32>,
    %swap3A_898 = vector.shape_cast %swap3A_897 : vector<16xi32> to vector<16xi32>
    %swap3A_899 = vector.shape_cast %add3A_895 : vector<16xi32> to vector<16xi32>
    tpu.vector_store %arg6[%swap3A_896], %swap3A_899 {strides = array<i32>} : memref<6400xi32, #tpu.memory_space<vmem>>, vector<16xi32>,
    %dma_start3A_900 = arith.constant 6 : i32
    %dma_start3A_901 = arith.constant 6 : i32
    %dma_start3A_902 = arith.constant 0 : i32
    %dma_start3A_903 = arith.constant 0 : i32
    %dma_start3A_904 = tpu.memref_slice %arg8[%dma_start3A_900, %dma_start3A_902, %dma_start3A_903] : memref<10x80x128xf32, #tpu.memory_space<vmem>> -> memref<1x80x128xf32, #tpu.memory_space<vmem>>
    %dma_start3A_905 = tpu.memref_squeeze %dma_start3A_904 : memref<1x80x128xf32, #tpu.memory_space<vmem>> -> memref<80x128xf32, #tpu.memory_space<vmem>>
    %dma_start3A_906 = arith.constant 480 : i32
    %dma_start3A_907 = tpu.memref_slice %arg6[%dma_start3A_906] : memref<6400xi32, #tpu.memory_space<vmem>> -> memref<80xi32, #tpu.memory_space<vmem>>
    %dma_start3A_908 = arith.constant 0 : i32
    %dma_start3A_909 = arith.constant 0 : i32
    %dma_start3A_910 = tpu.memref_slice %arg2[%dma_start3A_908, %dma_start3A_909] : memref<108192x128xf32, #tpu.memory_space<hbm>> -> memref<108192x128xf32, #tpu.memory_space<hbm>>
    %dma_start3A_911 = tpu.memref_slice %arg9[%dma_start3A_901] : memref<10x!tpu.dma_semaphore, #tpu.memory_space<semaphore_mem>> -> memref<1x!tpu.dma_semaphore, #tpu.memory_space<semaphore_mem>>
    %dma_start3A_912 = tpu.memref_squeeze %dma_start3A_911 : memref<1x!tpu.dma_semaphore, #tpu.memory_space<semaphore_mem>> -> memref<!tpu.dma_semaphore, #tpu.memory_space<semaphore_mem>>
    tpu.enqueue_indirect_dma source(%dma_start3A_910 : memref<108192x128xf32, #tpu.memory_space<hbm>>) target(%dma_start3A_905 : memref<80x128xf32, #tpu.memory_space<vmem>>) offsets(%dma_start3A_907 : memref<80xi32, #tpu.memory_space<vmem>>) semaphore(%dma_start3A_912 : memref<!tpu.dma_semaphore, #tpu.memory_space<semaphore_mem>>)
    %mul3A_913 = arith.constant 32 : i32
    %mul3A_914 = arith.muli %add3A, %mul3A_913 : i32
    %add3A_915 = arith.constant 560 : i32
    %add3A_916 = arith.addi %add3A_915, %mul3A_914 : i32
    %and3A_917 = arith.constant 8191 : i32
    %and3A_918 = arith.andi %add3A_916, %and3A_917 : i32
    %add3A_919 = arith.constant 100000 : i32
    %add3A_920 = arith.addi %add3A_919, %and3A_918 : i32
    %add3A_921 = vector.broadcast %add3A_920 : i32 to vector<16xi32>
    %add3A_922 = arith.addi %add3A_921, %iota3A : vector<16xi32>
    %get3A_923 = arith.constant 560 : index
    %get3A_924 = tpu.vector_load %arg6[%get3A_923] {strides = array<i32>} : memref<6400xi32, #tpu.memory_space<vmem>>, vector<16xi32>,
    %get3A_925 = vector.shape_cast %get3A_924 : vector<16xi32> to vector<16xi32>
    %sub3A_926 = arith.subi %get3A_925, %add3A_922 : vector<16xi32>
    %get3A_927 = arith.constant 560 : index
    %get3A_928 = tpu.vector_load %arg7[%get3A_927] {strides = array<i32>} : memref<6400xi32, #tpu.memory_space<vmem>>, vector<16xi32>,
    %get3A_929 = vector.shape_cast %get3A_928 : vector<16xi32> to vector<16xi32>
    %mul3A_930 = arith.muli %sub3A_926, %get3A_929 : vector<16xi32>
    %add3A_931 = arith.addi %add3A_922, %mul3A_930 : vector<16xi32>
    %swap3A_932 = arith.constant 560 : index
    %swap3A_933 = tpu.vector_load %arg6[%swap3A_932] {strides = array<i32>} : memref<6400xi32, #tpu.memory_space<vmem>>, vector<16xi32>,
    %swap3A_934 = vector.shape_cast %swap3A_933 : vector<16xi32> to vector<16xi32>
    %swap3A_935 = vector.shape_cast %add3A_931 : vector<16xi32> to vector<16xi32>
    tpu.vector_store %arg6[%swap3A_932], %swap3A_935 {strides = array<i32>} : memref<6400xi32, #tpu.memory_space<vmem>>, vector<16xi32>,
    %mul3A_936 = arith.constant 32 : i32
    %mul3A_937 = arith.muli %add3A, %mul3A_936 : i32
    %add3A_938 = arith.constant 576 : i32
    %add3A_939 = arith.addi %add3A_938, %mul3A_937 : i32
    %and3A_940 = arith.constant 8191 : i32
    %and3A_941 = arith.andi %add3A_939, %and3A_940 : i32
    %add3A_942 = arith.constant 100000 : i32
    %add3A_943 = arith.addi %add3A_942, %and3A_941 : i32
    %add3A_944 = vector.broadcast %add3A_943 : i32 to vector<16xi32>
    %add3A_945 = arith.addi %add3A_944, %iota3A : vector<16xi32>
    %get3A_946 = arith.constant 576 : index
    %get3A_947 = tpu.vector_load %arg6[%get3A_946] {strides = array<i32>} : memref<6400xi32, #tpu.memory_space<vmem>>, vector<16xi32>,
    %get3A_948 = vector.shape_cast %get3A_947 : vector<16xi32> to vector<16xi32>
    %sub3A_949 = arith.subi %get3A_948, %add3A_945 : vector<16xi32>
    %get3A_950 = arith.constant 576 : index
    %get3A_951 = tpu.vector_load %arg7[%get3A_950] {strides = array<i32>} : memref<6400xi32, #tpu.memory_space<vmem>>, vector<16xi32>,
    %get3A_952 = vector.shape_cast %get3A_951 : vector<16xi32> to vector<16xi32>
    %mul3A_953 = arith.muli %sub3A_949, %get3A_952 : vector<16xi32>
    %add3A_954 = arith.addi %add3A_945, %mul3A_953 : vector<16xi32>
    %swap3A_955 = arith.constant 576 : index
    %swap3A_956 = tpu.vector_load %arg6[%swap3A_955] {strides = array<i32>} : memref<6400xi32, #tpu.memory_space<vmem>>, vector<16xi32>,
    %swap3A_957 = vector.shape_cast %swap3A_956 : vector<16xi32> to vector<16xi32>
    %swap3A_958 = vector.shape_cast %add3A_954 : vector<16xi32> to vector<16xi32>
    tpu.vector_store %arg6[%swap3A_955], %swap3A_958 {strides = array<i32>} : memref<6400xi32, #tpu.memory_space<vmem>>, vector<16xi32>,
    %mul3A_959 = arith.constant 32 : i32
    %mul3A_960 = arith.muli %add3A, %mul3A_959 : i32
    %add3A_961 = arith.constant 592 : i32
    %add3A_962 = arith.addi %add3A_961, %mul3A_960 : i32
    %and3A_963 = arith.constant 8191 : i32
    %and3A_964 = arith.andi %add3A_962, %and3A_963 : i32
    %add3A_965 = arith.constant 100000 : i32
    %add3A_966 = arith.addi %add3A_965, %and3A_964 : i32
    %add3A_967 = vector.broadcast %add3A_966 : i32 to vector<16xi32>
    %add3A_968 = arith.addi %add3A_967, %iota3A : vector<16xi32>
    %get3A_969 = arith.constant 592 : index
    %get3A_970 = tpu.vector_load %arg6[%get3A_969] {strides = array<i32>} : memref<6400xi32, #tpu.memory_space<vmem>>, vector<16xi32>,
    %get3A_971 = vector.shape_cast %get3A_970 : vector<16xi32> to vector<16xi32>
    %sub3A_972 = arith.subi %get3A_971, %add3A_968 : vector<16xi32>
    %get3A_973 = arith.constant 592 : index
    %get3A_974 = tpu.vector_load %arg7[%get3A_973] {strides = array<i32>} : memref<6400xi32, #tpu.memory_space<vmem>>, vector<16xi32>,
    %get3A_975 = vector.shape_cast %get3A_974 : vector<16xi32> to vector<16xi32>
    %mul3A_976 = arith.muli %sub3A_972, %get3A_975 : vector<16xi32>
    %add3A_977 = arith.addi %add3A_968, %mul3A_976 : vector<16xi32>
    %swap3A_978 = arith.constant 592 : index
    %swap3A_979 = tpu.vector_load %arg6[%swap3A_978] {strides = array<i32>} : memref<6400xi32, #tpu.memory_space<vmem>>, vector<16xi32>,
    %swap3A_980 = vector.shape_cast %swap3A_979 : vector<16xi32> to vector<16xi32>
    %swap3A_981 = vector.shape_cast %add3A_977 : vector<16xi32> to vector<16xi32>
    tpu.vector_store %arg6[%swap3A_978], %swap3A_981 {strides = array<i32>} : memref<6400xi32, #tpu.memory_space<vmem>>, vector<16xi32>,
    %mul3A_982 = arith.constant 32 : i32
    %mul3A_983 = arith.muli %add3A, %mul3A_982 : i32
    %add3A_984 = arith.constant 608 : i32
    %add3A_985 = arith.addi %add3A_984, %mul3A_983 : i32
    %and3A_986 = arith.constant 8191 : i32
    %and3A_987 = arith.andi %add3A_985, %and3A_986 : i32
    %add3A_988 = arith.constant 100000 : i32
    %add3A_989 = arith.addi %add3A_988, %and3A_987 : i32
    %add3A_990 = vector.broadcast %add3A_989 : i32 to vector<16xi32>
    %add3A_991 = arith.addi %add3A_990, %iota3A : vector<16xi32>
    %get3A_992 = arith.constant 608 : index
    %get3A_993 = tpu.vector_load %arg6[%get3A_992] {strides = array<i32>} : memref<6400xi32, #tpu.memory_space<vmem>>, vector<16xi32>,
    %get3A_994 = vector.shape_cast %get3A_993 : vector<16xi32> to vector<16xi32>
    %sub3A_995 = arith.subi %get3A_994, %add3A_991 : vector<16xi32>
    %get3A_996 = arith.constant 608 : index
    %get3A_997 = tpu.vector_load %arg7[%get3A_996] {strides = array<i32>} : memref<6400xi32, #tpu.memory_space<vmem>>, vector<16xi32>,
    %get3A_998 = vector.shape_cast %get3A_997 : vector<16xi32> to vector<16xi32>
    %mul3A_999 = arith.muli %sub3A_995, %get3A_998 : vector<16xi32>
    %add3A_1000 = arith.addi %add3A_991, %mul3A_999 : vector<16xi32>
    %swap3A_1001 = arith.constant 608 : index
    %swap3A_1002 = tpu.vector_load %arg6[%swap3A_1001] {strides = array<i32>} : memref<6400xi32, #tpu.memory_space<vmem>>, vector<16xi32>,
    %swap3A_1003 = vector.shape_cast %swap3A_1002 : vector<16xi32> to vector<16xi32>
    %swap3A_1004 = vector.shape_cast %add3A_1000 : vector<16xi32> to vector<16xi32>
    tpu.vector_store %arg6[%swap3A_1001], %swap3A_1004 {strides = array<i32>} : memref<6400xi32, #tpu.memory_space<vmem>>, vector<16xi32>,
    %mul3A_1005 = arith.constant 32 : i32
    %mul3A_1006 = arith.muli %add3A, %mul3A_1005 : i32
    %add3A_1007 = arith.constant 624 : i32
    %add3A_1008 = arith.addi %add3A_1007, %mul3A_1006 : i32
    %and3A_1009 = arith.constant 8191 : i32
    %and3A_1010 = arith.andi %add3A_1008, %and3A_1009 : i32
    %add3A_1011 = arith.constant 100000 : i32
    %add3A_1012 = arith.addi %add3A_1011, %and3A_1010 : i32
    %add3A_1013 = vector.broadcast %add3A_1012 : i32 to vector<16xi32>
    %add3A_1014 = arith.addi %add3A_1013, %iota3A : vector<16xi32>
    %get3A_1015 = arith.constant 624 : index
    %get3A_1016 = tpu.vector_load %arg6[%get3A_1015] {strides = array<i32>} : memref<6400xi32, #tpu.memory_space<vmem>>, vector<16xi32>,
    %get3A_1017 = vector.shape_cast %get3A_1016 : vector<16xi32> to vector<16xi32>
    %sub3A_1018 = arith.subi %get3A_1017, %add3A_1014 : vector<16xi32>
    %get3A_1019 = arith.constant 624 : index
    %get3A_1020 = tpu.vector_load %arg7[%get3A_1019] {strides = array<i32>} : memref<6400xi32, #tpu.memory_space<vmem>>, vector<16xi32>,
    %get3A_1021 = vector.shape_cast %get3A_1020 : vector<16xi32> to vector<16xi32>
    %mul3A_1022 = arith.muli %sub3A_1018, %get3A_1021 : vector<16xi32>
    %add3A_1023 = arith.addi %add3A_1014, %mul3A_1022 : vector<16xi32>
    %swap3A_1024 = arith.constant 624 : index
    %swap3A_1025 = tpu.vector_load %arg6[%swap3A_1024] {strides = array<i32>} : memref<6400xi32, #tpu.memory_space<vmem>>, vector<16xi32>,
    %swap3A_1026 = vector.shape_cast %swap3A_1025 : vector<16xi32> to vector<16xi32>
    %swap3A_1027 = vector.shape_cast %add3A_1023 : vector<16xi32> to vector<16xi32>
    tpu.vector_store %arg6[%swap3A_1024], %swap3A_1027 {strides = array<i32>} : memref<6400xi32, #tpu.memory_space<vmem>>, vector<16xi32>,
    %dma_start3A_1028 = arith.constant 7 : i32
    %dma_start3A_1029 = arith.constant 7 : i32
    %dma_start3A_1030 = arith.constant 0 : i32
    %dma_start3A_1031 = arith.constant 0 : i32
    %dma_start3A_1032 = tpu.memref_slice %arg8[%dma_start3A_1028, %dma_start3A_1030, %dma_start3A_1031] : memref<10x80x128xf32, #tpu.memory_space<vmem>> -> memref<1x80x128xf32, #tpu.memory_space<vmem>>
    %dma_start3A_1033 = tpu.memref_squeeze %dma_start3A_1032 : memref<1x80x128xf32, #tpu.memory_space<vmem>> -> memref<80x128xf32, #tpu.memory_space<vmem>>
    %dma_start3A_1034 = arith.constant 560 : i32
    %dma_start3A_1035 = tpu.memref_slice %arg6[%dma_start3A_1034] : memref<6400xi32, #tpu.memory_space<vmem>> -> memref<80xi32, #tpu.memory_space<vmem>>
    %dma_start3A_1036 = arith.constant 0 : i32
    %dma_start3A_1037 = arith.constant 0 : i32
    %dma_start3A_1038 = tpu.memref_slice %arg2[%dma_start3A_1036, %dma_start3A_1037] : memref<108192x128xf32, #tpu.memory_space<hbm>> -> memref<108192x128xf32, #tpu.memory_space<hbm>>
    %dma_start3A_1039 = tpu.memref_slice %arg9[%dma_start3A_1029] : memref<10x!tpu.dma_semaphore, #tpu.memory_space<semaphore_mem>> -> memref<1x!tpu.dma_semaphore, #tpu.memory_space<semaphore_mem>>
    %dma_start3A_1040 = tpu.memref_squeeze %dma_start3A_1039 : memref<1x!tpu.dma_semaphore, #tpu.memory_space<semaphore_mem>> -> memref<!tpu.dma_semaphore, #tpu.memory_space<semaphore_mem>>
    tpu.enqueue_indirect_dma source(%dma_start3A_1038 : memref<108192x128xf32, #tpu.memory_space<hbm>>) target(%dma_start3A_1033 : memref<80x128xf32, #tpu.memory_space<vmem>>) offsets(%dma_start3A_1035 : memref<80xi32, #tpu.memory_space<vmem>>) semaphore(%dma_start3A_1040 : memref<!tpu.dma_semaphore, #tpu.memory_space<semaphore_mem>>)
    %mul3A_1041 = arith.constant 32 : i32
    %mul3A_1042 = arith.muli %add3A, %mul3A_1041 : i32
    %add3A_1043 = arith.constant 640 : i32
    %add3A_1044 = arith.addi %add3A_1043, %mul3A_1042 : i32
    %and3A_1045 = arith.constant 8191 : i32
    %and3A_1046 = arith.andi %add3A_1044, %and3A_1045 : i32
    %add3A_1047 = arith.constant 100000 : i32
    %add3A_1048 = arith.addi %add3A_1047, %and3A_1046 : i32
    %add3A_1049 = vector.broadcast %add3A_1048 : i32 to vector<16xi32>
    %add3A_1050 = arith.addi %add3A_1049, %iota3A : vector<16xi32>
    %get3A_1051 = arith.constant 640 : index
    %get3A_1052 = tpu.vector_load %arg6[%get3A_1051] {strides = array<i32>} : memref<6400xi32, #tpu.memory_space<vmem>>, vector<16xi32>,
    %get3A_1053 = vector.shape_cast %get3A_1052 : vector<16xi32> to vector<16xi32>
    %sub3A_1054 = arith.subi %get3A_1053, %add3A_1050 : vector<16xi32>
    %get3A_1055 = arith.constant 640 : index
    %get3A_1056 = tpu.vector_load %arg7[%get3A_1055] {strides = array<i32>} : memref<6400xi32, #tpu.memory_space<vmem>>, vector<16xi32>,
    %get3A_1057 = vector.shape_cast %get3A_1056 : vector<16xi32> to vector<16xi32>
    %mul3A_1058 = arith.muli %sub3A_1054, %get3A_1057 : vector<16xi32>
    %add3A_1059 = arith.addi %add3A_1050, %mul3A_1058 : vector<16xi32>
    %swap3A_1060 = arith.constant 640 : index
    %swap3A_1061 = tpu.vector_load %arg6[%swap3A_1060] {strides = array<i32>} : memref<6400xi32, #tpu.memory_space<vmem>>, vector<16xi32>,
    %swap3A_1062 = vector.shape_cast %swap3A_1061 : vector<16xi32> to vector<16xi32>
    %swap3A_1063 = vector.shape_cast %add3A_1059 : vector<16xi32> to vector<16xi32>
    tpu.vector_store %arg6[%swap3A_1060], %swap3A_1063 {strides = array<i32>} : memref<6400xi32, #tpu.memory_space<vmem>>, vector<16xi32>,
    %mul3A_1064 = arith.constant 32 : i32
    %mul3A_1065 = arith.muli %add3A, %mul3A_1064 : i32
    %add3A_1066 = arith.constant 656 : i32
    %add3A_1067 = arith.addi %add3A_1066, %mul3A_1065 : i32
    %and3A_1068 = arith.constant 8191 : i32
    %and3A_1069 = arith.andi %add3A_1067, %and3A_1068 : i32
    %add3A_1070 = arith.constant 100000 : i32
    %add3A_1071 = arith.addi %add3A_1070, %and3A_1069 : i32
    %add3A_1072 = vector.broadcast %add3A_1071 : i32 to vector<16xi32>
    %add3A_1073 = arith.addi %add3A_1072, %iota3A : vector<16xi32>
    %get3A_1074 = arith.constant 656 : index
    %get3A_1075 = tpu.vector_load %arg6[%get3A_1074] {strides = array<i32>} : memref<6400xi32, #tpu.memory_space<vmem>>, vector<16xi32>,
    %get3A_1076 = vector.shape_cast %get3A_1075 : vector<16xi32> to vector<16xi32>
    %sub3A_1077 = arith.subi %get3A_1076, %add3A_1073 : vector<16xi32>
    %get3A_1078 = arith.constant 656 : index
    %get3A_1079 = tpu.vector_load %arg7[%get3A_1078] {strides = array<i32>} : memref<6400xi32, #tpu.memory_space<vmem>>, vector<16xi32>,
    %get3A_1080 = vector.shape_cast %get3A_1079 : vector<16xi32> to vector<16xi32>
    %mul3A_1081 = arith.muli %sub3A_1077, %get3A_1080 : vector<16xi32>
    %add3A_1082 = arith.addi %add3A_1073, %mul3A_1081 : vector<16xi32>
    %swap3A_1083 = arith.constant 656 : index
    %swap3A_1084 = tpu.vector_load %arg6[%swap3A_1083] {strides = array<i32>} : memref<6400xi32, #tpu.memory_space<vmem>>, vector<16xi32>,
    %swap3A_1085 = vector.shape_cast %swap3A_1084 : vector<16xi32> to vector<16xi32>
    %swap3A_1086 = vector.shape_cast %add3A_1082 : vector<16xi32> to vector<16xi32>
    tpu.vector_store %arg6[%swap3A_1083], %swap3A_1086 {strides = array<i32>} : memref<6400xi32, #tpu.memory_space<vmem>>, vector<16xi32>,
    %mul3A_1087 = arith.constant 32 : i32
    %mul3A_1088 = arith.muli %add3A, %mul3A_1087 : i32
    %add3A_1089 = arith.constant 672 : i32
    %add3A_1090 = arith.addi %add3A_1089, %mul3A_1088 : i32
    %and3A_1091 = arith.constant 8191 : i32
    %and3A_1092 = arith.andi %add3A_1090, %and3A_1091 : i32
    %add3A_1093 = arith.constant 100000 : i32
    %add3A_1094 = arith.addi %add3A_1093, %and3A_1092 : i32
    %add3A_1095 = vector.broadcast %add3A_1094 : i32 to vector<16xi32>
    %add3A_1096 = arith.addi %add3A_1095, %iota3A : vector<16xi32>
    %get3A_1097 = arith.constant 672 : index
    %get3A_1098 = tpu.vector_load %arg6[%get3A_1097] {strides = array<i32>} : memref<6400xi32, #tpu.memory_space<vmem>>, vector<16xi32>,
    %get3A_1099 = vector.shape_cast %get3A_1098 : vector<16xi32> to vector<16xi32>
    %sub3A_1100 = arith.subi %get3A_1099, %add3A_1096 : vector<16xi32>
    %get3A_1101 = arith.constant 672 : index
    %get3A_1102 = tpu.vector_load %arg7[%get3A_1101] {strides = array<i32>} : memref<6400xi32, #tpu.memory_space<vmem>>, vector<16xi32>,
    %get3A_1103 = vector.shape_cast %get3A_1102 : vector<16xi32> to vector<16xi32>
    %mul3A_1104 = arith.muli %sub3A_1100, %get3A_1103 : vector<16xi32>
    %add3A_1105 = arith.addi %add3A_1096, %mul3A_1104 : vector<16xi32>
    %swap3A_1106 = arith.constant 672 : index
    %swap3A_1107 = tpu.vector_load %arg6[%swap3A_1106] {strides = array<i32>} : memref<6400xi32, #tpu.memory_space<vmem>>, vector<16xi32>,
    %swap3A_1108 = vector.shape_cast %swap3A_1107 : vector<16xi32> to vector<16xi32>
    %swap3A_1109 = vector.shape_cast %add3A_1105 : vector<16xi32> to vector<16xi32>
    tpu.vector_store %arg6[%swap3A_1106], %swap3A_1109 {strides = array<i32>} : memref<6400xi32, #tpu.memory_space<vmem>>, vector<16xi32>,
    %mul3A_1110 = arith.constant 32 : i32
    %mul3A_1111 = arith.muli %add3A, %mul3A_1110 : i32
    %add3A_1112 = arith.constant 688 : i32
    %add3A_1113 = arith.addi %add3A_1112, %mul3A_1111 : i32
    %and3A_1114 = arith.constant 8191 : i32
    %and3A_1115 = arith.andi %add3A_1113, %and3A_1114 : i32
    %add3A_1116 = arith.constant 100000 : i32
    %add3A_1117 = arith.addi %add3A_1116, %and3A_1115 : i32
    %add3A_1118 = vector.broadcast %add3A_1117 : i32 to vector<16xi32>
    %add3A_1119 = arith.addi %add3A_1118, %iota3A : vector<16xi32>
    %get3A_1120 = arith.constant 688 : index
    %get3A_1121 = tpu.vector_load %arg6[%get3A_1120] {strides = array<i32>} : memref<6400xi32, #tpu.memory_space<vmem>>, vector<16xi32>,
    %get3A_1122 = vector.shape_cast %get3A_1121 : vector<16xi32> to vector<16xi32>
    %sub3A_1123 = arith.subi %get3A_1122, %add3A_1119 : vector<16xi32>
    %get3A_1124 = arith.constant 688 : index
    %get3A_1125 = tpu.vector_load %arg7[%get3A_1124] {strides = array<i32>} : memref<6400xi32, #tpu.memory_space<vmem>>, vector<16xi32>,
    %get3A_1126 = vector.shape_cast %get3A_1125 : vector<16xi32> to vector<16xi32>
    %mul3A_1127 = arith.muli %sub3A_1123, %get3A_1126 : vector<16xi32>
    %add3A_1128 = arith.addi %add3A_1119, %mul3A_1127 : vector<16xi32>
    %swap3A_1129 = arith.constant 688 : index
    %swap3A_1130 = tpu.vector_load %arg6[%swap3A_1129] {strides = array<i32>} : memref<6400xi32, #tpu.memory_space<vmem>>, vector<16xi32>,
    %swap3A_1131 = vector.shape_cast %swap3A_1130 : vector<16xi32> to vector<16xi32>
    %swap3A_1132 = vector.shape_cast %add3A_1128 : vector<16xi32> to vector<16xi32>
    tpu.vector_store %arg6[%swap3A_1129], %swap3A_1132 {strides = array<i32>} : memref<6400xi32, #tpu.memory_space<vmem>>, vector<16xi32>,
    %mul3A_1133 = arith.constant 32 : i32
    %mul3A_1134 = arith.muli %add3A, %mul3A_1133 : i32
    %add3A_1135 = arith.constant 704 : i32
    %add3A_1136 = arith.addi %add3A_1135, %mul3A_1134 : i32
    %and3A_1137 = arith.constant 8191 : i32
    %and3A_1138 = arith.andi %add3A_1136, %and3A_1137 : i32
    %add3A_1139 = arith.constant 100000 : i32
    %add3A_1140 = arith.addi %add3A_1139, %and3A_1138 : i32
    %add3A_1141 = vector.broadcast %add3A_1140 : i32 to vector<16xi32>
    %add3A_1142 = arith.addi %add3A_1141, %iota3A : vector<16xi32>
    %get3A_1143 = arith.constant 704 : index
    %get3A_1144 = tpu.vector_load %arg6[%get3A_1143] {strides = array<i32>} : memref<6400xi32, #tpu.memory_space<vmem>>, vector<16xi32>,
    %get3A_1145 = vector.shape_cast %get3A_1144 : vector<16xi32> to vector<16xi32>
    %sub3A_1146 = arith.subi %get3A_1145, %add3A_1142 : vector<16xi32>
    %get3A_1147 = arith.constant 704 : index
    %get3A_1148 = tpu.vector_load %arg7[%get3A_1147] {strides = array<i32>} : memref<6400xi32, #tpu.memory_space<vmem>>, vector<16xi32>,
    %get3A_1149 = vector.shape_cast %get3A_1148 : vector<16xi32> to vector<16xi32>
    %mul3A_1150 = arith.muli %sub3A_1146, %get3A_1149 : vector<16xi32>
    %add3A_1151 = arith.addi %add3A_1142, %mul3A_1150 : vector<16xi32>
    %swap3A_1152 = arith.constant 704 : index
    %swap3A_1153 = tpu.vector_load %arg6[%swap3A_1152] {strides = array<i32>} : memref<6400xi32, #tpu.memory_space<vmem>>, vector<16xi32>,
    %swap3A_1154 = vector.shape_cast %swap3A_1153 : vector<16xi32> to vector<16xi32>
    %swap3A_1155 = vector.shape_cast %add3A_1151 : vector<16xi32> to vector<16xi32>
    tpu.vector_store %arg6[%swap3A_1152], %swap3A_1155 {strides = array<i32>} : memref<6400xi32, #tpu.memory_space<vmem>>, vector<16xi32>,
    %dma_start3A_1156 = arith.constant 8 : i32
    %dma_start3A_1157 = arith.constant 8 : i32
    %dma_start3A_1158 = arith.constant 0 : i32
    %dma_start3A_1159 = arith.constant 0 : i32
    %dma_start3A_1160 = tpu.memref_slice %arg8[%dma_start3A_1156, %dma_start3A_1158, %dma_start3A_1159] : memref<10x80x128xf32, #tpu.memory_space<vmem>> -> memref<1x80x128xf32, #tpu.memory_space<vmem>>
    %dma_start3A_1161 = tpu.memref_squeeze %dma_start3A_1160 : memref<1x80x128xf32, #tpu.memory_space<vmem>> -> memref<80x128xf32, #tpu.memory_space<vmem>>
    %dma_start3A_1162 = arith.constant 640 : i32
    %dma_start3A_1163 = tpu.memref_slice %arg6[%dma_start3A_1162] : memref<6400xi32, #tpu.memory_space<vmem>> -> memref<80xi32, #tpu.memory_space<vmem>>
    %dma_start3A_1164 = arith.constant 0 : i32
    %dma_start3A_1165 = arith.constant 0 : i32
    %dma_start3A_1166 = tpu.memref_slice %arg2[%dma_start3A_1164, %dma_start3A_1165] : memref<108192x128xf32, #tpu.memory_space<hbm>> -> memref<108192x128xf32, #tpu.memory_space<hbm>>
    %dma_start3A_1167 = tpu.memref_slice %arg9[%dma_start3A_1157] : memref<10x!tpu.dma_semaphore, #tpu.memory_space<semaphore_mem>> -> memref<1x!tpu.dma_semaphore, #tpu.memory_space<semaphore_mem>>
    %dma_start3A_1168 = tpu.memref_squeeze %dma_start3A_1167 : memref<1x!tpu.dma_semaphore, #tpu.memory_space<semaphore_mem>> -> memref<!tpu.dma_semaphore, #tpu.memory_space<semaphore_mem>>
    tpu.enqueue_indirect_dma source(%dma_start3A_1166 : memref<108192x128xf32, #tpu.memory_space<hbm>>) target(%dma_start3A_1161 : memref<80x128xf32, #tpu.memory_space<vmem>>) offsets(%dma_start3A_1163 : memref<80xi32, #tpu.memory_space<vmem>>) semaphore(%dma_start3A_1168 : memref<!tpu.dma_semaphore, #tpu.memory_space<semaphore_mem>>)
    %mul3A_1169 = arith.constant 32 : i32
    %mul3A_1170 = arith.muli %add3A, %mul3A_1169 : i32
    %add3A_1171 = arith.constant 720 : i32
    %add3A_1172 = arith.addi %add3A_1171, %mul3A_1170 : i32
    %and3A_1173 = arith.constant 8191 : i32
    %and3A_1174 = arith.andi %add3A_1172, %and3A_1173 : i32
    %add3A_1175 = arith.constant 100000 : i32
    %add3A_1176 = arith.addi %add3A_1175, %and3A_1174 : i32
    %add3A_1177 = vector.broadcast %add3A_1176 : i32 to vector<16xi32>
    %add3A_1178 = arith.addi %add3A_1177, %iota3A : vector<16xi32>
    %get3A_1179 = arith.constant 720 : index
    %get3A_1180 = tpu.vector_load %arg6[%get3A_1179] {strides = array<i32>} : memref<6400xi32, #tpu.memory_space<vmem>>, vector<16xi32>,
    %get3A_1181 = vector.shape_cast %get3A_1180 : vector<16xi32> to vector<16xi32>
    %sub3A_1182 = arith.subi %get3A_1181, %add3A_1178 : vector<16xi32>
    %get3A_1183 = arith.constant 720 : index
    %get3A_1184 = tpu.vector_load %arg7[%get3A_1183] {strides = array<i32>} : memref<6400xi32, #tpu.memory_space<vmem>>, vector<16xi32>,
    %get3A_1185 = vector.shape_cast %get3A_1184 : vector<16xi32> to vector<16xi32>
    %mul3A_1186 = arith.muli %sub3A_1182, %get3A_1185 : vector<16xi32>
    %add3A_1187 = arith.addi %add3A_1178, %mul3A_1186 : vector<16xi32>
    %swap3A_1188 = arith.constant 720 : index
    %swap3A_1189 = tpu.vector_load %arg6[%swap3A_1188] {strides = array<i32>} : memref<6400xi32, #tpu.memory_space<vmem>>, vector<16xi32>,
    %swap3A_1190 = vector.shape_cast %swap3A_1189 : vector<16xi32> to vector<16xi32>
    %swap3A_1191 = vector.shape_cast %add3A_1187 : vector<16xi32> to vector<16xi32>
    tpu.vector_store %arg6[%swap3A_1188], %swap3A_1191 {strides = array<i32>} : memref<6400xi32, #tpu.memory_space<vmem>>, vector<16xi32>,
    %mul3A_1192 = arith.constant 32 : i32
    %mul3A_1193 = arith.muli %add3A, %mul3A_1192 : i32
    %add3A_1194 = arith.constant 736 : i32
    %add3A_1195 = arith.addi %add3A_1194, %mul3A_1193 : i32
    %and3A_1196 = arith.constant 8191 : i32
    %and3A_1197 = arith.andi %add3A_1195, %and3A_1196 : i32
    %add3A_1198 = arith.constant 100000 : i32
    %add3A_1199 = arith.addi %add3A_1198, %and3A_1197 : i32
    %add3A_1200 = vector.broadcast %add3A_1199 : i32 to vector<16xi32>
    %add3A_1201 = arith.addi %add3A_1200, %iota3A : vector<16xi32>
    %get3A_1202 = arith.constant 736 : index
    %get3A_1203 = tpu.vector_load %arg6[%get3A_1202] {strides = array<i32>} : memref<6400xi32, #tpu.memory_space<vmem>>, vector<16xi32>,
    %get3A_1204 = vector.shape_cast %get3A_1203 : vector<16xi32> to vector<16xi32>
    %sub3A_1205 = arith.subi %get3A_1204, %add3A_1201 : vector<16xi32>
    %get3A_1206 = arith.constant 736 : index
    %get3A_1207 = tpu.vector_load %arg7[%get3A_1206] {strides = array<i32>} : memref<6400xi32, #tpu.memory_space<vmem>>, vector<16xi32>,
    %get3A_1208 = vector.shape_cast %get3A_1207 : vector<16xi32> to vector<16xi32>
    %mul3A_1209 = arith.muli %sub3A_1205, %get3A_1208 : vector<16xi32>
    %add3A_1210 = arith.addi %add3A_1201, %mul3A_1209 : vector<16xi32>
    %swap3A_1211 = arith.constant 736 : index
    %swap3A_1212 = tpu.vector_load %arg6[%swap3A_1211] {strides = array<i32>} : memref<6400xi32, #tpu.memory_space<vmem>>, vector<16xi32>,
    %swap3A_1213 = vector.shape_cast %swap3A_1212 : vector<16xi32> to vector<16xi32>
    %swap3A_1214 = vector.shape_cast %add3A_1210 : vector<16xi32> to vector<16xi32>
    tpu.vector_store %arg6[%swap3A_1211], %swap3A_1214 {strides = array<i32>} : memref<6400xi32, #tpu.memory_space<vmem>>, vector<16xi32>,
    %mul3A_1215 = arith.constant 32 : i32
    %mul3A_1216 = arith.muli %add3A, %mul3A_1215 : i32
    %add3A_1217 = arith.constant 752 : i32
    %add3A_1218 = arith.addi %add3A_1217, %mul3A_1216 : i32
    %and3A_1219 = arith.constant 8191 : i32
    %and3A_1220 = arith.andi %add3A_1218, %and3A_1219 : i32
    %add3A_1221 = arith.constant 100000 : i32
    %add3A_1222 = arith.addi %add3A_1221, %and3A_1220 : i32
    %add3A_1223 = vector.broadcast %add3A_1222 : i32 to vector<16xi32>
    %add3A_1224 = arith.addi %add3A_1223, %iota3A : vector<16xi32>
    %get3A_1225 = arith.constant 752 : index
    %get3A_1226 = tpu.vector_load %arg6[%get3A_1225] {strides = array<i32>} : memref<6400xi32, #tpu.memory_space<vmem>>, vector<16xi32>,
    %get3A_1227 = vector.shape_cast %get3A_1226 : vector<16xi32> to vector<16xi32>
    %sub3A_1228 = arith.subi %get3A_1227, %add3A_1224 : vector<16xi32>
    %get3A_1229 = arith.constant 752 : index
    %get3A_1230 = tpu.vector_load %arg7[%get3A_1229] {strides = array<i32>} : memref<6400xi32, #tpu.memory_space<vmem>>, vector<16xi32>,
    %get3A_1231 = vector.shape_cast %get3A_1230 : vector<16xi32> to vector<16xi32>
    %mul3A_1232 = arith.muli %sub3A_1228, %get3A_1231 : vector<16xi32>
    %add3A_1233 = arith.addi %add3A_1224, %mul3A_1232 : vector<16xi32>
    %swap3A_1234 = arith.constant 752 : index
    %swap3A_1235 = tpu.vector_load %arg6[%swap3A_1234] {strides = array<i32>} : memref<6400xi32, #tpu.memory_space<vmem>>, vector<16xi32>,
    %swap3A_1236 = vector.shape_cast %swap3A_1235 : vector<16xi32> to vector<16xi32>
    %swap3A_1237 = vector.shape_cast %add3A_1233 : vector<16xi32> to vector<16xi32>
    tpu.vector_store %arg6[%swap3A_1234], %swap3A_1237 {strides = array<i32>} : memref<6400xi32, #tpu.memory_space<vmem>>, vector<16xi32>,
    %mul3A_1238 = arith.constant 32 : i32
    %mul3A_1239 = arith.muli %add3A, %mul3A_1238 : i32
    %add3A_1240 = arith.constant 768 : i32
    %add3A_1241 = arith.addi %add3A_1240, %mul3A_1239 : i32
    %and3A_1242 = arith.constant 8191 : i32
    %and3A_1243 = arith.andi %add3A_1241, %and3A_1242 : i32
    %add3A_1244 = arith.constant 100000 : i32
    %add3A_1245 = arith.addi %add3A_1244, %and3A_1243 : i32
    %add3A_1246 = vector.broadcast %add3A_1245 : i32 to vector<16xi32>
    %add3A_1247 = arith.addi %add3A_1246, %iota3A : vector<16xi32>
    %get3A_1248 = arith.constant 768 : index
    %get3A_1249 = tpu.vector_load %arg6[%get3A_1248] {strides = array<i32>} : memref<6400xi32, #tpu.memory_space<vmem>>, vector<16xi32>,
    %get3A_1250 = vector.shape_cast %get3A_1249 : vector<16xi32> to vector<16xi32>
    %sub3A_1251 = arith.subi %get3A_1250, %add3A_1247 : vector<16xi32>
    %get3A_1252 = arith.constant 768 : index
    %get3A_1253 = tpu.vector_load %arg7[%get3A_1252] {strides = array<i32>} : memref<6400xi32, #tpu.memory_space<vmem>>, vector<16xi32>,
    %get3A_1254 = vector.shape_cast %get3A_1253 : vector<16xi32> to vector<16xi32>
    %mul3A_1255 = arith.muli %sub3A_1251, %get3A_1254 : vector<16xi32>
    %add3A_1256 = arith.addi %add3A_1247, %mul3A_1255 : vector<16xi32>
    %swap3A_1257 = arith.constant 768 : index
    %swap3A_1258 = tpu.vector_load %arg6[%swap3A_1257] {strides = array<i32>} : memref<6400xi32, #tpu.memory_space<vmem>>, vector<16xi32>,
    %swap3A_1259 = vector.shape_cast %swap3A_1258 : vector<16xi32> to vector<16xi32>
    %swap3A_1260 = vector.shape_cast %add3A_1256 : vector<16xi32> to vector<16xi32>
    tpu.vector_store %arg6[%swap3A_1257], %swap3A_1260 {strides = array<i32>} : memref<6400xi32, #tpu.memory_space<vmem>>, vector<16xi32>,
    %mul3A_1261 = arith.constant 32 : i32
    %mul3A_1262 = arith.muli %add3A, %mul3A_1261 : i32
    %add3A_1263 = arith.constant 784 : i32
    %add3A_1264 = arith.addi %add3A_1263, %mul3A_1262 : i32
    %and3A_1265 = arith.constant 8191 : i32
    %and3A_1266 = arith.andi %add3A_1264, %and3A_1265 : i32
    %add3A_1267 = arith.constant 100000 : i32
    %add3A_1268 = arith.addi %add3A_1267, %and3A_1266 : i32
    %add3A_1269 = vector.broadcast %add3A_1268 : i32 to vector<16xi32>
    %add3A_1270 = arith.addi %add3A_1269, %iota3A : vector<16xi32>
    %get3A_1271 = arith.constant 784 : index
    %get3A_1272 = tpu.vector_load %arg6[%get3A_1271] {strides = array<i32>} : memref<6400xi32, #tpu.memory_space<vmem>>, vector<16xi32>,
    %get3A_1273 = vector.shape_cast %get3A_1272 : vector<16xi32> to vector<16xi32>
    %sub3A_1274 = arith.subi %get3A_1273, %add3A_1270 : vector<16xi32>
    %get3A_1275 = arith.constant 784 : index
    %get3A_1276 = tpu.vector_load %arg7[%get3A_1275] {strides = array<i32>} : memref<6400xi32, #tpu.memory_space<vmem>>, vector<16xi32>,
    %get3A_1277 = vector.shape_cast %get3A_1276 : vector<16xi32> to vector<16xi32>
    %mul3A_1278 = arith.muli %sub3A_1274, %get3A_1277 : vector<16xi32>
    %add3A_1279 = arith.addi %add3A_1270, %mul3A_1278 : vector<16xi32>
    %swap3A_1280 = arith.constant 784 : index
    %swap3A_1281 = tpu.vector_load %arg6[%swap3A_1280] {strides = array<i32>} : memref<6400xi32, #tpu.memory_space<vmem>>, vector<16xi32>,
    %swap3A_1282 = vector.shape_cast %swap3A_1281 : vector<16xi32> to vector<16xi32>
    %swap3A_1283 = vector.shape_cast %add3A_1279 : vector<16xi32> to vector<16xi32>
    tpu.vector_store %arg6[%swap3A_1280], %swap3A_1283 {strides = array<i32>} : memref<6400xi32, #tpu.memory_space<vmem>>, vector<16xi32>,
    %dma_start3A_1284 = arith.constant 9 : i32
    %dma_start3A_1285 = arith.constant 9 : i32
    %dma_start3A_1286 = arith.constant 0 : i32
    %dma_start3A_1287 = arith.constant 0 : i32
    %dma_start3A_1288 = tpu.memref_slice %arg8[%dma_start3A_1284, %dma_start3A_1286, %dma_start3A_1287] : memref<10x80x128xf32, #tpu.memory_space<vmem>> -> memref<1x80x128xf32, #tpu.memory_space<vmem>>
    %dma_start3A_1289 = tpu.memref_squeeze %dma_start3A_1288 : memref<1x80x128xf32, #tpu.memory_space<vmem>> -> memref<80x128xf32, #tpu.memory_space<vmem>>
    %dma_start3A_1290 = arith.constant 720 : i32
    %dma_start3A_1291 = tpu.memref_slice %arg6[%dma_start3A_1290] : memref<6400xi32, #tpu.memory_space<vmem>> -> memref<80xi32, #tpu.memory_space<vmem>>
    %dma_start3A_1292 = arith.constant 0 : i32
    %dma_start3A_1293 = arith.constant 0 : i32
    %dma_start3A_1294 = tpu.memref_slice %arg2[%dma_start3A_1292, %dma_start3A_1293] : memref<108192x128xf32, #tpu.memory_space<hbm>> -> memref<108192x128xf32, #tpu.memory_space<hbm>>
    %dma_start3A_1295 = tpu.memref_slice %arg9[%dma_start3A_1285] : memref<10x!tpu.dma_semaphore, #tpu.memory_space<semaphore_mem>> -> memref<1x!tpu.dma_semaphore, #tpu.memory_space<semaphore_mem>>
    %dma_start3A_1296 = tpu.memref_squeeze %dma_start3A_1295 : memref<1x!tpu.dma_semaphore, #tpu.memory_space<semaphore_mem>> -> memref<!tpu.dma_semaphore, #tpu.memory_space<semaphore_mem>>
    tpu.enqueue_indirect_dma source(%dma_start3A_1294 : memref<108192x128xf32, #tpu.memory_space<hbm>>) target(%dma_start3A_1289 : memref<80x128xf32, #tpu.memory_space<vmem>>) offsets(%dma_start3A_1291 : memref<80xi32, #tpu.memory_space<vmem>>) semaphore(%dma_start3A_1296 : memref<!tpu.dma_semaphore, #tpu.memory_space<semaphore_mem>>)
    %scan3A = arith.constant 0 : i32
    %scan3A_1297 = arith.constant 8 : i32
    %scan3A_1298 = arith.addi %scan3A, %scan3A_1297 : i32
    %scan3A_1299 = arith.constant 1 : i32
    scf.for %scan3A_1301 = %scan3A to %scan3A_1298 step %scan3A_1299  : i32 {
      %mul3A_1302 = arith.constant 1 : i32
      %mul3A_1303 = arith.muli %scan3A_1301, %mul3A_1302 : i32
      %add3A_1304 = arith.constant 0 : i32
      %add3A_1305 = arith.addi %add3A_1304, %mul3A_1303 : i32
      %mul3A_1306 = arith.constant 10 : i32
      %mul3A_1307 = arith.muli %add3A_1305, %mul3A_1306 : i32
      %add3A_1308 = arith.constant 0 : i32
      %add3A_1309 = arith.addi %mul3A_1307, %add3A_1308 : i32
      %mul3A_1310 = arith.constant 80 : i32
      %mul3A_1311 = arith.muli %add3A_1309, %mul3A_1310 : i32
      %dma_wait3A_1312 = arith.constant 0 : i32
      %dma_wait3A_1313 = arith.constant 0 : i32
      %dma_wait3A_1314 = arith.constant 0 : i32
      %dma_wait3A_1315 = arith.constant 0 : i32
      %dma_wait3A_1316 = tpu.memref_slice %arg8[%dma_wait3A_1312, %dma_wait3A_1314, %dma_wait3A_1315] : memref<10x80x128xf32, #tpu.memory_space<vmem>> -> memref<1x80x128xf32, #tpu.memory_space<vmem>>
      %dma_wait3A_1317 = tpu.memref_squeeze %dma_wait3A_1316 : memref<1x80x128xf32, #tpu.memory_space<vmem>> -> memref<80x128xf32, #tpu.memory_space<vmem>>
      %dma_wait3A_1318 = tpu.memref_slice %arg6[%mul3A_1311] : memref<6400xi32, #tpu.memory_space<vmem>> -> memref<80xi32, #tpu.memory_space<vmem>>
      %dma_wait3A_1319 = arith.constant 0 : i32
      %dma_wait3A_1320 = arith.constant 0 : i32
      %dma_wait3A_1321 = tpu.memref_slice %arg2[%dma_wait3A_1319, %dma_wait3A_1320] : memref<108192x128xf32, #tpu.memory_space<hbm>> -> memref<108192x128xf32, #tpu.memory_space<hbm>>
      %dma_wait3A_1322 = tpu.memref_slice %arg9[%dma_wait3A_1313] : memref<10x!tpu.dma_semaphore, #tpu.memory_space<semaphore_mem>> -> memref<1x!tpu.dma_semaphore, #tpu.memory_space<semaphore_mem>>
      %dma_wait3A_1323 = tpu.memref_squeeze %dma_wait3A_1322 : memref<1x!tpu.dma_semaphore, #tpu.memory_space<semaphore_mem>> -> memref<!tpu.dma_semaphore, #tpu.memory_space<semaphore_mem>>
      tpu.wait_indirect_dma semaphore(%dma_wait3A_1323 : memref<!tpu.dma_semaphore, #tpu.memory_space<semaphore_mem>>) src(%dma_wait3A_1321 : memref<108192x128xf32, #tpu.memory_space<hbm>>) dst(%dma_wait3A_1317 : memref<80x128xf32, #tpu.memory_space<vmem>>)
      %mul3A_1324 = arith.constant 80 : i32
      %mul3A_1325 = arith.muli %add3A_1309, %mul3A_1324 : i32
      %add3A_1326 = arith.addi %mul3A_2, %mul3A_1325 : i32
      %dma_start3A_1327 = arith.constant 0 : i32
      %dma_start3A_1328 = arith.constant 0 : i32
      %dma_start3A_1329 = arith.constant 0 : i32
      %dma_start3A_1330 = arith.constant 0 : i32
      %dma_start3A_1331 = tpu.memref_slice %arg8[%dma_start3A_1327, %dma_start3A_1329, %dma_start3A_1330] : memref<10x80x128xf32, #tpu.memory_space<vmem>> -> memref<1x80x128xf32, #tpu.memory_space<vmem>>
      %dma_start3A_1332 = tpu.memref_squeeze %dma_start3A_1331 : memref<1x80x128xf32, #tpu.memory_space<vmem>> -> memref<80x128xf32, #tpu.memory_space<vmem>>
      %dma_start3A_1333 = arith.constant 0 : i32
      %dma_start3A_1334 = tpu.memref_slice %arg5[%add3A_1326, %dma_start3A_1333] : memref<204800x128xf32, #tpu.memory_space<hbm>> -> memref<80x128xf32, #tpu.memory_space<hbm>>
      %dma_start3A_1335 = tpu.memref_slice %arg10[%dma_start3A_1328] : memref<10x!tpu.dma_semaphore, #tpu.memory_space<semaphore_mem>> -> memref<1x!tpu.dma_semaphore, #tpu.memory_space<semaphore_mem>>
      %dma_start3A_1336 = tpu.memref_squeeze %dma_start3A_1335 : memref<1x!tpu.dma_semaphore, #tpu.memory_space<semaphore_mem>> -> memref<!tpu.dma_semaphore, #tpu.memory_space<semaphore_mem>>
      %dma_start3A_1337 = arith.constant 0 : i32
      %dma_start3A_1338 = tpu.memref_slice %arg5[%add3A_1326, %dma_start3A_1337] : memref<204800x128xf32, #tpu.memory_space<hbm>> -> memref<80x128xf32, #tpu.memory_space<hbm>>
      %dma_start3A_1339 = arith.constant 0 : i32
      %dma_start3A_1340 = arith.constant 0 : i32
      %dma_start3A_1341 = tpu.memref_slice %arg8[%dma_start3A_1327, %dma_start3A_1339, %dma_start3A_1340] : memref<10x80x128xf32, #tpu.memory_space<vmem>> -> memref<1x80x128xf32, #tpu.memory_space<vmem>>
      %dma_start3A_1342 = tpu.memref_squeeze %dma_start3A_1341 : memref<1x80x128xf32, #tpu.memory_space<vmem>> -> memref<80x128xf32, #tpu.memory_space<vmem>>
      tpu.enqueue_dma source(%dma_start3A_1342 : memref<80x128xf32, #tpu.memory_space<vmem>>) target(%dma_start3A_1338 : memref<80x128xf32, #tpu.memory_space<hbm>>) target_semaphore(%dma_start3A_1336 : memref<!tpu.dma_semaphore, #tpu.memory_space<semaphore_mem>>)
      %mul3A_1343 = arith.constant 10 : i32
      %mul3A_1344 = arith.muli %add3A_1305, %mul3A_1343 : i32
      %add3A_1345 = arith.constant 1 : i32
      %add3A_1346 = arith.addi %mul3A_1344, %add3A_1345 : i32
      %mul3A_1347 = arith.constant 80 : i32
      %mul3A_1348 = arith.muli %add3A_1346, %mul3A_1347 : i32
      %dma_wait3A_1349 = arith.constant 1 : i32
      %dma_wait3A_1350 = arith.constant 1 : i32
      %dma_wait3A_1351 = arith.constant 0 : i32
      %dma_wait3A_1352 = arith.constant 0 : i32
      %dma_wait3A_1353 = tpu.memref_slice %arg8[%dma_wait3A_1349, %dma_wait3A_1351, %dma_wait3A_1352] : memref<10x80x128xf32, #tpu.memory_space<vmem>> -> memref<1x80x128xf32, #tpu.memory_space<vmem>>
      %dma_wait3A_1354 = tpu.memref_squeeze %dma_wait3A_1353 : memref<1x80x128xf32, #tpu.memory_space<vmem>> -> memref<80x128xf32, #tpu.memory_space<vmem>>
      %dma_wait3A_1355 = tpu.memref_slice %arg6[%mul3A_1348] : memref<6400xi32, #tpu.memory_space<vmem>> -> memref<80xi32, #tpu.memory_space<vmem>>
      %dma_wait3A_1356 = arith.constant 0 : i32
      %dma_wait3A_1357 = arith.constant 0 : i32
      %dma_wait3A_1358 = tpu.memref_slice %arg2[%dma_wait3A_1356, %dma_wait3A_1357] : memref<108192x128xf32, #tpu.memory_space<hbm>> -> memref<108192x128xf32, #tpu.memory_space<hbm>>
      %dma_wait3A_1359 = tpu.memref_slice %arg9[%dma_wait3A_1350] : memref<10x!tpu.dma_semaphore, #tpu.memory_space<semaphore_mem>> -> memref<1x!tpu.dma_semaphore, #tpu.memory_space<semaphore_mem>>
      %dma_wait3A_1360 = tpu.memref_squeeze %dma_wait3A_1359 : memref<1x!tpu.dma_semaphore, #tpu.memory_space<semaphore_mem>> -> memref<!tpu.dma_semaphore, #tpu.memory_space<semaphore_mem>>
      tpu.wait_indirect_dma semaphore(%dma_wait3A_1360 : memref<!tpu.dma_semaphore, #tpu.memory_space<semaphore_mem>>) src(%dma_wait3A_1358 : memref<108192x128xf32, #tpu.memory_space<hbm>>) dst(%dma_wait3A_1354 : memref<80x128xf32, #tpu.memory_space<vmem>>)
      %mul3A_1361 = arith.constant 80 : i32
      %mul3A_1362 = arith.muli %add3A_1346, %mul3A_1361 : i32
      %add3A_1363 = arith.addi %mul3A_2, %mul3A_1362 : i32
      %dma_start3A_1364 = arith.constant 1 : i32
      %dma_start3A_1365 = arith.constant 1 : i32
      %dma_start3A_1366 = arith.constant 0 : i32
      %dma_start3A_1367 = arith.constant 0 : i32
      %dma_start3A_1368 = tpu.memref_slice %arg8[%dma_start3A_1364, %dma_start3A_1366, %dma_start3A_1367] : memref<10x80x128xf32, #tpu.memory_space<vmem>> -> memref<1x80x128xf32, #tpu.memory_space<vmem>>
      %dma_start3A_1369 = tpu.memref_squeeze %dma_start3A_1368 : memref<1x80x128xf32, #tpu.memory_space<vmem>> -> memref<80x128xf32, #tpu.memory_space<vmem>>
      %dma_start3A_1370 = arith.constant 0 : i32
      %dma_start3A_1371 = tpu.memref_slice %arg5[%add3A_1363, %dma_start3A_1370] : memref<204800x128xf32, #tpu.memory_space<hbm>> -> memref<80x128xf32, #tpu.memory_space<hbm>>
      %dma_start3A_1372 = tpu.memref_slice %arg10[%dma_start3A_1365] : memref<10x!tpu.dma_semaphore, #tpu.memory_space<semaphore_mem>> -> memref<1x!tpu.dma_semaphore, #tpu.memory_space<semaphore_mem>>
      %dma_start3A_1373 = tpu.memref_squeeze %dma_start3A_1372 : memref<1x!tpu.dma_semaphore, #tpu.memory_space<semaphore_mem>> -> memref<!tpu.dma_semaphore, #tpu.memory_space<semaphore_mem>>
      %dma_start3A_1374 = arith.constant 0 : i32
      %dma_start3A_1375 = tpu.memref_slice %arg5[%add3A_1363, %dma_start3A_1374] : memref<204800x128xf32, #tpu.memory_space<hbm>> -> memref<80x128xf32, #tpu.memory_space<hbm>>
      %dma_start3A_1376 = arith.constant 0 : i32
      %dma_start3A_1377 = arith.constant 0 : i32
      %dma_start3A_1378 = tpu.memref_slice %arg8[%dma_start3A_1364, %dma_start3A_1376, %dma_start3A_1377] : memref<10x80x128xf32, #tpu.memory_space<vmem>> -> memref<1x80x128xf32, #tpu.memory_space<vmem>>
      %dma_start3A_1379 = tpu.memref_squeeze %dma_start3A_1378 : memref<1x80x128xf32, #tpu.memory_space<vmem>> -> memref<80x128xf32, #tpu.memory_space<vmem>>
      tpu.enqueue_dma source(%dma_start3A_1379 : memref<80x128xf32, #tpu.memory_space<vmem>>) target(%dma_start3A_1375 : memref<80x128xf32, #tpu.memory_space<hbm>>) target_semaphore(%dma_start3A_1373 : memref<!tpu.dma_semaphore, #tpu.memory_space<semaphore_mem>>)
      %mul3A_1380 = arith.constant 10 : i32
      %mul3A_1381 = arith.muli %add3A_1305, %mul3A_1380 : i32
      %add3A_1382 = arith.constant 2 : i32
      %add3A_1383 = arith.addi %mul3A_1381, %add3A_1382 : i32
      %mul3A_1384 = arith.constant 80 : i32
      %mul3A_1385 = arith.muli %add3A_1383, %mul3A_1384 : i32
      %dma_wait3A_1386 = arith.constant 2 : i32
      %dma_wait3A_1387 = arith.constant 2 : i32
      %dma_wait3A_1388 = arith.constant 0 : i32
      %dma_wait3A_1389 = arith.constant 0 : i32
      %dma_wait3A_1390 = tpu.memref_slice %arg8[%dma_wait3A_1386, %dma_wait3A_1388, %dma_wait3A_1389] : memref<10x80x128xf32, #tpu.memory_space<vmem>> -> memref<1x80x128xf32, #tpu.memory_space<vmem>>
      %dma_wait3A_1391 = tpu.memref_squeeze %dma_wait3A_1390 : memref<1x80x128xf32, #tpu.memory_space<vmem>> -> memref<80x128xf32, #tpu.memory_space<vmem>>
      %dma_wait3A_1392 = tpu.memref_slice %arg6[%mul3A_1385] : memref<6400xi32, #tpu.memory_space<vmem>> -> memref<80xi32, #tpu.memory_space<vmem>>
      %dma_wait3A_1393 = arith.constant 0 : i32
      %dma_wait3A_1394 = arith.constant 0 : i32
      %dma_wait3A_1395 = tpu.memref_slice %arg2[%dma_wait3A_1393, %dma_wait3A_1394] : memref<108192x128xf32, #tpu.memory_space<hbm>> -> memref<108192x128xf32, #tpu.memory_space<hbm>>
      %dma_wait3A_1396 = tpu.memref_slice %arg9[%dma_wait3A_1387] : memref<10x!tpu.dma_semaphore, #tpu.memory_space<semaphore_mem>> -> memref<1x!tpu.dma_semaphore, #tpu.memory_space<semaphore_mem>>
      %dma_wait3A_1397 = tpu.memref_squeeze %dma_wait3A_1396 : memref<1x!tpu.dma_semaphore, #tpu.memory_space<semaphore_mem>> -> memref<!tpu.dma_semaphore, #tpu.memory_space<semaphore_mem>>
      tpu.wait_indirect_dma semaphore(%dma_wait3A_1397 : memref<!tpu.dma_semaphore, #tpu.memory_space<semaphore_mem>>) src(%dma_wait3A_1395 : memref<108192x128xf32, #tpu.memory_space<hbm>>) dst(%dma_wait3A_1391 : memref<80x128xf32, #tpu.memory_space<vmem>>)
      %mul3A_1398 = arith.constant 80 : i32
      %mul3A_1399 = arith.muli %add3A_1383, %mul3A_1398 : i32
      %add3A_1400 = arith.addi %mul3A_2, %mul3A_1399 : i32
      %dma_start3A_1401 = arith.constant 2 : i32
      %dma_start3A_1402 = arith.constant 2 : i32
      %dma_start3A_1403 = arith.constant 0 : i32
      %dma_start3A_1404 = arith.constant 0 : i32
      %dma_start3A_1405 = tpu.memref_slice %arg8[%dma_start3A_1401, %dma_start3A_1403, %dma_start3A_1404] : memref<10x80x128xf32, #tpu.memory_space<vmem>> -> memref<1x80x128xf32, #tpu.memory_space<vmem>>
      %dma_start3A_1406 = tpu.memref_squeeze %dma_start3A_1405 : memref<1x80x128xf32, #tpu.memory_space<vmem>> -> memref<80x128xf32, #tpu.memory_space<vmem>>
      %dma_start3A_1407 = arith.constant 0 : i32
      %dma_start3A_1408 = tpu.memref_slice %arg5[%add3A_1400, %dma_start3A_1407] : memref<204800x128xf32, #tpu.memory_space<hbm>> -> memref<80x128xf32, #tpu.memory_space<hbm>>
      %dma_start3A_1409 = tpu.memref_slice %arg10[%dma_start3A_1402] : memref<10x!tpu.dma_semaphore, #tpu.memory_space<semaphore_mem>> -> memref<1x!tpu.dma_semaphore, #tpu.memory_space<semaphore_mem>>
      %dma_start3A_1410 = tpu.memref_squeeze %dma_start3A_1409 : memref<1x!tpu.dma_semaphore, #tpu.memory_space<semaphore_mem>> -> memref<!tpu.dma_semaphore, #tpu.memory_space<semaphore_mem>>
      %dma_start3A_1411 = arith.constant 0 : i32
      %dma_start3A_1412 = tpu.memref_slice %arg5[%add3A_1400, %dma_start3A_1411] : memref<204800x128xf32, #tpu.memory_space<hbm>> -> memref<80x128xf32, #tpu.memory_space<hbm>>
      %dma_start3A_1413 = arith.constant 0 : i32
      %dma_start3A_1414 = arith.constant 0 : i32
      %dma_start3A_1415 = tpu.memref_slice %arg8[%dma_start3A_1401, %dma_start3A_1413, %dma_start3A_1414] : memref<10x80x128xf32, #tpu.memory_space<vmem>> -> memref<1x80x128xf32, #tpu.memory_space<vmem>>
      %dma_start3A_1416 = tpu.memref_squeeze %dma_start3A_1415 : memref<1x80x128xf32, #tpu.memory_space<vmem>> -> memref<80x128xf32, #tpu.memory_space<vmem>>
      tpu.enqueue_dma source(%dma_start3A_1416 : memref<80x128xf32, #tpu.memory_space<vmem>>) target(%dma_start3A_1412 : memref<80x128xf32, #tpu.memory_space<hbm>>) target_semaphore(%dma_start3A_1410 : memref<!tpu.dma_semaphore, #tpu.memory_space<semaphore_mem>>)
      %mul3A_1417 = arith.constant 10 : i32
      %mul3A_1418 = arith.muli %add3A_1305, %mul3A_1417 : i32
      %add3A_1419 = arith.constant 3 : i32
      %add3A_1420 = arith.addi %mul3A_1418, %add3A_1419 : i32
      %mul3A_1421 = arith.constant 80 : i32
      %mul3A_1422 = arith.muli %add3A_1420, %mul3A_1421 : i32
      %dma_wait3A_1423 = arith.constant 3 : i32
      %dma_wait3A_1424 = arith.constant 3 : i32
      %dma_wait3A_1425 = arith.constant 0 : i32
      %dma_wait3A_1426 = arith.constant 0 : i32
      %dma_wait3A_1427 = tpu.memref_slice %arg8[%dma_wait3A_1423, %dma_wait3A_1425, %dma_wait3A_1426] : memref<10x80x128xf32, #tpu.memory_space<vmem>> -> memref<1x80x128xf32, #tpu.memory_space<vmem>>
      %dma_wait3A_1428 = tpu.memref_squeeze %dma_wait3A_1427 : memref<1x80x128xf32, #tpu.memory_space<vmem>> -> memref<80x128xf32, #tpu.memory_space<vmem>>
      %dma_wait3A_1429 = tpu.memref_slice %arg6[%mul3A_1422] : memref<6400xi32, #tpu.memory_space<vmem>> -> memref<80xi32, #tpu.memory_space<vmem>>
      %dma_wait3A_1430 = arith.constant 0 : i32
      %dma_wait3A_1431 = arith.constant 0 : i32
      %dma_wait3A_1432 = tpu.memref_slice %arg2[%dma_wait3A_1430, %dma_wait3A_1431] : memref<108192x128xf32, #tpu.memory_space<hbm>> -> memref<108192x128xf32, #tpu.memory_space<hbm>>
      %dma_wait3A_1433 = tpu.memref_slice %arg9[%dma_wait3A_1424] : memref<10x!tpu.dma_semaphore, #tpu.memory_space<semaphore_mem>> -> memref<1x!tpu.dma_semaphore, #tpu.memory_space<semaphore_mem>>
      %dma_wait3A_1434 = tpu.memref_squeeze %dma_wait3A_1433 : memref<1x!tpu.dma_semaphore, #tpu.memory_space<semaphore_mem>> -> memref<!tpu.dma_semaphore, #tpu.memory_space<semaphore_mem>>
      tpu.wait_indirect_dma semaphore(%dma_wait3A_1434 : memref<!tpu.dma_semaphore, #tpu.memory_space<semaphore_mem>>) src(%dma_wait3A_1432 : memref<108192x128xf32, #tpu.memory_space<hbm>>) dst(%dma_wait3A_1428 : memref<80x128xf32, #tpu.memory_space<vmem>>)
      %mul3A_1435 = arith.constant 80 : i32
      %mul3A_1436 = arith.muli %add3A_1420, %mul3A_1435 : i32
      %add3A_1437 = arith.addi %mul3A_2, %mul3A_1436 : i32
      %dma_start3A_1438 = arith.constant 3 : i32
      %dma_start3A_1439 = arith.constant 3 : i32
      %dma_start3A_1440 = arith.constant 0 : i32
      %dma_start3A_1441 = arith.constant 0 : i32
      %dma_start3A_1442 = tpu.memref_slice %arg8[%dma_start3A_1438, %dma_start3A_1440, %dma_start3A_1441] : memref<10x80x128xf32, #tpu.memory_space<vmem>> -> memref<1x80x128xf32, #tpu.memory_space<vmem>>
      %dma_start3A_1443 = tpu.memref_squeeze %dma_start3A_1442 : memref<1x80x128xf32, #tpu.memory_space<vmem>> -> memref<80x128xf32, #tpu.memory_space<vmem>>
      %dma_start3A_1444 = arith.constant 0 : i32
      %dma_start3A_1445 = tpu.memref_slice %arg5[%add3A_1437, %dma_start3A_1444] : memref<204800x128xf32, #tpu.memory_space<hbm>> -> memref<80x128xf32, #tpu.memory_space<hbm>>
      %dma_start3A_1446 = tpu.memref_slice %arg10[%dma_start3A_1439] : memref<10x!tpu.dma_semaphore, #tpu.memory_space<semaphore_mem>> -> memref<1x!tpu.dma_semaphore, #tpu.memory_space<semaphore_mem>>
      %dma_start3A_1447 = tpu.memref_squeeze %dma_start3A_1446 : memref<1x!tpu.dma_semaphore, #tpu.memory_space<semaphore_mem>> -> memref<!tpu.dma_semaphore, #tpu.memory_space<semaphore_mem>>
      %dma_start3A_1448 = arith.constant 0 : i32
      %dma_start3A_1449 = tpu.memref_slice %arg5[%add3A_1437, %dma_start3A_1448] : memref<204800x128xf32, #tpu.memory_space<hbm>> -> memref<80x128xf32, #tpu.memory_space<hbm>>
      %dma_start3A_1450 = arith.constant 0 : i32
      %dma_start3A_1451 = arith.constant 0 : i32
      %dma_start3A_1452 = tpu.memref_slice %arg8[%dma_start3A_1438, %dma_start3A_1450, %dma_start3A_1451] : memref<10x80x128xf32, #tpu.memory_space<vmem>> -> memref<1x80x128xf32, #tpu.memory_space<vmem>>
      %dma_start3A_1453 = tpu.memref_squeeze %dma_start3A_1452 : memref<1x80x128xf32, #tpu.memory_space<vmem>> -> memref<80x128xf32, #tpu.memory_space<vmem>>
      tpu.enqueue_dma source(%dma_start3A_1453 : memref<80x128xf32, #tpu.memory_space<vmem>>) target(%dma_start3A_1449 : memref<80x128xf32, #tpu.memory_space<hbm>>) target_semaphore(%dma_start3A_1447 : memref<!tpu.dma_semaphore, #tpu.memory_space<semaphore_mem>>)
      %mul3A_1454 = arith.constant 10 : i32
      %mul3A_1455 = arith.muli %add3A_1305, %mul3A_1454 : i32
      %add3A_1456 = arith.constant 4 : i32
      %add3A_1457 = arith.addi %mul3A_1455, %add3A_1456 : i32
      %mul3A_1458 = arith.constant 80 : i32
      %mul3A_1459 = arith.muli %add3A_1457, %mul3A_1458 : i32
      %dma_wait3A_1460 = arith.constant 4 : i32
      %dma_wait3A_1461 = arith.constant 4 : i32
      %dma_wait3A_1462 = arith.constant 0 : i32
      %dma_wait3A_1463 = arith.constant 0 : i32
      %dma_wait3A_1464 = tpu.memref_slice %arg8[%dma_wait3A_1460, %dma_wait3A_1462, %dma_wait3A_1463] : memref<10x80x128xf32, #tpu.memory_space<vmem>> -> memref<1x80x128xf32, #tpu.memory_space<vmem>>
      %dma_wait3A_1465 = tpu.memref_squeeze %dma_wait3A_1464 : memref<1x80x128xf32, #tpu.memory_space<vmem>> -> memref<80x128xf32, #tpu.memory_space<vmem>>
      %dma_wait3A_1466 = tpu.memref_slice %arg6[%mul3A_1459] : memref<6400xi32, #tpu.memory_space<vmem>> -> memref<80xi32, #tpu.memory_space<vmem>>
      %dma_wait3A_1467 = arith.constant 0 : i32
      %dma_wait3A_1468 = arith.constant 0 : i32
      %dma_wait3A_1469 = tpu.memref_slice %arg2[%dma_wait3A_1467, %dma_wait3A_1468] : memref<108192x128xf32, #tpu.memory_space<hbm>> -> memref<108192x128xf32, #tpu.memory_space<hbm>>
      %dma_wait3A_1470 = tpu.memref_slice %arg9[%dma_wait3A_1461] : memref<10x!tpu.dma_semaphore, #tpu.memory_space<semaphore_mem>> -> memref<1x!tpu.dma_semaphore, #tpu.memory_space<semaphore_mem>>
      %dma_wait3A_1471 = tpu.memref_squeeze %dma_wait3A_1470 : memref<1x!tpu.dma_semaphore, #tpu.memory_space<semaphore_mem>> -> memref<!tpu.dma_semaphore, #tpu.memory_space<semaphore_mem>>
      tpu.wait_indirect_dma semaphore(%dma_wait3A_1471 : memref<!tpu.dma_semaphore, #tpu.memory_space<semaphore_mem>>) src(%dma_wait3A_1469 : memref<108192x128xf32, #tpu.memory_space<hbm>>) dst(%dma_wait3A_1465 : memref<80x128xf32, #tpu.memory_space<vmem>>)
      %mul3A_1472 = arith.constant 80 : i32
      %mul3A_1473 = arith.muli %add3A_1457, %mul3A_1472 : i32
      %add3A_1474 = arith.addi %mul3A_2, %mul3A_1473 : i32
      %dma_start3A_1475 = arith.constant 4 : i32
      %dma_start3A_1476 = arith.constant 4 : i32
      %dma_start3A_1477 = arith.constant 0 : i32
      %dma_start3A_1478 = arith.constant 0 : i32
      %dma_start3A_1479 = tpu.memref_slice %arg8[%dma_start3A_1475, %dma_start3A_1477, %dma_start3A_1478] : memref<10x80x128xf32, #tpu.memory_space<vmem>> -> memref<1x80x128xf32, #tpu.memory_space<vmem>>
      %dma_start3A_1480 = tpu.memref_squeeze %dma_start3A_1479 : memref<1x80x128xf32, #tpu.memory_space<vmem>> -> memref<80x128xf32, #tpu.memory_space<vmem>>
      %dma_start3A_1481 = arith.constant 0 : i32
      %dma_start3A_1482 = tpu.memref_slice %arg5[%add3A_1474, %dma_start3A_1481] : memref<204800x128xf32, #tpu.memory_space<hbm>> -> memref<80x128xf32, #tpu.memory_space<hbm>>
      %dma_start3A_1483 = tpu.memref_slice %arg10[%dma_start3A_1476] : memref<10x!tpu.dma_semaphore, #tpu.memory_space<semaphore_mem>> -> memref<1x!tpu.dma_semaphore, #tpu.memory_space<semaphore_mem>>
      %dma_start3A_1484 = tpu.memref_squeeze %dma_start3A_1483 : memref<1x!tpu.dma_semaphore, #tpu.memory_space<semaphore_mem>> -> memref<!tpu.dma_semaphore, #tpu.memory_space<semaphore_mem>>
      %dma_start3A_1485 = arith.constant 0 : i32
      %dma_start3A_1486 = tpu.memref_slice %arg5[%add3A_1474, %dma_start3A_1485] : memref<204800x128xf32, #tpu.memory_space<hbm>> -> memref<80x128xf32, #tpu.memory_space<hbm>>
      %dma_start3A_1487 = arith.constant 0 : i32
      %dma_start3A_1488 = arith.constant 0 : i32
      %dma_start3A_1489 = tpu.memref_slice %arg8[%dma_start3A_1475, %dma_start3A_1487, %dma_start3A_1488] : memref<10x80x128xf32, #tpu.memory_space<vmem>> -> memref<1x80x128xf32, #tpu.memory_space<vmem>>
      %dma_start3A_1490 = tpu.memref_squeeze %dma_start3A_1489 : memref<1x80x128xf32, #tpu.memory_space<vmem>> -> memref<80x128xf32, #tpu.memory_space<vmem>>
      tpu.enqueue_dma source(%dma_start3A_1490 : memref<80x128xf32, #tpu.memory_space<vmem>>) target(%dma_start3A_1486 : memref<80x128xf32, #tpu.memory_space<hbm>>) target_semaphore(%dma_start3A_1484 : memref<!tpu.dma_semaphore, #tpu.memory_space<semaphore_mem>>)
      %mul3A_1491 = arith.constant 10 : i32
      %mul3A_1492 = arith.muli %add3A_1305, %mul3A_1491 : i32
      %add3A_1493 = arith.constant 5 : i32
      %add3A_1494 = arith.addi %mul3A_1492, %add3A_1493 : i32
      %mul3A_1495 = arith.constant 80 : i32
      %mul3A_1496 = arith.muli %add3A_1494, %mul3A_1495 : i32
      %dma_wait3A_1497 = arith.constant 5 : i32
      %dma_wait3A_1498 = arith.constant 5 : i32
      %dma_wait3A_1499 = arith.constant 0 : i32
      %dma_wait3A_1500 = arith.constant 0 : i32
      %dma_wait3A_1501 = tpu.memref_slice %arg8[%dma_wait3A_1497, %dma_wait3A_1499, %dma_wait3A_1500] : memref<10x80x128xf32, #tpu.memory_space<vmem>> -> memref<1x80x128xf32, #tpu.memory_space<vmem>>
      %dma_wait3A_1502 = tpu.memref_squeeze %dma_wait3A_1501 : memref<1x80x128xf32, #tpu.memory_space<vmem>> -> memref<80x128xf32, #tpu.memory_space<vmem>>
      %dma_wait3A_1503 = tpu.memref_slice %arg6[%mul3A_1496] : memref<6400xi32, #tpu.memory_space<vmem>> -> memref<80xi32, #tpu.memory_space<vmem>>
      %dma_wait3A_1504 = arith.constant 0 : i32
      %dma_wait3A_1505 = arith.constant 0 : i32
      %dma_wait3A_1506 = tpu.memref_slice %arg2[%dma_wait3A_1504, %dma_wait3A_1505] : memref<108192x128xf32, #tpu.memory_space<hbm>> -> memref<108192x128xf32, #tpu.memory_space<hbm>>
      %dma_wait3A_1507 = tpu.memref_slice %arg9[%dma_wait3A_1498] : memref<10x!tpu.dma_semaphore, #tpu.memory_space<semaphore_mem>> -> memref<1x!tpu.dma_semaphore, #tpu.memory_space<semaphore_mem>>
      %dma_wait3A_1508 = tpu.memref_squeeze %dma_wait3A_1507 : memref<1x!tpu.dma_semaphore, #tpu.memory_space<semaphore_mem>> -> memref<!tpu.dma_semaphore, #tpu.memory_space<semaphore_mem>>
      tpu.wait_indirect_dma semaphore(%dma_wait3A_1508 : memref<!tpu.dma_semaphore, #tpu.memory_space<semaphore_mem>>) src(%dma_wait3A_1506 : memref<108192x128xf32, #tpu.memory_space<hbm>>) dst(%dma_wait3A_1502 : memref<80x128xf32, #tpu.memory_space<vmem>>)
      %mul3A_1509 = arith.constant 80 : i32
      %mul3A_1510 = arith.muli %add3A_1494, %mul3A_1509 : i32
      %add3A_1511 = arith.addi %mul3A_2, %mul3A_1510 : i32
      %dma_start3A_1512 = arith.constant 5 : i32
      %dma_start3A_1513 = arith.constant 5 : i32
      %dma_start3A_1514 = arith.constant 0 : i32
      %dma_start3A_1515 = arith.constant 0 : i32
      %dma_start3A_1516 = tpu.memref_slice %arg8[%dma_start3A_1512, %dma_start3A_1514, %dma_start3A_1515] : memref<10x80x128xf32, #tpu.memory_space<vmem>> -> memref<1x80x128xf32, #tpu.memory_space<vmem>>
      %dma_start3A_1517 = tpu.memref_squeeze %dma_start3A_1516 : memref<1x80x128xf32, #tpu.memory_space<vmem>> -> memref<80x128xf32, #tpu.memory_space<vmem>>
      %dma_start3A_1518 = arith.constant 0 : i32
      %dma_start3A_1519 = tpu.memref_slice %arg5[%add3A_1511, %dma_start3A_1518] : memref<204800x128xf32, #tpu.memory_space<hbm>> -> memref<80x128xf32, #tpu.memory_space<hbm>>
      %dma_start3A_1520 = tpu.memref_slice %arg10[%dma_start3A_1513] : memref<10x!tpu.dma_semaphore, #tpu.memory_space<semaphore_mem>> -> memref<1x!tpu.dma_semaphore, #tpu.memory_space<semaphore_mem>>
      %dma_start3A_1521 = tpu.memref_squeeze %dma_start3A_1520 : memref<1x!tpu.dma_semaphore, #tpu.memory_space<semaphore_mem>> -> memref<!tpu.dma_semaphore, #tpu.memory_space<semaphore_mem>>
      %dma_start3A_1522 = arith.constant 0 : i32
      %dma_start3A_1523 = tpu.memref_slice %arg5[%add3A_1511, %dma_start3A_1522] : memref<204800x128xf32, #tpu.memory_space<hbm>> -> memref<80x128xf32, #tpu.memory_space<hbm>>
      %dma_start3A_1524 = arith.constant 0 : i32
      %dma_start3A_1525 = arith.constant 0 : i32
      %dma_start3A_1526 = tpu.memref_slice %arg8[%dma_start3A_1512, %dma_start3A_1524, %dma_start3A_1525] : memref<10x80x128xf32, #tpu.memory_space<vmem>> -> memref<1x80x128xf32, #tpu.memory_space<vmem>>
      %dma_start3A_1527 = tpu.memref_squeeze %dma_start3A_1526 : memref<1x80x128xf32, #tpu.memory_space<vmem>> -> memref<80x128xf32, #tpu.memory_space<vmem>>
      tpu.enqueue_dma source(%dma_start3A_1527 : memref<80x128xf32, #tpu.memory_space<vmem>>) target(%dma_start3A_1523 : memref<80x128xf32, #tpu.memory_space<hbm>>) target_semaphore(%dma_start3A_1521 : memref<!tpu.dma_semaphore, #tpu.memory_space<semaphore_mem>>)
      %mul3A_1528 = arith.constant 10 : i32
      %mul3A_1529 = arith.muli %add3A_1305, %mul3A_1528 : i32
      %add3A_1530 = arith.constant 6 : i32
      %add3A_1531 = arith.addi %mul3A_1529, %add3A_1530 : i32
      %mul3A_1532 = arith.constant 80 : i32
      %mul3A_1533 = arith.muli %add3A_1531, %mul3A_1532 : i32
      %dma_wait3A_1534 = arith.constant 6 : i32
      %dma_wait3A_1535 = arith.constant 6 : i32
      %dma_wait3A_1536 = arith.constant 0 : i32
      %dma_wait3A_1537 = arith.constant 0 : i32
      %dma_wait3A_1538 = tpu.memref_slice %arg8[%dma_wait3A_1534, %dma_wait3A_1536, %dma_wait3A_1537] : memref<10x80x128xf32, #tpu.memory_space<vmem>> -> memref<1x80x128xf32, #tpu.memory_space<vmem>>
      %dma_wait3A_1539 = tpu.memref_squeeze %dma_wait3A_1538 : memref<1x80x128xf32, #tpu.memory_space<vmem>> -> memref<80x128xf32, #tpu.memory_space<vmem>>
      %dma_wait3A_1540 = tpu.memref_slice %arg6[%mul3A_1533] : memref<6400xi32, #tpu.memory_space<vmem>> -> memref<80xi32, #tpu.memory_space<vmem>>
      %dma_wait3A_1541 = arith.constant 0 : i32
      %dma_wait3A_1542 = arith.constant 0 : i32
      %dma_wait3A_1543 = tpu.memref_slice %arg2[%dma_wait3A_1541, %dma_wait3A_1542] : memref<108192x128xf32, #tpu.memory_space<hbm>> -> memref<108192x128xf32, #tpu.memory_space<hbm>>
      %dma_wait3A_1544 = tpu.memref_slice %arg9[%dma_wait3A_1535] : memref<10x!tpu.dma_semaphore, #tpu.memory_space<semaphore_mem>> -> memref<1x!tpu.dma_semaphore, #tpu.memory_space<semaphore_mem>>
      %dma_wait3A_1545 = tpu.memref_squeeze %dma_wait3A_1544 : memref<1x!tpu.dma_semaphore, #tpu.memory_space<semaphore_mem>> -> memref<!tpu.dma_semaphore, #tpu.memory_space<semaphore_mem>>
      tpu.wait_indirect_dma semaphore(%dma_wait3A_1545 : memref<!tpu.dma_semaphore, #tpu.memory_space<semaphore_mem>>) src(%dma_wait3A_1543 : memref<108192x128xf32, #tpu.memory_space<hbm>>) dst(%dma_wait3A_1539 : memref<80x128xf32, #tpu.memory_space<vmem>>)
      %mul3A_1546 = arith.constant 80 : i32
      %mul3A_1547 = arith.muli %add3A_1531, %mul3A_1546 : i32
      %add3A_1548 = arith.addi %mul3A_2, %mul3A_1547 : i32
      %dma_start3A_1549 = arith.constant 6 : i32
      %dma_start3A_1550 = arith.constant 6 : i32
      %dma_start3A_1551 = arith.constant 0 : i32
      %dma_start3A_1552 = arith.constant 0 : i32
      %dma_start3A_1553 = tpu.memref_slice %arg8[%dma_start3A_1549, %dma_start3A_1551, %dma_start3A_1552] : memref<10x80x128xf32, #tpu.memory_space<vmem>> -> memref<1x80x128xf32, #tpu.memory_space<vmem>>
      %dma_start3A_1554 = tpu.memref_squeeze %dma_start3A_1553 : memref<1x80x128xf32, #tpu.memory_space<vmem>> -> memref<80x128xf32, #tpu.memory_space<vmem>>
      %dma_start3A_1555 = arith.constant 0 : i32
      %dma_start3A_1556 = tpu.memref_slice %arg5[%add3A_1548, %dma_start3A_1555] : memref<204800x128xf32, #tpu.memory_space<hbm>> -> memref<80x128xf32, #tpu.memory_space<hbm>>
      %dma_start3A_1557 = tpu.memref_slice %arg10[%dma_start3A_1550] : memref<10x!tpu.dma_semaphore, #tpu.memory_space<semaphore_mem>> -> memref<1x!tpu.dma_semaphore, #tpu.memory_space<semaphore_mem>>
      %dma_start3A_1558 = tpu.memref_squeeze %dma_start3A_1557 : memref<1x!tpu.dma_semaphore, #tpu.memory_space<semaphore_mem>> -> memref<!tpu.dma_semaphore, #tpu.memory_space<semaphore_mem>>
      %dma_start3A_1559 = arith.constant 0 : i32
      %dma_start3A_1560 = tpu.memref_slice %arg5[%add3A_1548, %dma_start3A_1559] : memref<204800x128xf32, #tpu.memory_space<hbm>> -> memref<80x128xf32, #tpu.memory_space<hbm>>
      %dma_start3A_1561 = arith.constant 0 : i32
      %dma_start3A_1562 = arith.constant 0 : i32
      %dma_start3A_1563 = tpu.memref_slice %arg8[%dma_start3A_1549, %dma_start3A_1561, %dma_start3A_1562] : memref<10x80x128xf32, #tpu.memory_space<vmem>> -> memref<1x80x128xf32, #tpu.memory_space<vmem>>
      %dma_start3A_1564 = tpu.memref_squeeze %dma_start3A_1563 : memref<1x80x128xf32, #tpu.memory_space<vmem>> -> memref<80x128xf32, #tpu.memory_space<vmem>>
      tpu.enqueue_dma source(%dma_start3A_1564 : memref<80x128xf32, #tpu.memory_space<vmem>>) target(%dma_start3A_1560 : memref<80x128xf32, #tpu.memory_space<hbm>>) target_semaphore(%dma_start3A_1558 : memref<!tpu.dma_semaphore, #tpu.memory_space<semaphore_mem>>)
      %mul3A_1565 = arith.constant 10 : i32
      %mul3A_1566 = arith.muli %add3A_1305, %mul3A_1565 : i32
      %add3A_1567 = arith.constant 7 : i32
      %add3A_1568 = arith.addi %mul3A_1566, %add3A_1567 : i32
      %mul3A_1569 = arith.constant 80 : i32
      %mul3A_1570 = arith.muli %add3A_1568, %mul3A_1569 : i32
      %dma_wait3A_1571 = arith.constant 7 : i32
      %dma_wait3A_1572 = arith.constant 7 : i32
      %dma_wait3A_1573 = arith.constant 0 : i32
      %dma_wait3A_1574 = arith.constant 0 : i32
      %dma_wait3A_1575 = tpu.memref_slice %arg8[%dma_wait3A_1571, %dma_wait3A_1573, %dma_wait3A_1574] : memref<10x80x128xf32, #tpu.memory_space<vmem>> -> memref<1x80x128xf32, #tpu.memory_space<vmem>>
      %dma_wait3A_1576 = tpu.memref_squeeze %dma_wait3A_1575 : memref<1x80x128xf32, #tpu.memory_space<vmem>> -> memref<80x128xf32, #tpu.memory_space<vmem>>
      %dma_wait3A_1577 = tpu.memref_slice %arg6[%mul3A_1570] : memref<6400xi32, #tpu.memory_space<vmem>> -> memref<80xi32, #tpu.memory_space<vmem>>
      %dma_wait3A_1578 = arith.constant 0 : i32
      %dma_wait3A_1579 = arith.constant 0 : i32
      %dma_wait3A_1580 = tpu.memref_slice %arg2[%dma_wait3A_1578, %dma_wait3A_1579] : memref<108192x128xf32, #tpu.memory_space<hbm>> -> memref<108192x128xf32, #tpu.memory_space<hbm>>
      %dma_wait3A_1581 = tpu.memref_slice %arg9[%dma_wait3A_1572] : memref<10x!tpu.dma_semaphore, #tpu.memory_space<semaphore_mem>> -> memref<1x!tpu.dma_semaphore, #tpu.memory_space<semaphore_mem>>
      %dma_wait3A_1582 = tpu.memref_squeeze %dma_wait3A_1581 : memref<1x!tpu.dma_semaphore, #tpu.memory_space<semaphore_mem>> -> memref<!tpu.dma_semaphore, #tpu.memory_space<semaphore_mem>>
      tpu.wait_indirect_dma semaphore(%dma_wait3A_1582 : memref<!tpu.dma_semaphore, #tpu.memory_space<semaphore_mem>>) src(%dma_wait3A_1580 : memref<108192x128xf32, #tpu.memory_space<hbm>>) dst(%dma_wait3A_1576 : memref<80x128xf32, #tpu.memory_space<vmem>>)
      %mul3A_1583 = arith.constant 80 : i32
      %mul3A_1584 = arith.muli %add3A_1568, %mul3A_1583 : i32
      %add3A_1585 = arith.addi %mul3A_2, %mul3A_1584 : i32
      %dma_start3A_1586 = arith.constant 7 : i32
      %dma_start3A_1587 = arith.constant 7 : i32
      %dma_start3A_1588 = arith.constant 0 : i32
      %dma_start3A_1589 = arith.constant 0 : i32
      %dma_start3A_1590 = tpu.memref_slice %arg8[%dma_start3A_1586, %dma_start3A_1588, %dma_start3A_1589] : memref<10x80x128xf32, #tpu.memory_space<vmem>> -> memref<1x80x128xf32, #tpu.memory_space<vmem>>
      %dma_start3A_1591 = tpu.memref_squeeze %dma_start3A_1590 : memref<1x80x128xf32, #tpu.memory_space<vmem>> -> memref<80x128xf32, #tpu.memory_space<vmem>>
      %dma_start3A_1592 = arith.constant 0 : i32
      %dma_start3A_1593 = tpu.memref_slice %arg5[%add3A_1585, %dma_start3A_1592] : memref<204800x128xf32, #tpu.memory_space<hbm>> -> memref<80x128xf32, #tpu.memory_space<hbm>>
      %dma_start3A_1594 = tpu.memref_slice %arg10[%dma_start3A_1587] : memref<10x!tpu.dma_semaphore, #tpu.memory_space<semaphore_mem>> -> memref<1x!tpu.dma_semaphore, #tpu.memory_space<semaphore_mem>>
      %dma_start3A_1595 = tpu.memref_squeeze %dma_start3A_1594 : memref<1x!tpu.dma_semaphore, #tpu.memory_space<semaphore_mem>> -> memref<!tpu.dma_semaphore, #tpu.memory_space<semaphore_mem>>
      %dma_start3A_1596 = arith.constant 0 : i32
      %dma_start3A_1597 = tpu.memref_slice %arg5[%add3A_1585, %dma_start3A_1596] : memref<204800x128xf32, #tpu.memory_space<hbm>> -> memref<80x128xf32, #tpu.memory_space<hbm>>
      %dma_start3A_1598 = arith.constant 0 : i32
      %dma_start3A_1599 = arith.constant 0 : i32
      %dma_start3A_1600 = tpu.memref_slice %arg8[%dma_start3A_1586, %dma_start3A_1598, %dma_start3A_1599] : memref<10x80x128xf32, #tpu.memory_space<vmem>> -> memref<1x80x128xf32, #tpu.memory_space<vmem>>
      %dma_start3A_1601 = tpu.memref_squeeze %dma_start3A_1600 : memref<1x80x128xf32, #tpu.memory_space<vmem>> -> memref<80x128xf32, #tpu.memory_space<vmem>>
      tpu.enqueue_dma source(%dma_start3A_1601 : memref<80x128xf32, #tpu.memory_space<vmem>>) target(%dma_start3A_1597 : memref<80x128xf32, #tpu.memory_space<hbm>>) target_semaphore(%dma_start3A_1595 : memref<!tpu.dma_semaphore, #tpu.memory_space<semaphore_mem>>)
      %mul3A_1602 = arith.constant 10 : i32
      %mul3A_1603 = arith.muli %add3A_1305, %mul3A_1602 : i32
      %add3A_1604 = arith.constant 8 : i32
      %add3A_1605 = arith.addi %mul3A_1603, %add3A_1604 : i32
      %mul3A_1606 = arith.constant 80 : i32
      %mul3A_1607 = arith.muli %add3A_1605, %mul3A_1606 : i32
      %dma_wait3A_1608 = arith.constant 8 : i32
      %dma_wait3A_1609 = arith.constant 8 : i32
      %dma_wait3A_1610 = arith.constant 0 : i32
      %dma_wait3A_1611 = arith.constant 0 : i32
      %dma_wait3A_1612 = tpu.memref_slice %arg8[%dma_wait3A_1608, %dma_wait3A_1610, %dma_wait3A_1611] : memref<10x80x128xf32, #tpu.memory_space<vmem>> -> memref<1x80x128xf32, #tpu.memory_space<vmem>>
      %dma_wait3A_1613 = tpu.memref_squeeze %dma_wait3A_1612 : memref<1x80x128xf32, #tpu.memory_space<vmem>> -> memref<80x128xf32, #tpu.memory_space<vmem>>
      %dma_wait3A_1614 = tpu.memref_slice %arg6[%mul3A_1607] : memref<6400xi32, #tpu.memory_space<vmem>> -> memref<80xi32, #tpu.memory_space<vmem>>
      %dma_wait3A_1615 = arith.constant 0 : i32
      %dma_wait3A_1616 = arith.constant 0 : i32
      %dma_wait3A_1617 = tpu.memref_slice %arg2[%dma_wait3A_1615, %dma_wait3A_1616] : memref<108192x128xf32, #tpu.memory_space<hbm>> -> memref<108192x128xf32, #tpu.memory_space<hbm>>
      %dma_wait3A_1618 = tpu.memref_slice %arg9[%dma_wait3A_1609] : memref<10x!tpu.dma_semaphore, #tpu.memory_space<semaphore_mem>> -> memref<1x!tpu.dma_semaphore, #tpu.memory_space<semaphore_mem>>
      %dma_wait3A_1619 = tpu.memref_squeeze %dma_wait3A_1618 : memref<1x!tpu.dma_semaphore, #tpu.memory_space<semaphore_mem>> -> memref<!tpu.dma_semaphore, #tpu.memory_space<semaphore_mem>>
      tpu.wait_indirect_dma semaphore(%dma_wait3A_1619 : memref<!tpu.dma_semaphore, #tpu.memory_space<semaphore_mem>>) src(%dma_wait3A_1617 : memref<108192x128xf32, #tpu.memory_space<hbm>>) dst(%dma_wait3A_1613 : memref<80x128xf32, #tpu.memory_space<vmem>>)
      %mul3A_1620 = arith.constant 80 : i32
      %mul3A_1621 = arith.muli %add3A_1605, %mul3A_1620 : i32
      %add3A_1622 = arith.addi %mul3A_2, %mul3A_1621 : i32
      %dma_start3A_1623 = arith.constant 8 : i32
      %dma_start3A_1624 = arith.constant 8 : i32
      %dma_start3A_1625 = arith.constant 0 : i32
      %dma_start3A_1626 = arith.constant 0 : i32
      %dma_start3A_1627 = tpu.memref_slice %arg8[%dma_start3A_1623, %dma_start3A_1625, %dma_start3A_1626] : memref<10x80x128xf32, #tpu.memory_space<vmem>> -> memref<1x80x128xf32, #tpu.memory_space<vmem>>
      %dma_start3A_1628 = tpu.memref_squeeze %dma_start3A_1627 : memref<1x80x128xf32, #tpu.memory_space<vmem>> -> memref<80x128xf32, #tpu.memory_space<vmem>>
      %dma_start3A_1629 = arith.constant 0 : i32
      %dma_start3A_1630 = tpu.memref_slice %arg5[%add3A_1622, %dma_start3A_1629] : memref<204800x128xf32, #tpu.memory_space<hbm>> -> memref<80x128xf32, #tpu.memory_space<hbm>>
      %dma_start3A_1631 = tpu.memref_slice %arg10[%dma_start3A_1624] : memref<10x!tpu.dma_semaphore, #tpu.memory_space<semaphore_mem>> -> memref<1x!tpu.dma_semaphore, #tpu.memory_space<semaphore_mem>>
      %dma_start3A_1632 = tpu.memref_squeeze %dma_start3A_1631 : memref<1x!tpu.dma_semaphore, #tpu.memory_space<semaphore_mem>> -> memref<!tpu.dma_semaphore, #tpu.memory_space<semaphore_mem>>
      %dma_start3A_1633 = arith.constant 0 : i32
      %dma_start3A_1634 = tpu.memref_slice %arg5[%add3A_1622, %dma_start3A_1633] : memref<204800x128xf32, #tpu.memory_space<hbm>> -> memref<80x128xf32, #tpu.memory_space<hbm>>
      %dma_start3A_1635 = arith.constant 0 : i32
      %dma_start3A_1636 = arith.constant 0 : i32
      %dma_start3A_1637 = tpu.memref_slice %arg8[%dma_start3A_1623, %dma_start3A_1635, %dma_start3A_1636] : memref<10x80x128xf32, #tpu.memory_space<vmem>> -> memref<1x80x128xf32, #tpu.memory_space<vmem>>
      %dma_start3A_1638 = tpu.memref_squeeze %dma_start3A_1637 : memref<1x80x128xf32, #tpu.memory_space<vmem>> -> memref<80x128xf32, #tpu.memory_space<vmem>>
      tpu.enqueue_dma source(%dma_start3A_1638 : memref<80x128xf32, #tpu.memory_space<vmem>>) target(%dma_start3A_1634 : memref<80x128xf32, #tpu.memory_space<hbm>>) target_semaphore(%dma_start3A_1632 : memref<!tpu.dma_semaphore, #tpu.memory_space<semaphore_mem>>)
      %mul3A_1639 = arith.constant 10 : i32
      %mul3A_1640 = arith.muli %add3A_1305, %mul3A_1639 : i32
      %add3A_1641 = arith.constant 9 : i32
      %add3A_1642 = arith.addi %mul3A_1640, %add3A_1641 : i32
      %mul3A_1643 = arith.constant 80 : i32
      %mul3A_1644 = arith.muli %add3A_1642, %mul3A_1643 : i32
      %dma_wait3A_1645 = arith.constant 9 : i32
      %dma_wait3A_1646 = arith.constant 9 : i32
      %dma_wait3A_1647 = arith.constant 0 : i32
      %dma_wait3A_1648 = arith.constant 0 : i32
      %dma_wait3A_1649 = tpu.memref_slice %arg8[%dma_wait3A_1645, %dma_wait3A_1647, %dma_wait3A_1648] : memref<10x80x128xf32, #tpu.memory_space<vmem>> -> memref<1x80x128xf32, #tpu.memory_space<vmem>>
      %dma_wait3A_1650 = tpu.memref_squeeze %dma_wait3A_1649 : memref<1x80x128xf32, #tpu.memory_space<vmem>> -> memref<80x128xf32, #tpu.memory_space<vmem>>
      %dma_wait3A_1651 = tpu.memref_slice %arg6[%mul3A_1644] : memref<6400xi32, #tpu.memory_space<vmem>> -> memref<80xi32, #tpu.memory_space<vmem>>
      %dma_wait3A_1652 = arith.constant 0 : i32
      %dma_wait3A_1653 = arith.constant 0 : i32
      %dma_wait3A_1654 = tpu.memref_slice %arg2[%dma_wait3A_1652, %dma_wait3A_1653] : memref<108192x128xf32, #tpu.memory_space<hbm>> -> memref<108192x128xf32, #tpu.memory_space<hbm>>
      %dma_wait3A_1655 = tpu.memref_slice %arg9[%dma_wait3A_1646] : memref<10x!tpu.dma_semaphore, #tpu.memory_space<semaphore_mem>> -> memref<1x!tpu.dma_semaphore, #tpu.memory_space<semaphore_mem>>
      %dma_wait3A_1656 = tpu.memref_squeeze %dma_wait3A_1655 : memref<1x!tpu.dma_semaphore, #tpu.memory_space<semaphore_mem>> -> memref<!tpu.dma_semaphore, #tpu.memory_space<semaphore_mem>>
      tpu.wait_indirect_dma semaphore(%dma_wait3A_1656 : memref<!tpu.dma_semaphore, #tpu.memory_space<semaphore_mem>>) src(%dma_wait3A_1654 : memref<108192x128xf32, #tpu.memory_space<hbm>>) dst(%dma_wait3A_1650 : memref<80x128xf32, #tpu.memory_space<vmem>>)
      %mul3A_1657 = arith.constant 80 : i32
      %mul3A_1658 = arith.muli %add3A_1642, %mul3A_1657 : i32
      %add3A_1659 = arith.addi %mul3A_2, %mul3A_1658 : i32
      %dma_start3A_1660 = arith.constant 9 : i32
      %dma_start3A_1661 = arith.constant 9 : i32
      %dma_start3A_1662 = arith.constant 0 : i32
      %dma_start3A_1663 = arith.constant 0 : i32
      %dma_start3A_1664 = tpu.memref_slice %arg8[%dma_start3A_1660, %dma_start3A_1662, %dma_start3A_1663] : memref<10x80x128xf32, #tpu.memory_space<vmem>> -> memref<1x80x128xf32, #tpu.memory_space<vmem>>
      %dma_start3A_1665 = tpu.memref_squeeze %dma_start3A_1664 : memref<1x80x128xf32, #tpu.memory_space<vmem>> -> memref<80x128xf32, #tpu.memory_space<vmem>>
      %dma_start3A_1666 = arith.constant 0 : i32
      %dma_start3A_1667 = tpu.memref_slice %arg5[%add3A_1659, %dma_start3A_1666] : memref<204800x128xf32, #tpu.memory_space<hbm>> -> memref<80x128xf32, #tpu.memory_space<hbm>>
      %dma_start3A_1668 = tpu.memref_slice %arg10[%dma_start3A_1661] : memref<10x!tpu.dma_semaphore, #tpu.memory_space<semaphore_mem>> -> memref<1x!tpu.dma_semaphore, #tpu.memory_space<semaphore_mem>>
      %dma_start3A_1669 = tpu.memref_squeeze %dma_start3A_1668 : memref<1x!tpu.dma_semaphore, #tpu.memory_space<semaphore_mem>> -> memref<!tpu.dma_semaphore, #tpu.memory_space<semaphore_mem>>
      %dma_start3A_1670 = arith.constant 0 : i32
      %dma_start3A_1671 = tpu.memref_slice %arg5[%add3A_1659, %dma_start3A_1670] : memref<204800x128xf32, #tpu.memory_space<hbm>> -> memref<80x128xf32, #tpu.memory_space<hbm>>
      %dma_start3A_1672 = arith.constant 0 : i32
      %dma_start3A_1673 = arith.constant 0 : i32
      %dma_start3A_1674 = tpu.memref_slice %arg8[%dma_start3A_1660, %dma_start3A_1672, %dma_start3A_1673] : memref<10x80x128xf32, #tpu.memory_space<vmem>> -> memref<1x80x128xf32, #tpu.memory_space<vmem>>
      %dma_start3A_1675 = tpu.memref_squeeze %dma_start3A_1674 : memref<1x80x128xf32, #tpu.memory_space<vmem>> -> memref<80x128xf32, #tpu.memory_space<vmem>>
      tpu.enqueue_dma source(%dma_start3A_1675 : memref<80x128xf32, #tpu.memory_space<vmem>>) target(%dma_start3A_1671 : memref<80x128xf32, #tpu.memory_space<hbm>>) target_semaphore(%dma_start3A_1669 : memref<!tpu.dma_semaphore, #tpu.memory_space<semaphore_mem>>)
      %mul3A_1676 = arith.constant 10 : i32
      %mul3A_1677 = arith.muli %add3A_1305, %mul3A_1676 : i32
      %add3A_1678 = arith.constant 0 : i32
      %add3A_1679 = arith.addi %mul3A_1677, %add3A_1678 : i32
      %mul3A_1680 = arith.constant 80 : i32
      %mul3A_1681 = arith.muli %add3A_1679, %mul3A_1680 : i32
      %add3A_1682 = arith.addi %mul3A_2, %mul3A_1681 : i32
      %dma_wait3A_1683 = arith.constant 0 : i32
      %dma_wait3A_1684 = arith.constant 0 : i32
      %dma_wait3A_1685 = arith.constant 0 : i32
      %dma_wait3A_1686 = arith.constant 0 : i32
      %dma_wait3A_1687 = tpu.memref_slice %arg8[%dma_wait3A_1683, %dma_wait3A_1685, %dma_wait3A_1686] : memref<10x80x128xf32, #tpu.memory_space<vmem>> -> memref<1x80x128xf32, #tpu.memory_space<vmem>>
      %dma_wait3A_1688 = tpu.memref_squeeze %dma_wait3A_1687 : memref<1x80x128xf32, #tpu.memory_space<vmem>> -> memref<80x128xf32, #tpu.memory_space<vmem>>
      %dma_wait3A_1689 = arith.constant 0 : i32
      %dma_wait3A_1690 = tpu.memref_slice %arg5[%add3A_1682, %dma_wait3A_1689] : memref<204800x128xf32, #tpu.memory_space<hbm>> -> memref<80x128xf32, #tpu.memory_space<hbm>>
      %dma_wait3A_1691 = tpu.memref_slice %arg10[%dma_wait3A_1684] : memref<10x!tpu.dma_semaphore, #tpu.memory_space<semaphore_mem>> -> memref<1x!tpu.dma_semaphore, #tpu.memory_space<semaphore_mem>>
      %dma_wait3A_1692 = tpu.memref_squeeze %dma_wait3A_1691 : memref<1x!tpu.dma_semaphore, #tpu.memory_space<semaphore_mem>> -> memref<!tpu.dma_semaphore, #tpu.memory_space<semaphore_mem>>
      %dma_wait3A_1693 = arith.constant 0 : i32
      %dma_wait3A_1694 = tpu.memref_slice %arg5[%add3A_1682, %dma_wait3A_1693] : memref<204800x128xf32, #tpu.memory_space<hbm>> -> memref<80x128xf32, #tpu.memory_space<hbm>>
      %dma_wait3A_1695 = arith.constant 0 : i32
      %dma_wait3A_1696 = arith.constant 0 : i32
      %dma_wait3A_1697 = tpu.memref_slice %arg8[%dma_wait3A_1683, %dma_wait3A_1695, %dma_wait3A_1696] : memref<10x80x128xf32, #tpu.memory_space<vmem>> -> memref<1x80x128xf32, #tpu.memory_space<vmem>>
      %dma_wait3A_1698 = tpu.memref_squeeze %dma_wait3A_1697 : memref<1x80x128xf32, #tpu.memory_space<vmem>> -> memref<80x128xf32, #tpu.memory_space<vmem>>
      tpu.wait_dma2 semaphore(%dma_wait3A_1692 : memref<!tpu.dma_semaphore, #tpu.memory_space<semaphore_mem>>) src(%dma_wait3A_1698 : memref<80x128xf32, #tpu.memory_space<vmem>>) dst(%dma_wait3A_1694 : memref<80x128xf32, #tpu.memory_space<hbm>>)
      %lt3A = arith.constant 7 : i32
      %lt3A_1699 = arith.cmpi slt, %add3A_1305, %lt3A : i32
      %convert_element_type3A = arith.extui %lt3A_1699 : i1 to i32
      %cond3A = arith.constant 0 : i32
      %cond3A_1700 = arith.cmpi ne, %convert_element_type3A, %cond3A : i32
      scf.if %cond3A_1700 {
        %add3A_1953 = arith.constant 10 : i32
        %add3A_1954 = arith.addi %add3A_1679, %add3A_1953 : i32
        %mul3A_1955 = arith.constant 80 : i32
        %mul3A_1956 = arith.muli %add3A_1954, %mul3A_1955 : i32
        %add3A_1957 = arith.constant 0 : i32
        %add3A_1958 = arith.addi %mul3A_1956, %add3A_1957 : i32
        %mul3A_1959 = arith.constant 32 : i32
        %mul3A_1960 = arith.muli %add3A, %mul3A_1959 : i32
        %add3A_1961 = arith.addi %add3A_1958, %mul3A_1960 : i32
        %and3A_1962 = arith.constant 8191 : i32
        %and3A_1963 = arith.andi %add3A_1961, %and3A_1962 : i32
        %add3A_1964 = arith.constant 100000 : i32
        %add3A_1965 = arith.addi %add3A_1964, %and3A_1963 : i32
        %add3A_1966 = vector.broadcast %add3A_1965 : i32 to vector<16xi32>
        %add3A_1967 = arith.addi %add3A_1966, %iota3A : vector<16xi32>
        %get3A_1968 = arith.index_cast %add3A_1958 : i32 to index
        %get3A_1969 = tpu.vector_load %arg6[%get3A_1968] {strides = array<i32>} : memref<6400xi32, #tpu.memory_space<vmem>>, vector<16xi32>,
        %get3A_1970 = vector.shape_cast %get3A_1969 : vector<16xi32> to vector<16xi32>
        %sub3A_1971 = arith.subi %get3A_1970, %add3A_1967 : vector<16xi32>
        %get3A_1972 = arith.index_cast %add3A_1958 : i32 to index
        %get3A_1973 = tpu.vector_load %arg7[%get3A_1972] {strides = array<i32>} : memref<6400xi32, #tpu.memory_space<vmem>>, vector<16xi32>,
        %get3A_1974 = vector.shape_cast %get3A_1973 : vector<16xi32> to vector<16xi32>
        %mul3A_1975 = arith.muli %sub3A_1971, %get3A_1974 : vector<16xi32>
        %add3A_1976 = arith.addi %add3A_1967, %mul3A_1975 : vector<16xi32>
        %swap3A_1977 = arith.index_cast %add3A_1958 : i32 to index
        %swap3A_1978 = tpu.vector_load %arg6[%swap3A_1977] {strides = array<i32>} : memref<6400xi32, #tpu.memory_space<vmem>>, vector<16xi32>,
        %swap3A_1979 = vector.shape_cast %swap3A_1978 : vector<16xi32> to vector<16xi32>
        %swap3A_1980 = vector.shape_cast %add3A_1976 : vector<16xi32> to vector<16xi32>
        tpu.vector_store %arg6[%swap3A_1977], %swap3A_1980 {strides = array<i32>} : memref<6400xi32, #tpu.memory_space<vmem>>, vector<16xi32>,
        %mul3A_1981 = arith.constant 80 : i32
        %mul3A_1982 = arith.muli %add3A_1954, %mul3A_1981 : i32
        %add3A_1983 = arith.constant 16 : i32
        %add3A_1984 = arith.addi %mul3A_1982, %add3A_1983 : i32
        %mul3A_1985 = arith.constant 32 : i32
        %mul3A_1986 = arith.muli %add3A, %mul3A_1985 : i32
        %add3A_1987 = arith.addi %add3A_1984, %mul3A_1986 : i32
        %and3A_1988 = arith.constant 8191 : i32
        %and3A_1989 = arith.andi %add3A_1987, %and3A_1988 : i32
        %add3A_1990 = arith.constant 100000 : i32
        %add3A_1991 = arith.addi %add3A_1990, %and3A_1989 : i32
        %add3A_1992 = vector.broadcast %add3A_1991 : i32 to vector<16xi32>
        %add3A_1993 = arith.addi %add3A_1992, %iota3A : vector<16xi32>
        %get3A_1994 = arith.index_cast %add3A_1984 : i32 to index
        %get3A_1995 = tpu.vector_load %arg6[%get3A_1994] {strides = array<i32>} : memref<6400xi32, #tpu.memory_space<vmem>>, vector<16xi32>,
        %get3A_1996 = vector.shape_cast %get3A_1995 : vector<16xi32> to vector<16xi32>
        %sub3A_1997 = arith.subi %get3A_1996, %add3A_1993 : vector<16xi32>
        %get3A_1998 = arith.index_cast %add3A_1984 : i32 to index
        %get3A_1999 = tpu.vector_load %arg7[%get3A_1998] {strides = array<i32>} : memref<6400xi32, #tpu.memory_space<vmem>>, vector<16xi32>,
        %get3A_2000 = vector.shape_cast %get3A_1999 : vector<16xi32> to vector<16xi32>
        %mul3A_2001 = arith.muli %sub3A_1997, %get3A_2000 : vector<16xi32>
        %add3A_2002 = arith.addi %add3A_1993, %mul3A_2001 : vector<16xi32>
        %swap3A_2003 = arith.index_cast %add3A_1984 : i32 to index
        %swap3A_2004 = tpu.vector_load %arg6[%swap3A_2003] {strides = array<i32>} : memref<6400xi32, #tpu.memory_space<vmem>>, vector<16xi32>,
        %swap3A_2005 = vector.shape_cast %swap3A_2004 : vector<16xi32> to vector<16xi32>
        %swap3A_2006 = vector.shape_cast %add3A_2002 : vector<16xi32> to vector<16xi32>
        tpu.vector_store %arg6[%swap3A_2003], %swap3A_2006 {strides = array<i32>} : memref<6400xi32, #tpu.memory_space<vmem>>, vector<16xi32>,
        %mul3A_2007 = arith.constant 80 : i32
        %mul3A_2008 = arith.muli %add3A_1954, %mul3A_2007 : i32
        %add3A_2009 = arith.constant 32 : i32
        %add3A_2010 = arith.addi %mul3A_2008, %add3A_2009 : i32
        %mul3A_2011 = arith.constant 32 : i32
        %mul3A_2012 = arith.muli %add3A, %mul3A_2011 : i32
        %add3A_2013 = arith.addi %add3A_2010, %mul3A_2012 : i32
        %and3A_2014 = arith.constant 8191 : i32
        %and3A_2015 = arith.andi %add3A_2013, %and3A_2014 : i32
        %add3A_2016 = arith.constant 100000 : i32
        %add3A_2017 = arith.addi %add3A_2016, %and3A_2015 : i32
        %add3A_2018 = vector.broadcast %add3A_2017 : i32 to vector<16xi32>
        %add3A_2019 = arith.addi %add3A_2018, %iota3A : vector<16xi32>
        %get3A_2020 = arith.index_cast %add3A_2010 : i32 to index
        %get3A_2021 = tpu.vector_load %arg6[%get3A_2020] {strides = array<i32>} : memref<6400xi32, #tpu.memory_space<vmem>>, vector<16xi32>,
        %get3A_2022 = vector.shape_cast %get3A_2021 : vector<16xi32> to vector<16xi32>
        %sub3A_2023 = arith.subi %get3A_2022, %add3A_2019 : vector<16xi32>
        %get3A_2024 = arith.index_cast %add3A_2010 : i32 to index
        %get3A_2025 = tpu.vector_load %arg7[%get3A_2024] {strides = array<i32>} : memref<6400xi32, #tpu.memory_space<vmem>>, vector<16xi32>,
        %get3A_2026 = vector.shape_cast %get3A_2025 : vector<16xi32> to vector<16xi32>
        %mul3A_2027 = arith.muli %sub3A_2023, %get3A_2026 : vector<16xi32>
        %add3A_2028 = arith.addi %add3A_2019, %mul3A_2027 : vector<16xi32>
        %swap3A_2029 = arith.index_cast %add3A_2010 : i32 to index
        %swap3A_2030 = tpu.vector_load %arg6[%swap3A_2029] {strides = array<i32>} : memref<6400xi32, #tpu.memory_space<vmem>>, vector<16xi32>,
        %swap3A_2031 = vector.shape_cast %swap3A_2030 : vector<16xi32> to vector<16xi32>
        %swap3A_2032 = vector.shape_cast %add3A_2028 : vector<16xi32> to vector<16xi32>
        tpu.vector_store %arg6[%swap3A_2029], %swap3A_2032 {strides = array<i32>} : memref<6400xi32, #tpu.memory_space<vmem>>, vector<16xi32>,
        %mul3A_2033 = arith.constant 80 : i32
        %mul3A_2034 = arith.muli %add3A_1954, %mul3A_2033 : i32
        %add3A_2035 = arith.constant 48 : i32
        %add3A_2036 = arith.addi %mul3A_2034, %add3A_2035 : i32
        %mul3A_2037 = arith.constant 32 : i32
        %mul3A_2038 = arith.muli %add3A, %mul3A_2037 : i32
        %add3A_2039 = arith.addi %add3A_2036, %mul3A_2038 : i32
        %and3A_2040 = arith.constant 8191 : i32
        %and3A_2041 = arith.andi %add3A_2039, %and3A_2040 : i32
        %add3A_2042 = arith.constant 100000 : i32
        %add3A_2043 = arith.addi %add3A_2042, %and3A_2041 : i32
        %add3A_2044 = vector.broadcast %add3A_2043 : i32 to vector<16xi32>
        %add3A_2045 = arith.addi %add3A_2044, %iota3A : vector<16xi32>
        %get3A_2046 = arith.index_cast %add3A_2036 : i32 to index
        %get3A_2047 = tpu.vector_load %arg6[%get3A_2046] {strides = array<i32>} : memref<6400xi32, #tpu.memory_space<vmem>>, vector<16xi32>,
        %get3A_2048 = vector.shape_cast %get3A_2047 : vector<16xi32> to vector<16xi32>
        %sub3A_2049 = arith.subi %get3A_2048, %add3A_2045 : vector<16xi32>
        %get3A_2050 = arith.index_cast %add3A_2036 : i32 to index
        %get3A_2051 = tpu.vector_load %arg7[%get3A_2050] {strides = array<i32>} : memref<6400xi32, #tpu.memory_space<vmem>>, vector<16xi32>,
        %get3A_2052 = vector.shape_cast %get3A_2051 : vector<16xi32> to vector<16xi32>
        %mul3A_2053 = arith.muli %sub3A_2049, %get3A_2052 : vector<16xi32>
        %add3A_2054 = arith.addi %add3A_2045, %mul3A_2053 : vector<16xi32>
        %swap3A_2055 = arith.index_cast %add3A_2036 : i32 to index
        %swap3A_2056 = tpu.vector_load %arg6[%swap3A_2055] {strides = array<i32>} : memref<6400xi32, #tpu.memory_space<vmem>>, vector<16xi32>,
        %swap3A_2057 = vector.shape_cast %swap3A_2056 : vector<16xi32> to vector<16xi32>
        %swap3A_2058 = vector.shape_cast %add3A_2054 : vector<16xi32> to vector<16xi32>
        tpu.vector_store %arg6[%swap3A_2055], %swap3A_2058 {strides = array<i32>} : memref<6400xi32, #tpu.memory_space<vmem>>, vector<16xi32>,
        %mul3A_2059 = arith.constant 80 : i32
        %mul3A_2060 = arith.muli %add3A_1954, %mul3A_2059 : i32
        %add3A_2061 = arith.constant 64 : i32
        %add3A_2062 = arith.addi %mul3A_2060, %add3A_2061 : i32
        %mul3A_2063 = arith.constant 32 : i32
        %mul3A_2064 = arith.muli %add3A, %mul3A_2063 : i32
        %add3A_2065 = arith.addi %add3A_2062, %mul3A_2064 : i32
        %and3A_2066 = arith.constant 8191 : i32
        %and3A_2067 = arith.andi %add3A_2065, %and3A_2066 : i32
        %add3A_2068 = arith.constant 100000 : i32
        %add3A_2069 = arith.addi %add3A_2068, %and3A_2067 : i32
        %add3A_2070 = vector.broadcast %add3A_2069 : i32 to vector<16xi32>
        %add3A_2071 = arith.addi %add3A_2070, %iota3A : vector<16xi32>
        %get3A_2072 = arith.index_cast %add3A_2062 : i32 to index
        %get3A_2073 = tpu.vector_load %arg6[%get3A_2072] {strides = array<i32>} : memref<6400xi32, #tpu.memory_space<vmem>>, vector<16xi32>,
        %get3A_2074 = vector.shape_cast %get3A_2073 : vector<16xi32> to vector<16xi32>
        %sub3A_2075 = arith.subi %get3A_2074, %add3A_2071 : vector<16xi32>
        %get3A_2076 = arith.index_cast %add3A_2062 : i32 to index
        %get3A_2077 = tpu.vector_load %arg7[%get3A_2076] {strides = array<i32>} : memref<6400xi32, #tpu.memory_space<vmem>>, vector<16xi32>,
        %get3A_2078 = vector.shape_cast %get3A_2077 : vector<16xi32> to vector<16xi32>
        %mul3A_2079 = arith.muli %sub3A_2075, %get3A_2078 : vector<16xi32>
        %add3A_2080 = arith.addi %add3A_2071, %mul3A_2079 : vector<16xi32>
        %swap3A_2081 = arith.index_cast %add3A_2062 : i32 to index
        %swap3A_2082 = tpu.vector_load %arg6[%swap3A_2081] {strides = array<i32>} : memref<6400xi32, #tpu.memory_space<vmem>>, vector<16xi32>,
        %swap3A_2083 = vector.shape_cast %swap3A_2082 : vector<16xi32> to vector<16xi32>
        %swap3A_2084 = vector.shape_cast %add3A_2080 : vector<16xi32> to vector<16xi32>
        tpu.vector_store %arg6[%swap3A_2081], %swap3A_2084 {strides = array<i32>} : memref<6400xi32, #tpu.memory_space<vmem>>, vector<16xi32>,
        %add3A_2085 = arith.constant 10 : i32
        %add3A_2086 = arith.addi %add3A_1679, %add3A_2085 : i32
        %mul3A_2087 = arith.constant 80 : i32
        %mul3A_2088 = arith.muli %add3A_2086, %mul3A_2087 : i32
        %dma_start3A_2089 = arith.constant 0 : i32
        %dma_start3A_2090 = arith.constant 0 : i32
        %dma_start3A_2091 = arith.constant 0 : i32
        %dma_start3A_2092 = arith.constant 0 : i32
        %dma_start3A_2093 = tpu.memref_slice %arg8[%dma_start3A_2089, %dma_start3A_2091, %dma_start3A_2092] : memref<10x80x128xf32, #tpu.memory_space<vmem>> -> memref<1x80x128xf32, #tpu.memory_space<vmem>>
        %dma_start3A_2094 = tpu.memref_squeeze %dma_start3A_2093 : memref<1x80x128xf32, #tpu.memory_space<vmem>> -> memref<80x128xf32, #tpu.memory_space<vmem>>
        %dma_start3A_2095 = tpu.memref_slice %arg6[%mul3A_2088] : memref<6400xi32, #tpu.memory_space<vmem>> -> memref<80xi32, #tpu.memory_space<vmem>>
        %dma_start3A_2096 = arith.constant 0 : i32
        %dma_start3A_2097 = arith.constant 0 : i32
        %dma_start3A_2098 = tpu.memref_slice %arg2[%dma_start3A_2096, %dma_start3A_2097] : memref<108192x128xf32, #tpu.memory_space<hbm>> -> memref<108192x128xf32, #tpu.memory_space<hbm>>
        %dma_start3A_2099 = tpu.memref_slice %arg9[%dma_start3A_2090] : memref<10x!tpu.dma_semaphore, #tpu.memory_space<semaphore_mem>> -> memref<1x!tpu.dma_semaphore, #tpu.memory_space<semaphore_mem>>
        %dma_start3A_2100 = tpu.memref_squeeze %dma_start3A_2099 : memref<1x!tpu.dma_semaphore, #tpu.memory_space<semaphore_mem>> -> memref<!tpu.dma_semaphore, #tpu.memory_space<semaphore_mem>>
        tpu.enqueue_indirect_dma source(%dma_start3A_2098 : memref<108192x128xf32, #tpu.memory_space<hbm>>) target(%dma_start3A_2094 : memref<80x128xf32, #tpu.memory_space<vmem>>) offsets(%dma_start3A_2095 : memref<80xi32, #tpu.memory_space<vmem>>) semaphore(%dma_start3A_2100 : memref<!tpu.dma_semaphore, #tpu.memory_space<semaphore_mem>>)
      } else {
      }
      %mul3A_1701 = arith.constant 10 : i32
      %mul3A_1702 = arith.muli %add3A_1305, %mul3A_1701 : i32
      %add3A_1703 = arith.constant 1 : i32
      %add3A_1704 = arith.addi %mul3A_1702, %add3A_1703 : i32
      %mul3A_1705 = arith.constant 80 : i32
      %mul3A_1706 = arith.muli %add3A_1704, %mul3A_1705 : i32
      %add3A_1707 = arith.addi %mul3A_2, %mul3A_1706 : i32
      %dma_wait3A_1708 = arith.constant 1 : i32
      %dma_wait3A_1709 = arith.constant 1 : i32
      %dma_wait3A_1710 = arith.constant 0 : i32
      %dma_wait3A_1711 = arith.constant 0 : i32
      %dma_wait3A_1712 = tpu.memref_slice %arg8[%dma_wait3A_1708, %dma_wait3A_1710, %dma_wait3A_1711] : memref<10x80x128xf32, #tpu.memory_space<vmem>> -> memref<1x80x128xf32, #tpu.memory_space<vmem>>
      %dma_wait3A_1713 = tpu.memref_squeeze %dma_wait3A_1712 : memref<1x80x128xf32, #tpu.memory_space<vmem>> -> memref<80x128xf32, #tpu.memory_space<vmem>>
      %dma_wait3A_1714 = arith.constant 0 : i32
      %dma_wait3A_1715 = tpu.memref_slice %arg5[%add3A_1707, %dma_wait3A_1714] : memref<204800x128xf32, #tpu.memory_space<hbm>> -> memref<80x128xf32, #tpu.memory_space<hbm>>
      %dma_wait3A_1716 = tpu.memref_slice %arg10[%dma_wait3A_1709] : memref<10x!tpu.dma_semaphore, #tpu.memory_space<semaphore_mem>> -> memref<1x!tpu.dma_semaphore, #tpu.memory_space<semaphore_mem>>
      %dma_wait3A_1717 = tpu.memref_squeeze %dma_wait3A_1716 : memref<1x!tpu.dma_semaphore, #tpu.memory_space<semaphore_mem>> -> memref<!tpu.dma_semaphore, #tpu.memory_space<semaphore_mem>>
      %dma_wait3A_1718 = arith.constant 0 : i32
      %dma_wait3A_1719 = tpu.memref_slice %arg5[%add3A_1707, %dma_wait3A_1718] : memref<204800x128xf32, #tpu.memory_space<hbm>> -> memref<80x128xf32, #tpu.memory_space<hbm>>
      %dma_wait3A_1720 = arith.constant 0 : i32
      %dma_wait3A_1721 = arith.constant 0 : i32
      %dma_wait3A_1722 = tpu.memref_slice %arg8[%dma_wait3A_1708, %dma_wait3A_1720, %dma_wait3A_1721] : memref<10x80x128xf32, #tpu.memory_space<vmem>> -> memref<1x80x128xf32, #tpu.memory_space<vmem>>
      %dma_wait3A_1723 = tpu.memref_squeeze %dma_wait3A_1722 : memref<1x80x128xf32, #tpu.memory_space<vmem>> -> memref<80x128xf32, #tpu.memory_space<vmem>>
      tpu.wait_dma2 semaphore(%dma_wait3A_1717 : memref<!tpu.dma_semaphore, #tpu.memory_space<semaphore_mem>>) src(%dma_wait3A_1723 : memref<80x128xf32, #tpu.memory_space<vmem>>) dst(%dma_wait3A_1719 : memref<80x128xf32, #tpu.memory_space<hbm>>)
      %lt3A_1724 = arith.constant 7 : i32
      %lt3A_1725 = arith.cmpi slt, %add3A_1305, %lt3A_1724 : i32
      %convert_element_type3A_1726 = arith.extui %lt3A_1725 : i1 to i32
      %cond3A_1727 = arith.constant 0 : i32
      %cond3A_1728 = arith.cmpi ne, %convert_element_type3A_1726, %cond3A_1727 : i32
      scf.if %cond3A_1728 {
        %add3A_1953 = arith.constant 10 : i32
        %add3A_1954 = arith.addi %add3A_1704, %add3A_1953 : i32
        %mul3A_1955 = arith.constant 80 : i32
        %mul3A_1956 = arith.muli %add3A_1954, %mul3A_1955 : i32
        %add3A_1957 = arith.constant 0 : i32
        %add3A_1958 = arith.addi %mul3A_1956, %add3A_1957 : i32
        %mul3A_1959 = arith.constant 32 : i32
        %mul3A_1960 = arith.muli %add3A, %mul3A_1959 : i32
        %add3A_1961 = arith.addi %add3A_1958, %mul3A_1960 : i32
        %and3A_1962 = arith.constant 8191 : i32
        %and3A_1963 = arith.andi %add3A_1961, %and3A_1962 : i32
        %add3A_1964 = arith.constant 100000 : i32
        %add3A_1965 = arith.addi %add3A_1964, %and3A_1963 : i32
        %add3A_1966 = vector.broadcast %add3A_1965 : i32 to vector<16xi32>
        %add3A_1967 = arith.addi %add3A_1966, %iota3A : vector<16xi32>
        %get3A_1968 = arith.index_cast %add3A_1958 : i32 to index
        %get3A_1969 = tpu.vector_load %arg6[%get3A_1968] {strides = array<i32>} : memref<6400xi32, #tpu.memory_space<vmem>>, vector<16xi32>,
        %get3A_1970 = vector.shape_cast %get3A_1969 : vector<16xi32> to vector<16xi32>
        %sub3A_1971 = arith.subi %get3A_1970, %add3A_1967 : vector<16xi32>
        %get3A_1972 = arith.index_cast %add3A_1958 : i32 to index
        %get3A_1973 = tpu.vector_load %arg7[%get3A_1972] {strides = array<i32>} : memref<6400xi32, #tpu.memory_space<vmem>>, vector<16xi32>,
        %get3A_1974 = vector.shape_cast %get3A_1973 : vector<16xi32> to vector<16xi32>
        %mul3A_1975 = arith.muli %sub3A_1971, %get3A_1974 : vector<16xi32>
        %add3A_1976 = arith.addi %add3A_1967, %mul3A_1975 : vector<16xi32>
        %swap3A_1977 = arith.index_cast %add3A_1958 : i32 to index
        %swap3A_1978 = tpu.vector_load %arg6[%swap3A_1977] {strides = array<i32>} : memref<6400xi32, #tpu.memory_space<vmem>>, vector<16xi32>,
        %swap3A_1979 = vector.shape_cast %swap3A_1978 : vector<16xi32> to vector<16xi32>
        %swap3A_1980 = vector.shape_cast %add3A_1976 : vector<16xi32> to vector<16xi32>
        tpu.vector_store %arg6[%swap3A_1977], %swap3A_1980 {strides = array<i32>} : memref<6400xi32, #tpu.memory_space<vmem>>, vector<16xi32>,
        %mul3A_1981 = arith.constant 80 : i32
        %mul3A_1982 = arith.muli %add3A_1954, %mul3A_1981 : i32
        %add3A_1983 = arith.constant 16 : i32
        %add3A_1984 = arith.addi %mul3A_1982, %add3A_1983 : i32
        %mul3A_1985 = arith.constant 32 : i32
        %mul3A_1986 = arith.muli %add3A, %mul3A_1985 : i32
        %add3A_1987 = arith.addi %add3A_1984, %mul3A_1986 : i32
        %and3A_1988 = arith.constant 8191 : i32
        %and3A_1989 = arith.andi %add3A_1987, %and3A_1988 : i32
        %add3A_1990 = arith.constant 100000 : i32
        %add3A_1991 = arith.addi %add3A_1990, %and3A_1989 : i32
        %add3A_1992 = vector.broadcast %add3A_1991 : i32 to vector<16xi32>
        %add3A_1993 = arith.addi %add3A_1992, %iota3A : vector<16xi32>
        %get3A_1994 = arith.index_cast %add3A_1984 : i32 to index
        %get3A_1995 = tpu.vector_load %arg6[%get3A_1994] {strides = array<i32>} : memref<6400xi32, #tpu.memory_space<vmem>>, vector<16xi32>,
        %get3A_1996 = vector.shape_cast %get3A_1995 : vector<16xi32> to vector<16xi32>
        %sub3A_1997 = arith.subi %get3A_1996, %add3A_1993 : vector<16xi32>
        %get3A_1998 = arith.index_cast %add3A_1984 : i32 to index
        %get3A_1999 = tpu.vector_load %arg7[%get3A_1998] {strides = array<i32>} : memref<6400xi32, #tpu.memory_space<vmem>>, vector<16xi32>,
        %get3A_2000 = vector.shape_cast %get3A_1999 : vector<16xi32> to vector<16xi32>
        %mul3A_2001 = arith.muli %sub3A_1997, %get3A_2000 : vector<16xi32>
        %add3A_2002 = arith.addi %add3A_1993, %mul3A_2001 : vector<16xi32>
        %swap3A_2003 = arith.index_cast %add3A_1984 : i32 to index
        %swap3A_2004 = tpu.vector_load %arg6[%swap3A_2003] {strides = array<i32>} : memref<6400xi32, #tpu.memory_space<vmem>>, vector<16xi32>,
        %swap3A_2005 = vector.shape_cast %swap3A_2004 : vector<16xi32> to vector<16xi32>
        %swap3A_2006 = vector.shape_cast %add3A_2002 : vector<16xi32> to vector<16xi32>
        tpu.vector_store %arg6[%swap3A_2003], %swap3A_2006 {strides = array<i32>} : memref<6400xi32, #tpu.memory_space<vmem>>, vector<16xi32>,
        %mul3A_2007 = arith.constant 80 : i32
        %mul3A_2008 = arith.muli %add3A_1954, %mul3A_2007 : i32
        %add3A_2009 = arith.constant 32 : i32
        %add3A_2010 = arith.addi %mul3A_2008, %add3A_2009 : i32
        %mul3A_2011 = arith.constant 32 : i32
        %mul3A_2012 = arith.muli %add3A, %mul3A_2011 : i32
        %add3A_2013 = arith.addi %add3A_2010, %mul3A_2012 : i32
        %and3A_2014 = arith.constant 8191 : i32
        %and3A_2015 = arith.andi %add3A_2013, %and3A_2014 : i32
        %add3A_2016 = arith.constant 100000 : i32
        %add3A_2017 = arith.addi %add3A_2016, %and3A_2015 : i32
        %add3A_2018 = vector.broadcast %add3A_2017 : i32 to vector<16xi32>
        %add3A_2019 = arith.addi %add3A_2018, %iota3A : vector<16xi32>
        %get3A_2020 = arith.index_cast %add3A_2010 : i32 to index
        %get3A_2021 = tpu.vector_load %arg6[%get3A_2020] {strides = array<i32>} : memref<6400xi32, #tpu.memory_space<vmem>>, vector<16xi32>,
        %get3A_2022 = vector.shape_cast %get3A_2021 : vector<16xi32> to vector<16xi32>
        %sub3A_2023 = arith.subi %get3A_2022, %add3A_2019 : vector<16xi32>
        %get3A_2024 = arith.index_cast %add3A_2010 : i32 to index
        %get3A_2025 = tpu.vector_load %arg7[%get3A_2024] {strides = array<i32>} : memref<6400xi32, #tpu.memory_space<vmem>>, vector<16xi32>,
        %get3A_2026 = vector.shape_cast %get3A_2025 : vector<16xi32> to vector<16xi32>
        %mul3A_2027 = arith.muli %sub3A_2023, %get3A_2026 : vector<16xi32>
        %add3A_2028 = arith.addi %add3A_2019, %mul3A_2027 : vector<16xi32>
        %swap3A_2029 = arith.index_cast %add3A_2010 : i32 to index
        %swap3A_2030 = tpu.vector_load %arg6[%swap3A_2029] {strides = array<i32>} : memref<6400xi32, #tpu.memory_space<vmem>>, vector<16xi32>,
        %swap3A_2031 = vector.shape_cast %swap3A_2030 : vector<16xi32> to vector<16xi32>
        %swap3A_2032 = vector.shape_cast %add3A_2028 : vector<16xi32> to vector<16xi32>
        tpu.vector_store %arg6[%swap3A_2029], %swap3A_2032 {strides = array<i32>} : memref<6400xi32, #tpu.memory_space<vmem>>, vector<16xi32>,
        %mul3A_2033 = arith.constant 80 : i32
        %mul3A_2034 = arith.muli %add3A_1954, %mul3A_2033 : i32
        %add3A_2035 = arith.constant 48 : i32
        %add3A_2036 = arith.addi %mul3A_2034, %add3A_2035 : i32
        %mul3A_2037 = arith.constant 32 : i32
        %mul3A_2038 = arith.muli %add3A, %mul3A_2037 : i32
        %add3A_2039 = arith.addi %add3A_2036, %mul3A_2038 : i32
        %and3A_2040 = arith.constant 8191 : i32
        %and3A_2041 = arith.andi %add3A_2039, %and3A_2040 : i32
        %add3A_2042 = arith.constant 100000 : i32
        %add3A_2043 = arith.addi %add3A_2042, %and3A_2041 : i32
        %add3A_2044 = vector.broadcast %add3A_2043 : i32 to vector<16xi32>
        %add3A_2045 = arith.addi %add3A_2044, %iota3A : vector<16xi32>
        %get3A_2046 = arith.index_cast %add3A_2036 : i32 to index
        %get3A_2047 = tpu.vector_load %arg6[%get3A_2046] {strides = array<i32>} : memref<6400xi32, #tpu.memory_space<vmem>>, vector<16xi32>,
        %get3A_2048 = vector.shape_cast %get3A_2047 : vector<16xi32> to vector<16xi32>
        %sub3A_2049 = arith.subi %get3A_2048, %add3A_2045 : vector<16xi32>
        %get3A_2050 = arith.index_cast %add3A_2036 : i32 to index
        %get3A_2051 = tpu.vector_load %arg7[%get3A_2050] {strides = array<i32>} : memref<6400xi32, #tpu.memory_space<vmem>>, vector<16xi32>,
        %get3A_2052 = vector.shape_cast %get3A_2051 : vector<16xi32> to vector<16xi32>
        %mul3A_2053 = arith.muli %sub3A_2049, %get3A_2052 : vector<16xi32>
        %add3A_2054 = arith.addi %add3A_2045, %mul3A_2053 : vector<16xi32>
        %swap3A_2055 = arith.index_cast %add3A_2036 : i32 to index
        %swap3A_2056 = tpu.vector_load %arg6[%swap3A_2055] {strides = array<i32>} : memref<6400xi32, #tpu.memory_space<vmem>>, vector<16xi32>,
        %swap3A_2057 = vector.shape_cast %swap3A_2056 : vector<16xi32> to vector<16xi32>
        %swap3A_2058 = vector.shape_cast %add3A_2054 : vector<16xi32> to vector<16xi32>
        tpu.vector_store %arg6[%swap3A_2055], %swap3A_2058 {strides = array<i32>} : memref<6400xi32, #tpu.memory_space<vmem>>, vector<16xi32>,
        %mul3A_2059 = arith.constant 80 : i32
        %mul3A_2060 = arith.muli %add3A_1954, %mul3A_2059 : i32
        %add3A_2061 = arith.constant 64 : i32
        %add3A_2062 = arith.addi %mul3A_2060, %add3A_2061 : i32
        %mul3A_2063 = arith.constant 32 : i32
        %mul3A_2064 = arith.muli %add3A, %mul3A_2063 : i32
        %add3A_2065 = arith.addi %add3A_2062, %mul3A_2064 : i32
        %and3A_2066 = arith.constant 8191 : i32
        %and3A_2067 = arith.andi %add3A_2065, %and3A_2066 : i32
        %add3A_2068 = arith.constant 100000 : i32
        %add3A_2069 = arith.addi %add3A_2068, %and3A_2067 : i32
        %add3A_2070 = vector.broadcast %add3A_2069 : i32 to vector<16xi32>
        %add3A_2071 = arith.addi %add3A_2070, %iota3A : vector<16xi32>
        %get3A_2072 = arith.index_cast %add3A_2062 : i32 to index
        %get3A_2073 = tpu.vector_load %arg6[%get3A_2072] {strides = array<i32>} : memref<6400xi32, #tpu.memory_space<vmem>>, vector<16xi32>,
        %get3A_2074 = vector.shape_cast %get3A_2073 : vector<16xi32> to vector<16xi32>
        %sub3A_2075 = arith.subi %get3A_2074, %add3A_2071 : vector<16xi32>
        %get3A_2076 = arith.index_cast %add3A_2062 : i32 to index
        %get3A_2077 = tpu.vector_load %arg7[%get3A_2076] {strides = array<i32>} : memref<6400xi32, #tpu.memory_space<vmem>>, vector<16xi32>,
        %get3A_2078 = vector.shape_cast %get3A_2077 : vector<16xi32> to vector<16xi32>
        %mul3A_2079 = arith.muli %sub3A_2075, %get3A_2078 : vector<16xi32>
        %add3A_2080 = arith.addi %add3A_2071, %mul3A_2079 : vector<16xi32>
        %swap3A_2081 = arith.index_cast %add3A_2062 : i32 to index
        %swap3A_2082 = tpu.vector_load %arg6[%swap3A_2081] {strides = array<i32>} : memref<6400xi32, #tpu.memory_space<vmem>>, vector<16xi32>,
        %swap3A_2083 = vector.shape_cast %swap3A_2082 : vector<16xi32> to vector<16xi32>
        %swap3A_2084 = vector.shape_cast %add3A_2080 : vector<16xi32> to vector<16xi32>
        tpu.vector_store %arg6[%swap3A_2081], %swap3A_2084 {strides = array<i32>} : memref<6400xi32, #tpu.memory_space<vmem>>, vector<16xi32>,
        %add3A_2085 = arith.constant 10 : i32
        %add3A_2086 = arith.addi %add3A_1704, %add3A_2085 : i32
        %mul3A_2087 = arith.constant 80 : i32
        %mul3A_2088 = arith.muli %add3A_2086, %mul3A_2087 : i32
        %dma_start3A_2089 = arith.constant 1 : i32
        %dma_start3A_2090 = arith.constant 1 : i32
        %dma_start3A_2091 = arith.constant 0 : i32
        %dma_start3A_2092 = arith.constant 0 : i32
        %dma_start3A_2093 = tpu.memref_slice %arg8[%dma_start3A_2089, %dma_start3A_2091, %dma_start3A_2092] : memref<10x80x128xf32, #tpu.memory_space<vmem>> -> memref<1x80x128xf32, #tpu.memory_space<vmem>>
        %dma_start3A_2094 = tpu.memref_squeeze %dma_start3A_2093 : memref<1x80x128xf32, #tpu.memory_space<vmem>> -> memref<80x128xf32, #tpu.memory_space<vmem>>
        %dma_start3A_2095 = tpu.memref_slice %arg6[%mul3A_2088] : memref<6400xi32, #tpu.memory_space<vmem>> -> memref<80xi32, #tpu.memory_space<vmem>>
        %dma_start3A_2096 = arith.constant 0 : i32
        %dma_start3A_2097 = arith.constant 0 : i32
        %dma_start3A_2098 = tpu.memref_slice %arg2[%dma_start3A_2096, %dma_start3A_2097] : memref<108192x128xf32, #tpu.memory_space<hbm>> -> memref<108192x128xf32, #tpu.memory_space<hbm>>
        %dma_start3A_2099 = tpu.memref_slice %arg9[%dma_start3A_2090] : memref<10x!tpu.dma_semaphore, #tpu.memory_space<semaphore_mem>> -> memref<1x!tpu.dma_semaphore, #tpu.memory_space<semaphore_mem>>
        %dma_start3A_2100 = tpu.memref_squeeze %dma_start3A_2099 : memref<1x!tpu.dma_semaphore, #tpu.memory_space<semaphore_mem>> -> memref<!tpu.dma_semaphore, #tpu.memory_space<semaphore_mem>>
        tpu.enqueue_indirect_dma source(%dma_start3A_2098 : memref<108192x128xf32, #tpu.memory_space<hbm>>) target(%dma_start3A_2094 : memref<80x128xf32, #tpu.memory_space<vmem>>) offsets(%dma_start3A_2095 : memref<80xi32, #tpu.memory_space<vmem>>) semaphore(%dma_start3A_2100 : memref<!tpu.dma_semaphore, #tpu.memory_space<semaphore_mem>>)
      } else {
      }
      %mul3A_1729 = arith.constant 10 : i32
      %mul3A_1730 = arith.muli %add3A_1305, %mul3A_1729 : i32
      %add3A_1731 = arith.constant 2 : i32
      %add3A_1732 = arith.addi %mul3A_1730, %add3A_1731 : i32
      %mul3A_1733 = arith.constant 80 : i32
      %mul3A_1734 = arith.muli %add3A_1732, %mul3A_1733 : i32
      %add3A_1735 = arith.addi %mul3A_2, %mul3A_1734 : i32
      %dma_wait3A_1736 = arith.constant 2 : i32
      %dma_wait3A_1737 = arith.constant 2 : i32
      %dma_wait3A_1738 = arith.constant 0 : i32
      %dma_wait3A_1739 = arith.constant 0 : i32
      %dma_wait3A_1740 = tpu.memref_slice %arg8[%dma_wait3A_1736, %dma_wait3A_1738, %dma_wait3A_1739] : memref<10x80x128xf32, #tpu.memory_space<vmem>> -> memref<1x80x128xf32, #tpu.memory_space<vmem>>
      %dma_wait3A_1741 = tpu.memref_squeeze %dma_wait3A_1740 : memref<1x80x128xf32, #tpu.memory_space<vmem>> -> memref<80x128xf32, #tpu.memory_space<vmem>>
      %dma_wait3A_1742 = arith.constant 0 : i32
      %dma_wait3A_1743 = tpu.memref_slice %arg5[%add3A_1735, %dma_wait3A_1742] : memref<204800x128xf32, #tpu.memory_space<hbm>> -> memref<80x128xf32, #tpu.memory_space<hbm>>
      %dma_wait3A_1744 = tpu.memref_slice %arg10[%dma_wait3A_1737] : memref<10x!tpu.dma_semaphore, #tpu.memory_space<semaphore_mem>> -> memref<1x!tpu.dma_semaphore, #tpu.memory_space<semaphore_mem>>
      %dma_wait3A_1745 = tpu.memref_squeeze %dma_wait3A_1744 : memref<1x!tpu.dma_semaphore, #tpu.memory_space<semaphore_mem>> -> memref<!tpu.dma_semaphore, #tpu.memory_space<semaphore_mem>>
      %dma_wait3A_1746 = arith.constant 0 : i32
      %dma_wait3A_1747 = tpu.memref_slice %arg5[%add3A_1735, %dma_wait3A_1746] : memref<204800x128xf32, #tpu.memory_space<hbm>> -> memref<80x128xf32, #tpu.memory_space<hbm>>
      %dma_wait3A_1748 = arith.constant 0 : i32
      %dma_wait3A_1749 = arith.constant 0 : i32
      %dma_wait3A_1750 = tpu.memref_slice %arg8[%dma_wait3A_1736, %dma_wait3A_1748, %dma_wait3A_1749] : memref<10x80x128xf32, #tpu.memory_space<vmem>> -> memref<1x80x128xf32, #tpu.memory_space<vmem>>
      %dma_wait3A_1751 = tpu.memref_squeeze %dma_wait3A_1750 : memref<1x80x128xf32, #tpu.memory_space<vmem>> -> memref<80x128xf32, #tpu.memory_space<vmem>>
      tpu.wait_dma2 semaphore(%dma_wait3A_1745 : memref<!tpu.dma_semaphore, #tpu.memory_space<semaphore_mem>>) src(%dma_wait3A_1751 : memref<80x128xf32, #tpu.memory_space<vmem>>) dst(%dma_wait3A_1747 : memref<80x128xf32, #tpu.memory_space<hbm>>)
      %lt3A_1752 = arith.constant 7 : i32
      %lt3A_1753 = arith.cmpi slt, %add3A_1305, %lt3A_1752 : i32
      %convert_element_type3A_1754 = arith.extui %lt3A_1753 : i1 to i32
      %cond3A_1755 = arith.constant 0 : i32
      %cond3A_1756 = arith.cmpi ne, %convert_element_type3A_1754, %cond3A_1755 : i32
      scf.if %cond3A_1756 {
        %add3A_1953 = arith.constant 10 : i32
        %add3A_1954 = arith.addi %add3A_1732, %add3A_1953 : i32
        %mul3A_1955 = arith.constant 80 : i32
        %mul3A_1956 = arith.muli %add3A_1954, %mul3A_1955 : i32
        %add3A_1957 = arith.constant 0 : i32
        %add3A_1958 = arith.addi %mul3A_1956, %add3A_1957 : i32
        %mul3A_1959 = arith.constant 32 : i32
        %mul3A_1960 = arith.muli %add3A, %mul3A_1959 : i32
        %add3A_1961 = arith.addi %add3A_1958, %mul3A_1960 : i32
        %and3A_1962 = arith.constant 8191 : i32
        %and3A_1963 = arith.andi %add3A_1961, %and3A_1962 : i32
        %add3A_1964 = arith.constant 100000 : i32
        %add3A_1965 = arith.addi %add3A_1964, %and3A_1963 : i32
        %add3A_1966 = vector.broadcast %add3A_1965 : i32 to vector<16xi32>
        %add3A_1967 = arith.addi %add3A_1966, %iota3A : vector<16xi32>
        %get3A_1968 = arith.index_cast %add3A_1958 : i32 to index
        %get3A_1969 = tpu.vector_load %arg6[%get3A_1968] {strides = array<i32>} : memref<6400xi32, #tpu.memory_space<vmem>>, vector<16xi32>,
        %get3A_1970 = vector.shape_cast %get3A_1969 : vector<16xi32> to vector<16xi32>
        %sub3A_1971 = arith.subi %get3A_1970, %add3A_1967 : vector<16xi32>
        %get3A_1972 = arith.index_cast %add3A_1958 : i32 to index
        %get3A_1973 = tpu.vector_load %arg7[%get3A_1972] {strides = array<i32>} : memref<6400xi32, #tpu.memory_space<vmem>>, vector<16xi32>,
        %get3A_1974 = vector.shape_cast %get3A_1973 : vector<16xi32> to vector<16xi32>
        %mul3A_1975 = arith.muli %sub3A_1971, %get3A_1974 : vector<16xi32>
        %add3A_1976 = arith.addi %add3A_1967, %mul3A_1975 : vector<16xi32>
        %swap3A_1977 = arith.index_cast %add3A_1958 : i32 to index
        %swap3A_1978 = tpu.vector_load %arg6[%swap3A_1977] {strides = array<i32>} : memref<6400xi32, #tpu.memory_space<vmem>>, vector<16xi32>,
        %swap3A_1979 = vector.shape_cast %swap3A_1978 : vector<16xi32> to vector<16xi32>
        %swap3A_1980 = vector.shape_cast %add3A_1976 : vector<16xi32> to vector<16xi32>
        tpu.vector_store %arg6[%swap3A_1977], %swap3A_1980 {strides = array<i32>} : memref<6400xi32, #tpu.memory_space<vmem>>, vector<16xi32>,
        %mul3A_1981 = arith.constant 80 : i32
        %mul3A_1982 = arith.muli %add3A_1954, %mul3A_1981 : i32
        %add3A_1983 = arith.constant 16 : i32
        %add3A_1984 = arith.addi %mul3A_1982, %add3A_1983 : i32
        %mul3A_1985 = arith.constant 32 : i32
        %mul3A_1986 = arith.muli %add3A, %mul3A_1985 : i32
        %add3A_1987 = arith.addi %add3A_1984, %mul3A_1986 : i32
        %and3A_1988 = arith.constant 8191 : i32
        %and3A_1989 = arith.andi %add3A_1987, %and3A_1988 : i32
        %add3A_1990 = arith.constant 100000 : i32
        %add3A_1991 = arith.addi %add3A_1990, %and3A_1989 : i32
        %add3A_1992 = vector.broadcast %add3A_1991 : i32 to vector<16xi32>
        %add3A_1993 = arith.addi %add3A_1992, %iota3A : vector<16xi32>
        %get3A_1994 = arith.index_cast %add3A_1984 : i32 to index
        %get3A_1995 = tpu.vector_load %arg6[%get3A_1994] {strides = array<i32>} : memref<6400xi32, #tpu.memory_space<vmem>>, vector<16xi32>,
        %get3A_1996 = vector.shape_cast %get3A_1995 : vector<16xi32> to vector<16xi32>
        %sub3A_1997 = arith.subi %get3A_1996, %add3A_1993 : vector<16xi32>
        %get3A_1998 = arith.index_cast %add3A_1984 : i32 to index
        %get3A_1999 = tpu.vector_load %arg7[%get3A_1998] {strides = array<i32>} : memref<6400xi32, #tpu.memory_space<vmem>>, vector<16xi32>,
        %get3A_2000 = vector.shape_cast %get3A_1999 : vector<16xi32> to vector<16xi32>
        %mul3A_2001 = arith.muli %sub3A_1997, %get3A_2000 : vector<16xi32>
        %add3A_2002 = arith.addi %add3A_1993, %mul3A_2001 : vector<16xi32>
        %swap3A_2003 = arith.index_cast %add3A_1984 : i32 to index
        %swap3A_2004 = tpu.vector_load %arg6[%swap3A_2003] {strides = array<i32>} : memref<6400xi32, #tpu.memory_space<vmem>>, vector<16xi32>,
        %swap3A_2005 = vector.shape_cast %swap3A_2004 : vector<16xi32> to vector<16xi32>
        %swap3A_2006 = vector.shape_cast %add3A_2002 : vector<16xi32> to vector<16xi32>
        tpu.vector_store %arg6[%swap3A_2003], %swap3A_2006 {strides = array<i32>} : memref<6400xi32, #tpu.memory_space<vmem>>, vector<16xi32>,
        %mul3A_2007 = arith.constant 80 : i32
        %mul3A_2008 = arith.muli %add3A_1954, %mul3A_2007 : i32
        %add3A_2009 = arith.constant 32 : i32
        %add3A_2010 = arith.addi %mul3A_2008, %add3A_2009 : i32
        %mul3A_2011 = arith.constant 32 : i32
        %mul3A_2012 = arith.muli %add3A, %mul3A_2011 : i32
        %add3A_2013 = arith.addi %add3A_2010, %mul3A_2012 : i32
        %and3A_2014 = arith.constant 8191 : i32
        %and3A_2015 = arith.andi %add3A_2013, %and3A_2014 : i32
        %add3A_2016 = arith.constant 100000 : i32
        %add3A_2017 = arith.addi %add3A_2016, %and3A_2015 : i32
        %add3A_2018 = vector.broadcast %add3A_2017 : i32 to vector<16xi32>
        %add3A_2019 = arith.addi %add3A_2018, %iota3A : vector<16xi32>
        %get3A_2020 = arith.index_cast %add3A_2010 : i32 to index
        %get3A_2021 = tpu.vector_load %arg6[%get3A_2020] {strides = array<i32>} : memref<6400xi32, #tpu.memory_space<vmem>>, vector<16xi32>,
        %get3A_2022 = vector.shape_cast %get3A_2021 : vector<16xi32> to vector<16xi32>
        %sub3A_2023 = arith.subi %get3A_2022, %add3A_2019 : vector<16xi32>
        %get3A_2024 = arith.index_cast %add3A_2010 : i32 to index
        %get3A_2025 = tpu.vector_load %arg7[%get3A_2024] {strides = array<i32>} : memref<6400xi32, #tpu.memory_space<vmem>>, vector<16xi32>,
        %get3A_2026 = vector.shape_cast %get3A_2025 : vector<16xi32> to vector<16xi32>
        %mul3A_2027 = arith.muli %sub3A_2023, %get3A_2026 : vector<16xi32>
        %add3A_2028 = arith.addi %add3A_2019, %mul3A_2027 : vector<16xi32>
        %swap3A_2029 = arith.index_cast %add3A_2010 : i32 to index
        %swap3A_2030 = tpu.vector_load %arg6[%swap3A_2029] {strides = array<i32>} : memref<6400xi32, #tpu.memory_space<vmem>>, vector<16xi32>,
        %swap3A_2031 = vector.shape_cast %swap3A_2030 : vector<16xi32> to vector<16xi32>
        %swap3A_2032 = vector.shape_cast %add3A_2028 : vector<16xi32> to vector<16xi32>
        tpu.vector_store %arg6[%swap3A_2029], %swap3A_2032 {strides = array<i32>} : memref<6400xi32, #tpu.memory_space<vmem>>, vector<16xi32>,
        %mul3A_2033 = arith.constant 80 : i32
        %mul3A_2034 = arith.muli %add3A_1954, %mul3A_2033 : i32
        %add3A_2035 = arith.constant 48 : i32
        %add3A_2036 = arith.addi %mul3A_2034, %add3A_2035 : i32
        %mul3A_2037 = arith.constant 32 : i32
        %mul3A_2038 = arith.muli %add3A, %mul3A_2037 : i32
        %add3A_2039 = arith.addi %add3A_2036, %mul3A_2038 : i32
        %and3A_2040 = arith.constant 8191 : i32
        %and3A_2041 = arith.andi %add3A_2039, %and3A_2040 : i32
        %add3A_2042 = arith.constant 100000 : i32
        %add3A_2043 = arith.addi %add3A_2042, %and3A_2041 : i32
        %add3A_2044 = vector.broadcast %add3A_2043 : i32 to vector<16xi32>
        %add3A_2045 = arith.addi %add3A_2044, %iota3A : vector<16xi32>
        %get3A_2046 = arith.index_cast %add3A_2036 : i32 to index
        %get3A_2047 = tpu.vector_load %arg6[%get3A_2046] {strides = array<i32>} : memref<6400xi32, #tpu.memory_space<vmem>>, vector<16xi32>,
        %get3A_2048 = vector.shape_cast %get3A_2047 : vector<16xi32> to vector<16xi32>
        %sub3A_2049 = arith.subi %get3A_2048, %add3A_2045 : vector<16xi32>
        %get3A_2050 = arith.index_cast %add3A_2036 : i32 to index
        %get3A_2051 = tpu.vector_load %arg7[%get3A_2050] {strides = array<i32>} : memref<6400xi32, #tpu.memory_space<vmem>>, vector<16xi32>,
        %get3A_2052 = vector.shape_cast %get3A_2051 : vector<16xi32> to vector<16xi32>
        %mul3A_2053 = arith.muli %sub3A_2049, %get3A_2052 : vector<16xi32>
        %add3A_2054 = arith.addi %add3A_2045, %mul3A_2053 : vector<16xi32>
        %swap3A_2055 = arith.index_cast %add3A_2036 : i32 to index
        %swap3A_2056 = tpu.vector_load %arg6[%swap3A_2055] {strides = array<i32>} : memref<6400xi32, #tpu.memory_space<vmem>>, vector<16xi32>,
        %swap3A_2057 = vector.shape_cast %swap3A_2056 : vector<16xi32> to vector<16xi32>
        %swap3A_2058 = vector.shape_cast %add3A_2054 : vector<16xi32> to vector<16xi32>
        tpu.vector_store %arg6[%swap3A_2055], %swap3A_2058 {strides = array<i32>} : memref<6400xi32, #tpu.memory_space<vmem>>, vector<16xi32>,
        %mul3A_2059 = arith.constant 80 : i32
        %mul3A_2060 = arith.muli %add3A_1954, %mul3A_2059 : i32
        %add3A_2061 = arith.constant 64 : i32
        %add3A_2062 = arith.addi %mul3A_2060, %add3A_2061 : i32
        %mul3A_2063 = arith.constant 32 : i32
        %mul3A_2064 = arith.muli %add3A, %mul3A_2063 : i32
        %add3A_2065 = arith.addi %add3A_2062, %mul3A_2064 : i32
        %and3A_2066 = arith.constant 8191 : i32
        %and3A_2067 = arith.andi %add3A_2065, %and3A_2066 : i32
        %add3A_2068 = arith.constant 100000 : i32
        %add3A_2069 = arith.addi %add3A_2068, %and3A_2067 : i32
        %add3A_2070 = vector.broadcast %add3A_2069 : i32 to vector<16xi32>
        %add3A_2071 = arith.addi %add3A_2070, %iota3A : vector<16xi32>
        %get3A_2072 = arith.index_cast %add3A_2062 : i32 to index
        %get3A_2073 = tpu.vector_load %arg6[%get3A_2072] {strides = array<i32>} : memref<6400xi32, #tpu.memory_space<vmem>>, vector<16xi32>,
        %get3A_2074 = vector.shape_cast %get3A_2073 : vector<16xi32> to vector<16xi32>
        %sub3A_2075 = arith.subi %get3A_2074, %add3A_2071 : vector<16xi32>
        %get3A_2076 = arith.index_cast %add3A_2062 : i32 to index
        %get3A_2077 = tpu.vector_load %arg7[%get3A_2076] {strides = array<i32>} : memref<6400xi32, #tpu.memory_space<vmem>>, vector<16xi32>,
        %get3A_2078 = vector.shape_cast %get3A_2077 : vector<16xi32> to vector<16xi32>
        %mul3A_2079 = arith.muli %sub3A_2075, %get3A_2078 : vector<16xi32>
        %add3A_2080 = arith.addi %add3A_2071, %mul3A_2079 : vector<16xi32>
        %swap3A_2081 = arith.index_cast %add3A_2062 : i32 to index
        %swap3A_2082 = tpu.vector_load %arg6[%swap3A_2081] {strides = array<i32>} : memref<6400xi32, #tpu.memory_space<vmem>>, vector<16xi32>,
        %swap3A_2083 = vector.shape_cast %swap3A_2082 : vector<16xi32> to vector<16xi32>
        %swap3A_2084 = vector.shape_cast %add3A_2080 : vector<16xi32> to vector<16xi32>
        tpu.vector_store %arg6[%swap3A_2081], %swap3A_2084 {strides = array<i32>} : memref<6400xi32, #tpu.memory_space<vmem>>, vector<16xi32>,
        %add3A_2085 = arith.constant 10 : i32
        %add3A_2086 = arith.addi %add3A_1732, %add3A_2085 : i32
        %mul3A_2087 = arith.constant 80 : i32
        %mul3A_2088 = arith.muli %add3A_2086, %mul3A_2087 : i32
        %dma_start3A_2089 = arith.constant 2 : i32
        %dma_start3A_2090 = arith.constant 2 : i32
        %dma_start3A_2091 = arith.constant 0 : i32
        %dma_start3A_2092 = arith.constant 0 : i32
        %dma_start3A_2093 = tpu.memref_slice %arg8[%dma_start3A_2089, %dma_start3A_2091, %dma_start3A_2092] : memref<10x80x128xf32, #tpu.memory_space<vmem>> -> memref<1x80x128xf32, #tpu.memory_space<vmem>>
        %dma_start3A_2094 = tpu.memref_squeeze %dma_start3A_2093 : memref<1x80x128xf32, #tpu.memory_space<vmem>> -> memref<80x128xf32, #tpu.memory_space<vmem>>
        %dma_start3A_2095 = tpu.memref_slice %arg6[%mul3A_2088] : memref<6400xi32, #tpu.memory_space<vmem>> -> memref<80xi32, #tpu.memory_space<vmem>>
        %dma_start3A_2096 = arith.constant 0 : i32
        %dma_start3A_2097 = arith.constant 0 : i32
        %dma_start3A_2098 = tpu.memref_slice %arg2[%dma_start3A_2096, %dma_start3A_2097] : memref<108192x128xf32, #tpu.memory_space<hbm>> -> memref<108192x128xf32, #tpu.memory_space<hbm>>
        %dma_start3A_2099 = tpu.memref_slice %arg9[%dma_start3A_2090] : memref<10x!tpu.dma_semaphore, #tpu.memory_space<semaphore_mem>> -> memref<1x!tpu.dma_semaphore, #tpu.memory_space<semaphore_mem>>
        %dma_start3A_2100 = tpu.memref_squeeze %dma_start3A_2099 : memref<1x!tpu.dma_semaphore, #tpu.memory_space<semaphore_mem>> -> memref<!tpu.dma_semaphore, #tpu.memory_space<semaphore_mem>>
        tpu.enqueue_indirect_dma source(%dma_start3A_2098 : memref<108192x128xf32, #tpu.memory_space<hbm>>) target(%dma_start3A_2094 : memref<80x128xf32, #tpu.memory_space<vmem>>) offsets(%dma_start3A_2095 : memref<80xi32, #tpu.memory_space<vmem>>) semaphore(%dma_start3A_2100 : memref<!tpu.dma_semaphore, #tpu.memory_space<semaphore_mem>>)
      } else {
      }
      %mul3A_1757 = arith.constant 10 : i32
      %mul3A_1758 = arith.muli %add3A_1305, %mul3A_1757 : i32
      %add3A_1759 = arith.constant 3 : i32
      %add3A_1760 = arith.addi %mul3A_1758, %add3A_1759 : i32
      %mul3A_1761 = arith.constant 80 : i32
      %mul3A_1762 = arith.muli %add3A_1760, %mul3A_1761 : i32
      %add3A_1763 = arith.addi %mul3A_2, %mul3A_1762 : i32
      %dma_wait3A_1764 = arith.constant 3 : i32
      %dma_wait3A_1765 = arith.constant 3 : i32
      %dma_wait3A_1766 = arith.constant 0 : i32
      %dma_wait3A_1767 = arith.constant 0 : i32
      %dma_wait3A_1768 = tpu.memref_slice %arg8[%dma_wait3A_1764, %dma_wait3A_1766, %dma_wait3A_1767] : memref<10x80x128xf32, #tpu.memory_space<vmem>> -> memref<1x80x128xf32, #tpu.memory_space<vmem>>
      %dma_wait3A_1769 = tpu.memref_squeeze %dma_wait3A_1768 : memref<1x80x128xf32, #tpu.memory_space<vmem>> -> memref<80x128xf32, #tpu.memory_space<vmem>>
      %dma_wait3A_1770 = arith.constant 0 : i32
      %dma_wait3A_1771 = tpu.memref_slice %arg5[%add3A_1763, %dma_wait3A_1770] : memref<204800x128xf32, #tpu.memory_space<hbm>> -> memref<80x128xf32, #tpu.memory_space<hbm>>
      %dma_wait3A_1772 = tpu.memref_slice %arg10[%dma_wait3A_1765] : memref<10x!tpu.dma_semaphore, #tpu.memory_space<semaphore_mem>> -> memref<1x!tpu.dma_semaphore, #tpu.memory_space<semaphore_mem>>
      %dma_wait3A_1773 = tpu.memref_squeeze %dma_wait3A_1772 : memref<1x!tpu.dma_semaphore, #tpu.memory_space<semaphore_mem>> -> memref<!tpu.dma_semaphore, #tpu.memory_space<semaphore_mem>>
      %dma_wait3A_1774 = arith.constant 0 : i32
      %dma_wait3A_1775 = tpu.memref_slice %arg5[%add3A_1763, %dma_wait3A_1774] : memref<204800x128xf32, #tpu.memory_space<hbm>> -> memref<80x128xf32, #tpu.memory_space<hbm>>
      %dma_wait3A_1776 = arith.constant 0 : i32
      %dma_wait3A_1777 = arith.constant 0 : i32
      %dma_wait3A_1778 = tpu.memref_slice %arg8[%dma_wait3A_1764, %dma_wait3A_1776, %dma_wait3A_1777] : memref<10x80x128xf32, #tpu.memory_space<vmem>> -> memref<1x80x128xf32, #tpu.memory_space<vmem>>
      %dma_wait3A_1779 = tpu.memref_squeeze %dma_wait3A_1778 : memref<1x80x128xf32, #tpu.memory_space<vmem>> -> memref<80x128xf32, #tpu.memory_space<vmem>>
      tpu.wait_dma2 semaphore(%dma_wait3A_1773 : memref<!tpu.dma_semaphore, #tpu.memory_space<semaphore_mem>>) src(%dma_wait3A_1779 : memref<80x128xf32, #tpu.memory_space<vmem>>) dst(%dma_wait3A_1775 : memref<80x128xf32, #tpu.memory_space<hbm>>)
      %lt3A_1780 = arith.constant 7 : i32
      %lt3A_1781 = arith.cmpi slt, %add3A_1305, %lt3A_1780 : i32
      %convert_element_type3A_1782 = arith.extui %lt3A_1781 : i1 to i32
      %cond3A_1783 = arith.constant 0 : i32
      %cond3A_1784 = arith.cmpi ne, %convert_element_type3A_1782, %cond3A_1783 : i32
      scf.if %cond3A_1784 {
        %add3A_1953 = arith.constant 10 : i32
        %add3A_1954 = arith.addi %add3A_1760, %add3A_1953 : i32
        %mul3A_1955 = arith.constant 80 : i32
        %mul3A_1956 = arith.muli %add3A_1954, %mul3A_1955 : i32
        %add3A_1957 = arith.constant 0 : i32
        %add3A_1958 = arith.addi %mul3A_1956, %add3A_1957 : i32
        %mul3A_1959 = arith.constant 32 : i32
        %mul3A_1960 = arith.muli %add3A, %mul3A_1959 : i32
        %add3A_1961 = arith.addi %add3A_1958, %mul3A_1960 : i32
        %and3A_1962 = arith.constant 8191 : i32
        %and3A_1963 = arith.andi %add3A_1961, %and3A_1962 : i32
        %add3A_1964 = arith.constant 100000 : i32
        %add3A_1965 = arith.addi %add3A_1964, %and3A_1963 : i32
        %add3A_1966 = vector.broadcast %add3A_1965 : i32 to vector<16xi32>
        %add3A_1967 = arith.addi %add3A_1966, %iota3A : vector<16xi32>
        %get3A_1968 = arith.index_cast %add3A_1958 : i32 to index
        %get3A_1969 = tpu.vector_load %arg6[%get3A_1968] {strides = array<i32>} : memref<6400xi32, #tpu.memory_space<vmem>>, vector<16xi32>,
        %get3A_1970 = vector.shape_cast %get3A_1969 : vector<16xi32> to vector<16xi32>
        %sub3A_1971 = arith.subi %get3A_1970, %add3A_1967 : vector<16xi32>
        %get3A_1972 = arith.index_cast %add3A_1958 : i32 to index
        %get3A_1973 = tpu.vector_load %arg7[%get3A_1972] {strides = array<i32>} : memref<6400xi32, #tpu.memory_space<vmem>>, vector<16xi32>,
        %get3A_1974 = vector.shape_cast %get3A_1973 : vector<16xi32> to vector<16xi32>
        %mul3A_1975 = arith.muli %sub3A_1971, %get3A_1974 : vector<16xi32>
        %add3A_1976 = arith.addi %add3A_1967, %mul3A_1975 : vector<16xi32>
        %swap3A_1977 = arith.index_cast %add3A_1958 : i32 to index
        %swap3A_1978 = tpu.vector_load %arg6[%swap3A_1977] {strides = array<i32>} : memref<6400xi32, #tpu.memory_space<vmem>>, vector<16xi32>,
        %swap3A_1979 = vector.shape_cast %swap3A_1978 : vector<16xi32> to vector<16xi32>
        %swap3A_1980 = vector.shape_cast %add3A_1976 : vector<16xi32> to vector<16xi32>
        tpu.vector_store %arg6[%swap3A_1977], %swap3A_1980 {strides = array<i32>} : memref<6400xi32, #tpu.memory_space<vmem>>, vector<16xi32>,
        %mul3A_1981 = arith.constant 80 : i32
        %mul3A_1982 = arith.muli %add3A_1954, %mul3A_1981 : i32
        %add3A_1983 = arith.constant 16 : i32
        %add3A_1984 = arith.addi %mul3A_1982, %add3A_1983 : i32
        %mul3A_1985 = arith.constant 32 : i32
        %mul3A_1986 = arith.muli %add3A, %mul3A_1985 : i32
        %add3A_1987 = arith.addi %add3A_1984, %mul3A_1986 : i32
        %and3A_1988 = arith.constant 8191 : i32
        %and3A_1989 = arith.andi %add3A_1987, %and3A_1988 : i32
        %add3A_1990 = arith.constant 100000 : i32
        %add3A_1991 = arith.addi %add3A_1990, %and3A_1989 : i32
        %add3A_1992 = vector.broadcast %add3A_1991 : i32 to vector<16xi32>
        %add3A_1993 = arith.addi %add3A_1992, %iota3A : vector<16xi32>
        %get3A_1994 = arith.index_cast %add3A_1984 : i32 to index
        %get3A_1995 = tpu.vector_load %arg6[%get3A_1994] {strides = array<i32>} : memref<6400xi32, #tpu.memory_space<vmem>>, vector<16xi32>,
        %get3A_1996 = vector.shape_cast %get3A_1995 : vector<16xi32> to vector<16xi32>
        %sub3A_1997 = arith.subi %get3A_1996, %add3A_1993 : vector<16xi32>
        %get3A_1998 = arith.index_cast %add3A_1984 : i32 to index
        %get3A_1999 = tpu.vector_load %arg7[%get3A_1998] {strides = array<i32>} : memref<6400xi32, #tpu.memory_space<vmem>>, vector<16xi32>,
        %get3A_2000 = vector.shape_cast %get3A_1999 : vector<16xi32> to vector<16xi32>
        %mul3A_2001 = arith.muli %sub3A_1997, %get3A_2000 : vector<16xi32>
        %add3A_2002 = arith.addi %add3A_1993, %mul3A_2001 : vector<16xi32>
        %swap3A_2003 = arith.index_cast %add3A_1984 : i32 to index
        %swap3A_2004 = tpu.vector_load %arg6[%swap3A_2003] {strides = array<i32>} : memref<6400xi32, #tpu.memory_space<vmem>>, vector<16xi32>,
        %swap3A_2005 = vector.shape_cast %swap3A_2004 : vector<16xi32> to vector<16xi32>
        %swap3A_2006 = vector.shape_cast %add3A_2002 : vector<16xi32> to vector<16xi32>
        tpu.vector_store %arg6[%swap3A_2003], %swap3A_2006 {strides = array<i32>} : memref<6400xi32, #tpu.memory_space<vmem>>, vector<16xi32>,
        %mul3A_2007 = arith.constant 80 : i32
        %mul3A_2008 = arith.muli %add3A_1954, %mul3A_2007 : i32
        %add3A_2009 = arith.constant 32 : i32
        %add3A_2010 = arith.addi %mul3A_2008, %add3A_2009 : i32
        %mul3A_2011 = arith.constant 32 : i32
        %mul3A_2012 = arith.muli %add3A, %mul3A_2011 : i32
        %add3A_2013 = arith.addi %add3A_2010, %mul3A_2012 : i32
        %and3A_2014 = arith.constant 8191 : i32
        %and3A_2015 = arith.andi %add3A_2013, %and3A_2014 : i32
        %add3A_2016 = arith.constant 100000 : i32
        %add3A_2017 = arith.addi %add3A_2016, %and3A_2015 : i32
        %add3A_2018 = vector.broadcast %add3A_2017 : i32 to vector<16xi32>
        %add3A_2019 = arith.addi %add3A_2018, %iota3A : vector<16xi32>
        %get3A_2020 = arith.index_cast %add3A_2010 : i32 to index
        %get3A_2021 = tpu.vector_load %arg6[%get3A_2020] {strides = array<i32>} : memref<6400xi32, #tpu.memory_space<vmem>>, vector<16xi32>,
        %get3A_2022 = vector.shape_cast %get3A_2021 : vector<16xi32> to vector<16xi32>
        %sub3A_2023 = arith.subi %get3A_2022, %add3A_2019 : vector<16xi32>
        %get3A_2024 = arith.index_cast %add3A_2010 : i32 to index
        %get3A_2025 = tpu.vector_load %arg7[%get3A_2024] {strides = array<i32>} : memref<6400xi32, #tpu.memory_space<vmem>>, vector<16xi32>,
        %get3A_2026 = vector.shape_cast %get3A_2025 : vector<16xi32> to vector<16xi32>
        %mul3A_2027 = arith.muli %sub3A_2023, %get3A_2026 : vector<16xi32>
        %add3A_2028 = arith.addi %add3A_2019, %mul3A_2027 : vector<16xi32>
        %swap3A_2029 = arith.index_cast %add3A_2010 : i32 to index
        %swap3A_2030 = tpu.vector_load %arg6[%swap3A_2029] {strides = array<i32>} : memref<6400xi32, #tpu.memory_space<vmem>>, vector<16xi32>,
        %swap3A_2031 = vector.shape_cast %swap3A_2030 : vector<16xi32> to vector<16xi32>
        %swap3A_2032 = vector.shape_cast %add3A_2028 : vector<16xi32> to vector<16xi32>
        tpu.vector_store %arg6[%swap3A_2029], %swap3A_2032 {strides = array<i32>} : memref<6400xi32, #tpu.memory_space<vmem>>, vector<16xi32>,
        %mul3A_2033 = arith.constant 80 : i32
        %mul3A_2034 = arith.muli %add3A_1954, %mul3A_2033 : i32
        %add3A_2035 = arith.constant 48 : i32
        %add3A_2036 = arith.addi %mul3A_2034, %add3A_2035 : i32
        %mul3A_2037 = arith.constant 32 : i32
        %mul3A_2038 = arith.muli %add3A, %mul3A_2037 : i32
        %add3A_2039 = arith.addi %add3A_2036, %mul3A_2038 : i32
        %and3A_2040 = arith.constant 8191 : i32
        %and3A_2041 = arith.andi %add3A_2039, %and3A_2040 : i32
        %add3A_2042 = arith.constant 100000 : i32
        %add3A_2043 = arith.addi %add3A_2042, %and3A_2041 : i32
        %add3A_2044 = vector.broadcast %add3A_2043 : i32 to vector<16xi32>
        %add3A_2045 = arith.addi %add3A_2044, %iota3A : vector<16xi32>
        %get3A_2046 = arith.index_cast %add3A_2036 : i32 to index
        %get3A_2047 = tpu.vector_load %arg6[%get3A_2046] {strides = array<i32>} : memref<6400xi32, #tpu.memory_space<vmem>>, vector<16xi32>,
        %get3A_2048 = vector.shape_cast %get3A_2047 : vector<16xi32> to vector<16xi32>
        %sub3A_2049 = arith.subi %get3A_2048, %add3A_2045 : vector<16xi32>
        %get3A_2050 = arith.index_cast %add3A_2036 : i32 to index
        %get3A_2051 = tpu.vector_load %arg7[%get3A_2050] {strides = array<i32>} : memref<6400xi32, #tpu.memory_space<vmem>>, vector<16xi32>,
        %get3A_2052 = vector.shape_cast %get3A_2051 : vector<16xi32> to vector<16xi32>
        %mul3A_2053 = arith.muli %sub3A_2049, %get3A_2052 : vector<16xi32>
        %add3A_2054 = arith.addi %add3A_2045, %mul3A_2053 : vector<16xi32>
        %swap3A_2055 = arith.index_cast %add3A_2036 : i32 to index
        %swap3A_2056 = tpu.vector_load %arg6[%swap3A_2055] {strides = array<i32>} : memref<6400xi32, #tpu.memory_space<vmem>>, vector<16xi32>,
        %swap3A_2057 = vector.shape_cast %swap3A_2056 : vector<16xi32> to vector<16xi32>
        %swap3A_2058 = vector.shape_cast %add3A_2054 : vector<16xi32> to vector<16xi32>
        tpu.vector_store %arg6[%swap3A_2055], %swap3A_2058 {strides = array<i32>} : memref<6400xi32, #tpu.memory_space<vmem>>, vector<16xi32>,
        %mul3A_2059 = arith.constant 80 : i32
        %mul3A_2060 = arith.muli %add3A_1954, %mul3A_2059 : i32
        %add3A_2061 = arith.constant 64 : i32
        %add3A_2062 = arith.addi %mul3A_2060, %add3A_2061 : i32
        %mul3A_2063 = arith.constant 32 : i32
        %mul3A_2064 = arith.muli %add3A, %mul3A_2063 : i32
        %add3A_2065 = arith.addi %add3A_2062, %mul3A_2064 : i32
        %and3A_2066 = arith.constant 8191 : i32
        %and3A_2067 = arith.andi %add3A_2065, %and3A_2066 : i32
        %add3A_2068 = arith.constant 100000 : i32
        %add3A_2069 = arith.addi %add3A_2068, %and3A_2067 : i32
        %add3A_2070 = vector.broadcast %add3A_2069 : i32 to vector<16xi32>
        %add3A_2071 = arith.addi %add3A_2070, %iota3A : vector<16xi32>
        %get3A_2072 = arith.index_cast %add3A_2062 : i32 to index
        %get3A_2073 = tpu.vector_load %arg6[%get3A_2072] {strides = array<i32>} : memref<6400xi32, #tpu.memory_space<vmem>>, vector<16xi32>,
        %get3A_2074 = vector.shape_cast %get3A_2073 : vector<16xi32> to vector<16xi32>
        %sub3A_2075 = arith.subi %get3A_2074, %add3A_2071 : vector<16xi32>
        %get3A_2076 = arith.index_cast %add3A_2062 : i32 to index
        %get3A_2077 = tpu.vector_load %arg7[%get3A_2076] {strides = array<i32>} : memref<6400xi32, #tpu.memory_space<vmem>>, vector<16xi32>,
        %get3A_2078 = vector.shape_cast %get3A_2077 : vector<16xi32> to vector<16xi32>
        %mul3A_2079 = arith.muli %sub3A_2075, %get3A_2078 : vector<16xi32>
        %add3A_2080 = arith.addi %add3A_2071, %mul3A_2079 : vector<16xi32>
        %swap3A_2081 = arith.index_cast %add3A_2062 : i32 to index
        %swap3A_2082 = tpu.vector_load %arg6[%swap3A_2081] {strides = array<i32>} : memref<6400xi32, #tpu.memory_space<vmem>>, vector<16xi32>,
        %swap3A_2083 = vector.shape_cast %swap3A_2082 : vector<16xi32> to vector<16xi32>
        %swap3A_2084 = vector.shape_cast %add3A_2080 : vector<16xi32> to vector<16xi32>
        tpu.vector_store %arg6[%swap3A_2081], %swap3A_2084 {strides = array<i32>} : memref<6400xi32, #tpu.memory_space<vmem>>, vector<16xi32>,
        %add3A_2085 = arith.constant 10 : i32
        %add3A_2086 = arith.addi %add3A_1760, %add3A_2085 : i32
        %mul3A_2087 = arith.constant 80 : i32
        %mul3A_2088 = arith.muli %add3A_2086, %mul3A_2087 : i32
        %dma_start3A_2089 = arith.constant 3 : i32
        %dma_start3A_2090 = arith.constant 3 : i32
        %dma_start3A_2091 = arith.constant 0 : i32
        %dma_start3A_2092 = arith.constant 0 : i32
        %dma_start3A_2093 = tpu.memref_slice %arg8[%dma_start3A_2089, %dma_start3A_2091, %dma_start3A_2092] : memref<10x80x128xf32, #tpu.memory_space<vmem>> -> memref<1x80x128xf32, #tpu.memory_space<vmem>>
        %dma_start3A_2094 = tpu.memref_squeeze %dma_start3A_2093 : memref<1x80x128xf32, #tpu.memory_space<vmem>> -> memref<80x128xf32, #tpu.memory_space<vmem>>
        %dma_start3A_2095 = tpu.memref_slice %arg6[%mul3A_2088] : memref<6400xi32, #tpu.memory_space<vmem>> -> memref<80xi32, #tpu.memory_space<vmem>>
        %dma_start3A_2096 = arith.constant 0 : i32
        %dma_start3A_2097 = arith.constant 0 : i32
        %dma_start3A_2098 = tpu.memref_slice %arg2[%dma_start3A_2096, %dma_start3A_2097] : memref<108192x128xf32, #tpu.memory_space<hbm>> -> memref<108192x128xf32, #tpu.memory_space<hbm>>
        %dma_start3A_2099 = tpu.memref_slice %arg9[%dma_start3A_2090] : memref<10x!tpu.dma_semaphore, #tpu.memory_space<semaphore_mem>> -> memref<1x!tpu.dma_semaphore, #tpu.memory_space<semaphore_mem>>
        %dma_start3A_2100 = tpu.memref_squeeze %dma_start3A_2099 : memref<1x!tpu.dma_semaphore, #tpu.memory_space<semaphore_mem>> -> memref<!tpu.dma_semaphore, #tpu.memory_space<semaphore_mem>>
        tpu.enqueue_indirect_dma source(%dma_start3A_2098 : memref<108192x128xf32, #tpu.memory_space<hbm>>) target(%dma_start3A_2094 : memref<80x128xf32, #tpu.memory_space<vmem>>) offsets(%dma_start3A_2095 : memref<80xi32, #tpu.memory_space<vmem>>) semaphore(%dma_start3A_2100 : memref<!tpu.dma_semaphore, #tpu.memory_space<semaphore_mem>>)
      } else {
      }
      %mul3A_1785 = arith.constant 10 : i32
      %mul3A_1786 = arith.muli %add3A_1305, %mul3A_1785 : i32
      %add3A_1787 = arith.constant 4 : i32
      %add3A_1788 = arith.addi %mul3A_1786, %add3A_1787 : i32
      %mul3A_1789 = arith.constant 80 : i32
      %mul3A_1790 = arith.muli %add3A_1788, %mul3A_1789 : i32
      %add3A_1791 = arith.addi %mul3A_2, %mul3A_1790 : i32
      %dma_wait3A_1792 = arith.constant 4 : i32
      %dma_wait3A_1793 = arith.constant 4 : i32
      %dma_wait3A_1794 = arith.constant 0 : i32
      %dma_wait3A_1795 = arith.constant 0 : i32
      %dma_wait3A_1796 = tpu.memref_slice %arg8[%dma_wait3A_1792, %dma_wait3A_1794, %dma_wait3A_1795] : memref<10x80x128xf32, #tpu.memory_space<vmem>> -> memref<1x80x128xf32, #tpu.memory_space<vmem>>
      %dma_wait3A_1797 = tpu.memref_squeeze %dma_wait3A_1796 : memref<1x80x128xf32, #tpu.memory_space<vmem>> -> memref<80x128xf32, #tpu.memory_space<vmem>>
      %dma_wait3A_1798 = arith.constant 0 : i32
      %dma_wait3A_1799 = tpu.memref_slice %arg5[%add3A_1791, %dma_wait3A_1798] : memref<204800x128xf32, #tpu.memory_space<hbm>> -> memref<80x128xf32, #tpu.memory_space<hbm>>
      %dma_wait3A_1800 = tpu.memref_slice %arg10[%dma_wait3A_1793] : memref<10x!tpu.dma_semaphore, #tpu.memory_space<semaphore_mem>> -> memref<1x!tpu.dma_semaphore, #tpu.memory_space<semaphore_mem>>
      %dma_wait3A_1801 = tpu.memref_squeeze %dma_wait3A_1800 : memref<1x!tpu.dma_semaphore, #tpu.memory_space<semaphore_mem>> -> memref<!tpu.dma_semaphore, #tpu.memory_space<semaphore_mem>>
      %dma_wait3A_1802 = arith.constant 0 : i32
      %dma_wait3A_1803 = tpu.memref_slice %arg5[%add3A_1791, %dma_wait3A_1802] : memref<204800x128xf32, #tpu.memory_space<hbm>> -> memref<80x128xf32, #tpu.memory_space<hbm>>
      %dma_wait3A_1804 = arith.constant 0 : i32
      %dma_wait3A_1805 = arith.constant 0 : i32
      %dma_wait3A_1806 = tpu.memref_slice %arg8[%dma_wait3A_1792, %dma_wait3A_1804, %dma_wait3A_1805] : memref<10x80x128xf32, #tpu.memory_space<vmem>> -> memref<1x80x128xf32, #tpu.memory_space<vmem>>
      %dma_wait3A_1807 = tpu.memref_squeeze %dma_wait3A_1806 : memref<1x80x128xf32, #tpu.memory_space<vmem>> -> memref<80x128xf32, #tpu.memory_space<vmem>>
      tpu.wait_dma2 semaphore(%dma_wait3A_1801 : memref<!tpu.dma_semaphore, #tpu.memory_space<semaphore_mem>>) src(%dma_wait3A_1807 : memref<80x128xf32, #tpu.memory_space<vmem>>) dst(%dma_wait3A_1803 : memref<80x128xf32, #tpu.memory_space<hbm>>)
      %lt3A_1808 = arith.constant 7 : i32
      %lt3A_1809 = arith.cmpi slt, %add3A_1305, %lt3A_1808 : i32
      %convert_element_type3A_1810 = arith.extui %lt3A_1809 : i1 to i32
      %cond3A_1811 = arith.constant 0 : i32
      %cond3A_1812 = arith.cmpi ne, %convert_element_type3A_1810, %cond3A_1811 : i32
      scf.if %cond3A_1812 {
        %add3A_1953 = arith.constant 10 : i32
        %add3A_1954 = arith.addi %add3A_1788, %add3A_1953 : i32
        %mul3A_1955 = arith.constant 80 : i32
        %mul3A_1956 = arith.muli %add3A_1954, %mul3A_1955 : i32
        %add3A_1957 = arith.constant 0 : i32
        %add3A_1958 = arith.addi %mul3A_1956, %add3A_1957 : i32
        %mul3A_1959 = arith.constant 32 : i32
        %mul3A_1960 = arith.muli %add3A, %mul3A_1959 : i32
        %add3A_1961 = arith.addi %add3A_1958, %mul3A_1960 : i32
        %and3A_1962 = arith.constant 8191 : i32
        %and3A_1963 = arith.andi %add3A_1961, %and3A_1962 : i32
        %add3A_1964 = arith.constant 100000 : i32
        %add3A_1965 = arith.addi %add3A_1964, %and3A_1963 : i32
        %add3A_1966 = vector.broadcast %add3A_1965 : i32 to vector<16xi32>
        %add3A_1967 = arith.addi %add3A_1966, %iota3A : vector<16xi32>
        %get3A_1968 = arith.index_cast %add3A_1958 : i32 to index
        %get3A_1969 = tpu.vector_load %arg6[%get3A_1968] {strides = array<i32>} : memref<6400xi32, #tpu.memory_space<vmem>>, vector<16xi32>,
        %get3A_1970 = vector.shape_cast %get3A_1969 : vector<16xi32> to vector<16xi32>
        %sub3A_1971 = arith.subi %get3A_1970, %add3A_1967 : vector<16xi32>
        %get3A_1972 = arith.index_cast %add3A_1958 : i32 to index
        %get3A_1973 = tpu.vector_load %arg7[%get3A_1972] {strides = array<i32>} : memref<6400xi32, #tpu.memory_space<vmem>>, vector<16xi32>,
        %get3A_1974 = vector.shape_cast %get3A_1973 : vector<16xi32> to vector<16xi32>
        %mul3A_1975 = arith.muli %sub3A_1971, %get3A_1974 : vector<16xi32>
        %add3A_1976 = arith.addi %add3A_1967, %mul3A_1975 : vector<16xi32>
        %swap3A_1977 = arith.index_cast %add3A_1958 : i32 to index
        %swap3A_1978 = tpu.vector_load %arg6[%swap3A_1977] {strides = array<i32>} : memref<6400xi32, #tpu.memory_space<vmem>>, vector<16xi32>,
        %swap3A_1979 = vector.shape_cast %swap3A_1978 : vector<16xi32> to vector<16xi32>
        %swap3A_1980 = vector.shape_cast %add3A_1976 : vector<16xi32> to vector<16xi32>
        tpu.vector_store %arg6[%swap3A_1977], %swap3A_1980 {strides = array<i32>} : memref<6400xi32, #tpu.memory_space<vmem>>, vector<16xi32>,
        %mul3A_1981 = arith.constant 80 : i32
        %mul3A_1982 = arith.muli %add3A_1954, %mul3A_1981 : i32
        %add3A_1983 = arith.constant 16 : i32
        %add3A_1984 = arith.addi %mul3A_1982, %add3A_1983 : i32
        %mul3A_1985 = arith.constant 32 : i32
        %mul3A_1986 = arith.muli %add3A, %mul3A_1985 : i32
        %add3A_1987 = arith.addi %add3A_1984, %mul3A_1986 : i32
        %and3A_1988 = arith.constant 8191 : i32
        %and3A_1989 = arith.andi %add3A_1987, %and3A_1988 : i32
        %add3A_1990 = arith.constant 100000 : i32
        %add3A_1991 = arith.addi %add3A_1990, %and3A_1989 : i32
        %add3A_1992 = vector.broadcast %add3A_1991 : i32 to vector<16xi32>
        %add3A_1993 = arith.addi %add3A_1992, %iota3A : vector<16xi32>
        %get3A_1994 = arith.index_cast %add3A_1984 : i32 to index
        %get3A_1995 = tpu.vector_load %arg6[%get3A_1994] {strides = array<i32>} : memref<6400xi32, #tpu.memory_space<vmem>>, vector<16xi32>,
        %get3A_1996 = vector.shape_cast %get3A_1995 : vector<16xi32> to vector<16xi32>
        %sub3A_1997 = arith.subi %get3A_1996, %add3A_1993 : vector<16xi32>
        %get3A_1998 = arith.index_cast %add3A_1984 : i32 to index
        %get3A_1999 = tpu.vector_load %arg7[%get3A_1998] {strides = array<i32>} : memref<6400xi32, #tpu.memory_space<vmem>>, vector<16xi32>,
        %get3A_2000 = vector.shape_cast %get3A_1999 : vector<16xi32> to vector<16xi32>
        %mul3A_2001 = arith.muli %sub3A_1997, %get3A_2000 : vector<16xi32>
        %add3A_2002 = arith.addi %add3A_1993, %mul3A_2001 : vector<16xi32>
        %swap3A_2003 = arith.index_cast %add3A_1984 : i32 to index
        %swap3A_2004 = tpu.vector_load %arg6[%swap3A_2003] {strides = array<i32>} : memref<6400xi32, #tpu.memory_space<vmem>>, vector<16xi32>,
        %swap3A_2005 = vector.shape_cast %swap3A_2004 : vector<16xi32> to vector<16xi32>
        %swap3A_2006 = vector.shape_cast %add3A_2002 : vector<16xi32> to vector<16xi32>
        tpu.vector_store %arg6[%swap3A_2003], %swap3A_2006 {strides = array<i32>} : memref<6400xi32, #tpu.memory_space<vmem>>, vector<16xi32>,
        %mul3A_2007 = arith.constant 80 : i32
        %mul3A_2008 = arith.muli %add3A_1954, %mul3A_2007 : i32
        %add3A_2009 = arith.constant 32 : i32
        %add3A_2010 = arith.addi %mul3A_2008, %add3A_2009 : i32
        %mul3A_2011 = arith.constant 32 : i32
        %mul3A_2012 = arith.muli %add3A, %mul3A_2011 : i32
        %add3A_2013 = arith.addi %add3A_2010, %mul3A_2012 : i32
        %and3A_2014 = arith.constant 8191 : i32
        %and3A_2015 = arith.andi %add3A_2013, %and3A_2014 : i32
        %add3A_2016 = arith.constant 100000 : i32
        %add3A_2017 = arith.addi %add3A_2016, %and3A_2015 : i32
        %add3A_2018 = vector.broadcast %add3A_2017 : i32 to vector<16xi32>
        %add3A_2019 = arith.addi %add3A_2018, %iota3A : vector<16xi32>
        %get3A_2020 = arith.index_cast %add3A_2010 : i32 to index
        %get3A_2021 = tpu.vector_load %arg6[%get3A_2020] {strides = array<i32>} : memref<6400xi32, #tpu.memory_space<vmem>>, vector<16xi32>,
        %get3A_2022 = vector.shape_cast %get3A_2021 : vector<16xi32> to vector<16xi32>
        %sub3A_2023 = arith.subi %get3A_2022, %add3A_2019 : vector<16xi32>
        %get3A_2024 = arith.index_cast %add3A_2010 : i32 to index
        %get3A_2025 = tpu.vector_load %arg7[%get3A_2024] {strides = array<i32>} : memref<6400xi32, #tpu.memory_space<vmem>>, vector<16xi32>,
        %get3A_2026 = vector.shape_cast %get3A_2025 : vector<16xi32> to vector<16xi32>
        %mul3A_2027 = arith.muli %sub3A_2023, %get3A_2026 : vector<16xi32>
        %add3A_2028 = arith.addi %add3A_2019, %mul3A_2027 : vector<16xi32>
        %swap3A_2029 = arith.index_cast %add3A_2010 : i32 to index
        %swap3A_2030 = tpu.vector_load %arg6[%swap3A_2029] {strides = array<i32>} : memref<6400xi32, #tpu.memory_space<vmem>>, vector<16xi32>,
        %swap3A_2031 = vector.shape_cast %swap3A_2030 : vector<16xi32> to vector<16xi32>
        %swap3A_2032 = vector.shape_cast %add3A_2028 : vector<16xi32> to vector<16xi32>
        tpu.vector_store %arg6[%swap3A_2029], %swap3A_2032 {strides = array<i32>} : memref<6400xi32, #tpu.memory_space<vmem>>, vector<16xi32>,
        %mul3A_2033 = arith.constant 80 : i32
        %mul3A_2034 = arith.muli %add3A_1954, %mul3A_2033 : i32
        %add3A_2035 = arith.constant 48 : i32
        %add3A_2036 = arith.addi %mul3A_2034, %add3A_2035 : i32
        %mul3A_2037 = arith.constant 32 : i32
        %mul3A_2038 = arith.muli %add3A, %mul3A_2037 : i32
        %add3A_2039 = arith.addi %add3A_2036, %mul3A_2038 : i32
        %and3A_2040 = arith.constant 8191 : i32
        %and3A_2041 = arith.andi %add3A_2039, %and3A_2040 : i32
        %add3A_2042 = arith.constant 100000 : i32
        %add3A_2043 = arith.addi %add3A_2042, %and3A_2041 : i32
        %add3A_2044 = vector.broadcast %add3A_2043 : i32 to vector<16xi32>
        %add3A_2045 = arith.addi %add3A_2044, %iota3A : vector<16xi32>
        %get3A_2046 = arith.index_cast %add3A_2036 : i32 to index
        %get3A_2047 = tpu.vector_load %arg6[%get3A_2046] {strides = array<i32>} : memref<6400xi32, #tpu.memory_space<vmem>>, vector<16xi32>,
        %get3A_2048 = vector.shape_cast %get3A_2047 : vector<16xi32> to vector<16xi32>
        %sub3A_2049 = arith.subi %get3A_2048, %add3A_2045 : vector<16xi32>
        %get3A_2050 = arith.index_cast %add3A_2036 : i32 to index
        %get3A_2051 = tpu.vector_load %arg7[%get3A_2050] {strides = array<i32>} : memref<6400xi32, #tpu.memory_space<vmem>>, vector<16xi32>,
        %get3A_2052 = vector.shape_cast %get3A_2051 : vector<16xi32> to vector<16xi32>
        %mul3A_2053 = arith.muli %sub3A_2049, %get3A_2052 : vector<16xi32>
        %add3A_2054 = arith.addi %add3A_2045, %mul3A_2053 : vector<16xi32>
        %swap3A_2055 = arith.index_cast %add3A_2036 : i32 to index
        %swap3A_2056 = tpu.vector_load %arg6[%swap3A_2055] {strides = array<i32>} : memref<6400xi32, #tpu.memory_space<vmem>>, vector<16xi32>,
        %swap3A_2057 = vector.shape_cast %swap3A_2056 : vector<16xi32> to vector<16xi32>
        %swap3A_2058 = vector.shape_cast %add3A_2054 : vector<16xi32> to vector<16xi32>
        tpu.vector_store %arg6[%swap3A_2055], %swap3A_2058 {strides = array<i32>} : memref<6400xi32, #tpu.memory_space<vmem>>, vector<16xi32>,
        %mul3A_2059 = arith.constant 80 : i32
        %mul3A_2060 = arith.muli %add3A_1954, %mul3A_2059 : i32
        %add3A_2061 = arith.constant 64 : i32
        %add3A_2062 = arith.addi %mul3A_2060, %add3A_2061 : i32
        %mul3A_2063 = arith.constant 32 : i32
        %mul3A_2064 = arith.muli %add3A, %mul3A_2063 : i32
        %add3A_2065 = arith.addi %add3A_2062, %mul3A_2064 : i32
        %and3A_2066 = arith.constant 8191 : i32
        %and3A_2067 = arith.andi %add3A_2065, %and3A_2066 : i32
        %add3A_2068 = arith.constant 100000 : i32
        %add3A_2069 = arith.addi %add3A_2068, %and3A_2067 : i32
        %add3A_2070 = vector.broadcast %add3A_2069 : i32 to vector<16xi32>
        %add3A_2071 = arith.addi %add3A_2070, %iota3A : vector<16xi32>
        %get3A_2072 = arith.index_cast %add3A_2062 : i32 to index
        %get3A_2073 = tpu.vector_load %arg6[%get3A_2072] {strides = array<i32>} : memref<6400xi32, #tpu.memory_space<vmem>>, vector<16xi32>,
        %get3A_2074 = vector.shape_cast %get3A_2073 : vector<16xi32> to vector<16xi32>
        %sub3A_2075 = arith.subi %get3A_2074, %add3A_2071 : vector<16xi32>
        %get3A_2076 = arith.index_cast %add3A_2062 : i32 to index
        %get3A_2077 = tpu.vector_load %arg7[%get3A_2076] {strides = array<i32>} : memref<6400xi32, #tpu.memory_space<vmem>>, vector<16xi32>,
        %get3A_2078 = vector.shape_cast %get3A_2077 : vector<16xi32> to vector<16xi32>
        %mul3A_2079 = arith.muli %sub3A_2075, %get3A_2078 : vector<16xi32>
        %add3A_2080 = arith.addi %add3A_2071, %mul3A_2079 : vector<16xi32>
        %swap3A_2081 = arith.index_cast %add3A_2062 : i32 to index
        %swap3A_2082 = tpu.vector_load %arg6[%swap3A_2081] {strides = array<i32>} : memref<6400xi32, #tpu.memory_space<vmem>>, vector<16xi32>,
        %swap3A_2083 = vector.shape_cast %swap3A_2082 : vector<16xi32> to vector<16xi32>
        %swap3A_2084 = vector.shape_cast %add3A_2080 : vector<16xi32> to vector<16xi32>
        tpu.vector_store %arg6[%swap3A_2081], %swap3A_2084 {strides = array<i32>} : memref<6400xi32, #tpu.memory_space<vmem>>, vector<16xi32>,
        %add3A_2085 = arith.constant 10 : i32
        %add3A_2086 = arith.addi %add3A_1788, %add3A_2085 : i32
        %mul3A_2087 = arith.constant 80 : i32
        %mul3A_2088 = arith.muli %add3A_2086, %mul3A_2087 : i32
        %dma_start3A_2089 = arith.constant 4 : i32
        %dma_start3A_2090 = arith.constant 4 : i32
        %dma_start3A_2091 = arith.constant 0 : i32
        %dma_start3A_2092 = arith.constant 0 : i32
        %dma_start3A_2093 = tpu.memref_slice %arg8[%dma_start3A_2089, %dma_start3A_2091, %dma_start3A_2092] : memref<10x80x128xf32, #tpu.memory_space<vmem>> -> memref<1x80x128xf32, #tpu.memory_space<vmem>>
        %dma_start3A_2094 = tpu.memref_squeeze %dma_start3A_2093 : memref<1x80x128xf32, #tpu.memory_space<vmem>> -> memref<80x128xf32, #tpu.memory_space<vmem>>
        %dma_start3A_2095 = tpu.memref_slice %arg6[%mul3A_2088] : memref<6400xi32, #tpu.memory_space<vmem>> -> memref<80xi32, #tpu.memory_space<vmem>>
        %dma_start3A_2096 = arith.constant 0 : i32
        %dma_start3A_2097 = arith.constant 0 : i32
        %dma_start3A_2098 = tpu.memref_slice %arg2[%dma_start3A_2096, %dma_start3A_2097] : memref<108192x128xf32, #tpu.memory_space<hbm>> -> memref<108192x128xf32, #tpu.memory_space<hbm>>
        %dma_start3A_2099 = tpu.memref_slice %arg9[%dma_start3A_2090] : memref<10x!tpu.dma_semaphore, #tpu.memory_space<semaphore_mem>> -> memref<1x!tpu.dma_semaphore, #tpu.memory_space<semaphore_mem>>
        %dma_start3A_2100 = tpu.memref_squeeze %dma_start3A_2099 : memref<1x!tpu.dma_semaphore, #tpu.memory_space<semaphore_mem>> -> memref<!tpu.dma_semaphore, #tpu.memory_space<semaphore_mem>>
        tpu.enqueue_indirect_dma source(%dma_start3A_2098 : memref<108192x128xf32, #tpu.memory_space<hbm>>) target(%dma_start3A_2094 : memref<80x128xf32, #tpu.memory_space<vmem>>) offsets(%dma_start3A_2095 : memref<80xi32, #tpu.memory_space<vmem>>) semaphore(%dma_start3A_2100 : memref<!tpu.dma_semaphore, #tpu.memory_space<semaphore_mem>>)
      } else {
      }
      %mul3A_1813 = arith.constant 10 : i32
      %mul3A_1814 = arith.muli %add3A_1305, %mul3A_1813 : i32
      %add3A_1815 = arith.constant 5 : i32
      %add3A_1816 = arith.addi %mul3A_1814, %add3A_1815 : i32
      %mul3A_1817 = arith.constant 80 : i32
      %mul3A_1818 = arith.muli %add3A_1816, %mul3A_1817 : i32
      %add3A_1819 = arith.addi %mul3A_2, %mul3A_1818 : i32
      %dma_wait3A_1820 = arith.constant 5 : i32
      %dma_wait3A_1821 = arith.constant 5 : i32
      %dma_wait3A_1822 = arith.constant 0 : i32
      %dma_wait3A_1823 = arith.constant 0 : i32
      %dma_wait3A_1824 = tpu.memref_slice %arg8[%dma_wait3A_1820, %dma_wait3A_1822, %dma_wait3A_1823] : memref<10x80x128xf32, #tpu.memory_space<vmem>> -> memref<1x80x128xf32, #tpu.memory_space<vmem>>
      %dma_wait3A_1825 = tpu.memref_squeeze %dma_wait3A_1824 : memref<1x80x128xf32, #tpu.memory_space<vmem>> -> memref<80x128xf32, #tpu.memory_space<vmem>>
      %dma_wait3A_1826 = arith.constant 0 : i32
      %dma_wait3A_1827 = tpu.memref_slice %arg5[%add3A_1819, %dma_wait3A_1826] : memref<204800x128xf32, #tpu.memory_space<hbm>> -> memref<80x128xf32, #tpu.memory_space<hbm>>
      %dma_wait3A_1828 = tpu.memref_slice %arg10[%dma_wait3A_1821] : memref<10x!tpu.dma_semaphore, #tpu.memory_space<semaphore_mem>> -> memref<1x!tpu.dma_semaphore, #tpu.memory_space<semaphore_mem>>
      %dma_wait3A_1829 = tpu.memref_squeeze %dma_wait3A_1828 : memref<1x!tpu.dma_semaphore, #tpu.memory_space<semaphore_mem>> -> memref<!tpu.dma_semaphore, #tpu.memory_space<semaphore_mem>>
      %dma_wait3A_1830 = arith.constant 0 : i32
      %dma_wait3A_1831 = tpu.memref_slice %arg5[%add3A_1819, %dma_wait3A_1830] : memref<204800x128xf32, #tpu.memory_space<hbm>> -> memref<80x128xf32, #tpu.memory_space<hbm>>
      %dma_wait3A_1832 = arith.constant 0 : i32
      %dma_wait3A_1833 = arith.constant 0 : i32
      %dma_wait3A_1834 = tpu.memref_slice %arg8[%dma_wait3A_1820, %dma_wait3A_1832, %dma_wait3A_1833] : memref<10x80x128xf32, #tpu.memory_space<vmem>> -> memref<1x80x128xf32, #tpu.memory_space<vmem>>
      %dma_wait3A_1835 = tpu.memref_squeeze %dma_wait3A_1834 : memref<1x80x128xf32, #tpu.memory_space<vmem>> -> memref<80x128xf32, #tpu.memory_space<vmem>>
      tpu.wait_dma2 semaphore(%dma_wait3A_1829 : memref<!tpu.dma_semaphore, #tpu.memory_space<semaphore_mem>>) src(%dma_wait3A_1835 : memref<80x128xf32, #tpu.memory_space<vmem>>) dst(%dma_wait3A_1831 : memref<80x128xf32, #tpu.memory_space<hbm>>)
      %lt3A_1836 = arith.constant 7 : i32
      %lt3A_1837 = arith.cmpi slt, %add3A_1305, %lt3A_1836 : i32
      %convert_element_type3A_1838 = arith.extui %lt3A_1837 : i1 to i32
      %cond3A_1839 = arith.constant 0 : i32
      %cond3A_1840 = arith.cmpi ne, %convert_element_type3A_1838, %cond3A_1839 : i32
      scf.if %cond3A_1840 {
        %add3A_1953 = arith.constant 10 : i32
        %add3A_1954 = arith.addi %add3A_1816, %add3A_1953 : i32
        %mul3A_1955 = arith.constant 80 : i32
        %mul3A_1956 = arith.muli %add3A_1954, %mul3A_1955 : i32
        %add3A_1957 = arith.constant 0 : i32
        %add3A_1958 = arith.addi %mul3A_1956, %add3A_1957 : i32
        %mul3A_1959 = arith.constant 32 : i32
        %mul3A_1960 = arith.muli %add3A, %mul3A_1959 : i32
        %add3A_1961 = arith.addi %add3A_1958, %mul3A_1960 : i32
        %and3A_1962 = arith.constant 8191 : i32
        %and3A_1963 = arith.andi %add3A_1961, %and3A_1962 : i32
        %add3A_1964 = arith.constant 100000 : i32
        %add3A_1965 = arith.addi %add3A_1964, %and3A_1963 : i32
        %add3A_1966 = vector.broadcast %add3A_1965 : i32 to vector<16xi32>
        %add3A_1967 = arith.addi %add3A_1966, %iota3A : vector<16xi32>
        %get3A_1968 = arith.index_cast %add3A_1958 : i32 to index
        %get3A_1969 = tpu.vector_load %arg6[%get3A_1968] {strides = array<i32>} : memref<6400xi32, #tpu.memory_space<vmem>>, vector<16xi32>,
        %get3A_1970 = vector.shape_cast %get3A_1969 : vector<16xi32> to vector<16xi32>
        %sub3A_1971 = arith.subi %get3A_1970, %add3A_1967 : vector<16xi32>
        %get3A_1972 = arith.index_cast %add3A_1958 : i32 to index
        %get3A_1973 = tpu.vector_load %arg7[%get3A_1972] {strides = array<i32>} : memref<6400xi32, #tpu.memory_space<vmem>>, vector<16xi32>,
        %get3A_1974 = vector.shape_cast %get3A_1973 : vector<16xi32> to vector<16xi32>
        %mul3A_1975 = arith.muli %sub3A_1971, %get3A_1974 : vector<16xi32>
        %add3A_1976 = arith.addi %add3A_1967, %mul3A_1975 : vector<16xi32>
        %swap3A_1977 = arith.index_cast %add3A_1958 : i32 to index
        %swap3A_1978 = tpu.vector_load %arg6[%swap3A_1977] {strides = array<i32>} : memref<6400xi32, #tpu.memory_space<vmem>>, vector<16xi32>,
        %swap3A_1979 = vector.shape_cast %swap3A_1978 : vector<16xi32> to vector<16xi32>
        %swap3A_1980 = vector.shape_cast %add3A_1976 : vector<16xi32> to vector<16xi32>
        tpu.vector_store %arg6[%swap3A_1977], %swap3A_1980 {strides = array<i32>} : memref<6400xi32, #tpu.memory_space<vmem>>, vector<16xi32>,
        %mul3A_1981 = arith.constant 80 : i32
        %mul3A_1982 = arith.muli %add3A_1954, %mul3A_1981 : i32
        %add3A_1983 = arith.constant 16 : i32
        %add3A_1984 = arith.addi %mul3A_1982, %add3A_1983 : i32
        %mul3A_1985 = arith.constant 32 : i32
        %mul3A_1986 = arith.muli %add3A, %mul3A_1985 : i32
        %add3A_1987 = arith.addi %add3A_1984, %mul3A_1986 : i32
        %and3A_1988 = arith.constant 8191 : i32
        %and3A_1989 = arith.andi %add3A_1987, %and3A_1988 : i32
        %add3A_1990 = arith.constant 100000 : i32
        %add3A_1991 = arith.addi %add3A_1990, %and3A_1989 : i32
        %add3A_1992 = vector.broadcast %add3A_1991 : i32 to vector<16xi32>
        %add3A_1993 = arith.addi %add3A_1992, %iota3A : vector<16xi32>
        %get3A_1994 = arith.index_cast %add3A_1984 : i32 to index
        %get3A_1995 = tpu.vector_load %arg6[%get3A_1994] {strides = array<i32>} : memref<6400xi32, #tpu.memory_space<vmem>>, vector<16xi32>,
        %get3A_1996 = vector.shape_cast %get3A_1995 : vector<16xi32> to vector<16xi32>
        %sub3A_1997 = arith.subi %get3A_1996, %add3A_1993 : vector<16xi32>
        %get3A_1998 = arith.index_cast %add3A_1984 : i32 to index
        %get3A_1999 = tpu.vector_load %arg7[%get3A_1998] {strides = array<i32>} : memref<6400xi32, #tpu.memory_space<vmem>>, vector<16xi32>,
        %get3A_2000 = vector.shape_cast %get3A_1999 : vector<16xi32> to vector<16xi32>
        %mul3A_2001 = arith.muli %sub3A_1997, %get3A_2000 : vector<16xi32>
        %add3A_2002 = arith.addi %add3A_1993, %mul3A_2001 : vector<16xi32>
        %swap3A_2003 = arith.index_cast %add3A_1984 : i32 to index
        %swap3A_2004 = tpu.vector_load %arg6[%swap3A_2003] {strides = array<i32>} : memref<6400xi32, #tpu.memory_space<vmem>>, vector<16xi32>,
        %swap3A_2005 = vector.shape_cast %swap3A_2004 : vector<16xi32> to vector<16xi32>
        %swap3A_2006 = vector.shape_cast %add3A_2002 : vector<16xi32> to vector<16xi32>
        tpu.vector_store %arg6[%swap3A_2003], %swap3A_2006 {strides = array<i32>} : memref<6400xi32, #tpu.memory_space<vmem>>, vector<16xi32>,
        %mul3A_2007 = arith.constant 80 : i32
        %mul3A_2008 = arith.muli %add3A_1954, %mul3A_2007 : i32
        %add3A_2009 = arith.constant 32 : i32
        %add3A_2010 = arith.addi %mul3A_2008, %add3A_2009 : i32
        %mul3A_2011 = arith.constant 32 : i32
        %mul3A_2012 = arith.muli %add3A, %mul3A_2011 : i32
        %add3A_2013 = arith.addi %add3A_2010, %mul3A_2012 : i32
        %and3A_2014 = arith.constant 8191 : i32
        %and3A_2015 = arith.andi %add3A_2013, %and3A_2014 : i32
        %add3A_2016 = arith.constant 100000 : i32
        %add3A_2017 = arith.addi %add3A_2016, %and3A_2015 : i32
        %add3A_2018 = vector.broadcast %add3A_2017 : i32 to vector<16xi32>
        %add3A_2019 = arith.addi %add3A_2018, %iota3A : vector<16xi32>
        %get3A_2020 = arith.index_cast %add3A_2010 : i32 to index
        %get3A_2021 = tpu.vector_load %arg6[%get3A_2020] {strides = array<i32>} : memref<6400xi32, #tpu.memory_space<vmem>>, vector<16xi32>,
        %get3A_2022 = vector.shape_cast %get3A_2021 : vector<16xi32> to vector<16xi32>
        %sub3A_2023 = arith.subi %get3A_2022, %add3A_2019 : vector<16xi32>
        %get3A_2024 = arith.index_cast %add3A_2010 : i32 to index
        %get3A_2025 = tpu.vector_load %arg7[%get3A_2024] {strides = array<i32>} : memref<6400xi32, #tpu.memory_space<vmem>>, vector<16xi32>,
        %get3A_2026 = vector.shape_cast %get3A_2025 : vector<16xi32> to vector<16xi32>
        %mul3A_2027 = arith.muli %sub3A_2023, %get3A_2026 : vector<16xi32>
        %add3A_2028 = arith.addi %add3A_2019, %mul3A_2027 : vector<16xi32>
        %swap3A_2029 = arith.index_cast %add3A_2010 : i32 to index
        %swap3A_2030 = tpu.vector_load %arg6[%swap3A_2029] {strides = array<i32>} : memref<6400xi32, #tpu.memory_space<vmem>>, vector<16xi32>,
        %swap3A_2031 = vector.shape_cast %swap3A_2030 : vector<16xi32> to vector<16xi32>
        %swap3A_2032 = vector.shape_cast %add3A_2028 : vector<16xi32> to vector<16xi32>
        tpu.vector_store %arg6[%swap3A_2029], %swap3A_2032 {strides = array<i32>} : memref<6400xi32, #tpu.memory_space<vmem>>, vector<16xi32>,
        %mul3A_2033 = arith.constant 80 : i32
        %mul3A_2034 = arith.muli %add3A_1954, %mul3A_2033 : i32
        %add3A_2035 = arith.constant 48 : i32
        %add3A_2036 = arith.addi %mul3A_2034, %add3A_2035 : i32
        %mul3A_2037 = arith.constant 32 : i32
        %mul3A_2038 = arith.muli %add3A, %mul3A_2037 : i32
        %add3A_2039 = arith.addi %add3A_2036, %mul3A_2038 : i32
        %and3A_2040 = arith.constant 8191 : i32
        %and3A_2041 = arith.andi %add3A_2039, %and3A_2040 : i32
        %add3A_2042 = arith.constant 100000 : i32
        %add3A_2043 = arith.addi %add3A_2042, %and3A_2041 : i32
        %add3A_2044 = vector.broadcast %add3A_2043 : i32 to vector<16xi32>
        %add3A_2045 = arith.addi %add3A_2044, %iota3A : vector<16xi32>
        %get3A_2046 = arith.index_cast %add3A_2036 : i32 to index
        %get3A_2047 = tpu.vector_load %arg6[%get3A_2046] {strides = array<i32>} : memref<6400xi32, #tpu.memory_space<vmem>>, vector<16xi32>,
        %get3A_2048 = vector.shape_cast %get3A_2047 : vector<16xi32> to vector<16xi32>
        %sub3A_2049 = arith.subi %get3A_2048, %add3A_2045 : vector<16xi32>
        %get3A_2050 = arith.index_cast %add3A_2036 : i32 to index
        %get3A_2051 = tpu.vector_load %arg7[%get3A_2050] {strides = array<i32>} : memref<6400xi32, #tpu.memory_space<vmem>>, vector<16xi32>,
        %get3A_2052 = vector.shape_cast %get3A_2051 : vector<16xi32> to vector<16xi32>
        %mul3A_2053 = arith.muli %sub3A_2049, %get3A_2052 : vector<16xi32>
        %add3A_2054 = arith.addi %add3A_2045, %mul3A_2053 : vector<16xi32>
        %swap3A_2055 = arith.index_cast %add3A_2036 : i32 to index
        %swap3A_2056 = tpu.vector_load %arg6[%swap3A_2055] {strides = array<i32>} : memref<6400xi32, #tpu.memory_space<vmem>>, vector<16xi32>,
        %swap3A_2057 = vector.shape_cast %swap3A_2056 : vector<16xi32> to vector<16xi32>
        %swap3A_2058 = vector.shape_cast %add3A_2054 : vector<16xi32> to vector<16xi32>
        tpu.vector_store %arg6[%swap3A_2055], %swap3A_2058 {strides = array<i32>} : memref<6400xi32, #tpu.memory_space<vmem>>, vector<16xi32>,
        %mul3A_2059 = arith.constant 80 : i32
        %mul3A_2060 = arith.muli %add3A_1954, %mul3A_2059 : i32
        %add3A_2061 = arith.constant 64 : i32
        %add3A_2062 = arith.addi %mul3A_2060, %add3A_2061 : i32
        %mul3A_2063 = arith.constant 32 : i32
        %mul3A_2064 = arith.muli %add3A, %mul3A_2063 : i32
        %add3A_2065 = arith.addi %add3A_2062, %mul3A_2064 : i32
        %and3A_2066 = arith.constant 8191 : i32
        %and3A_2067 = arith.andi %add3A_2065, %and3A_2066 : i32
        %add3A_2068 = arith.constant 100000 : i32
        %add3A_2069 = arith.addi %add3A_2068, %and3A_2067 : i32
        %add3A_2070 = vector.broadcast %add3A_2069 : i32 to vector<16xi32>
        %add3A_2071 = arith.addi %add3A_2070, %iota3A : vector<16xi32>
        %get3A_2072 = arith.index_cast %add3A_2062 : i32 to index
        %get3A_2073 = tpu.vector_load %arg6[%get3A_2072] {strides = array<i32>} : memref<6400xi32, #tpu.memory_space<vmem>>, vector<16xi32>,
        %get3A_2074 = vector.shape_cast %get3A_2073 : vector<16xi32> to vector<16xi32>
        %sub3A_2075 = arith.subi %get3A_2074, %add3A_2071 : vector<16xi32>
        %get3A_2076 = arith.index_cast %add3A_2062 : i32 to index
        %get3A_2077 = tpu.vector_load %arg7[%get3A_2076] {strides = array<i32>} : memref<6400xi32, #tpu.memory_space<vmem>>, vector<16xi32>,
        %get3A_2078 = vector.shape_cast %get3A_2077 : vector<16xi32> to vector<16xi32>
        %mul3A_2079 = arith.muli %sub3A_2075, %get3A_2078 : vector<16xi32>
        %add3A_2080 = arith.addi %add3A_2071, %mul3A_2079 : vector<16xi32>
        %swap3A_2081 = arith.index_cast %add3A_2062 : i32 to index
        %swap3A_2082 = tpu.vector_load %arg6[%swap3A_2081] {strides = array<i32>} : memref<6400xi32, #tpu.memory_space<vmem>>, vector<16xi32>,
        %swap3A_2083 = vector.shape_cast %swap3A_2082 : vector<16xi32> to vector<16xi32>
        %swap3A_2084 = vector.shape_cast %add3A_2080 : vector<16xi32> to vector<16xi32>
        tpu.vector_store %arg6[%swap3A_2081], %swap3A_2084 {strides = array<i32>} : memref<6400xi32, #tpu.memory_space<vmem>>, vector<16xi32>,
        %add3A_2085 = arith.constant 10 : i32
        %add3A_2086 = arith.addi %add3A_1816, %add3A_2085 : i32
        %mul3A_2087 = arith.constant 80 : i32
        %mul3A_2088 = arith.muli %add3A_2086, %mul3A_2087 : i32
        %dma_start3A_2089 = arith.constant 5 : i32
        %dma_start3A_2090 = arith.constant 5 : i32
        %dma_start3A_2091 = arith.constant 0 : i32
        %dma_start3A_2092 = arith.constant 0 : i32
        %dma_start3A_2093 = tpu.memref_slice %arg8[%dma_start3A_2089, %dma_start3A_2091, %dma_start3A_2092] : memref<10x80x128xf32, #tpu.memory_space<vmem>> -> memref<1x80x128xf32, #tpu.memory_space<vmem>>
        %dma_start3A_2094 = tpu.memref_squeeze %dma_start3A_2093 : memref<1x80x128xf32, #tpu.memory_space<vmem>> -> memref<80x128xf32, #tpu.memory_space<vmem>>
        %dma_start3A_2095 = tpu.memref_slice %arg6[%mul3A_2088] : memref<6400xi32, #tpu.memory_space<vmem>> -> memref<80xi32, #tpu.memory_space<vmem>>
        %dma_start3A_2096 = arith.constant 0 : i32
        %dma_start3A_2097 = arith.constant 0 : i32
        %dma_start3A_2098 = tpu.memref_slice %arg2[%dma_start3A_2096, %dma_start3A_2097] : memref<108192x128xf32, #tpu.memory_space<hbm>> -> memref<108192x128xf32, #tpu.memory_space<hbm>>
        %dma_start3A_2099 = tpu.memref_slice %arg9[%dma_start3A_2090] : memref<10x!tpu.dma_semaphore, #tpu.memory_space<semaphore_mem>> -> memref<1x!tpu.dma_semaphore, #tpu.memory_space<semaphore_mem>>
        %dma_start3A_2100 = tpu.memref_squeeze %dma_start3A_2099 : memref<1x!tpu.dma_semaphore, #tpu.memory_space<semaphore_mem>> -> memref<!tpu.dma_semaphore, #tpu.memory_space<semaphore_mem>>
        tpu.enqueue_indirect_dma source(%dma_start3A_2098 : memref<108192x128xf32, #tpu.memory_space<hbm>>) target(%dma_start3A_2094 : memref<80x128xf32, #tpu.memory_space<vmem>>) offsets(%dma_start3A_2095 : memref<80xi32, #tpu.memory_space<vmem>>) semaphore(%dma_start3A_2100 : memref<!tpu.dma_semaphore, #tpu.memory_space<semaphore_mem>>)
      } else {
      }
      %mul3A_1841 = arith.constant 10 : i32
      %mul3A_1842 = arith.muli %add3A_1305, %mul3A_1841 : i32
      %add3A_1843 = arith.constant 6 : i32
      %add3A_1844 = arith.addi %mul3A_1842, %add3A_1843 : i32
      %mul3A_1845 = arith.constant 80 : i32
      %mul3A_1846 = arith.muli %add3A_1844, %mul3A_1845 : i32
      %add3A_1847 = arith.addi %mul3A_2, %mul3A_1846 : i32
      %dma_wait3A_1848 = arith.constant 6 : i32
      %dma_wait3A_1849 = arith.constant 6 : i32
      %dma_wait3A_1850 = arith.constant 0 : i32
      %dma_wait3A_1851 = arith.constant 0 : i32
      %dma_wait3A_1852 = tpu.memref_slice %arg8[%dma_wait3A_1848, %dma_wait3A_1850, %dma_wait3A_1851] : memref<10x80x128xf32, #tpu.memory_space<vmem>> -> memref<1x80x128xf32, #tpu.memory_space<vmem>>
      %dma_wait3A_1853 = tpu.memref_squeeze %dma_wait3A_1852 : memref<1x80x128xf32, #tpu.memory_space<vmem>> -> memref<80x128xf32, #tpu.memory_space<vmem>>
      %dma_wait3A_1854 = arith.constant 0 : i32
      %dma_wait3A_1855 = tpu.memref_slice %arg5[%add3A_1847, %dma_wait3A_1854] : memref<204800x128xf32, #tpu.memory_space<hbm>> -> memref<80x128xf32, #tpu.memory_space<hbm>>
      %dma_wait3A_1856 = tpu.memref_slice %arg10[%dma_wait3A_1849] : memref<10x!tpu.dma_semaphore, #tpu.memory_space<semaphore_mem>> -> memref<1x!tpu.dma_semaphore, #tpu.memory_space<semaphore_mem>>
      %dma_wait3A_1857 = tpu.memref_squeeze %dma_wait3A_1856 : memref<1x!tpu.dma_semaphore, #tpu.memory_space<semaphore_mem>> -> memref<!tpu.dma_semaphore, #tpu.memory_space<semaphore_mem>>
      %dma_wait3A_1858 = arith.constant 0 : i32
      %dma_wait3A_1859 = tpu.memref_slice %arg5[%add3A_1847, %dma_wait3A_1858] : memref<204800x128xf32, #tpu.memory_space<hbm>> -> memref<80x128xf32, #tpu.memory_space<hbm>>
      %dma_wait3A_1860 = arith.constant 0 : i32
      %dma_wait3A_1861 = arith.constant 0 : i32
      %dma_wait3A_1862 = tpu.memref_slice %arg8[%dma_wait3A_1848, %dma_wait3A_1860, %dma_wait3A_1861] : memref<10x80x128xf32, #tpu.memory_space<vmem>> -> memref<1x80x128xf32, #tpu.memory_space<vmem>>
      %dma_wait3A_1863 = tpu.memref_squeeze %dma_wait3A_1862 : memref<1x80x128xf32, #tpu.memory_space<vmem>> -> memref<80x128xf32, #tpu.memory_space<vmem>>
      tpu.wait_dma2 semaphore(%dma_wait3A_1857 : memref<!tpu.dma_semaphore, #tpu.memory_space<semaphore_mem>>) src(%dma_wait3A_1863 : memref<80x128xf32, #tpu.memory_space<vmem>>) dst(%dma_wait3A_1859 : memref<80x128xf32, #tpu.memory_space<hbm>>)
      %lt3A_1864 = arith.constant 7 : i32
      %lt3A_1865 = arith.cmpi slt, %add3A_1305, %lt3A_1864 : i32
      %convert_element_type3A_1866 = arith.extui %lt3A_1865 : i1 to i32
      %cond3A_1867 = arith.constant 0 : i32
      %cond3A_1868 = arith.cmpi ne, %convert_element_type3A_1866, %cond3A_1867 : i32
      scf.if %cond3A_1868 {
        %add3A_1953 = arith.constant 10 : i32
        %add3A_1954 = arith.addi %add3A_1844, %add3A_1953 : i32
        %mul3A_1955 = arith.constant 80 : i32
        %mul3A_1956 = arith.muli %add3A_1954, %mul3A_1955 : i32
        %add3A_1957 = arith.constant 0 : i32
        %add3A_1958 = arith.addi %mul3A_1956, %add3A_1957 : i32
        %mul3A_1959 = arith.constant 32 : i32
        %mul3A_1960 = arith.muli %add3A, %mul3A_1959 : i32
        %add3A_1961 = arith.addi %add3A_1958, %mul3A_1960 : i32
        %and3A_1962 = arith.constant 8191 : i32
        %and3A_1963 = arith.andi %add3A_1961, %and3A_1962 : i32
        %add3A_1964 = arith.constant 100000 : i32
        %add3A_1965 = arith.addi %add3A_1964, %and3A_1963 : i32
        %add3A_1966 = vector.broadcast %add3A_1965 : i32 to vector<16xi32>
        %add3A_1967 = arith.addi %add3A_1966, %iota3A : vector<16xi32>
        %get3A_1968 = arith.index_cast %add3A_1958 : i32 to index
        %get3A_1969 = tpu.vector_load %arg6[%get3A_1968] {strides = array<i32>} : memref<6400xi32, #tpu.memory_space<vmem>>, vector<16xi32>,
        %get3A_1970 = vector.shape_cast %get3A_1969 : vector<16xi32> to vector<16xi32>
        %sub3A_1971 = arith.subi %get3A_1970, %add3A_1967 : vector<16xi32>
        %get3A_1972 = arith.index_cast %add3A_1958 : i32 to index
        %get3A_1973 = tpu.vector_load %arg7[%get3A_1972] {strides = array<i32>} : memref<6400xi32, #tpu.memory_space<vmem>>, vector<16xi32>,
        %get3A_1974 = vector.shape_cast %get3A_1973 : vector<16xi32> to vector<16xi32>
        %mul3A_1975 = arith.muli %sub3A_1971, %get3A_1974 : vector<16xi32>
        %add3A_1976 = arith.addi %add3A_1967, %mul3A_1975 : vector<16xi32>
        %swap3A_1977 = arith.index_cast %add3A_1958 : i32 to index
        %swap3A_1978 = tpu.vector_load %arg6[%swap3A_1977] {strides = array<i32>} : memref<6400xi32, #tpu.memory_space<vmem>>, vector<16xi32>,
        %swap3A_1979 = vector.shape_cast %swap3A_1978 : vector<16xi32> to vector<16xi32>
        %swap3A_1980 = vector.shape_cast %add3A_1976 : vector<16xi32> to vector<16xi32>
        tpu.vector_store %arg6[%swap3A_1977], %swap3A_1980 {strides = array<i32>} : memref<6400xi32, #tpu.memory_space<vmem>>, vector<16xi32>,
        %mul3A_1981 = arith.constant 80 : i32
        %mul3A_1982 = arith.muli %add3A_1954, %mul3A_1981 : i32
        %add3A_1983 = arith.constant 16 : i32
        %add3A_1984 = arith.addi %mul3A_1982, %add3A_1983 : i32
        %mul3A_1985 = arith.constant 32 : i32
        %mul3A_1986 = arith.muli %add3A, %mul3A_1985 : i32
        %add3A_1987 = arith.addi %add3A_1984, %mul3A_1986 : i32
        %and3A_1988 = arith.constant 8191 : i32
        %and3A_1989 = arith.andi %add3A_1987, %and3A_1988 : i32
        %add3A_1990 = arith.constant 100000 : i32
        %add3A_1991 = arith.addi %add3A_1990, %and3A_1989 : i32
        %add3A_1992 = vector.broadcast %add3A_1991 : i32 to vector<16xi32>
        %add3A_1993 = arith.addi %add3A_1992, %iota3A : vector<16xi32>
        %get3A_1994 = arith.index_cast %add3A_1984 : i32 to index
        %get3A_1995 = tpu.vector_load %arg6[%get3A_1994] {strides = array<i32>} : memref<6400xi32, #tpu.memory_space<vmem>>, vector<16xi32>,
        %get3A_1996 = vector.shape_cast %get3A_1995 : vector<16xi32> to vector<16xi32>
        %sub3A_1997 = arith.subi %get3A_1996, %add3A_1993 : vector<16xi32>
        %get3A_1998 = arith.index_cast %add3A_1984 : i32 to index
        %get3A_1999 = tpu.vector_load %arg7[%get3A_1998] {strides = array<i32>} : memref<6400xi32, #tpu.memory_space<vmem>>, vector<16xi32>,
        %get3A_2000 = vector.shape_cast %get3A_1999 : vector<16xi32> to vector<16xi32>
        %mul3A_2001 = arith.muli %sub3A_1997, %get3A_2000 : vector<16xi32>
        %add3A_2002 = arith.addi %add3A_1993, %mul3A_2001 : vector<16xi32>
        %swap3A_2003 = arith.index_cast %add3A_1984 : i32 to index
        %swap3A_2004 = tpu.vector_load %arg6[%swap3A_2003] {strides = array<i32>} : memref<6400xi32, #tpu.memory_space<vmem>>, vector<16xi32>,
        %swap3A_2005 = vector.shape_cast %swap3A_2004 : vector<16xi32> to vector<16xi32>
        %swap3A_2006 = vector.shape_cast %add3A_2002 : vector<16xi32> to vector<16xi32>
        tpu.vector_store %arg6[%swap3A_2003], %swap3A_2006 {strides = array<i32>} : memref<6400xi32, #tpu.memory_space<vmem>>, vector<16xi32>,
        %mul3A_2007 = arith.constant 80 : i32
        %mul3A_2008 = arith.muli %add3A_1954, %mul3A_2007 : i32
        %add3A_2009 = arith.constant 32 : i32
        %add3A_2010 = arith.addi %mul3A_2008, %add3A_2009 : i32
        %mul3A_2011 = arith.constant 32 : i32
        %mul3A_2012 = arith.muli %add3A, %mul3A_2011 : i32
        %add3A_2013 = arith.addi %add3A_2010, %mul3A_2012 : i32
        %and3A_2014 = arith.constant 8191 : i32
        %and3A_2015 = arith.andi %add3A_2013, %and3A_2014 : i32
        %add3A_2016 = arith.constant 100000 : i32
        %add3A_2017 = arith.addi %add3A_2016, %and3A_2015 : i32
        %add3A_2018 = vector.broadcast %add3A_2017 : i32 to vector<16xi32>
        %add3A_2019 = arith.addi %add3A_2018, %iota3A : vector<16xi32>
        %get3A_2020 = arith.index_cast %add3A_2010 : i32 to index
        %get3A_2021 = tpu.vector_load %arg6[%get3A_2020] {strides = array<i32>} : memref<6400xi32, #tpu.memory_space<vmem>>, vector<16xi32>,
        %get3A_2022 = vector.shape_cast %get3A_2021 : vector<16xi32> to vector<16xi32>
        %sub3A_2023 = arith.subi %get3A_2022, %add3A_2019 : vector<16xi32>
        %get3A_2024 = arith.index_cast %add3A_2010 : i32 to index
        %get3A_2025 = tpu.vector_load %arg7[%get3A_2024] {strides = array<i32>} : memref<6400xi32, #tpu.memory_space<vmem>>, vector<16xi32>,
        %get3A_2026 = vector.shape_cast %get3A_2025 : vector<16xi32> to vector<16xi32>
        %mul3A_2027 = arith.muli %sub3A_2023, %get3A_2026 : vector<16xi32>
        %add3A_2028 = arith.addi %add3A_2019, %mul3A_2027 : vector<16xi32>
        %swap3A_2029 = arith.index_cast %add3A_2010 : i32 to index
        %swap3A_2030 = tpu.vector_load %arg6[%swap3A_2029] {strides = array<i32>} : memref<6400xi32, #tpu.memory_space<vmem>>, vector<16xi32>,
        %swap3A_2031 = vector.shape_cast %swap3A_2030 : vector<16xi32> to vector<16xi32>
        %swap3A_2032 = vector.shape_cast %add3A_2028 : vector<16xi32> to vector<16xi32>
        tpu.vector_store %arg6[%swap3A_2029], %swap3A_2032 {strides = array<i32>} : memref<6400xi32, #tpu.memory_space<vmem>>, vector<16xi32>,
        %mul3A_2033 = arith.constant 80 : i32
        %mul3A_2034 = arith.muli %add3A_1954, %mul3A_2033 : i32
        %add3A_2035 = arith.constant 48 : i32
        %add3A_2036 = arith.addi %mul3A_2034, %add3A_2035 : i32
        %mul3A_2037 = arith.constant 32 : i32
        %mul3A_2038 = arith.muli %add3A, %mul3A_2037 : i32
        %add3A_2039 = arith.addi %add3A_2036, %mul3A_2038 : i32
        %and3A_2040 = arith.constant 8191 : i32
        %and3A_2041 = arith.andi %add3A_2039, %and3A_2040 : i32
        %add3A_2042 = arith.constant 100000 : i32
        %add3A_2043 = arith.addi %add3A_2042, %and3A_2041 : i32
        %add3A_2044 = vector.broadcast %add3A_2043 : i32 to vector<16xi32>
        %add3A_2045 = arith.addi %add3A_2044, %iota3A : vector<16xi32>
        %get3A_2046 = arith.index_cast %add3A_2036 : i32 to index
        %get3A_2047 = tpu.vector_load %arg6[%get3A_2046] {strides = array<i32>} : memref<6400xi32, #tpu.memory_space<vmem>>, vector<16xi32>,
        %get3A_2048 = vector.shape_cast %get3A_2047 : vector<16xi32> to vector<16xi32>
        %sub3A_2049 = arith.subi %get3A_2048, %add3A_2045 : vector<16xi32>
        %get3A_2050 = arith.index_cast %add3A_2036 : i32 to index
        %get3A_2051 = tpu.vector_load %arg7[%get3A_2050] {strides = array<i32>} : memref<6400xi32, #tpu.memory_space<vmem>>, vector<16xi32>,
        %get3A_2052 = vector.shape_cast %get3A_2051 : vector<16xi32> to vector<16xi32>
        %mul3A_2053 = arith.muli %sub3A_2049, %get3A_2052 : vector<16xi32>
        %add3A_2054 = arith.addi %add3A_2045, %mul3A_2053 : vector<16xi32>
        %swap3A_2055 = arith.index_cast %add3A_2036 : i32 to index
        %swap3A_2056 = tpu.vector_load %arg6[%swap3A_2055] {strides = array<i32>} : memref<6400xi32, #tpu.memory_space<vmem>>, vector<16xi32>,
        %swap3A_2057 = vector.shape_cast %swap3A_2056 : vector<16xi32> to vector<16xi32>
        %swap3A_2058 = vector.shape_cast %add3A_2054 : vector<16xi32> to vector<16xi32>
        tpu.vector_store %arg6[%swap3A_2055], %swap3A_2058 {strides = array<i32>} : memref<6400xi32, #tpu.memory_space<vmem>>, vector<16xi32>,
        %mul3A_2059 = arith.constant 80 : i32
        %mul3A_2060 = arith.muli %add3A_1954, %mul3A_2059 : i32
        %add3A_2061 = arith.constant 64 : i32
        %add3A_2062 = arith.addi %mul3A_2060, %add3A_2061 : i32
        %mul3A_2063 = arith.constant 32 : i32
        %mul3A_2064 = arith.muli %add3A, %mul3A_2063 : i32
        %add3A_2065 = arith.addi %add3A_2062, %mul3A_2064 : i32
        %and3A_2066 = arith.constant 8191 : i32
        %and3A_2067 = arith.andi %add3A_2065, %and3A_2066 : i32
        %add3A_2068 = arith.constant 100000 : i32
        %add3A_2069 = arith.addi %add3A_2068, %and3A_2067 : i32
        %add3A_2070 = vector.broadcast %add3A_2069 : i32 to vector<16xi32>
        %add3A_2071 = arith.addi %add3A_2070, %iota3A : vector<16xi32>
        %get3A_2072 = arith.index_cast %add3A_2062 : i32 to index
        %get3A_2073 = tpu.vector_load %arg6[%get3A_2072] {strides = array<i32>} : memref<6400xi32, #tpu.memory_space<vmem>>, vector<16xi32>,
        %get3A_2074 = vector.shape_cast %get3A_2073 : vector<16xi32> to vector<16xi32>
        %sub3A_2075 = arith.subi %get3A_2074, %add3A_2071 : vector<16xi32>
        %get3A_2076 = arith.index_cast %add3A_2062 : i32 to index
        %get3A_2077 = tpu.vector_load %arg7[%get3A_2076] {strides = array<i32>} : memref<6400xi32, #tpu.memory_space<vmem>>, vector<16xi32>,
        %get3A_2078 = vector.shape_cast %get3A_2077 : vector<16xi32> to vector<16xi32>
        %mul3A_2079 = arith.muli %sub3A_2075, %get3A_2078 : vector<16xi32>
        %add3A_2080 = arith.addi %add3A_2071, %mul3A_2079 : vector<16xi32>
        %swap3A_2081 = arith.index_cast %add3A_2062 : i32 to index
        %swap3A_2082 = tpu.vector_load %arg6[%swap3A_2081] {strides = array<i32>} : memref<6400xi32, #tpu.memory_space<vmem>>, vector<16xi32>,
        %swap3A_2083 = vector.shape_cast %swap3A_2082 : vector<16xi32> to vector<16xi32>
        %swap3A_2084 = vector.shape_cast %add3A_2080 : vector<16xi32> to vector<16xi32>
        tpu.vector_store %arg6[%swap3A_2081], %swap3A_2084 {strides = array<i32>} : memref<6400xi32, #tpu.memory_space<vmem>>, vector<16xi32>,
        %add3A_2085 = arith.constant 10 : i32
        %add3A_2086 = arith.addi %add3A_1844, %add3A_2085 : i32
        %mul3A_2087 = arith.constant 80 : i32
        %mul3A_2088 = arith.muli %add3A_2086, %mul3A_2087 : i32
        %dma_start3A_2089 = arith.constant 6 : i32
        %dma_start3A_2090 = arith.constant 6 : i32
        %dma_start3A_2091 = arith.constant 0 : i32
        %dma_start3A_2092 = arith.constant 0 : i32
        %dma_start3A_2093 = tpu.memref_slice %arg8[%dma_start3A_2089, %dma_start3A_2091, %dma_start3A_2092] : memref<10x80x128xf32, #tpu.memory_space<vmem>> -> memref<1x80x128xf32, #tpu.memory_space<vmem>>
        %dma_start3A_2094 = tpu.memref_squeeze %dma_start3A_2093 : memref<1x80x128xf32, #tpu.memory_space<vmem>> -> memref<80x128xf32, #tpu.memory_space<vmem>>
        %dma_start3A_2095 = tpu.memref_slice %arg6[%mul3A_2088] : memref<6400xi32, #tpu.memory_space<vmem>> -> memref<80xi32, #tpu.memory_space<vmem>>
        %dma_start3A_2096 = arith.constant 0 : i32
        %dma_start3A_2097 = arith.constant 0 : i32
        %dma_start3A_2098 = tpu.memref_slice %arg2[%dma_start3A_2096, %dma_start3A_2097] : memref<108192x128xf32, #tpu.memory_space<hbm>> -> memref<108192x128xf32, #tpu.memory_space<hbm>>
        %dma_start3A_2099 = tpu.memref_slice %arg9[%dma_start3A_2090] : memref<10x!tpu.dma_semaphore, #tpu.memory_space<semaphore_mem>> -> memref<1x!tpu.dma_semaphore, #tpu.memory_space<semaphore_mem>>
        %dma_start3A_2100 = tpu.memref_squeeze %dma_start3A_2099 : memref<1x!tpu.dma_semaphore, #tpu.memory_space<semaphore_mem>> -> memref<!tpu.dma_semaphore, #tpu.memory_space<semaphore_mem>>
        tpu.enqueue_indirect_dma source(%dma_start3A_2098 : memref<108192x128xf32, #tpu.memory_space<hbm>>) target(%dma_start3A_2094 : memref<80x128xf32, #tpu.memory_space<vmem>>) offsets(%dma_start3A_2095 : memref<80xi32, #tpu.memory_space<vmem>>) semaphore(%dma_start3A_2100 : memref<!tpu.dma_semaphore, #tpu.memory_space<semaphore_mem>>)
      } else {
      }
      %mul3A_1869 = arith.constant 10 : i32
      %mul3A_1870 = arith.muli %add3A_1305, %mul3A_1869 : i32
      %add3A_1871 = arith.constant 7 : i32
      %add3A_1872 = arith.addi %mul3A_1870, %add3A_1871 : i32
      %mul3A_1873 = arith.constant 80 : i32
      %mul3A_1874 = arith.muli %add3A_1872, %mul3A_1873 : i32
      %add3A_1875 = arith.addi %mul3A_2, %mul3A_1874 : i32
      %dma_wait3A_1876 = arith.constant 7 : i32
      %dma_wait3A_1877 = arith.constant 7 : i32
      %dma_wait3A_1878 = arith.constant 0 : i32
      %dma_wait3A_1879 = arith.constant 0 : i32
      %dma_wait3A_1880 = tpu.memref_slice %arg8[%dma_wait3A_1876, %dma_wait3A_1878, %dma_wait3A_1879] : memref<10x80x128xf32, #tpu.memory_space<vmem>> -> memref<1x80x128xf32, #tpu.memory_space<vmem>>
      %dma_wait3A_1881 = tpu.memref_squeeze %dma_wait3A_1880 : memref<1x80x128xf32, #tpu.memory_space<vmem>> -> memref<80x128xf32, #tpu.memory_space<vmem>>
      %dma_wait3A_1882 = arith.constant 0 : i32
      %dma_wait3A_1883 = tpu.memref_slice %arg5[%add3A_1875, %dma_wait3A_1882] : memref<204800x128xf32, #tpu.memory_space<hbm>> -> memref<80x128xf32, #tpu.memory_space<hbm>>
      %dma_wait3A_1884 = tpu.memref_slice %arg10[%dma_wait3A_1877] : memref<10x!tpu.dma_semaphore, #tpu.memory_space<semaphore_mem>> -> memref<1x!tpu.dma_semaphore, #tpu.memory_space<semaphore_mem>>
      %dma_wait3A_1885 = tpu.memref_squeeze %dma_wait3A_1884 : memref<1x!tpu.dma_semaphore, #tpu.memory_space<semaphore_mem>> -> memref<!tpu.dma_semaphore, #tpu.memory_space<semaphore_mem>>
      %dma_wait3A_1886 = arith.constant 0 : i32
      %dma_wait3A_1887 = tpu.memref_slice %arg5[%add3A_1875, %dma_wait3A_1886] : memref<204800x128xf32, #tpu.memory_space<hbm>> -> memref<80x128xf32, #tpu.memory_space<hbm>>
      %dma_wait3A_1888 = arith.constant 0 : i32
      %dma_wait3A_1889 = arith.constant 0 : i32
      %dma_wait3A_1890 = tpu.memref_slice %arg8[%dma_wait3A_1876, %dma_wait3A_1888, %dma_wait3A_1889] : memref<10x80x128xf32, #tpu.memory_space<vmem>> -> memref<1x80x128xf32, #tpu.memory_space<vmem>>
      %dma_wait3A_1891 = tpu.memref_squeeze %dma_wait3A_1890 : memref<1x80x128xf32, #tpu.memory_space<vmem>> -> memref<80x128xf32, #tpu.memory_space<vmem>>
      tpu.wait_dma2 semaphore(%dma_wait3A_1885 : memref<!tpu.dma_semaphore, #tpu.memory_space<semaphore_mem>>) src(%dma_wait3A_1891 : memref<80x128xf32, #tpu.memory_space<vmem>>) dst(%dma_wait3A_1887 : memref<80x128xf32, #tpu.memory_space<hbm>>)
      %lt3A_1892 = arith.constant 7 : i32
      %lt3A_1893 = arith.cmpi slt, %add3A_1305, %lt3A_1892 : i32
      %convert_element_type3A_1894 = arith.extui %lt3A_1893 : i1 to i32
      %cond3A_1895 = arith.constant 0 : i32
      %cond3A_1896 = arith.cmpi ne, %convert_element_type3A_1894, %cond3A_1895 : i32
      scf.if %cond3A_1896 {
        %add3A_1953 = arith.constant 10 : i32
        %add3A_1954 = arith.addi %add3A_1872, %add3A_1953 : i32
        %mul3A_1955 = arith.constant 80 : i32
        %mul3A_1956 = arith.muli %add3A_1954, %mul3A_1955 : i32
        %add3A_1957 = arith.constant 0 : i32
        %add3A_1958 = arith.addi %mul3A_1956, %add3A_1957 : i32
        %mul3A_1959 = arith.constant 32 : i32
        %mul3A_1960 = arith.muli %add3A, %mul3A_1959 : i32
        %add3A_1961 = arith.addi %add3A_1958, %mul3A_1960 : i32
        %and3A_1962 = arith.constant 8191 : i32
        %and3A_1963 = arith.andi %add3A_1961, %and3A_1962 : i32
        %add3A_1964 = arith.constant 100000 : i32
        %add3A_1965 = arith.addi %add3A_1964, %and3A_1963 : i32
        %add3A_1966 = vector.broadcast %add3A_1965 : i32 to vector<16xi32>
        %add3A_1967 = arith.addi %add3A_1966, %iota3A : vector<16xi32>
        %get3A_1968 = arith.index_cast %add3A_1958 : i32 to index
        %get3A_1969 = tpu.vector_load %arg6[%get3A_1968] {strides = array<i32>} : memref<6400xi32, #tpu.memory_space<vmem>>, vector<16xi32>,
        %get3A_1970 = vector.shape_cast %get3A_1969 : vector<16xi32> to vector<16xi32>
        %sub3A_1971 = arith.subi %get3A_1970, %add3A_1967 : vector<16xi32>
        %get3A_1972 = arith.index_cast %add3A_1958 : i32 to index
        %get3A_1973 = tpu.vector_load %arg7[%get3A_1972] {strides = array<i32>} : memref<6400xi32, #tpu.memory_space<vmem>>, vector<16xi32>,
        %get3A_1974 = vector.shape_cast %get3A_1973 : vector<16xi32> to vector<16xi32>
        %mul3A_1975 = arith.muli %sub3A_1971, %get3A_1974 : vector<16xi32>
        %add3A_1976 = arith.addi %add3A_1967, %mul3A_1975 : vector<16xi32>
        %swap3A_1977 = arith.index_cast %add3A_1958 : i32 to index
        %swap3A_1978 = tpu.vector_load %arg6[%swap3A_1977] {strides = array<i32>} : memref<6400xi32, #tpu.memory_space<vmem>>, vector<16xi32>,
        %swap3A_1979 = vector.shape_cast %swap3A_1978 : vector<16xi32> to vector<16xi32>
        %swap3A_1980 = vector.shape_cast %add3A_1976 : vector<16xi32> to vector<16xi32>
        tpu.vector_store %arg6[%swap3A_1977], %swap3A_1980 {strides = array<i32>} : memref<6400xi32, #tpu.memory_space<vmem>>, vector<16xi32>,
        %mul3A_1981 = arith.constant 80 : i32
        %mul3A_1982 = arith.muli %add3A_1954, %mul3A_1981 : i32
        %add3A_1983 = arith.constant 16 : i32
        %add3A_1984 = arith.addi %mul3A_1982, %add3A_1983 : i32
        %mul3A_1985 = arith.constant 32 : i32
        %mul3A_1986 = arith.muli %add3A, %mul3A_1985 : i32
        %add3A_1987 = arith.addi %add3A_1984, %mul3A_1986 : i32
        %and3A_1988 = arith.constant 8191 : i32
        %and3A_1989 = arith.andi %add3A_1987, %and3A_1988 : i32
        %add3A_1990 = arith.constant 100000 : i32
        %add3A_1991 = arith.addi %add3A_1990, %and3A_1989 : i32
        %add3A_1992 = vector.broadcast %add3A_1991 : i32 to vector<16xi32>
        %add3A_1993 = arith.addi %add3A_1992, %iota3A : vector<16xi32>
        %get3A_1994 = arith.index_cast %add3A_1984 : i32 to index
        %get3A_1995 = tpu.vector_load %arg6[%get3A_1994] {strides = array<i32>} : memref<6400xi32, #tpu.memory_space<vmem>>, vector<16xi32>,
        %get3A_1996 = vector.shape_cast %get3A_1995 : vector<16xi32> to vector<16xi32>
        %sub3A_1997 = arith.subi %get3A_1996, %add3A_1993 : vector<16xi32>
        %get3A_1998 = arith.index_cast %add3A_1984 : i32 to index
        %get3A_1999 = tpu.vector_load %arg7[%get3A_1998] {strides = array<i32>} : memref<6400xi32, #tpu.memory_space<vmem>>, vector<16xi32>,
        %get3A_2000 = vector.shape_cast %get3A_1999 : vector<16xi32> to vector<16xi32>
        %mul3A_2001 = arith.muli %sub3A_1997, %get3A_2000 : vector<16xi32>
        %add3A_2002 = arith.addi %add3A_1993, %mul3A_2001 : vector<16xi32>
        %swap3A_2003 = arith.index_cast %add3A_1984 : i32 to index
        %swap3A_2004 = tpu.vector_load %arg6[%swap3A_2003] {strides = array<i32>} : memref<6400xi32, #tpu.memory_space<vmem>>, vector<16xi32>,
        %swap3A_2005 = vector.shape_cast %swap3A_2004 : vector<16xi32> to vector<16xi32>
        %swap3A_2006 = vector.shape_cast %add3A_2002 : vector<16xi32> to vector<16xi32>
        tpu.vector_store %arg6[%swap3A_2003], %swap3A_2006 {strides = array<i32>} : memref<6400xi32, #tpu.memory_space<vmem>>, vector<16xi32>,
        %mul3A_2007 = arith.constant 80 : i32
        %mul3A_2008 = arith.muli %add3A_1954, %mul3A_2007 : i32
        %add3A_2009 = arith.constant 32 : i32
        %add3A_2010 = arith.addi %mul3A_2008, %add3A_2009 : i32
        %mul3A_2011 = arith.constant 32 : i32
        %mul3A_2012 = arith.muli %add3A, %mul3A_2011 : i32
        %add3A_2013 = arith.addi %add3A_2010, %mul3A_2012 : i32
        %and3A_2014 = arith.constant 8191 : i32
        %and3A_2015 = arith.andi %add3A_2013, %and3A_2014 : i32
        %add3A_2016 = arith.constant 100000 : i32
        %add3A_2017 = arith.addi %add3A_2016, %and3A_2015 : i32
        %add3A_2018 = vector.broadcast %add3A_2017 : i32 to vector<16xi32>
        %add3A_2019 = arith.addi %add3A_2018, %iota3A : vector<16xi32>
        %get3A_2020 = arith.index_cast %add3A_2010 : i32 to index
        %get3A_2021 = tpu.vector_load %arg6[%get3A_2020] {strides = array<i32>} : memref<6400xi32, #tpu.memory_space<vmem>>, vector<16xi32>,
        %get3A_2022 = vector.shape_cast %get3A_2021 : vector<16xi32> to vector<16xi32>
        %sub3A_2023 = arith.subi %get3A_2022, %add3A_2019 : vector<16xi32>
        %get3A_2024 = arith.index_cast %add3A_2010 : i32 to index
        %get3A_2025 = tpu.vector_load %arg7[%get3A_2024] {strides = array<i32>} : memref<6400xi32, #tpu.memory_space<vmem>>, vector<16xi32>,
        %get3A_2026 = vector.shape_cast %get3A_2025 : vector<16xi32> to vector<16xi32>
        %mul3A_2027 = arith.muli %sub3A_2023, %get3A_2026 : vector<16xi32>
        %add3A_2028 = arith.addi %add3A_2019, %mul3A_2027 : vector<16xi32>
        %swap3A_2029 = arith.index_cast %add3A_2010 : i32 to index
        %swap3A_2030 = tpu.vector_load %arg6[%swap3A_2029] {strides = array<i32>} : memref<6400xi32, #tpu.memory_space<vmem>>, vector<16xi32>,
        %swap3A_2031 = vector.shape_cast %swap3A_2030 : vector<16xi32> to vector<16xi32>
        %swap3A_2032 = vector.shape_cast %add3A_2028 : vector<16xi32> to vector<16xi32>
        tpu.vector_store %arg6[%swap3A_2029], %swap3A_2032 {strides = array<i32>} : memref<6400xi32, #tpu.memory_space<vmem>>, vector<16xi32>,
        %mul3A_2033 = arith.constant 80 : i32
        %mul3A_2034 = arith.muli %add3A_1954, %mul3A_2033 : i32
        %add3A_2035 = arith.constant 48 : i32
        %add3A_2036 = arith.addi %mul3A_2034, %add3A_2035 : i32
        %mul3A_2037 = arith.constant 32 : i32
        %mul3A_2038 = arith.muli %add3A, %mul3A_2037 : i32
        %add3A_2039 = arith.addi %add3A_2036, %mul3A_2038 : i32
        %and3A_2040 = arith.constant 8191 : i32
        %and3A_2041 = arith.andi %add3A_2039, %and3A_2040 : i32
        %add3A_2042 = arith.constant 100000 : i32
        %add3A_2043 = arith.addi %add3A_2042, %and3A_2041 : i32
        %add3A_2044 = vector.broadcast %add3A_2043 : i32 to vector<16xi32>
        %add3A_2045 = arith.addi %add3A_2044, %iota3A : vector<16xi32>
        %get3A_2046 = arith.index_cast %add3A_2036 : i32 to index
        %get3A_2047 = tpu.vector_load %arg6[%get3A_2046] {strides = array<i32>} : memref<6400xi32, #tpu.memory_space<vmem>>, vector<16xi32>,
        %get3A_2048 = vector.shape_cast %get3A_2047 : vector<16xi32> to vector<16xi32>
        %sub3A_2049 = arith.subi %get3A_2048, %add3A_2045 : vector<16xi32>
        %get3A_2050 = arith.index_cast %add3A_2036 : i32 to index
        %get3A_2051 = tpu.vector_load %arg7[%get3A_2050] {strides = array<i32>} : memref<6400xi32, #tpu.memory_space<vmem>>, vector<16xi32>,
        %get3A_2052 = vector.shape_cast %get3A_2051 : vector<16xi32> to vector<16xi32>
        %mul3A_2053 = arith.muli %sub3A_2049, %get3A_2052 : vector<16xi32>
        %add3A_2054 = arith.addi %add3A_2045, %mul3A_2053 : vector<16xi32>
        %swap3A_2055 = arith.index_cast %add3A_2036 : i32 to index
        %swap3A_2056 = tpu.vector_load %arg6[%swap3A_2055] {strides = array<i32>} : memref<6400xi32, #tpu.memory_space<vmem>>, vector<16xi32>,
        %swap3A_2057 = vector.shape_cast %swap3A_2056 : vector<16xi32> to vector<16xi32>
        %swap3A_2058 = vector.shape_cast %add3A_2054 : vector<16xi32> to vector<16xi32>
        tpu.vector_store %arg6[%swap3A_2055], %swap3A_2058 {strides = array<i32>} : memref<6400xi32, #tpu.memory_space<vmem>>, vector<16xi32>,
        %mul3A_2059 = arith.constant 80 : i32
        %mul3A_2060 = arith.muli %add3A_1954, %mul3A_2059 : i32
        %add3A_2061 = arith.constant 64 : i32
        %add3A_2062 = arith.addi %mul3A_2060, %add3A_2061 : i32
        %mul3A_2063 = arith.constant 32 : i32
        %mul3A_2064 = arith.muli %add3A, %mul3A_2063 : i32
        %add3A_2065 = arith.addi %add3A_2062, %mul3A_2064 : i32
        %and3A_2066 = arith.constant 8191 : i32
        %and3A_2067 = arith.andi %add3A_2065, %and3A_2066 : i32
        %add3A_2068 = arith.constant 100000 : i32
        %add3A_2069 = arith.addi %add3A_2068, %and3A_2067 : i32
        %add3A_2070 = vector.broadcast %add3A_2069 : i32 to vector<16xi32>
        %add3A_2071 = arith.addi %add3A_2070, %iota3A : vector<16xi32>
        %get3A_2072 = arith.index_cast %add3A_2062 : i32 to index
        %get3A_2073 = tpu.vector_load %arg6[%get3A_2072] {strides = array<i32>} : memref<6400xi32, #tpu.memory_space<vmem>>, vector<16xi32>,
        %get3A_2074 = vector.shape_cast %get3A_2073 : vector<16xi32> to vector<16xi32>
        %sub3A_2075 = arith.subi %get3A_2074, %add3A_2071 : vector<16xi32>
        %get3A_2076 = arith.index_cast %add3A_2062 : i32 to index
        %get3A_2077 = tpu.vector_load %arg7[%get3A_2076] {strides = array<i32>} : memref<6400xi32, #tpu.memory_space<vmem>>, vector<16xi32>,
        %get3A_2078 = vector.shape_cast %get3A_2077 : vector<16xi32> to vector<16xi32>
        %mul3A_2079 = arith.muli %sub3A_2075, %get3A_2078 : vector<16xi32>
        %add3A_2080 = arith.addi %add3A_2071, %mul3A_2079 : vector<16xi32>
        %swap3A_2081 = arith.index_cast %add3A_2062 : i32 to index
        %swap3A_2082 = tpu.vector_load %arg6[%swap3A_2081] {strides = array<i32>} : memref<6400xi32, #tpu.memory_space<vmem>>, vector<16xi32>,
        %swap3A_2083 = vector.shape_cast %swap3A_2082 : vector<16xi32> to vector<16xi32>
        %swap3A_2084 = vector.shape_cast %add3A_2080 : vector<16xi32> to vector<16xi32>
        tpu.vector_store %arg6[%swap3A_2081], %swap3A_2084 {strides = array<i32>} : memref<6400xi32, #tpu.memory_space<vmem>>, vector<16xi32>,
        %add3A_2085 = arith.constant 10 : i32
        %add3A_2086 = arith.addi %add3A_1872, %add3A_2085 : i32
        %mul3A_2087 = arith.constant 80 : i32
        %mul3A_2088 = arith.muli %add3A_2086, %mul3A_2087 : i32
        %dma_start3A_2089 = arith.constant 7 : i32
        %dma_start3A_2090 = arith.constant 7 : i32
        %dma_start3A_2091 = arith.constant 0 : i32
        %dma_start3A_2092 = arith.constant 0 : i32
        %dma_start3A_2093 = tpu.memref_slice %arg8[%dma_start3A_2089, %dma_start3A_2091, %dma_start3A_2092] : memref<10x80x128xf32, #tpu.memory_space<vmem>> -> memref<1x80x128xf32, #tpu.memory_space<vmem>>
        %dma_start3A_2094 = tpu.memref_squeeze %dma_start3A_2093 : memref<1x80x128xf32, #tpu.memory_space<vmem>> -> memref<80x128xf32, #tpu.memory_space<vmem>>
        %dma_start3A_2095 = tpu.memref_slice %arg6[%mul3A_2088] : memref<6400xi32, #tpu.memory_space<vmem>> -> memref<80xi32, #tpu.memory_space<vmem>>
        %dma_start3A_2096 = arith.constant 0 : i32
        %dma_start3A_2097 = arith.constant 0 : i32
        %dma_start3A_2098 = tpu.memref_slice %arg2[%dma_start3A_2096, %dma_start3A_2097] : memref<108192x128xf32, #tpu.memory_space<hbm>> -> memref<108192x128xf32, #tpu.memory_space<hbm>>
        %dma_start3A_2099 = tpu.memref_slice %arg9[%dma_start3A_2090] : memref<10x!tpu.dma_semaphore, #tpu.memory_space<semaphore_mem>> -> memref<1x!tpu.dma_semaphore, #tpu.memory_space<semaphore_mem>>
        %dma_start3A_2100 = tpu.memref_squeeze %dma_start3A_2099 : memref<1x!tpu.dma_semaphore, #tpu.memory_space<semaphore_mem>> -> memref<!tpu.dma_semaphore, #tpu.memory_space<semaphore_mem>>
        tpu.enqueue_indirect_dma source(%dma_start3A_2098 : memref<108192x128xf32, #tpu.memory_space<hbm>>) target(%dma_start3A_2094 : memref<80x128xf32, #tpu.memory_space<vmem>>) offsets(%dma_start3A_2095 : memref<80xi32, #tpu.memory_space<vmem>>) semaphore(%dma_start3A_2100 : memref<!tpu.dma_semaphore, #tpu.memory_space<semaphore_mem>>)
      } else {
      }
      %mul3A_1897 = arith.constant 10 : i32
      %mul3A_1898 = arith.muli %add3A_1305, %mul3A_1897 : i32
      %add3A_1899 = arith.constant 8 : i32
      %add3A_1900 = arith.addi %mul3A_1898, %add3A_1899 : i32
      %mul3A_1901 = arith.constant 80 : i32
      %mul3A_1902 = arith.muli %add3A_1900, %mul3A_1901 : i32
      %add3A_1903 = arith.addi %mul3A_2, %mul3A_1902 : i32
      %dma_wait3A_1904 = arith.constant 8 : i32
      %dma_wait3A_1905 = arith.constant 8 : i32
      %dma_wait3A_1906 = arith.constant 0 : i32
      %dma_wait3A_1907 = arith.constant 0 : i32
      %dma_wait3A_1908 = tpu.memref_slice %arg8[%dma_wait3A_1904, %dma_wait3A_1906, %dma_wait3A_1907] : memref<10x80x128xf32, #tpu.memory_space<vmem>> -> memref<1x80x128xf32, #tpu.memory_space<vmem>>
      %dma_wait3A_1909 = tpu.memref_squeeze %dma_wait3A_1908 : memref<1x80x128xf32, #tpu.memory_space<vmem>> -> memref<80x128xf32, #tpu.memory_space<vmem>>
      %dma_wait3A_1910 = arith.constant 0 : i32
      %dma_wait3A_1911 = tpu.memref_slice %arg5[%add3A_1903, %dma_wait3A_1910] : memref<204800x128xf32, #tpu.memory_space<hbm>> -> memref<80x128xf32, #tpu.memory_space<hbm>>
      %dma_wait3A_1912 = tpu.memref_slice %arg10[%dma_wait3A_1905] : memref<10x!tpu.dma_semaphore, #tpu.memory_space<semaphore_mem>> -> memref<1x!tpu.dma_semaphore, #tpu.memory_space<semaphore_mem>>
      %dma_wait3A_1913 = tpu.memref_squeeze %dma_wait3A_1912 : memref<1x!tpu.dma_semaphore, #tpu.memory_space<semaphore_mem>> -> memref<!tpu.dma_semaphore, #tpu.memory_space<semaphore_mem>>
      %dma_wait3A_1914 = arith.constant 0 : i32
      %dma_wait3A_1915 = tpu.memref_slice %arg5[%add3A_1903, %dma_wait3A_1914] : memref<204800x128xf32, #tpu.memory_space<hbm>> -> memref<80x128xf32, #tpu.memory_space<hbm>>
      %dma_wait3A_1916 = arith.constant 0 : i32
      %dma_wait3A_1917 = arith.constant 0 : i32
      %dma_wait3A_1918 = tpu.memref_slice %arg8[%dma_wait3A_1904, %dma_wait3A_1916, %dma_wait3A_1917] : memref<10x80x128xf32, #tpu.memory_space<vmem>> -> memref<1x80x128xf32, #tpu.memory_space<vmem>>
      %dma_wait3A_1919 = tpu.memref_squeeze %dma_wait3A_1918 : memref<1x80x128xf32, #tpu.memory_space<vmem>> -> memref<80x128xf32, #tpu.memory_space<vmem>>
      tpu.wait_dma2 semaphore(%dma_wait3A_1913 : memref<!tpu.dma_semaphore, #tpu.memory_space<semaphore_mem>>) src(%dma_wait3A_1919 : memref<80x128xf32, #tpu.memory_space<vmem>>) dst(%dma_wait3A_1915 : memref<80x128xf32, #tpu.memory_space<hbm>>)
      %lt3A_1920 = arith.constant 7 : i32
      %lt3A_1921 = arith.cmpi slt, %add3A_1305, %lt3A_1920 : i32
      %convert_element_type3A_1922 = arith.extui %lt3A_1921 : i1 to i32
      %cond3A_1923 = arith.constant 0 : i32
      %cond3A_1924 = arith.cmpi ne, %convert_element_type3A_1922, %cond3A_1923 : i32
      scf.if %cond3A_1924 {
        %add3A_1953 = arith.constant 10 : i32
        %add3A_1954 = arith.addi %add3A_1900, %add3A_1953 : i32
        %mul3A_1955 = arith.constant 80 : i32
        %mul3A_1956 = arith.muli %add3A_1954, %mul3A_1955 : i32
        %add3A_1957 = arith.constant 0 : i32
        %add3A_1958 = arith.addi %mul3A_1956, %add3A_1957 : i32
        %mul3A_1959 = arith.constant 32 : i32
        %mul3A_1960 = arith.muli %add3A, %mul3A_1959 : i32
        %add3A_1961 = arith.addi %add3A_1958, %mul3A_1960 : i32
        %and3A_1962 = arith.constant 8191 : i32
        %and3A_1963 = arith.andi %add3A_1961, %and3A_1962 : i32
        %add3A_1964 = arith.constant 100000 : i32
        %add3A_1965 = arith.addi %add3A_1964, %and3A_1963 : i32
        %add3A_1966 = vector.broadcast %add3A_1965 : i32 to vector<16xi32>
        %add3A_1967 = arith.addi %add3A_1966, %iota3A : vector<16xi32>
        %get3A_1968 = arith.index_cast %add3A_1958 : i32 to index
        %get3A_1969 = tpu.vector_load %arg6[%get3A_1968] {strides = array<i32>} : memref<6400xi32, #tpu.memory_space<vmem>>, vector<16xi32>,
        %get3A_1970 = vector.shape_cast %get3A_1969 : vector<16xi32> to vector<16xi32>
        %sub3A_1971 = arith.subi %get3A_1970, %add3A_1967 : vector<16xi32>
        %get3A_1972 = arith.index_cast %add3A_1958 : i32 to index
        %get3A_1973 = tpu.vector_load %arg7[%get3A_1972] {strides = array<i32>} : memref<6400xi32, #tpu.memory_space<vmem>>, vector<16xi32>,
        %get3A_1974 = vector.shape_cast %get3A_1973 : vector<16xi32> to vector<16xi32>
        %mul3A_1975 = arith.muli %sub3A_1971, %get3A_1974 : vector<16xi32>
        %add3A_1976 = arith.addi %add3A_1967, %mul3A_1975 : vector<16xi32>
        %swap3A_1977 = arith.index_cast %add3A_1958 : i32 to index
        %swap3A_1978 = tpu.vector_load %arg6[%swap3A_1977] {strides = array<i32>} : memref<6400xi32, #tpu.memory_space<vmem>>, vector<16xi32>,
        %swap3A_1979 = vector.shape_cast %swap3A_1978 : vector<16xi32> to vector<16xi32>
        %swap3A_1980 = vector.shape_cast %add3A_1976 : vector<16xi32> to vector<16xi32>
        tpu.vector_store %arg6[%swap3A_1977], %swap3A_1980 {strides = array<i32>} : memref<6400xi32, #tpu.memory_space<vmem>>, vector<16xi32>,
        %mul3A_1981 = arith.constant 80 : i32
        %mul3A_1982 = arith.muli %add3A_1954, %mul3A_1981 : i32
        %add3A_1983 = arith.constant 16 : i32
        %add3A_1984 = arith.addi %mul3A_1982, %add3A_1983 : i32
        %mul3A_1985 = arith.constant 32 : i32
        %mul3A_1986 = arith.muli %add3A, %mul3A_1985 : i32
        %add3A_1987 = arith.addi %add3A_1984, %mul3A_1986 : i32
        %and3A_1988 = arith.constant 8191 : i32
        %and3A_1989 = arith.andi %add3A_1987, %and3A_1988 : i32
        %add3A_1990 = arith.constant 100000 : i32
        %add3A_1991 = arith.addi %add3A_1990, %and3A_1989 : i32
        %add3A_1992 = vector.broadcast %add3A_1991 : i32 to vector<16xi32>
        %add3A_1993 = arith.addi %add3A_1992, %iota3A : vector<16xi32>
        %get3A_1994 = arith.index_cast %add3A_1984 : i32 to index
        %get3A_1995 = tpu.vector_load %arg6[%get3A_1994] {strides = array<i32>} : memref<6400xi32, #tpu.memory_space<vmem>>, vector<16xi32>,
        %get3A_1996 = vector.shape_cast %get3A_1995 : vector<16xi32> to vector<16xi32>
        %sub3A_1997 = arith.subi %get3A_1996, %add3A_1993 : vector<16xi32>
        %get3A_1998 = arith.index_cast %add3A_1984 : i32 to index
        %get3A_1999 = tpu.vector_load %arg7[%get3A_1998] {strides = array<i32>} : memref<6400xi32, #tpu.memory_space<vmem>>, vector<16xi32>,
        %get3A_2000 = vector.shape_cast %get3A_1999 : vector<16xi32> to vector<16xi32>
        %mul3A_2001 = arith.muli %sub3A_1997, %get3A_2000 : vector<16xi32>
        %add3A_2002 = arith.addi %add3A_1993, %mul3A_2001 : vector<16xi32>
        %swap3A_2003 = arith.index_cast %add3A_1984 : i32 to index
        %swap3A_2004 = tpu.vector_load %arg6[%swap3A_2003] {strides = array<i32>} : memref<6400xi32, #tpu.memory_space<vmem>>, vector<16xi32>,
        %swap3A_2005 = vector.shape_cast %swap3A_2004 : vector<16xi32> to vector<16xi32>
        %swap3A_2006 = vector.shape_cast %add3A_2002 : vector<16xi32> to vector<16xi32>
        tpu.vector_store %arg6[%swap3A_2003], %swap3A_2006 {strides = array<i32>} : memref<6400xi32, #tpu.memory_space<vmem>>, vector<16xi32>,
        %mul3A_2007 = arith.constant 80 : i32
        %mul3A_2008 = arith.muli %add3A_1954, %mul3A_2007 : i32
        %add3A_2009 = arith.constant 32 : i32
        %add3A_2010 = arith.addi %mul3A_2008, %add3A_2009 : i32
        %mul3A_2011 = arith.constant 32 : i32
        %mul3A_2012 = arith.muli %add3A, %mul3A_2011 : i32
        %add3A_2013 = arith.addi %add3A_2010, %mul3A_2012 : i32
        %and3A_2014 = arith.constant 8191 : i32
        %and3A_2015 = arith.andi %add3A_2013, %and3A_2014 : i32
        %add3A_2016 = arith.constant 100000 : i32
        %add3A_2017 = arith.addi %add3A_2016, %and3A_2015 : i32
        %add3A_2018 = vector.broadcast %add3A_2017 : i32 to vector<16xi32>
        %add3A_2019 = arith.addi %add3A_2018, %iota3A : vector<16xi32>
        %get3A_2020 = arith.index_cast %add3A_2010 : i32 to index
        %get3A_2021 = tpu.vector_load %arg6[%get3A_2020] {strides = array<i32>} : memref<6400xi32, #tpu.memory_space<vmem>>, vector<16xi32>,
        %get3A_2022 = vector.shape_cast %get3A_2021 : vector<16xi32> to vector<16xi32>
        %sub3A_2023 = arith.subi %get3A_2022, %add3A_2019 : vector<16xi32>
        %get3A_2024 = arith.index_cast %add3A_2010 : i32 to index
        %get3A_2025 = tpu.vector_load %arg7[%get3A_2024] {strides = array<i32>} : memref<6400xi32, #tpu.memory_space<vmem>>, vector<16xi32>,
        %get3A_2026 = vector.shape_cast %get3A_2025 : vector<16xi32> to vector<16xi32>
        %mul3A_2027 = arith.muli %sub3A_2023, %get3A_2026 : vector<16xi32>
        %add3A_2028 = arith.addi %add3A_2019, %mul3A_2027 : vector<16xi32>
        %swap3A_2029 = arith.index_cast %add3A_2010 : i32 to index
        %swap3A_2030 = tpu.vector_load %arg6[%swap3A_2029] {strides = array<i32>} : memref<6400xi32, #tpu.memory_space<vmem>>, vector<16xi32>,
        %swap3A_2031 = vector.shape_cast %swap3A_2030 : vector<16xi32> to vector<16xi32>
        %swap3A_2032 = vector.shape_cast %add3A_2028 : vector<16xi32> to vector<16xi32>
        tpu.vector_store %arg6[%swap3A_2029], %swap3A_2032 {strides = array<i32>} : memref<6400xi32, #tpu.memory_space<vmem>>, vector<16xi32>,
        %mul3A_2033 = arith.constant 80 : i32
        %mul3A_2034 = arith.muli %add3A_1954, %mul3A_2033 : i32
        %add3A_2035 = arith.constant 48 : i32
        %add3A_2036 = arith.addi %mul3A_2034, %add3A_2035 : i32
        %mul3A_2037 = arith.constant 32 : i32
        %mul3A_2038 = arith.muli %add3A, %mul3A_2037 : i32
        %add3A_2039 = arith.addi %add3A_2036, %mul3A_2038 : i32
        %and3A_2040 = arith.constant 8191 : i32
        %and3A_2041 = arith.andi %add3A_2039, %and3A_2040 : i32
        %add3A_2042 = arith.constant 100000 : i32
        %add3A_2043 = arith.addi %add3A_2042, %and3A_2041 : i32
        %add3A_2044 = vector.broadcast %add3A_2043 : i32 to vector<16xi32>
        %add3A_2045 = arith.addi %add3A_2044, %iota3A : vector<16xi32>
        %get3A_2046 = arith.index_cast %add3A_2036 : i32 to index
        %get3A_2047 = tpu.vector_load %arg6[%get3A_2046] {strides = array<i32>} : memref<6400xi32, #tpu.memory_space<vmem>>, vector<16xi32>,
        %get3A_2048 = vector.shape_cast %get3A_2047 : vector<16xi32> to vector<16xi32>
        %sub3A_2049 = arith.subi %get3A_2048, %add3A_2045 : vector<16xi32>
        %get3A_2050 = arith.index_cast %add3A_2036 : i32 to index
        %get3A_2051 = tpu.vector_load %arg7[%get3A_2050] {strides = array<i32>} : memref<6400xi32, #tpu.memory_space<vmem>>, vector<16xi32>,
        %get3A_2052 = vector.shape_cast %get3A_2051 : vector<16xi32> to vector<16xi32>
        %mul3A_2053 = arith.muli %sub3A_2049, %get3A_2052 : vector<16xi32>
        %add3A_2054 = arith.addi %add3A_2045, %mul3A_2053 : vector<16xi32>
        %swap3A_2055 = arith.index_cast %add3A_2036 : i32 to index
        %swap3A_2056 = tpu.vector_load %arg6[%swap3A_2055] {strides = array<i32>} : memref<6400xi32, #tpu.memory_space<vmem>>, vector<16xi32>,
        %swap3A_2057 = vector.shape_cast %swap3A_2056 : vector<16xi32> to vector<16xi32>
        %swap3A_2058 = vector.shape_cast %add3A_2054 : vector<16xi32> to vector<16xi32>
        tpu.vector_store %arg6[%swap3A_2055], %swap3A_2058 {strides = array<i32>} : memref<6400xi32, #tpu.memory_space<vmem>>, vector<16xi32>,
        %mul3A_2059 = arith.constant 80 : i32
        %mul3A_2060 = arith.muli %add3A_1954, %mul3A_2059 : i32
        %add3A_2061 = arith.constant 64 : i32
        %add3A_2062 = arith.addi %mul3A_2060, %add3A_2061 : i32
        %mul3A_2063 = arith.constant 32 : i32
        %mul3A_2064 = arith.muli %add3A, %mul3A_2063 : i32
        %add3A_2065 = arith.addi %add3A_2062, %mul3A_2064 : i32
        %and3A_2066 = arith.constant 8191 : i32
        %and3A_2067 = arith.andi %add3A_2065, %and3A_2066 : i32
        %add3A_2068 = arith.constant 100000 : i32
        %add3A_2069 = arith.addi %add3A_2068, %and3A_2067 : i32
        %add3A_2070 = vector.broadcast %add3A_2069 : i32 to vector<16xi32>
        %add3A_2071 = arith.addi %add3A_2070, %iota3A : vector<16xi32>
        %get3A_2072 = arith.index_cast %add3A_2062 : i32 to index
        %get3A_2073 = tpu.vector_load %arg6[%get3A_2072] {strides = array<i32>} : memref<6400xi32, #tpu.memory_space<vmem>>, vector<16xi32>,
        %get3A_2074 = vector.shape_cast %get3A_2073 : vector<16xi32> to vector<16xi32>
        %sub3A_2075 = arith.subi %get3A_2074, %add3A_2071 : vector<16xi32>
        %get3A_2076 = arith.index_cast %add3A_2062 : i32 to index
        %get3A_2077 = tpu.vector_load %arg7[%get3A_2076] {strides = array<i32>} : memref<6400xi32, #tpu.memory_space<vmem>>, vector<16xi32>,
        %get3A_2078 = vector.shape_cast %get3A_2077 : vector<16xi32> to vector<16xi32>
        %mul3A_2079 = arith.muli %sub3A_2075, %get3A_2078 : vector<16xi32>
        %add3A_2080 = arith.addi %add3A_2071, %mul3A_2079 : vector<16xi32>
        %swap3A_2081 = arith.index_cast %add3A_2062 : i32 to index
        %swap3A_2082 = tpu.vector_load %arg6[%swap3A_2081] {strides = array<i32>} : memref<6400xi32, #tpu.memory_space<vmem>>, vector<16xi32>,
        %swap3A_2083 = vector.shape_cast %swap3A_2082 : vector<16xi32> to vector<16xi32>
        %swap3A_2084 = vector.shape_cast %add3A_2080 : vector<16xi32> to vector<16xi32>
        tpu.vector_store %arg6[%swap3A_2081], %swap3A_2084 {strides = array<i32>} : memref<6400xi32, #tpu.memory_space<vmem>>, vector<16xi32>,
        %add3A_2085 = arith.constant 10 : i32
        %add3A_2086 = arith.addi %add3A_1900, %add3A_2085 : i32
        %mul3A_2087 = arith.constant 80 : i32
        %mul3A_2088 = arith.muli %add3A_2086, %mul3A_2087 : i32
        %dma_start3A_2089 = arith.constant 8 : i32
        %dma_start3A_2090 = arith.constant 8 : i32
        %dma_start3A_2091 = arith.constant 0 : i32
        %dma_start3A_2092 = arith.constant 0 : i32
        %dma_start3A_2093 = tpu.memref_slice %arg8[%dma_start3A_2089, %dma_start3A_2091, %dma_start3A_2092] : memref<10x80x128xf32, #tpu.memory_space<vmem>> -> memref<1x80x128xf32, #tpu.memory_space<vmem>>
        %dma_start3A_2094 = tpu.memref_squeeze %dma_start3A_2093 : memref<1x80x128xf32, #tpu.memory_space<vmem>> -> memref<80x128xf32, #tpu.memory_space<vmem>>
        %dma_start3A_2095 = tpu.memref_slice %arg6[%mul3A_2088] : memref<6400xi32, #tpu.memory_space<vmem>> -> memref<80xi32, #tpu.memory_space<vmem>>
        %dma_start3A_2096 = arith.constant 0 : i32
        %dma_start3A_2097 = arith.constant 0 : i32
        %dma_start3A_2098 = tpu.memref_slice %arg2[%dma_start3A_2096, %dma_start3A_2097] : memref<108192x128xf32, #tpu.memory_space<hbm>> -> memref<108192x128xf32, #tpu.memory_space<hbm>>
        %dma_start3A_2099 = tpu.memref_slice %arg9[%dma_start3A_2090] : memref<10x!tpu.dma_semaphore, #tpu.memory_space<semaphore_mem>> -> memref<1x!tpu.dma_semaphore, #tpu.memory_space<semaphore_mem>>
        %dma_start3A_2100 = tpu.memref_squeeze %dma_start3A_2099 : memref<1x!tpu.dma_semaphore, #tpu.memory_space<semaphore_mem>> -> memref<!tpu.dma_semaphore, #tpu.memory_space<semaphore_mem>>
        tpu.enqueue_indirect_dma source(%dma_start3A_2098 : memref<108192x128xf32, #tpu.memory_space<hbm>>) target(%dma_start3A_2094 : memref<80x128xf32, #tpu.memory_space<vmem>>) offsets(%dma_start3A_2095 : memref<80xi32, #tpu.memory_space<vmem>>) semaphore(%dma_start3A_2100 : memref<!tpu.dma_semaphore, #tpu.memory_space<semaphore_mem>>)
      } else {
      }
      %mul3A_1925 = arith.constant 10 : i32
      %mul3A_1926 = arith.muli %add3A_1305, %mul3A_1925 : i32
      %add3A_1927 = arith.constant 9 : i32
      %add3A_1928 = arith.addi %mul3A_1926, %add3A_1927 : i32
      %mul3A_1929 = arith.constant 80 : i32
      %mul3A_1930 = arith.muli %add3A_1928, %mul3A_1929 : i32
      %add3A_1931 = arith.addi %mul3A_2, %mul3A_1930 : i32
      %dma_wait3A_1932 = arith.constant 9 : i32
      %dma_wait3A_1933 = arith.constant 9 : i32
      %dma_wait3A_1934 = arith.constant 0 : i32
      %dma_wait3A_1935 = arith.constant 0 : i32
      %dma_wait3A_1936 = tpu.memref_slice %arg8[%dma_wait3A_1932, %dma_wait3A_1934, %dma_wait3A_1935] : memref<10x80x128xf32, #tpu.memory_space<vmem>> -> memref<1x80x128xf32, #tpu.memory_space<vmem>>
      %dma_wait3A_1937 = tpu.memref_squeeze %dma_wait3A_1936 : memref<1x80x128xf32, #tpu.memory_space<vmem>> -> memref<80x128xf32, #tpu.memory_space<vmem>>
      %dma_wait3A_1938 = arith.constant 0 : i32
      %dma_wait3A_1939 = tpu.memref_slice %arg5[%add3A_1931, %dma_wait3A_1938] : memref<204800x128xf32, #tpu.memory_space<hbm>> -> memref<80x128xf32, #tpu.memory_space<hbm>>
      %dma_wait3A_1940 = tpu.memref_slice %arg10[%dma_wait3A_1933] : memref<10x!tpu.dma_semaphore, #tpu.memory_space<semaphore_mem>> -> memref<1x!tpu.dma_semaphore, #tpu.memory_space<semaphore_mem>>
      %dma_wait3A_1941 = tpu.memref_squeeze %dma_wait3A_1940 : memref<1x!tpu.dma_semaphore, #tpu.memory_space<semaphore_mem>> -> memref<!tpu.dma_semaphore, #tpu.memory_space<semaphore_mem>>
      %dma_wait3A_1942 = arith.constant 0 : i32
      %dma_wait3A_1943 = tpu.memref_slice %arg5[%add3A_1931, %dma_wait3A_1942] : memref<204800x128xf32, #tpu.memory_space<hbm>> -> memref<80x128xf32, #tpu.memory_space<hbm>>
      %dma_wait3A_1944 = arith.constant 0 : i32
      %dma_wait3A_1945 = arith.constant 0 : i32
      %dma_wait3A_1946 = tpu.memref_slice %arg8[%dma_wait3A_1932, %dma_wait3A_1944, %dma_wait3A_1945] : memref<10x80x128xf32, #tpu.memory_space<vmem>> -> memref<1x80x128xf32, #tpu.memory_space<vmem>>
      %dma_wait3A_1947 = tpu.memref_squeeze %dma_wait3A_1946 : memref<1x80x128xf32, #tpu.memory_space<vmem>> -> memref<80x128xf32, #tpu.memory_space<vmem>>
      tpu.wait_dma2 semaphore(%dma_wait3A_1941 : memref<!tpu.dma_semaphore, #tpu.memory_space<semaphore_mem>>) src(%dma_wait3A_1947 : memref<80x128xf32, #tpu.memory_space<vmem>>) dst(%dma_wait3A_1943 : memref<80x128xf32, #tpu.memory_space<hbm>>)
      %lt3A_1948 = arith.constant 7 : i32
      %lt3A_1949 = arith.cmpi slt, %add3A_1305, %lt3A_1948 : i32
      %convert_element_type3A_1950 = arith.extui %lt3A_1949 : i1 to i32
      %cond3A_1951 = arith.constant 0 : i32
      %cond3A_1952 = arith.cmpi ne, %convert_element_type3A_1950, %cond3A_1951 : i32
      scf.if %cond3A_1952 {
        %add3A_1953 = arith.constant 10 : i32
        %add3A_1954 = arith.addi %add3A_1928, %add3A_1953 : i32
        %mul3A_1955 = arith.constant 80 : i32
        %mul3A_1956 = arith.muli %add3A_1954, %mul3A_1955 : i32
        %add3A_1957 = arith.constant 0 : i32
        %add3A_1958 = arith.addi %mul3A_1956, %add3A_1957 : i32
        %mul3A_1959 = arith.constant 32 : i32
        %mul3A_1960 = arith.muli %add3A, %mul3A_1959 : i32
        %add3A_1961 = arith.addi %add3A_1958, %mul3A_1960 : i32
        %and3A_1962 = arith.constant 8191 : i32
        %and3A_1963 = arith.andi %add3A_1961, %and3A_1962 : i32
        %add3A_1964 = arith.constant 100000 : i32
        %add3A_1965 = arith.addi %add3A_1964, %and3A_1963 : i32
        %add3A_1966 = vector.broadcast %add3A_1965 : i32 to vector<16xi32>
        %add3A_1967 = arith.addi %add3A_1966, %iota3A : vector<16xi32>
        %get3A_1968 = arith.index_cast %add3A_1958 : i32 to index
        %get3A_1969 = tpu.vector_load %arg6[%get3A_1968] {strides = array<i32>} : memref<6400xi32, #tpu.memory_space<vmem>>, vector<16xi32>,
        %get3A_1970 = vector.shape_cast %get3A_1969 : vector<16xi32> to vector<16xi32>
        %sub3A_1971 = arith.subi %get3A_1970, %add3A_1967 : vector<16xi32>
        %get3A_1972 = arith.index_cast %add3A_1958 : i32 to index
        %get3A_1973 = tpu.vector_load %arg7[%get3A_1972] {strides = array<i32>} : memref<6400xi32, #tpu.memory_space<vmem>>, vector<16xi32>,
        %get3A_1974 = vector.shape_cast %get3A_1973 : vector<16xi32> to vector<16xi32>
        %mul3A_1975 = arith.muli %sub3A_1971, %get3A_1974 : vector<16xi32>
        %add3A_1976 = arith.addi %add3A_1967, %mul3A_1975 : vector<16xi32>
        %swap3A_1977 = arith.index_cast %add3A_1958 : i32 to index
        %swap3A_1978 = tpu.vector_load %arg6[%swap3A_1977] {strides = array<i32>} : memref<6400xi32, #tpu.memory_space<vmem>>, vector<16xi32>,
        %swap3A_1979 = vector.shape_cast %swap3A_1978 : vector<16xi32> to vector<16xi32>
        %swap3A_1980 = vector.shape_cast %add3A_1976 : vector<16xi32> to vector<16xi32>
        tpu.vector_store %arg6[%swap3A_1977], %swap3A_1980 {strides = array<i32>} : memref<6400xi32, #tpu.memory_space<vmem>>, vector<16xi32>,
        %mul3A_1981 = arith.constant 80 : i32
        %mul3A_1982 = arith.muli %add3A_1954, %mul3A_1981 : i32
        %add3A_1983 = arith.constant 16 : i32
        %add3A_1984 = arith.addi %mul3A_1982, %add3A_1983 : i32
        %mul3A_1985 = arith.constant 32 : i32
        %mul3A_1986 = arith.muli %add3A, %mul3A_1985 : i32
        %add3A_1987 = arith.addi %add3A_1984, %mul3A_1986 : i32
        %and3A_1988 = arith.constant 8191 : i32
        %and3A_1989 = arith.andi %add3A_1987, %and3A_1988 : i32
        %add3A_1990 = arith.constant 100000 : i32
        %add3A_1991 = arith.addi %add3A_1990, %and3A_1989 : i32
        %add3A_1992 = vector.broadcast %add3A_1991 : i32 to vector<16xi32>
        %add3A_1993 = arith.addi %add3A_1992, %iota3A : vector<16xi32>
        %get3A_1994 = arith.index_cast %add3A_1984 : i32 to index
        %get3A_1995 = tpu.vector_load %arg6[%get3A_1994] {strides = array<i32>} : memref<6400xi32, #tpu.memory_space<vmem>>, vector<16xi32>,
        %get3A_1996 = vector.shape_cast %get3A_1995 : vector<16xi32> to vector<16xi32>
        %sub3A_1997 = arith.subi %get3A_1996, %add3A_1993 : vector<16xi32>
        %get3A_1998 = arith.index_cast %add3A_1984 : i32 to index
        %get3A_1999 = tpu.vector_load %arg7[%get3A_1998] {strides = array<i32>} : memref<6400xi32, #tpu.memory_space<vmem>>, vector<16xi32>,
        %get3A_2000 = vector.shape_cast %get3A_1999 : vector<16xi32> to vector<16xi32>
        %mul3A_2001 = arith.muli %sub3A_1997, %get3A_2000 : vector<16xi32>
        %add3A_2002 = arith.addi %add3A_1993, %mul3A_2001 : vector<16xi32>
        %swap3A_2003 = arith.index_cast %add3A_1984 : i32 to index
        %swap3A_2004 = tpu.vector_load %arg6[%swap3A_2003] {strides = array<i32>} : memref<6400xi32, #tpu.memory_space<vmem>>, vector<16xi32>,
        %swap3A_2005 = vector.shape_cast %swap3A_2004 : vector<16xi32> to vector<16xi32>
        %swap3A_2006 = vector.shape_cast %add3A_2002 : vector<16xi32> to vector<16xi32>
        tpu.vector_store %arg6[%swap3A_2003], %swap3A_2006 {strides = array<i32>} : memref<6400xi32, #tpu.memory_space<vmem>>, vector<16xi32>,
        %mul3A_2007 = arith.constant 80 : i32
        %mul3A_2008 = arith.muli %add3A_1954, %mul3A_2007 : i32
        %add3A_2009 = arith.constant 32 : i32
        %add3A_2010 = arith.addi %mul3A_2008, %add3A_2009 : i32
        %mul3A_2011 = arith.constant 32 : i32
        %mul3A_2012 = arith.muli %add3A, %mul3A_2011 : i32
        %add3A_2013 = arith.addi %add3A_2010, %mul3A_2012 : i32
        %and3A_2014 = arith.constant 8191 : i32
        %and3A_2015 = arith.andi %add3A_2013, %and3A_2014 : i32
        %add3A_2016 = arith.constant 100000 : i32
        %add3A_2017 = arith.addi %add3A_2016, %and3A_2015 : i32
        %add3A_2018 = vector.broadcast %add3A_2017 : i32 to vector<16xi32>
        %add3A_2019 = arith.addi %add3A_2018, %iota3A : vector<16xi32>
        %get3A_2020 = arith.index_cast %add3A_2010 : i32 to index
        %get3A_2021 = tpu.vector_load %arg6[%get3A_2020] {strides = array<i32>} : memref<6400xi32, #tpu.memory_space<vmem>>, vector<16xi32>,
        %get3A_2022 = vector.shape_cast %get3A_2021 : vector<16xi32> to vector<16xi32>
        %sub3A_2023 = arith.subi %get3A_2022, %add3A_2019 : vector<16xi32>
        %get3A_2024 = arith.index_cast %add3A_2010 : i32 to index
        %get3A_2025 = tpu.vector_load %arg7[%get3A_2024] {strides = array<i32>} : memref<6400xi32, #tpu.memory_space<vmem>>, vector<16xi32>,
        %get3A_2026 = vector.shape_cast %get3A_2025 : vector<16xi32> to vector<16xi32>
        %mul3A_2027 = arith.muli %sub3A_2023, %get3A_2026 : vector<16xi32>
        %add3A_2028 = arith.addi %add3A_2019, %mul3A_2027 : vector<16xi32>
        %swap3A_2029 = arith.index_cast %add3A_2010 : i32 to index
        %swap3A_2030 = tpu.vector_load %arg6[%swap3A_2029] {strides = array<i32>} : memref<6400xi32, #tpu.memory_space<vmem>>, vector<16xi32>,
        %swap3A_2031 = vector.shape_cast %swap3A_2030 : vector<16xi32> to vector<16xi32>
        %swap3A_2032 = vector.shape_cast %add3A_2028 : vector<16xi32> to vector<16xi32>
        tpu.vector_store %arg6[%swap3A_2029], %swap3A_2032 {strides = array<i32>} : memref<6400xi32, #tpu.memory_space<vmem>>, vector<16xi32>,
        %mul3A_2033 = arith.constant 80 : i32
        %mul3A_2034 = arith.muli %add3A_1954, %mul3A_2033 : i32
        %add3A_2035 = arith.constant 48 : i32
        %add3A_2036 = arith.addi %mul3A_2034, %add3A_2035 : i32
        %mul3A_2037 = arith.constant 32 : i32
        %mul3A_2038 = arith.muli %add3A, %mul3A_2037 : i32
        %add3A_2039 = arith.addi %add3A_2036, %mul3A_2038 : i32
        %and3A_2040 = arith.constant 8191 : i32
        %and3A_2041 = arith.andi %add3A_2039, %and3A_2040 : i32
        %add3A_2042 = arith.constant 100000 : i32
        %add3A_2043 = arith.addi %add3A_2042, %and3A_2041 : i32
        %add3A_2044 = vector.broadcast %add3A_2043 : i32 to vector<16xi32>
        %add3A_2045 = arith.addi %add3A_2044, %iota3A : vector<16xi32>
        %get3A_2046 = arith.index_cast %add3A_2036 : i32 to index
        %get3A_2047 = tpu.vector_load %arg6[%get3A_2046] {strides = array<i32>} : memref<6400xi32, #tpu.memory_space<vmem>>, vector<16xi32>,
        %get3A_2048 = vector.shape_cast %get3A_2047 : vector<16xi32> to vector<16xi32>
        %sub3A_2049 = arith.subi %get3A_2048, %add3A_2045 : vector<16xi32>
        %get3A_2050 = arith.index_cast %add3A_2036 : i32 to index
        %get3A_2051 = tpu.vector_load %arg7[%get3A_2050] {strides = array<i32>} : memref<6400xi32, #tpu.memory_space<vmem>>, vector<16xi32>,
        %get3A_2052 = vector.shape_cast %get3A_2051 : vector<16xi32> to vector<16xi32>
        %mul3A_2053 = arith.muli %sub3A_2049, %get3A_2052 : vector<16xi32>
        %add3A_2054 = arith.addi %add3A_2045, %mul3A_2053 : vector<16xi32>
        %swap3A_2055 = arith.index_cast %add3A_2036 : i32 to index
        %swap3A_2056 = tpu.vector_load %arg6[%swap3A_2055] {strides = array<i32>} : memref<6400xi32, #tpu.memory_space<vmem>>, vector<16xi32>,
        %swap3A_2057 = vector.shape_cast %swap3A_2056 : vector<16xi32> to vector<16xi32>
        %swap3A_2058 = vector.shape_cast %add3A_2054 : vector<16xi32> to vector<16xi32>
        tpu.vector_store %arg6[%swap3A_2055], %swap3A_2058 {strides = array<i32>} : memref<6400xi32, #tpu.memory_space<vmem>>, vector<16xi32>,
        %mul3A_2059 = arith.constant 80 : i32
        %mul3A_2060 = arith.muli %add3A_1954, %mul3A_2059 : i32
        %add3A_2061 = arith.constant 64 : i32
        %add3A_2062 = arith.addi %mul3A_2060, %add3A_2061 : i32
        %mul3A_2063 = arith.constant 32 : i32
        %mul3A_2064 = arith.muli %add3A, %mul3A_2063 : i32
        %add3A_2065 = arith.addi %add3A_2062, %mul3A_2064 : i32
        %and3A_2066 = arith.constant 8191 : i32
        %and3A_2067 = arith.andi %add3A_2065, %and3A_2066 : i32
        %add3A_2068 = arith.constant 100000 : i32
        %add3A_2069 = arith.addi %add3A_2068, %and3A_2067 : i32
        %add3A_2070 = vector.broadcast %add3A_2069 : i32 to vector<16xi32>
        %add3A_2071 = arith.addi %add3A_2070, %iota3A : vector<16xi32>
        %get3A_2072 = arith.index_cast %add3A_2062 : i32 to index
        %get3A_2073 = tpu.vector_load %arg6[%get3A_2072] {strides = array<i32>} : memref<6400xi32, #tpu.memory_space<vmem>>, vector<16xi32>,
        %get3A_2074 = vector.shape_cast %get3A_2073 : vector<16xi32> to vector<16xi32>
        %sub3A_2075 = arith.subi %get3A_2074, %add3A_2071 : vector<16xi32>
        %get3A_2076 = arith.index_cast %add3A_2062 : i32 to index
        %get3A_2077 = tpu.vector_load %arg7[%get3A_2076] {strides = array<i32>} : memref<6400xi32, #tpu.memory_space<vmem>>, vector<16xi32>,
        %get3A_2078 = vector.shape_cast %get3A_2077 : vector<16xi32> to vector<16xi32>
        %mul3A_2079 = arith.muli %sub3A_2075, %get3A_2078 : vector<16xi32>
        %add3A_2080 = arith.addi %add3A_2071, %mul3A_2079 : vector<16xi32>
        %swap3A_2081 = arith.index_cast %add3A_2062 : i32 to index
        %swap3A_2082 = tpu.vector_load %arg6[%swap3A_2081] {strides = array<i32>} : memref<6400xi32, #tpu.memory_space<vmem>>, vector<16xi32>,
        %swap3A_2083 = vector.shape_cast %swap3A_2082 : vector<16xi32> to vector<16xi32>
        %swap3A_2084 = vector.shape_cast %add3A_2080 : vector<16xi32> to vector<16xi32>
        tpu.vector_store %arg6[%swap3A_2081], %swap3A_2084 {strides = array<i32>} : memref<6400xi32, #tpu.memory_space<vmem>>, vector<16xi32>,
        %add3A_2085 = arith.constant 10 : i32
        %add3A_2086 = arith.addi %add3A_1928, %add3A_2085 : i32
        %mul3A_2087 = arith.constant 80 : i32
        %mul3A_2088 = arith.muli %add3A_2086, %mul3A_2087 : i32
        %dma_start3A_2089 = arith.constant 9 : i32
        %dma_start3A_2090 = arith.constant 9 : i32
        %dma_start3A_2091 = arith.constant 0 : i32
        %dma_start3A_2092 = arith.constant 0 : i32
        %dma_start3A_2093 = tpu.memref_slice %arg8[%dma_start3A_2089, %dma_start3A_2091, %dma_start3A_2092] : memref<10x80x128xf32, #tpu.memory_space<vmem>> -> memref<1x80x128xf32, #tpu.memory_space<vmem>>
        %dma_start3A_2094 = tpu.memref_squeeze %dma_start3A_2093 : memref<1x80x128xf32, #tpu.memory_space<vmem>> -> memref<80x128xf32, #tpu.memory_space<vmem>>
        %dma_start3A_2095 = tpu.memref_slice %arg6[%mul3A_2088] : memref<6400xi32, #tpu.memory_space<vmem>> -> memref<80xi32, #tpu.memory_space<vmem>>
        %dma_start3A_2096 = arith.constant 0 : i32
        %dma_start3A_2097 = arith.constant 0 : i32
        %dma_start3A_2098 = tpu.memref_slice %arg2[%dma_start3A_2096, %dma_start3A_2097] : memref<108192x128xf32, #tpu.memory_space<hbm>> -> memref<108192x128xf32, #tpu.memory_space<hbm>>
        %dma_start3A_2099 = tpu.memref_slice %arg9[%dma_start3A_2090] : memref<10x!tpu.dma_semaphore, #tpu.memory_space<semaphore_mem>> -> memref<1x!tpu.dma_semaphore, #tpu.memory_space<semaphore_mem>>
        %dma_start3A_2100 = tpu.memref_squeeze %dma_start3A_2099 : memref<1x!tpu.dma_semaphore, #tpu.memory_space<semaphore_mem>> -> memref<!tpu.dma_semaphore, #tpu.memory_space<semaphore_mem>>
        tpu.enqueue_indirect_dma source(%dma_start3A_2098 : memref<108192x128xf32, #tpu.memory_space<hbm>>) target(%dma_start3A_2094 : memref<80x128xf32, #tpu.memory_space<vmem>>) offsets(%dma_start3A_2095 : memref<80xi32, #tpu.memory_space<vmem>>) semaphore(%dma_start3A_2100 : memref<!tpu.dma_semaphore, #tpu.memory_space<semaphore_mem>>)
      } else {
      }
    }
    %scan3A_1300 = arith.constant 8 : i32
    return
  }
}

</mosaic_0001>

<sc_bundles>
// kernel: kernel.3.cloned.1.call-start
scs
__scs_entry_jumppad:
0x0: {  	(pc) =	sbr.rel $0x88, $3  }
0x1: {  	(tag) =	ssettag $0x0;
	lr =	simm.s32 $0x1  }
0x2: {  	[smem:$0x3F9E] =	sst lr;
	_ =	strace $0xD0000000  }
0x3: {  	_ = 	snop  }
0x4: {  	_ = 	snop  }
0x5: {  	_ = 	snop  }
0x6: {  	_ = 	snop  }
0x7: {  	_ = 	snop  }
__scs_overlays_trampoline_lowered:
0x8: {  	[smem:$0x3FAD] =	sst s0  }
0x9: {  	[smem:$0x3FAE] =	sst s1  }
0xa: {  	[smem:$0x3FAF] =	sst s2  }
0xb: {  	[smem:$0x3FB0] =	sst s3  }
0xc: {  	[smem:$0x3FB1] =	sst s4  }
0xd: {  	[smem:$0x3FB2] =	sst s5  }
0xe: {  	[smem:$0x3FB3] =	sst s6  }
0xf: {  	[smem:$0x3FB4] =	sst s7  }
0x10: {  	[smem:$0x3FB5] =	sst s8  }
0x11: {  	[smem:$0x3FB6] =	sst s9;
	s0 =	simm.s32 @!p0 $0x0  }
0x12: {  	s1 =	sld [smem:$0x3F9C];
	s0 =	simm.s32 @p0 $0x1  }
0x13: {  	[smem:$0x3FB7] =	sst s0;
	s0 =	simm.s32 @!p1 $0x0  }
0x14: {  	s2 =	sld [smem:$0x3F9B];
	s0 =	simm.s32 @p1 $0x1  }
0x15: {  	[smem:$0x3FB8] =	sst s0;
	s0 =	simm.s32 @!p2 $0x0  }
0x16: {  	s3 =	sld [smem:$0x3FDB];
	s0 =	simm.s32 @p2 $0x1  }
0x17: {  	s4 =	simm.s32 $0x1BF5;
	[smem:$0x3FBA] =	sst s0  }
0x18: {  	s0 =	sld [smem:$0x3F9D];
	_ =	swait.ge [sflag:s4], $0x0  }
0x19: {  	s7 =	sld [smem:$0x3F9E]  }
0x1a: {  	s8 =	sadd.s32 $0xFFFFE003, lr  }
0x1b: {  	s9 =	sadd.s32 $0xFFFFFEF7, lr;
	s5 =	simm.s32 $0xFFFFFFFF;
	p2 =	slt.u32 s8, $0xFFFFF086  }
0x1c: {  	p1 =	slt.u32 s9, $0xF7A;
	s5 =	simm.s32 @!p2 $0x0  }
0x1d: {  	s5 =	simm.s32 @p1 $0x1;
	p0 =	seq.s32 s7, s2  }
0x1e: {  	s7 =	smul.u32 @!p0 $0xF7A, s2;
	p2 =	seq.s32 @!p0 s5, $0x0  }
0x1f: {  	s9 =	smul.u32 $0xF7A, s1;
	s8 =	simm.s32 @!p0 $0x1BF5;
	p2 =	por !p2, p0  }
0x20: {  	[sflag:s8] =	ssyncset.s32 @!p0 $0xFFFFF086;
	s6 =	sadd.s32 @!p0 s3, s7;
	s7 =	simm.s32 @!p0 $0x108  }
0x21: {  	s3 =	sadd.s32 s3, s9;
	s6 =	sadd.s32 @!p0 $0x88, s6;
	s7 =	simm.s32 @p2 $0x1082  }
0x22: {  	[simem:s7], [sflag:s8] =	dma.local @!p0 [hbm:s6], $0xF7A  }
0x23: {  	s9 =	sor.u32 $0xD0000000, s2;
	s6 =	simm.s32 $0x108;
	_ =	swait.ge @!p0 [sflag:s8], $0x0  }
0x24: {  	s3 =	sadd.s32 $0x88, s3;
	s6 =	simm.s32 @!p1 $0x1082;
	[sflag:s4] =	ssyncset.s32 $0xFFFFF086  }
0x25: {  	[simem:s6], [sflag:s4] =	dma.local [hbm:s3], $0xF7A  }
0x26: {  	[smem:$0x3F9E] =	sst s1;
	(tag) =	ssettag s2;
	_ =	strace s9  }
0x27: {  	s1 =	sld [smem:$0x3FAE]  }
0x28: {  	s2 =	sld [smem:$0x3FAF]  }
0x29: {  	s4 =	sld [smem:$0x3FB1]  }
0x2a: {  	p0 =	seq.s32 s5, $0x0;
	s5 =	sld [smem:$0x3FB2]  }
0x2b: {  	s6 =	sld [smem:$0x3FB3]  }
0x2c: {  	s7 =	sld [smem:$0x3FB4]  }
0x2d: {  	s3 =	simm.s32 $0x108;
	s8 =	sld [smem:$0x3FB5]  }
0x2e: {  	s3 =	simm.s32 @!p0 $0x1082;
	s9 =	sld [smem:$0x3FB6]  }
0x2f: {  	lr =	sadd.s32 s0, s3;
	s0 =	sld [smem:$0x3FAD]  }
0x30: {  	s3 =	sld [smem:$0x3FB0]  }
0x31: {  	[smem:$0x3FB9] =	sst s10  }
0x32: {  	s10 =	sld [smem:$0x3FB7];
	_ =	sdelay $0x3  }
0x33: {  	p0 =	seq.s32 s10, $0x1;
	s10 =	sld [smem:$0x3FB9];
	_ =	sdelay $0x3  }
0x34: {  	[smem:$0x3FB9] =	sst s10  }
0x35: {  	s10 =	sld [smem:$0x3FB8];
	_ =	sdelay $0x3  }
0x36: {  	p1 =	seq.s32 s10, $0x1;
	s10 =	sld [smem:$0x3FB9];
	_ =	sdelay $0x3  }
0x37: {  	[smem:$0x3FB9] =	sst s10  }
0x38: {  	s10 =	sld [smem:$0x3FBA]  }
0x39: {  	_ = 	snop;
	(pc) =	sbr.ind lr, $3  }
0x3a: {  	_ = 	snop  }
0x3b: {  	_ = 	snop  }
0x3c: {  	p2 =	seq.s32 s10, $0x1;
	s10 =	sld [smem:$0x3FB9]  }
0x3d: {  	_ =	shalt  }
0x3e: {  	_ =	shalt  }
0x3f: {  	_ =	shalt  }
0x40: {  	_ =	shalt  }
0x41: {  	_ =	shalt  }
0x42: {  	_ =	shalt  }
0x43: {  	_ =	shalt  }
0x44: {  	_ =	shalt  }
0x45: {  	_ =	shalt  }
0x46: {  	_ =	shalt  }
0x47: {  	_ =	shalt  }
0x48: {  	_ =	shalt  }
0x49: {  	_ =	shalt  }
0x4a: {  	_ =	shalt  }
0x4b: {  	_ =	shalt  }
0x4c: {  	_ =	shalt  }
0x4d: {  	_ =	shalt  }
0x4e: {  	_ =	shalt  }
0x4f: {  	_ =	shalt  }
0x50: {  	_ =	shalt  }
0x51: {  	_ =	shalt  }
0x52: {  	_ =	shalt  }
0x53: {  	_ =	shalt  }
0x54: {  	_ =	shalt  }
0x55: {  	_ =	shalt  }
0x56: {  	_ =	shalt  }
0x57: {  	_ =	shalt  }
0x58: {  	_ =	shalt  }
0x59: {  	_ =	shalt  }
0x5a: {  	_ =	shalt  }
0x5b: {  	_ =	shalt  }
0x5c: {  	_ =	shalt  }
0x5d: {  	_ =	shalt  }
0x5e: {  	_ =	shalt  }
0x5f: {  	_ =	shalt  }
0x60: {  	_ =	shalt  }
0x61: {  	_ =	shalt  }
0x62: {  	_ =	shalt  }
0x63: {  	_ =	shalt  }
0x64: {  	_ =	shalt  }
0x65: {  	_ =	shalt  }
0x66: {  	_ =	shalt  }
0x67: {  	_ =	shalt  }
0x68: {  	_ =	shalt  }
0x69: {  	_ =	shalt  }
0x6a: {  	_ =	shalt  }
0x6b: {  	_ =	shalt  }
0x6c: {  	_ =	shalt  }
0x6d: {  	_ =	shalt  }
0x6e: {  	_ =	shalt  }
0x6f: {  	_ =	shalt  }
0x70: {  	_ =	shalt  }
0x71: {  	_ =	shalt  }
0x72: {  	_ =	shalt  }
0x73: {  	_ =	shalt  }
0x74: {  	_ =	shalt  }
0x75: {  	_ =	shalt  }
0x76: {  	_ =	shalt  }
0x77: {  	_ =	shalt  }
0x78: {  	_ =	shalt  }
0x79: {  	_ =	shalt  }
0x7a: {  	_ =	shalt  }
0x7b: {  	_ =	shalt  }
0x7c: {  	_ =	shalt  }
0x7d: {  	_ =	shalt  }
0x7e: {  	_ =	shalt  }
0x7f: {  	_ =	shalt  }
0x80: {  	_ =	shalt  }
0x81: {  	_ =	shalt  }
0x82: {  	_ =	shalt  }
0x83: {  	_ =	shalt  }
0x84: {  	_ =	shalt  }
0x85: {  	_ =	shalt  }
0x86: {  	_ =	shalt  }
0x87: {  	_ =	shalt  }
.Lfunc_end0:
.L_simem_size_0:
called_computation_lowered:
.L_overlay_start_0:
0x88: {  	s2 =	sld [smem:$0x3FD9]  }
0x89: {  	s3 =	sld [smem:$0x3FFE];
	_ =	sdelay $0x1  }
0x8a: {  	s1 =	srdreg.scid  }
0x8b: {  	s0 =	sand.u32 $0x1, s1  }
0x8c: {  	s17 =	sshll.u32 s0, $0xA;
	s2 =	sadd.s32 s3, s2  }
0x8d: {  	s2 =	sadd.s32 s2, s17  }
0x8e: {  	[smem:$0x3FC5] =	sst s2  }
0x8f: {  	_ = 	snop  }
0x90: {  	s2 =	sld [smem:$0x3FD0];
	(tm) =	ssettm $0x1  }
0x91: {  	s18 =	sld [smem:$0x3FFB];
	_ =	sdelay $0x3  }
0x92: {  	_ =	strace s18  }
0x93: {  	s3 =	sld [smem:$0x3FFC];
	_ =	sdelay $0x3  }
0x94: {  	_ =	strace s3  }
0x95: {  	s3 =	sld [smem:$0x3FFD];
	_ =	sdelay $0x3  }
0x96: {  	_ =	strace s3  }
0x97: {  	_ =	strace $0x8FFFFFFF  }
0x98: {  	s19 =	sld [smem:$0x3FDB];
	_ =	sdelay $0x1  }
0x99: {  	s4 =	simm.s32 $_scs_section_size  }
0x9a: {  	s5 =	simm.s32 $_size__tile_overlayer_lowered;
	s6 =	simm.s32 $_tile_overlayer_lowered  }
0x9b: {  	s22 =	simm.s32 $0x1BFF;
	s21 =	sshll.u32 s6, $0x1;
	s3 =	sadd.s32 s4, s19  }
0x9c: {  	s7 =	simm.s32 $0x0;
	s20 =	sshll.u32 s5, $0x1;
	s5 =	sadd.s32 s21, s3  }
0x9d: {  	[timem:s7], [sflag:s22] =	dma.local [hbm:s5], s20  }
0x9e: {  	_ =	swait.ge [sflag:s22], s20  }
0x9f: {  	s4 =	ssub.s32 $0x0, s20;
	[sflag:s22] =	ssyncset.done $0x0  }
0xa0: {  	[sflag:s22] =	ssyncadd.s32 s4;
	_ =	sdelay $0x1  }
0xa1: {  	s23 =	simm.s32 $0x1B8B  }
0xa2: {  	_ =	swait.ge [sflag:s23], $0x1  }
0xa3: {  	[sflag:s23] =	ssyncset.done $0x0  }
0xa4: {  	s25 =	simm.s32 $0x1B8E;
	s24 =	sld [smem:$0x3FFE];
	[sflag:s23] =	ssyncadd.s32 $0xFFFFFFFF  }
0xa5: {  	s26 =	simm.s32 $execute0_lowered;
	[smem:$0x3FD2] =	sst s25  }
0xa6: {  	s5 =	sshll.u32 s26, $0x1;
	_ =	strace $0x80000046;
	[dreg:$0x1] =	wrdreg $0xFFFFFFFF  }
0xa7: {  	s28 =	simm.s32 $_size_execute0_lowered;
	s3 =	sadd.s32 s3, s5;
	[dreg:$0x0] =	wrdreg $0x0  }
0xa8: {  	s5 =	sshll.u32 s28, $0x1;
	[dreg:$0x2] =	wrdreg s3  }
0xa9: {  	[dreg:$0x3] =	wrdreg s5  }
0xaa: {  	[dreg:$0x4] =	wrdreg $0xC0  }
0xab: {  	_ =	task [dreg:s7], $0x5FFFF  }
0xac: {  	[dreg:$0x1] =	wrdreg $0xFFFFFFFF  }
0xad: {  	[dreg:$0x0] =	wrdreg $0x60  }
0xae: {  	[dreg:$0x2] =	wrdreg s24  }
0xaf: {  	[dreg:$0x3] =	wrdreg s2  }
0xb0: {  	[dreg:$0x4] =	wrdreg $0x9  }
0xb1: {  	_ =	task.clear_ibuf [dreg:s7], $0x5FFFF;
	_ =	strace $0x90000046  }
0xb2: {  	s29 =	simm.s32 $0x9;
	_ =	strace $0x80000048  }
0xb3: {  	_ =	swait.ge [sflag:s29], $0x1  }
0xb4: {  	[sflag:s29] =	ssyncadd.s32 $0xFFFFFFFF  }
0xb5: {  	_ =	strace $0x90000048  }
0xb6: {  	_ =	sfence  }
0xb7: {  	s30 =	sld [smem:$0x0];
	_ =	sdelay $0x2  }
0xb8: {  	s31 =	sshll.u32 s1, $0xD;
	s1 =	sshrl.u32 s1, $0x2  }
0xb9: {  	s3 =	sand.u32 $0x4000, s31;
	s1 =	sadd.s32 s1, s30  }
0xba: {  	s0 =	sor.u32 s3, s0;
	s1 =	sshll.u32 s1, $0x11  }
0xbb: {  	s0 =	sor.u32 s1, s0  }
0xbc: {  	s0 =	sadd.s32 $0x8F2B, s0  }
0xbd: {  	[sflag:s0] =	ssyncadd.remote.s32 $0x1  }
0xbe: {  	_ =	sfence.sel $0xFFFF  }
0xbf: {  	[dreg:$0x0] =	wrdreg $0xFFFFFFFF;
	(pc) =	sbr.abs _section_cstart, $3  }
0xc0: {  	[dreg:$0x1] =	wrdreg $0xFFFFFFFF  }
0xc1: {  	_ =	task.clear_ibuf [dreg:s7], $0x2FFFF;
	_ =	strace $0x9FFFFFFF  }
0xc2: {  	(tm) =	ssettm $0x7FFFFFFF  }
0xc3: {  	_ =	shalt  }
tec
execute0_lowered:
.L_overlay_start_1:
0x0: {  	(tag) =	ssettag $0x1  }
0x1: {  	s0 =	srdreg.scid  }
0x2: {  	s1 =	rddreg [dreg:$0x0];
	s5 =	sand.u32 $0x1, s0  }
0x3: {  	s4 =	stileid.u32;
	s2 =	rddreg [dreg:$0x1];
	s3 =	sshll.u32 s5, $0x4  }
0x4: {  	s7 =	ssub.s32 $0x2, s5;
	s4 =	sor.u32 s4, s3;
	s3 =	simm.s32 $0x0  }
0x5: {  	s18 =	sshrl.u32 s7, $0x1;
	s0 =	smul.u32 $0x1900, s4;
	s21 =	sshll.u32 s4, $0x5  }
0x6: {  	[smem:$0x7FF] =	sst s3;
	s20 =	ssub.s32 s7, s18;
	s31 =	sadd.s32 $0x18820, s21  }
0x7: {  	_ =	strace $0x80000047;
	s20 =	smax.u32 s20, $0x1;
	[smem:$0x7F4] =	sst s31  }
0x8: {  	[dreg:$0x6] =	wrdreg s20  }
0x9: {  	v0 =	vlaneseq.u32;
	s22 =	sadd.s32 $0x186B0, s21;
	s31 =	sadd.s32 $0x18830, s21;
	[dreg:$0x3] =	wrdreg s0  }
0xa: {  	s4 =	sadd.s32 $0x186E0, s21;
	v1 =	vor.u32 s22, v0;
	s22 =	sor.u32 $0xA0, s0;
	[smem:$0x7F5] =	sst s31  }
0xb: {  	s7 =	sadd.s32 $0x186D0, s21;
	v4 =	vor.u32 s4, v0;
	s4 =	sor.u32 $0xF0, s0;
	[dreg:$0x8] =	wrdreg s22  }
0xc: {  	s9 =	sadd.s32 $0x18710, s21;
	v3 =	vor.u32 s7, v0;
	s7 =	sadd.s32 $0x190, s0;
	[dreg:$0x9] =	wrdreg s4  }
0xd: {  	s10 =	sadd.s32 $0x18720, s21;
	v7 =	vor.u32 s9, v0;
	s9 =	sadd.s32 $0x1E0, s0;
	[dreg:$0xb] =	wrdreg s7  }
0xe: {  	s11 =	sadd.s32 $0x18700, s21;
	v8 =	vor.u32 s10, v0;
	s10 =	sadd.s32 $0x230, s0;
	[dreg:$0xc] =	wrdreg s9  }
0xf: {  	v6 =	vor.u32 s11, v0;
	s11 =	sadd.s32 $0x280, s0;
	[dreg:$0xd] =	wrdreg s10  }
0x10: {  	s5 =	sadd.s32 $0xCC00, s1;
	s12 =	sadd.s32 $0x18740, s21;
	[dreg:$0xe] =	wrdreg s11  }
0x11: {  	s6 =	sshrl.u32 s0, $0x3;
	v10 =	vor.u32 s12, v0;
	s31 =	sadd.s32 $0x18840, s21;
	s12 =	sld [smem:$0x7F4]  }
0x12: {  	s13 =	sadd.s32 $0x18750, s21;
	s1 =	sadd.s32 s6, s1;
	[smem:$0x7F6] =	sst s31  }
0x13: {  	v11 =	vor.u32 s13, v0;
	s19 =	sadd.s32 $0x400, s1;
	s13 =	sld [smem:$0x7F5]  }
0x14: {  	s1 =	sadd.s32 $0x6800, s1;
	[dreg:$0x4] =	wrdreg s19  }
0x15: {  	s6 =	sadd.s32 $0x186F0, s21;
	s31 =	sadd.s32 $0x18850, s21;
	[dreg:$0x5] =	wrdreg s1  }
0x16: {  	v5 =	vor.u32 s6, v0;
	s6 =	sadd.s32 $0x140, s0;
	[smem:$0x7F7] =	sst s31  }
0x17: {  	s14 =	sadd.s32 $0x18730, s21;
	[dreg:$0xa] =	wrdreg s6  }
0x18: {  	v9 =	vor.u32 s14, v0;
	s31 =	sadd.s32 $0x18860, s21;
	s14 =	sld [smem:$0x7F6]  }
0x19: {  	s15 =	sadd.s32 $0x18770, s21;
	[smem:$0x7F8] =	sst s31  }
0x1a: {  	v13 =	vor.u32 s15, v0;
	s31 =	sadd.s32 $0x18870, s21;
	s15 =	sld [smem:$0x7F7]  }
0x1b: {  	s16 =	sadd.s32 $0x18780, s21;
	[smem:$0x7F9] =	sst s31  }
0x1c: {  	v14 =	vor.u32 s16, v0;
	s31 =	sadd.s32 $0x18880, s21;
	s16 =	sld [smem:$0x7F8]  }
0x1d: {  	s17 =	sadd.s32 $0x18760, s21;
	[smem:$0x7FA] =	sst s31  }
0x1e: {  	v12 =	vor.u32 s17, v0;
	s31 =	sadd.s32 $0x18890, s21;
	s17 =	sld [smem:$0x7F9]  }
0x1f: {  	s18 =	sadd.s32 $0x187B0, s21;
	[smem:$0x7FB] =	sst s31  }
0x20: {  	v17 =	vor.u32 s18, v0;
	s31 =	sadd.s32 $0x188A0, s21;
	s18 =	sld [smem:$0x7FA]  }
0x21: {  	s23 =	sadd.s32 $0x187A0, s21;
	[smem:$0x7FC] =	sst s31  }
0x22: {  	v16 =	vor.u32 s23, v0;
	s31 =	sadd.s32 $0x188B0, s21;
	s23 =	sld [smem:$0x7FB]  }
0x23: {  	s24 =	sadd.s32 $0x187E0, s21;
	[dreg:$0x1e] =	wrdreg s31  }
0x24: {  	v20 =	vor.u32 s24, v0;
	s31 =	sadd.s32 $0x188C0, s21;
	s24 =	sld [smem:$0x7FC]  }
0x25: {  	s25 =	sadd.s32 $0x187C0, s21;
	[dreg:$0x1f] =	wrdreg s31  }
0x26: {  	v18 =	vor.u32 s25, v0;
	s31 =	sadd.s32 $0x188D0, s21;
	s25 =	rddreg [dreg:$0x1e]  }
0x27: {  	s26 =	sadd.s32 $0x187D0, s21;
	[smem:$0x7FD] =	sst s31  }
0x28: {  	v19 =	vor.u32 s26, v0;
	s31 =	sadd.s32 $0x188E0, s21;
	s26 =	rddreg [dreg:$0x1f]  }
0x29: {  	s28 =	sor.u32 $0x18810, s21;
	[dreg:$0x1b] =	wrdreg s31  }
0x2a: {  	v23 =	vor.u32 s28, v0;
	s31 =	sadd.s32 $0x188F0, s21;
	s28 =	sld [smem:$0x7FD]  }
0x2b: {  	s1 =	sadd.s32 $0x186C0, s21;
	[dreg:$0x1c] =	wrdreg s31  }
0x2c: {  	v2 =	vor.u32 s1, v0;
	s31 =	sadd.s32 $0x18900, s21;
	s1 =	rddreg [dreg:$0x1b]  }
0x2d: {  	[dreg:$0x1d] =	wrdreg s31  }
0x2e: {  	v24 =	vor.u32 s12, v0;
	s31 =	sadd.s32 $0x18910, s21;
	s12 =	rddreg [dreg:$0x1c]  }
0x2f: {  	[dreg:$0x18] =	wrdreg s31  }
0x30: {  	v25 =	vor.u32 s13, v0;
	s31 =	sadd.s32 $0x18920, s21;
	s13 =	rddreg [dreg:$0x1d]  }
0x31: {  	[dreg:$0x19] =	wrdreg s31  }
0x32: {  	v26 =	vor.u32 s14, v0;
	s31 =	sadd.s32 $0x18930, s21;
	s14 =	rddreg [dreg:$0x18]  }
0x33: {  	s8 =	sadd.s32 $0x186A0, s21;
	s29 =	sadd.s32 $0x187F0, s21;
	[dreg:$0x1a] =	wrdreg s31  }
0x34: {  	s30 =	sor.u32 $0x18800, s21;
	v27 =	vor.u32 s15, v0;
	s31 =	sadd.s32 $0x18940, s21;
	s15 =	rddreg [dreg:$0x19]  }
0x35: {  	s20 =	simm.s32 $0x8200;
	v22 =	vor.u32 s30, v0;
	s30 =	simm.s32 $0x5A00;
	[dreg:$0x15] =	wrdreg s31  }
0x36: {  	v21 =	vor.u32 s29, v0;
	s29 =	simm.s32 $0x14;
	v28 =	vor.u32 s16, v0;
	s31 =	sadd.s32 $0x18950, s21;
	s16 =	rddreg [dreg:$0x1a]  }
0x37: {  	s22 =	simm.s32 $0x50;
	s7 =	simm.s32 $0xFA00;
	[dreg:$0x16] =	wrdreg s31  }
0x38: {  	s9 =	simm.s32 $0x12200;
	v29 =	vor.u32 s17, v0;
	s31 =	sadd.s32 $0x18960, s21;
	s17 =	rddreg [dreg:$0x15]  }
0x39: {  	s4 =	simm.s32 $0x14A00;
	s10 =	simm.s32 $0x17200;
	[dreg:$0x17] =	wrdreg s31  }
0x3a: {  	s11 =	simm.s32 $0x19A00;
	v30 =	vor.u32 s18, v0;
	s31 =	sadd.s32 $0x18970, s21;
	s18 =	rddreg [dreg:$0x16]  }
0x3b: {  	s19 =	sadd.s32 $0x18790, s21;
	s6 =	simm.s32 $0xD200;
	[dreg:$0x12] =	wrdreg s31  }
0x3c: {  	v15 =	vor.u32 s19, v0;
	s19 =	simm.s32 $0x3200;
	v31 =	vor.u32 s23, v0;
	s31 =	sadd.s32 $0x18980, s21;
	s23 =	rddreg [dreg:$0x17]  }
0x3d: {  	v36 =	vor.u32 s1, v0;
	s1 =	simm.s32 $0x0;
	v37 =	vor.u32 s12, v0;
	s12 =	simm.s32 $0xA;
	[dreg:$0x13] =	wrdreg s31  }
0x3e: {  	v32 =	vor.u32 s24, v0;
	v38 =	vor.u32 s13, v0;
	s13 =	simm.s32 $0xB;
	s31 =	sadd.s32 $0x18990, s21;
	s24 =	rddreg [dreg:$0x12]  }
0x3f: {  	v39 =	vor.u32 s14, v0;
	s14 =	simm.s32 $0xC;
	v40 =	vor.u32 s15, v0;
	s15 =	simm.s32 $0xD;
	[dreg:$0x14] =	wrdreg s31  }
0x40: {  	v33 =	vor.u32 s25, v0;
	v41 =	vor.u32 s16, v0;
	s16 =	simm.s32 $0xE;
	s31 =	sadd.s32 $0x189A0, s21;
	s25 =	rddreg [dreg:$0x13]  }
.Ltmp0:
0x41: {  	v42 =	vor.u32 s17, v0;
	s17 =	simm.s32 $0xF;
	[dreg:$0x11] =	wrdreg s31;
	(pc) =	sbr.rel .LBB2_1-.Ltmp0, $4  }
0x42: {  	v34 =	vor.u32 s26, v0;
	s31 =	sadd.s32 $0x189B0, s21;
	s21 =	sor.u32 $0x50, s0;
	s26 =	rddreg [dreg:$0x14]  }
0x43: {  	v50 =	vor.u32 s8, v0;
	v43 =	vor.u32 s18, v0;
	s18 =	simm.s32 $0x10;
	v44 =	vor.u32 s23, v0;
	s23 =	simm.s32 $0x11;
	[dreg:$0x7] =	wrdreg s21  }
0x44: {  	v35 =	vor.u32 s28, v0;
	v45 =	vor.u32 s24, v0;
	s24 =	simm.s32 $0x12;
	s0 =	sadd.s32 $0x2D0, s0;
	v46 =	vor.u32 s25, v0;
	s28 =	rddreg [dreg:$0x11]  }
0x45: {  	[dreg:$0xf] =	wrdreg s0;
	s21 =	simm.s32 $0xAA00;
	v47 =	vor.u32 s26, v0;
	v49 =	vor.u32 s31, v0;
	s26 =	simm.s32 $0x13;
	v48 =	vor.u32 s28, v0  }
.LBB2_4:
0x46: {  	_ =	swait.ge [sflag:s14], $0x2800  }
0x47: {  	[sflag:s14] =	ssyncset.done $0x0  }
0x48: {  	[sflag:s14] =	ssyncadd.s32 $0xFFFFD800  }
0x49: {  	_ =	swait.ge [sflag:s15], $0x2800  }
0x4a: {  	[sflag:s15] =	ssyncset.done $0x0  }
0x4b: {  	[sflag:s15] =	ssyncadd.s32 $0xFFFFD800  }
0x4c: {  	_ =	swait.ge [sflag:s16], $0x2800  }
0x4d: {  	[sflag:s16] =	ssyncset.done $0x0  }
0x4e: {  	[sflag:s16] =	ssyncadd.s32 $0xFFFFD800  }
0x4f: {  	_ =	swait.ge [sflag:s17], $0x2800  }
0x50: {  	[sflag:s17] =	ssyncset.done $0x0  }
0x51: {  	[sflag:s17] =	ssyncadd.s32 $0xFFFFD800  }
0x52: {  	_ =	swait.ge [sflag:s18], $0x2800  }
0x53: {  	[sflag:s18] =	ssyncset.done $0x0  }
0x54: {  	[sflag:s18] =	ssyncadd.s32 $0xFFFFD800  }
0x55: {  	_ =	swait.ge [sflag:s23], $0x2800  }
0x56: {  	[sflag:s23] =	ssyncset.done $0x0  }
0x57: {  	[sflag:s23] =	ssyncadd.s32 $0xFFFFD800  }
0x58: {  	_ =	swait.ge [sflag:s24], $0x2800  }
0x59: {  	[sflag:s24] =	ssyncset.done $0x0  }
0x5a: {  	[sflag:s24] =	ssyncadd.s32 $0xFFFFD800  }
0x5b: {  	_ =	swait.ge [sflag:s26], $0x2800  }
0x5c: {  	[sflag:s26] =	ssyncset.done $0x0  }
0x5d: {  	[sflag:s26] =	ssyncadd.s32 $0xFFFFD800  }
0x5e: {  	_ =	swait.ge [sflag:s29], $0x2800  }
0x5f: {  	s1 =	rddreg [dreg:$0x10]  }
0x60: {  	s0 =	rddreg [dreg:$0x6];
	s1 =	sadd.s32 $0x1, s1  }
0x61: {  	p0 =	sne.s32 s1, s0  }
.Ltmp1:
0x62: {  	_ = 	snop;
	(pc) =	sbr.rel @!p0 .LBB2_5-.Ltmp1, $3  }
0x63: {  	_ =	sdelay $0x1  }
0x64: {  	[sflag:s29] =	ssyncset.done $0x0  }
0x65: {  	[sflag:s29] =	ssyncadd.s32 $0xFFFFD800  }
.LBB2_1:
0x66: {  	[dreg:$0x10] =	wrdreg s1  }
0x67: {  	s0 =	rddreg [dreg:$0x4]  }
0x68: {  	[tilespmem:s3], [sflag:$0x1] =	stream.linear.gather [hbm4b:s0+s3], $0x1900, $0x38;
	[tilespmem:$0x1C200] =	vst v63  }
0x69: {  	s1 =	rddreg [dreg:$0x5];
	s25 =	simm.s32 $0x1900  }
0x6a: {  	[tilespmem:s25], [sflag:$0x2] =	stream.linear.gather [hbm4b:s1+s3], $0x1900, $0x38;
	[tilespmem:$0x1C200] =	vst v63  }
0x6b: {  	s1 =	simm.s32 $0x1  }
0x6c: {  	_ =	swait.ge [sflag:s1], $0x1900  }
0x6d: {  	[sflag:s1] =	ssyncset.done $0x0  }
0x6e: {  	s25 =	simm.s32 $0x2;
	[sflag:s1] =	ssyncadd.s32 $0xFFFFE700  }
0x6f: {  	_ =	swait.ge [sflag:s25], $0x1900  }
0x70: {  	[sflag:s25] =	ssyncset.done $0x0  }
0x71: {  	[sflag:s25] =	ssyncadd.s32 $0xFFFFE700  }
0x72: {  	v51 =	vld [tilespmem:$0x0]  }
0x73: {  	v52 =	vld [tilespmem:$0x1900]  }
0x74: {  	v53 =	vld [tilespmem:$0x10]  }
0x75: {  	v54 =	vld [tilespmem:$0x1910]  }
0x76: {  	v55 =	vld [tilespmem:$0x20]  }
0x77: {  	v56 =	vld [tilespmem:$0x1920]  }
0x78: {  	v57 =	vld [tilespmem:$0x30]  }
0x79: {  	v58 =	vld [tilespmem:$0x1930]  }
0x7a: {  	v59 =	vld [tilespmem:$0x40]  }
0x7b: {  	v60 =	vld [tilespmem:$0x1940];
	v51 =	vsub.s32 v51, v50  }
0x7c: {  	v62 =	vsub.s32 v53, v1;
	v51 =	vmul.u32 v52, v51  }
0x7d: {  	v63 =	vsub.s32 v55, v2;
	v52 =	vmul.u32 v54, v62  }
0x7e: {  	v57 =	vsub.s32 v57, v3;
	v53 =	vmul.u32 v56, v63;
	v51 =	vadd.s32 v50, v51  }
0x7f: {  	v62 =	vmul.u32 v58, v57;
	v63 =	vsub.s32 v59, v4;
	v61 =	vadd.s32 v1, v52;
	[tilespmem:$0x0] =	vst v51  }
0x80: {  	v58 =	vmul.u32 v60, v63;
	v57 =	vadd.s32 v2, v53;
	[tilespmem:$0x10] =	vst v61  }
0x81: {  	v59 =	vadd.s32 v3, v62;
	[tilespmem:$0x20] =	vst v57  }
0x82: {  	[tilespmem:$0x30] =	vst v59;
	v60 =	vadd.s32 v4, v58  }
0x83: {  	[tilespmem:$0x40] =	vst v60  }
0x84: {  	[tilespmem:s19], [sflag:$0x1] =	stream.indirect.gather [hbm4b:s5+s22], $0x80, s3, s22, $0xb8;
	[tilespmem:$0x1C200] =	vst v63  }
0x85: {  	v61 =	vld [tilespmem:$0x50]  }
0x86: {  	v52 =	vld [tilespmem:$0x1950]  }
0x87: {  	v53 =	vld [tilespmem:$0x60]  }
0x88: {  	v54 =	vld [tilespmem:$0x1960]  }
0x89: {  	v55 =	vld [tilespmem:$0x70]  }
0x8a: {  	v56 =	vld [tilespmem:$0x1970]  }
0x8b: {  	v57 =	vld [tilespmem:$0x80]  }
0x8c: {  	v58 =	vld [tilespmem:$0x1980]  }
0x8d: {  	v59 =	vld [tilespmem:$0x90]  }
0x8e: {  	v60 =	vld [tilespmem:$0x1990];
	v51 =	vsub.s32 v61, v5  }
0x8f: {  	v62 =	vsub.s32 v53, v6;
	v51 =	vmul.u32 v52, v51  }
0x90: {  	v63 =	vsub.s32 v55, v7;
	v52 =	vmul.u32 v54, v62  }
0x91: {  	v57 =	vsub.s32 v57, v8;
	v53 =	vmul.u32 v56, v63;
	v51 =	vadd.s32 v5, v51  }
0x92: {  	v62 =	vmul.u32 v58, v57;
	v63 =	vsub.s32 v59, v9;
	v61 =	vadd.s32 v6, v52;
	[tilespmem:$0x50] =	vst v51  }
0x93: {  	v58 =	vmul.u32 v60, v63;
	v57 =	vadd.s32 v7, v53;
	[tilespmem:$0x60] =	vst v61  }
0x94: {  	v59 =	vadd.s32 v8, v62;
	[tilespmem:$0x70] =	vst v57  }
0x95: {  	[tilespmem:$0x80] =	vst v59;
	v60 =	vadd.s32 v9, v58  }
0x96: {  	[tilespmem:$0x90] =	vst v60  }
0x97: {  	[tilespmem:s30], [sflag:$0x2] =	stream.indirect.gather [hbm4b:s5+s22], $0x80, s22, s22, $0xb8;
	[tilespmem:$0x1C200] =	vst v63  }
0x98: {  	v61 =	vld [tilespmem:$0xA0]  }
0x99: {  	v52 =	vld [tilespmem:$0x19A0]  }
0x9a: {  	v53 =	vld [tilespmem:$0xB0]  }
0x9b: {  	v54 =	vld [tilespmem:$0x19B0]  }
0x9c: {  	v55 =	vld [tilespmem:$0xC0]  }
0x9d: {  	v56 =	vld [tilespmem:$0x19C0]  }
0x9e: {  	v57 =	vld [tilespmem:$0xD0]  }
0x9f: {  	v58 =	vld [tilespmem:$0x19D0]  }
0xa0: {  	v59 =	vld [tilespmem:$0xE0]  }
0xa1: {  	v60 =	vld [tilespmem:$0x19E0];
	v51 =	vsub.s32 v61, v10  }
0xa2: {  	v62 =	vsub.s32 v53, v11;
	v51 =	vmul.u32 v52, v51  }
0xa3: {  	v63 =	vsub.s32 v55, v12;
	v52 =	vmul.u32 v54, v62  }
0xa4: {  	v57 =	vsub.s32 v57, v13;
	v53 =	vmul.u32 v56, v63;
	v51 =	vadd.s32 v10, v51  }
0xa5: {  	v62 =	vmul.u32 v58, v57;
	v63 =	vsub.s32 v59, v14;
	v61 =	vadd.s32 v11, v52;
	[tilespmem:$0xA0] =	vst v51  }
0xa6: {  	v58 =	vmul.u32 v60, v63;
	v57 =	vadd.s32 v12, v53;
	[tilespmem:$0xB0] =	vst v61  }
0xa7: {  	v59 =	vadd.s32 v13, v62;
	[tilespmem:$0xC0] =	vst v57  }
0xa8: {  	[tilespmem:$0xD0] =	vst v59;
	v60 =	vadd.s32 v14, v58  }
0xa9: {  	s1 =	simm.s32 $0xA0;
	[tilespmem:$0xE0] =	vst v60  }
0xaa: {  	[tilespmem:s20], [sflag:$0x3] =	stream.indirect.gather [hbm4b:s5+s22], $0x80, s1, s22, $0xb8;
	[tilespmem:$0x1C200] =	vst v63  }
0xab: {  	v61 =	vld [tilespmem:$0xF0]  }
0xac: {  	v52 =	vld [tilespmem:$0x19F0]  }
0xad: {  	v53 =	vld [tilespmem:$0x100]  }
0xae: {  	v54 =	vld [tilespmem:$0x1A00]  }
0xaf: {  	v55 =	vld [tilespmem:$0x110]  }
0xb0: {  	v56 =	vld [tilespmem:$0x1A10]  }
0xb1: {  	v57 =	vld [tilespmem:$0x120]  }
0xb2: {  	v58 =	vld [tilespmem:$0x1A20]  }
0xb3: {  	v59 =	vld [tilespmem:$0x130]  }
0xb4: {  	v60 =	vld [tilespmem:$0x1A30];
	v51 =	vsub.s32 v61, v15  }
0xb5: {  	v62 =	vsub.s32 v53, v16;
	v51 =	vmul.u32 v52, v51  }
0xb6: {  	v63 =	vsub.s32 v55, v17;
	v52 =	vmul.u32 v54, v62  }
0xb7: {  	v57 =	vsub.s32 v57, v18;
	v53 =	vmul.u32 v56, v63;
	v51 =	vadd.s32 v15, v51  }
0xb8: {  	v62 =	vmul.u32 v58, v57;
	v63 =	vsub.s32 v59, v19;
	v61 =	vadd.s32 v16, v52;
	[tilespmem:$0xF0] =	vst v51  }
0xb9: {  	v58 =	vmul.u32 v60, v63;
	v57 =	vadd.s32 v17, v53;
	[tilespmem:$0x100] =	vst v61  }
0xba: {  	v59 =	vadd.s32 v18, v62;
	[tilespmem:$0x110] =	vst v57  }
0xbb: {  	[tilespmem:$0x120] =	vst v59;
	v60 =	vadd.s32 v19, v58  }
0xbc: {  	s25 =	simm.s32 $0xF0;
	[tilespmem:$0x130] =	vst v60  }
0xbd: {  	[tilespmem:s21], [sflag:$0x4] =	stream.indirect.gather [hbm4b:s5+s22], $0x80, s25, s22, $0xb8;
	[tilespmem:$0x1C200] =	vst v63  }
0xbe: {  	v61 =	vld [tilespmem:$0x140]  }
0xbf: {  	v52 =	vld [tilespmem:$0x1A40]  }
0xc0: {  	v53 =	vld [tilespmem:$0x150]  }
0xc1: {  	v54 =	vld [tilespmem:$0x1A50]  }
0xc2: {  	v55 =	vld [tilespmem:$0x160]  }
0xc3: {  	v56 =	vld [tilespmem:$0x1A60]  }
0xc4: {  	v57 =	vld [tilespmem:$0x170]  }
0xc5: {  	v58 =	vld [tilespmem:$0x1A70]  }
0xc6: {  	v59 =	vld [tilespmem:$0x180]  }
0xc7: {  	v60 =	vld [tilespmem:$0x1A80];
	v51 =	vsub.s32 v61, v20  }
0xc8: {  	v62 =	vsub.s32 v53, v21;
	v51 =	vmul.u32 v52, v51  }
0xc9: {  	v63 =	vsub.s32 v55, v22;
	v52 =	vmul.u32 v54, v62  }
0xca: {  	v57 =	vsub.s32 v57, v23;
	v53 =	vmul.u32 v56, v63;
	v51 =	vadd.s32 v20, v51  }
0xcb: {  	v62 =	vmul.u32 v58, v57;
	v63 =	vsub.s32 v59, v24;
	v61 =	vadd.s32 v21, v52;
	[tilespmem:$0x140] =	vst v51  }
0xcc: {  	v58 =	vmul.u32 v60, v63;
	v57 =	vadd.s32 v22, v53;
	[tilespmem:$0x150] =	vst v61  }
0xcd: {  	v59 =	vadd.s32 v23, v62;
	[tilespmem:$0x160] =	vst v57  }
0xce: {  	[tilespmem:$0x170] =	vst v59;
	v60 =	vadd.s32 v24, v58  }
0xcf: {  	s1 =	simm.s32 $0x140;
	[tilespmem:$0x180] =	vst v60  }
0xd0: {  	[tilespmem:s6], [sflag:$0x5] =	stream.indirect.gather [hbm4b:s5+s22], $0x80, s1, s22, $0xb8;
	[tilespmem:$0x1C200] =	vst v63  }
0xd1: {  	v61 =	vld [tilespmem:$0x190]  }
0xd2: {  	v52 =	vld [tilespmem:$0x1A90]  }
0xd3: {  	v53 =	vld [tilespmem:$0x1A0]  }
0xd4: {  	v54 =	vld [tilespmem:$0x1AA0]  }
0xd5: {  	v55 =	vld [tilespmem:$0x1B0]  }
0xd6: {  	v56 =	vld [tilespmem:$0x1AB0]  }
0xd7: {  	v57 =	vld [tilespmem:$0x1C0]  }
0xd8: {  	v58 =	vld [tilespmem:$0x1AC0]  }
0xd9: {  	v59 =	vld [tilespmem:$0x1D0]  }
0xda: {  	v60 =	vld [tilespmem:$0x1AD0];
	v51 =	vsub.s32 v61, v25  }
0xdb: {  	v62 =	vsub.s32 v53, v26;
	v51 =	vmul.u32 v52, v51  }
0xdc: {  	v63 =	vsub.s32 v55, v27;
	v52 =	vmul.u32 v54, v62  }
0xdd: {  	v57 =	vsub.s32 v57, v28;
	v53 =	vmul.u32 v56, v63;
	v51 =	vadd.s32 v25, v51  }
0xde: {  	v62 =	vmul.u32 v58, v57;
	v63 =	vsub.s32 v59, v29;
	v61 =	vadd.s32 v26, v52;
	[tilespmem:$0x190] =	vst v51  }
0xdf: {  	v58 =	vmul.u32 v60, v63;
	v57 =	vadd.s32 v27, v53;
	[tilespmem:$0x1A0] =	vst v61  }
0xe0: {  	v59 =	vadd.s32 v28, v62;
	[tilespmem:$0x1B0] =	vst v57  }
0xe1: {  	[tilespmem:$0x1C0] =	vst v59;
	v60 =	vadd.s32 v29, v58  }
0xe2: {  	s6 =	simm.s32 $0x190;
	[tilespmem:$0x1D0] =	vst v60  }
0xe3: {  	[tilespmem:s7], [sflag:$0x6] =	stream.indirect.gather [hbm4b:s5+s22], $0x80, s6, s22, $0xb8;
	[tilespmem:$0x1C200] =	vst v63  }
0xe4: {  	v61 =	vld [tilespmem:$0x1E0]  }
0xe5: {  	v52 =	vld [tilespmem:$0x1AE0]  }
0xe6: {  	v53 =	vld [tilespmem:$0x1F0]  }
0xe7: {  	v54 =	vld [tilespmem:$0x1AF0]  }
0xe8: {  	v55 =	vld [tilespmem:$0x200]  }
0xe9: {  	v56 =	vld [tilespmem:$0x1B00]  }
0xea: {  	v57 =	vld [tilespmem:$0x210]  }
0xeb: {  	v58 =	vld [tilespmem:$0x1B10]  }
0xec: {  	v59 =	vld [tilespmem:$0x220]  }
0xed: {  	v60 =	vld [tilespmem:$0x1B20];
	v51 =	vsub.s32 v61, v30  }
0xee: {  	v62 =	vsub.s32 v53, v31;
	v51 =	vmul.u32 v52, v51  }
0xef: {  	v63 =	vsub.s32 v55, v32;
	v52 =	vmul.u32 v54, v62  }
0xf0: {  	v57 =	vsub.s32 v57, v33;
	v53 =	vmul.u32 v56, v63;
	v51 =	vadd.s32 v30, v51  }
0xf1: {  	v62 =	vmul.u32 v58, v57;
	v63 =	vsub.s32 v59, v34;
	v61 =	vadd.s32 v31, v52;
	[tilespmem:$0x1E0] =	vst v51  }
0xf2: {  	v58 =	vmul.u32 v60, v63;
	v57 =	vadd.s32 v32, v53;
	[tilespmem:$0x1F0] =	vst v61  }
0xf3: {  	v59 =	vadd.s32 v33, v62;
	[tilespmem:$0x200] =	vst v57  }
0xf4: {  	[tilespmem:$0x210] =	vst v59;
	v60 =	vadd.s32 v34, v58  }
0xf5: {  	s7 =	simm.s32 $0x1E0;
	[tilespmem:$0x220] =	vst v60  }
0xf6: {  	[tilespmem:s9], [sflag:$0x7] =	stream.indirect.gather [hbm4b:s5+s22], $0x80, s7, s22, $0xb8;
	[tilespmem:$0x1C200] =	vst v63  }
0xf7: {  	v61 =	vld [tilespmem:$0x230]  }
0xf8: {  	v52 =	vld [tilespmem:$0x1B30]  }
0xf9: {  	v53 =	vld [tilespmem:$0x240]  }
0xfa: {  	v54 =	vld [tilespmem:$0x1B40]  }
0xfb: {  	v55 =	vld [tilespmem:$0x250]  }
0xfc: {  	v56 =	vld [tilespmem:$0x1B50]  }
0xfd: {  	v57 =	vld [tilespmem:$0x260]  }
0xfe: {  	v58 =	vld [tilespmem:$0x1B60]  }
0xff: {  	v59 =	vld [tilespmem:$0x270]  }
0x100: {  	v60 =	vld [tilespmem:$0x1B70];
	v51 =	vsub.s32 v61, v35  }
0x101: {  	v62 =	vsub.s32 v53, v36;
	v51 =	vmul.u32 v52, v51  }
0x102: {  	v63 =	vsub.s32 v55, v37;
	v52 =	vmul.u32 v54, v62  }
0x103: {  	v57 =	vsub.s32 v57, v38;
	v53 =	vmul.u32 v56, v63;
	v51 =	vadd.s32 v35, v51  }
0x104: {  	v62 =	vmul.u32 v58, v57;
	v63 =	vsub.s32 v59, v39;
	v61 =	vadd.s32 v36, v52;
	[tilespmem:$0x230] =	vst v51  }
0x105: {  	v58 =	vmul.u32 v60, v63;
	v57 =	vadd.s32 v37, v53;
	[tilespmem:$0x240] =	vst v61  }
0x106: {  	v59 =	vadd.s32 v38, v62;
	[tilespmem:$0x250] =	vst v57  }
0x107: {  	[tilespmem:$0x260] =	vst v59;
	v60 =	vadd.s32 v39, v58  }
0x108: {  	s20 =	simm.s32 $0x230;
	[tilespmem:$0x270] =	vst v60  }
0x109: {  	[tilespmem:s4], [sflag:$0x8] =	stream.indirect.gather [hbm4b:s5+s22], $0x80, s20, s22, $0xb8;
	[tilespmem:$0x1C200] =	vst v63  }
0x10a: {  	v61 =	vld [tilespmem:$0x280]  }
0x10b: {  	v52 =	vld [tilespmem:$0x1B80]  }
0x10c: {  	v53 =	vld [tilespmem:$0x290]  }
0x10d: {  	v54 =	vld [tilespmem:$0x1B90]  }
0x10e: {  	v55 =	vld [tilespmem:$0x2A0]  }
0x10f: {  	v56 =	vld [tilespmem:$0x1BA0]  }
0x110: {  	v57 =	vld [tilespmem:$0x2B0]  }
0x111: {  	v58 =	vld [tilespmem:$0x1BB0]  }
0x112: {  	v59 =	vld [tilespmem:$0x2C0]  }
0x113: {  	v60 =	vld [tilespmem:$0x1BC0];
	v51 =	vsub.s32 v61, v40  }
0x114: {  	v62 =	vsub.s32 v53, v41;
	v51 =	vmul.u32 v52, v51  }
0x115: {  	v63 =	vsub.s32 v55, v42;
	v52 =	vmul.u32 v54, v62  }
0x116: {  	v57 =	vsub.s32 v57, v43;
	v53 =	vmul.u32 v56, v63;
	v51 =	vadd.s32 v40, v51  }
0x117: {  	v62 =	vmul.u32 v58, v57;
	v63 =	vsub.s32 v59, v44;
	v61 =	vadd.s32 v41, v52;
	[tilespmem:$0x280] =	vst v51  }
0x118: {  	v58 =	vmul.u32 v60, v63;
	v57 =	vadd.s32 v42, v53;
	[tilespmem:$0x290] =	vst v61  }
0x119: {  	v59 =	vadd.s32 v43, v62;
	[tilespmem:$0x2A0] =	vst v57  }
0x11a: {  	[tilespmem:$0x2B0] =	vst v59;
	v60 =	vadd.s32 v44, v58  }
0x11b: {  	s21 =	simm.s32 $0x280;
	[tilespmem:$0x2C0] =	vst v60  }
0x11c: {  	[tilespmem:s10], [sflag:$0x9] =	stream.indirect.gather [hbm4b:s5+s22], $0x80, s21, s22, $0xb8;
	[tilespmem:$0x1C200] =	vst v63  }
0x11d: {  	v61 =	vld [tilespmem:$0x2D0]  }
0x11e: {  	v52 =	vld [tilespmem:$0x1BD0]  }
0x11f: {  	v53 =	vld [tilespmem:$0x2E0]  }
0x120: {  	v54 =	vld [tilespmem:$0x1BE0]  }
0x121: {  	v55 =	vld [tilespmem:$0x2F0]  }
0x122: {  	v56 =	vld [tilespmem:$0x1BF0]  }
0x123: {  	v57 =	vld [tilespmem:$0x300]  }
0x124: {  	v59 =	vld [tilespmem:$0x310]  }
0x125: {  	v60 =	vld [tilespmem:$0x1C10]  }
0x126: {  	v58 =	vld [tilespmem:$0x1C00];
	v51 =	vsub.s32 v61, v45  }
0x127: {  	v62 =	vsub.s32 v53, v46;
	v51 =	vmul.u32 v52, v51  }
0x128: {  	v63 =	vsub.s32 v55, v47;
	v52 =	vmul.u32 v54, v62  }
0x129: {  	v61 =	vsub.s32 v59, v49;
	v53 =	vmul.u32 v56, v63;
	v51 =	vadd.s32 v45, v51  }
0x12a: {  	v57 =	vsub.s32 v57, v48;
	v62 =	vmul.u32 v60, v61;
	v52 =	vadd.s32 v46, v52;
	[tilespmem:$0x2D0] =	vst v51  }
0x12b: {  	v58 =	vmul.u32 v58, v57;
	v53 =	vadd.s32 v47, v53;
	[tilespmem:$0x2E0] =	vst v52  }
0x12c: {  	s31 =	simm.s32 $0x0;
	v63 =	vadd.s32 v49, v62;
	[tilespmem:$0x2F0] =	vst v53  }
0x12d: {  	s28 =	simm.s32 $0xAA00;
	s25 =	simm.s32 $0x2D0;
	s6 =	simm.s32 $0xD200;
	v51 =	vadd.s32 v48, v58;
	[tilespmem:$0x310] =	vst v63  }
0x12e: {  	s7 =	simm.s32 $0xFA00;
	s9 =	simm.s32 $0x12200;
	s4 =	simm.s32 $0x14A00;
	[tilespmem:$0x300] =	vst v51  }
0x12f: {  	[tilespmem:s11], [sflag:$0xA] =	stream.indirect.gather [hbm4b:s5+s22], $0x80, s25, s22, $0xb8;
	[tilespmem:$0x1C200] =	vst v63  }
0x130: {  	s10 =	simm.s32 $0x17200;
	s21 =	simm.s32 $0x8200;
	s11 =	simm.s32 $0x19A00  }
.LBB2_2:
0x131: {  	s20 =	simm.s32 $0x1  }
0x132: {  	s0 =	smul.u32 $0x320, s31;
	_ =	swait.ge [sflag:s20], $0x2800  }
0x133: {  	s1 =	rddreg [dreg:$0x3]  }
0x134: {  	s25 =	sadd.s32 s1, s0  }
0x135: {  	[sflag:s20] =	ssyncset.done $0x0;
	s25 =	sshll.u32 s25, $0x4  }
0x136: {  	[sflag:s20] =	ssyncadd.s32 $0xFFFFD800;
	s20 =	simm.s32 $0x2;
	s25 =	sadd.s32 s2, s25  }
0x137: {  	[hbm4b:s25+s3] =	stream.linear.scatter [tilespmem:s19], [sflag:$0xB], $0x2800, $0x38;
	[tilespmem:$0x1C200] =	vst v63  }
0x138: {  	_ =	swait.ge [sflag:s20], $0x2800  }
0x139: {  	s25 =	rddreg [dreg:$0x7]  }
0x13a: {  	s1 =	sadd.s32 s0, s25  }
0x13b: {  	[sflag:s20] =	ssyncset.done $0x0;
	s25 =	sshll.u32 s1, $0x4  }
0x13c: {  	[sflag:s20] =	ssyncadd.s32 $0xFFFFD800;
	s20 =	simm.s32 $0x3;
	s25 =	sadd.s32 s2, s25  }
0x13d: {  	[hbm4b:s25+s3] =	stream.linear.scatter [tilespmem:s30], [sflag:$0xC], $0x2800, $0x38;
	[tilespmem:$0x1C200] =	vst v63  }
0x13e: {  	_ =	swait.ge [sflag:s20], $0x2800  }
0x13f: {  	s25 =	rddreg [dreg:$0x8]  }
0x140: {  	s1 =	sadd.s32 s0, s25  }
0x141: {  	[sflag:s20] =	ssyncset.done $0x0;
	s25 =	sshll.u32 s1, $0x4  }
0x142: {  	[sflag:s20] =	ssyncadd.s32 $0xFFFFD800;
	s20 =	simm.s32 $0x4;
	s25 =	sadd.s32 s2, s25  }
0x143: {  	[hbm4b:s25+s3] =	stream.linear.scatter [tilespmem:s21], [sflag:$0xD], $0x2800, $0x38;
	[tilespmem:$0x1C200] =	vst v63  }
0x144: {  	_ =	swait.ge [sflag:s20], $0x2800  }
0x145: {  	s25 =	rddreg [dreg:$0x9]  }
0x146: {  	s21 =	sadd.s32 s0, s25  }
0x147: {  	[sflag:s20] =	ssyncset.done $0x0;
	s25 =	sshll.u32 s21, $0x4  }
0x148: {  	[sflag:s20] =	ssyncadd.s32 $0xFFFFD800;
	s20 =	simm.s32 $0x5;
	s25 =	sadd.s32 s2, s25  }
0x149: {  	[hbm4b:s25+s3] =	stream.linear.scatter [tilespmem:s28], [sflag:$0xE], $0x2800, $0x38;
	[tilespmem:$0x1C200] =	vst v63  }
0x14a: {  	_ =	swait.ge [sflag:s20], $0x2800  }
0x14b: {  	s28 =	rddreg [dreg:$0xa]  }
0x14c: {  	s21 =	sadd.s32 s0, s28  }
0x14d: {  	[sflag:s20] =	ssyncset.done $0x0;
	s25 =	sshll.u32 s21, $0x4  }
0x14e: {  	[sflag:s20] =	ssyncadd.s32 $0xFFFFD800;
	s28 =	simm.s32 $0x6;
	s25 =	sadd.s32 s2, s25  }
0x14f: {  	[hbm4b:s25+s3] =	stream.linear.scatter [tilespmem:s6], [sflag:$0xF], $0x2800, $0x38;
	[tilespmem:$0x1C200] =	vst v63  }
0x150: {  	_ =	swait.ge [sflag:s28], $0x2800  }
0x151: {  	s20 =	rddreg [dreg:$0xb]  }
0x152: {  	s21 =	sadd.s32 s0, s20  }
0x153: {  	[sflag:s28] =	ssyncset.done $0x0;
	s25 =	sshll.u32 s21, $0x4  }
0x154: {  	[sflag:s28] =	ssyncadd.s32 $0xFFFFD800;
	s28 =	simm.s32 $0x7;
	s25 =	sadd.s32 s2, s25  }
0x155: {  	[hbm4b:s25+s3] =	stream.linear.scatter [tilespmem:s7], [sflag:$0x10], $0x2800, $0x38;
	[tilespmem:$0x1C200] =	vst v63  }
0x156: {  	_ =	swait.ge [sflag:s28], $0x2800  }
0x157: {  	s7 =	rddreg [dreg:$0xc]  }
0x158: {  	s20 =	sadd.s32 s0, s7  }
0x159: {  	[sflag:s28] =	ssyncset.done $0x0;
	s25 =	sshll.u32 s20, $0x4  }
0x15a: {  	s21 =	simm.s32 $0x8;
	[sflag:s28] =	ssyncadd.s32 $0xFFFFD800;
	s25 =	sadd.s32 s2, s25  }
0x15b: {  	[hbm4b:s25+s3] =	stream.linear.scatter [tilespmem:s9], [sflag:$0x11], $0x2800, $0x38;
	[tilespmem:$0x1C200] =	vst v63  }
0x15c: {  	_ =	swait.ge [sflag:s21], $0x2800  }
0x15d: {  	s28 =	rddreg [dreg:$0xd]  }
0x15e: {  	s7 =	sadd.s32 s0, s28  }
0x15f: {  	[sflag:s21] =	ssyncset.done $0x0;
	s25 =	sshll.u32 s7, $0x4  }
0x160: {  	s9 =	simm.s32 $0x9;
	[sflag:s21] =	ssyncadd.s32 $0xFFFFD800;
	s25 =	sadd.s32 s2, s25  }
0x161: {  	[hbm4b:s25+s3] =	stream.linear.scatter [tilespmem:s4], [sflag:$0x12], $0x2800, $0x38;
	[tilespmem:$0x1C200] =	vst v63  }
0x162: {  	_ =	swait.ge [sflag:s9], $0x2800  }
0x163: {  	s20 =	rddreg [dreg:$0xe]  }
0x164: {  	s21 =	sadd.s32 s0, s20  }
0x165: {  	[sflag:s9] =	ssyncset.done $0x0;
	s25 =	sshll.u32 s21, $0x4  }
0x166: {  	[sflag:s9] =	ssyncadd.s32 $0xFFFFD800;
	s25 =	sadd.s32 s2, s25  }
0x167: {  	[hbm4b:s25+s3] =	stream.linear.scatter [tilespmem:s10], [sflag:$0x13], $0x2800, $0x38;
	[tilespmem:$0x1C200] =	vst v63  }
0x168: {  	_ =	swait.ge [sflag:s12], $0x2800  }
0x169: {  	s25 =	rddreg [dreg:$0xf]  }
0x16a: {  	p0 =	seq.s32 s31, $0x7;
	s6 =	simm.s32 $0xD200;
	s28 =	sadd.s32 s0, s25  }
0x16b: {  	s7 =	simm.s32 $0xFA00;
	[sflag:s12] =	ssyncset.done $0x0;
	s25 =	sshll.u32 s28, $0x4  }
.Ltmp2:
0x16c: {  	[sflag:s12] =	ssyncadd.s32 $0xFFFFD800;
	s25 =	sadd.s32 s2, s25;
	(pc) =	sbr.rel @p0 .LBB2_4-.Ltmp2, $4  }
0x16d: {  	[hbm4b:s25+s3] =	stream.linear.scatter [tilespmem:s11], [sflag:$0x14], $0x2800, $0x38;
	[tilespmem:$0x1C200] =	vst v63  }
0x16e: {  	s4 =	simm.s32 $0x14A00;
	s20 =	simm.s32 $0x8200;
	_ =	swait.ge [sflag:s13], $0x2800  }
0x16f: {  	s9 =	simm.s32 $0x12200;
	s21 =	simm.s32 $0xAA00;
	[sflag:s13] =	ssyncset.done $0x0  }
0x170: {  	s10 =	simm.s32 $0x17200;
	s11 =	simm.s32 $0x19A00;
	[sflag:s13] =	ssyncadd.s32 $0xFFFFD800  }
0x171: {  	v51 =	vld [tilespmem:s0+$0x320]  }
0x172: {  	v52 =	vld [tilespmem:s0+$0x1C20]  }
0x173: {  	v53 =	vld [tilespmem:s0+$0x330]  }
0x174: {  	v54 =	vld [tilespmem:s0+$0x1C30]  }
0x175: {  	s25 =	sadd.s32 $0x320, s0;
	v55 =	vld [tilespmem:s0+$0x340]  }
0x176: {  	v56 =	vld [tilespmem:s0+$0x1C40];
	s30 =	sadd.s32 s8, s25  }
0x177: {  	v58 =	vld [tilespmem:s0+$0x350];
	v57 =	vor.u32 s30, v0  }
0x178: {  	v59 =	vld [tilespmem:s0+$0x1C50];
	s30 =	sadd.s32 $0x330, s0;
	v51 =	vsub.s32 v51, v57  }
0x179: {  	s19 =	sadd.s32 $0x340, s0;
	s30 =	sadd.s32 s8, s30;
	v51 =	vmul.u32 v52, v51;
	v52 =	vld [tilespmem:s0+$0x360]  }
0x17a: {  	v61 =	vld [tilespmem:s0+$0x1C60];
	s19 =	sadd.s32 s8, s19;
	v60 =	vor.u32 s30, v0;
	s30 =	sadd.s32 $0x350, s0  }
0x17b: {  	v53 =	vsub.s32 v53, v60;
	v51 =	vadd.s32 v57, v51;
	v57 =	vor.u32 s19, v0;
	s19 =	sadd.s32 s8, s30;
	s30 =	sadd.s32 $0x360, s0  }
0x17c: {  	v53 =	vmul.u32 v54, v53;
	v62 =	vsub.s32 v55, v57;
	v55 =	vor.u32 s19, v0;
	s19 =	sadd.s32 s8, s30  }
0x17d: {  	v54 =	vmul.u32 v56, v62;
	v63 =	vsub.s32 v58, v55;
	v58 =	vor.u32 s19, v0  }
0x17e: {  	v60 =	vadd.s32 v60, v53;
	[tilespmem:s0+$0x320] =	vst v51;
	v62 =	vmul.u32 v59, v63;
	v52 =	vsub.s32 v52, v58  }
0x17f: {  	[tilespmem:s0+$0x330] =	vst v60;
	v63 =	vadd.s32 v57, v54;
	v52 =	vmul.u32 v61, v52  }
0x180: {  	[tilespmem:s0+$0x340] =	vst v63;
	v54 =	vadd.s32 v55, v62  }
0x181: {  	[tilespmem:s0+$0x350] =	vst v54;
	v55 =	vadd.s32 v58, v52  }
0x182: {  	s1 =	simm.s32 $0x3200;
	[tilespmem:s0+$0x360] =	vst v55  }
0x183: {  	[tilespmem:s1], [sflag:$0x1] =	stream.indirect.gather [hbm4b:s5+s22], $0x80, s25, s22, $0xb8;
	[tilespmem:$0x1C200] =	vst v63  }
0x184: {  	_ =	swait.ge [sflag:s14], $0x2800  }
0x185: {  	[sflag:s14] =	ssyncset.done $0x0  }
0x186: {  	[sflag:s14] =	ssyncadd.s32 $0xFFFFD800  }
0x187: {  	v56 =	vld [tilespmem:s0+$0x370]  }
0x188: {  	v57 =	vld [tilespmem:s0+$0x1C70]  }
0x189: {  	s19 =	sadd.s32 $0x370, s0  }
0x18a: {  	s1 =	sadd.s32 s8, s19  }
0x18b: {  	v58 =	vor.u32 s1, v0  }
0x18c: {  	v51 =	vsub.s32 v56, v58  }
0x18d: {  	v51 =	vmul.u32 v57, v51  }
0x18e: {  	s30 =	sadd.s32 $0x380, s0  }
0x18f: {  	s25 =	sand.u32 $0x60, s0;
	s1 =	sand.u32 $0x3F80, s30;
	v51 =	vadd.s32 v58, v51  }
0x190: {  	s1 =	sor.u32 s25, s1;
	[tilespmem:s0+$0x370] =	vst v51  }
0x191: {  	v51 =	vld [tilespmem:s1+$0x0]  }
0x192: {  	v59 =	vld [tilespmem:s1+$0x1900];
	_ =	sdelay $0x1  }
0x193: {  	s30 =	sadd.s32 s8, s30  }
0x194: {  	v60 =	vor.u32 s30, v0  }
0x195: {  	v51 =	vsub.s32 v51, v60  }
0x196: {  	v51 =	vmul.u32 v59, v51;
	_ =	sdelay $0x1  }
0x197: {  	v51 =	vadd.s32 v60, v51  }
0x198: {  	[tilespmem:s1+$0x0] =	vst v51  }
0x199: {  	v51 =	vld [tilespmem:s0+$0x390]  }
0x19a: {  	v61 =	vld [tilespmem:s0+$0x1C90]  }
0x19b: {  	v62 =	vld [tilespmem:s0+$0x3A0]  }
0x19c: {  	v54 =	vld [tilespmem:s0+$0x1CA0]  }
0x19d: {  	s1 =	sadd.s32 $0x390, s0;
	v63 =	vld [tilespmem:s0+$0x3B0]  }
0x19e: {  	s30 =	sadd.s32 $0x3A0, s0;
	s1 =	sadd.s32 s8, s1;
	v56 =	vld [tilespmem:s0+$0x1CB0]  }
0x19f: {  	v57 =	vor.u32 s1, v0;
	s1 =	sadd.s32 s8, s30;
	s30 =	sadd.s32 $0x3B0, s0  }
0x1a0: {  	v60 =	vor.u32 s1, v0;
	s1 =	sadd.s32 s8, s30;
	v51 =	vsub.s32 v51, v57  }
0x1a1: {  	v51 =	vmul.u32 v61, v51;
	v61 =	vsub.s32 v62, v60;
	v62 =	vor.u32 s1, v0  }
0x1a2: {  	v52 =	vmul.u32 v54, v61;
	v63 =	vsub.s32 v63, v62  }
0x1a3: {  	v51 =	vadd.s32 v57, v51;
	v54 =	vmul.u32 v56, v63  }
0x1a4: {  	[tilespmem:s0+$0x390] =	vst v51;
	v59 =	vadd.s32 v60, v52  }
0x1a5: {  	[tilespmem:s0+$0x3A0] =	vst v59;
	v60 =	vadd.s32 v62, v54  }
0x1a6: {  	s20 =	simm.s32 $0x5A00;
	[tilespmem:s0+$0x3B0] =	vst v60  }
0x1a7: {  	[tilespmem:s20], [sflag:$0x2] =	stream.indirect.gather [hbm4b:s5+s22], $0x80, s19, s22, $0xb8;
	[tilespmem:$0x1C200] =	vst v63  }
0x1a8: {  	_ =	swait.ge [sflag:s15], $0x2800  }
0x1a9: {  	[sflag:s15] =	ssyncset.done $0x0  }
0x1aa: {  	[sflag:s15] =	ssyncadd.s32 $0xFFFFD800  }
0x1ab: {  	v61 =	vld [tilespmem:s0+$0x3C0]  }
0x1ac: {  	v52 =	vld [tilespmem:s0+$0x1CC0]  }
0x1ad: {  	v53 =	vld [tilespmem:s0+$0x3D0]  }
0x1ae: {  	v54 =	vld [tilespmem:s0+$0x1CD0]  }
0x1af: {  	v55 =	vld [tilespmem:s0+$0x3E0]  }
0x1b0: {  	s1 =	sadd.s32 $0x3C0, s0;
	v56 =	vld [tilespmem:s0+$0x1CE0]  }
0x1b1: {  	s30 =	sadd.s32 $0x3D0, s0;
	s20 =	sadd.s32 s8, s1;
	v57 =	vld [tilespmem:s0+$0x3F0]  }
0x1b2: {  	v58 =	vor.u32 s20, v0;
	s20 =	sadd.s32 s8, s30;
	s30 =	sadd.s32 $0x3E0, s0;
	v59 =	vld [tilespmem:s0+$0x1CF0]  }
0x1b3: {  	v60 =	vor.u32 s20, v0;
	s20 =	sadd.s32 s8, s30;
	s30 =	sadd.s32 $0x3F0, s0;
	v51 =	vsub.s32 v61, v58  }
0x1b4: {  	v62 =	vsub.s32 v53, v60;
	v53 =	vor.u32 s20, v0;
	s20 =	sadd.s32 s8, s30;
	v51 =	vmul.u32 v52, v51  }
0x1b5: {  	v52 =	vmul.u32 v54, v62;
	v63 =	vsub.s32 v55, v53;
	v61 =	vor.u32 s20, v0  }
0x1b6: {  	v54 =	vmul.u32 v56, v63;
	v62 =	vsub.s32 v57, v61;
	v51 =	vadd.s32 v58, v51  }
0x1b7: {  	v63 =	vadd.s32 v60, v52;
	v56 =	vmul.u32 v59, v62;
	[tilespmem:s0+$0x3C0] =	vst v51  }
0x1b8: {  	s20 =	sadd.s32 $0x400, s0;
	[tilespmem:s0+$0x3D0] =	vst v63;
	v57 =	vadd.s32 v53, v54  }
0x1b9: {  	s30 =	sand.u32 $0x3F80, s20;
	[tilespmem:s0+$0x3E0] =	vst v57;
	v58 =	vadd.s32 v61, v56  }
0x1ba: {  	s30 =	sor.u32 s25, s30;
	[tilespmem:s0+$0x3F0] =	vst v58  }
0x1bb: {  	v51 =	vld [tilespmem:s30+$0x0]  }
0x1bc: {  	v59 =	vld [tilespmem:s30+$0x1900];
	_ =	sdelay $0x1  }
0x1bd: {  	s19 =	sadd.s32 s8, s20  }
0x1be: {  	v60 =	vor.u32 s19, v0  }
0x1bf: {  	v51 =	vsub.s32 v51, v60  }
0x1c0: {  	v51 =	vmul.u32 v59, v51;
	_ =	sdelay $0x1  }
0x1c1: {  	v51 =	vadd.s32 v60, v51  }
0x1c2: {  	s21 =	simm.s32 $0x8200;
	[tilespmem:s30+$0x0] =	vst v51  }
0x1c3: {  	[tilespmem:s21], [sflag:$0x3] =	stream.indirect.gather [hbm4b:s5+s22], $0x80, s1, s22, $0xb8;
	[tilespmem:$0x1C200] =	vst v63  }
0x1c4: {  	_ =	swait.ge [sflag:s16], $0x2800  }
0x1c5: {  	[sflag:s16] =	ssyncset.done $0x0  }
0x1c6: {  	[sflag:s16] =	ssyncadd.s32 $0xFFFFD800  }
0x1c7: {  	v61 =	vld [tilespmem:s0+$0x410]  }
0x1c8: {  	v62 =	vld [tilespmem:s0+$0x1D10]  }
0x1c9: {  	v53 =	vld [tilespmem:s0+$0x420]  }
0x1ca: {  	v54 =	vld [tilespmem:s0+$0x1D20]  }
0x1cb: {  	s1 =	sadd.s32 $0x410, s0;
	v55 =	vld [tilespmem:s0+$0x430]  }
0x1cc: {  	s20 =	sadd.s32 s8, s1;
	v56 =	vld [tilespmem:s0+$0x1D30]  }
0x1cd: {  	v57 =	vor.u32 s20, v0;
	v58 =	vld [tilespmem:s0+$0x440]  }
0x1ce: {  	s20 =	sadd.s32 $0x420, s0;
	v59 =	vld [tilespmem:s0+$0x1D40];
	v51 =	vsub.s32 v61, v57  }
0x1cf: {  	s30 =	sadd.s32 $0x430, s0;
	s19 =	sadd.s32 s8, s20;
	v52 =	vld [tilespmem:s0+$0x450];
	v51 =	vmul.u32 v62, v51  }
0x1d0: {  	s20 =	sadd.s32 s8, s30;
	s30 =	sadd.s32 $0x440, s0;
	v60 =	vor.u32 s19, v0;
	v61 =	vld [tilespmem:s0+$0x1D50]  }
0x1d1: {  	v53 =	vsub.s32 v53, v60;
	v51 =	vadd.s32 v57, v51;
	v57 =	vor.u32 s20, v0;
	s20 =	sadd.s32 s8, s30;
	s30 =	sadd.s32 $0x450, s0  }
0x1d2: {  	v53 =	vmul.u32 v54, v53;
	v63 =	vsub.s32 v55, v57;
	v55 =	vor.u32 s20, v0;
	s20 =	sadd.s32 s8, s30  }
0x1d3: {  	v54 =	vmul.u32 v56, v63;
	v56 =	vsub.s32 v58, v55;
	v62 =	vor.u32 s20, v0  }
0x1d4: {  	[tilespmem:s0+$0x410] =	vst v51;
	v63 =	vadd.s32 v60, v53;
	v56 =	vmul.u32 v59, v56;
	v52 =	vsub.s32 v52, v62  }
0x1d5: {  	[tilespmem:s0+$0x420] =	vst v63;
	v59 =	vadd.s32 v57, v54;
	v52 =	vmul.u32 v61, v52  }
0x1d6: {  	[tilespmem:s0+$0x430] =	vst v59;
	v60 =	vadd.s32 v55, v56  }
0x1d7: {  	[tilespmem:s0+$0x440] =	vst v60;
	v61 =	vadd.s32 v62, v52  }
0x1d8: {  	s28 =	simm.s32 $0xAA00;
	[tilespmem:s0+$0x450] =	vst v61  }
0x1d9: {  	[tilespmem:s28], [sflag:$0x4] =	stream.indirect.gather [hbm4b:s5+s22], $0x80, s1, s22, $0xb8;
	[tilespmem:$0x1C200] =	vst v63  }
0x1da: {  	_ =	swait.ge [sflag:s17], $0x2800  }
0x1db: {  	[sflag:s17] =	ssyncset.done $0x0  }
0x1dc: {  	[sflag:s17] =	ssyncadd.s32 $0xFFFFD800  }
0x1dd: {  	v62 =	vld [tilespmem:s0+$0x460]  }
0x1de: {  	v52 =	vld [tilespmem:s0+$0x1D60]  }
0x1df: {  	v63 =	vld [tilespmem:s0+$0x470]  }
0x1e0: {  	s1 =	sadd.s32 $0x460, s0;
	v60 =	vld [tilespmem:s0+$0x1D70]  }
0x1e1: {  	s30 =	sadd.s32 $0x470, s0;
	s20 =	sadd.s32 s8, s1  }
0x1e2: {  	v61 =	vor.u32 s20, v0;
	s20 =	sadd.s32 s8, s30  }
0x1e3: {  	v51 =	vsub.s32 v62, v61;
	v62 =	vor.u32 s20, v0  }
0x1e4: {  	v51 =	vmul.u32 v52, v51;
	v63 =	vsub.s32 v63, v62  }
0x1e5: {  	v52 =	vmul.u32 v60, v63  }
0x1e6: {  	s20 =	sadd.s32 $0x480, s0;
	v51 =	vadd.s32 v61, v51  }
0x1e7: {  	s30 =	sand.u32 $0x3F80, s20;
	[tilespmem:s0+$0x460] =	vst v51;
	v57 =	vadd.s32 v62, v52  }
0x1e8: {  	s30 =	sor.u32 s25, s30;
	[tilespmem:s0+$0x470] =	vst v57  }
0x1e9: {  	v51 =	vld [tilespmem:s30+$0x0]  }
0x1ea: {  	v58 =	vld [tilespmem:s30+$0x1900];
	_ =	sdelay $0x1  }
0x1eb: {  	s19 =	sadd.s32 s8, s20  }
0x1ec: {  	v59 =	vor.u32 s19, v0  }
0x1ed: {  	v51 =	vsub.s32 v51, v59  }
0x1ee: {  	v51 =	vmul.u32 v58, v51;
	_ =	sdelay $0x1  }
0x1ef: {  	v51 =	vadd.s32 v59, v51  }
0x1f0: {  	[tilespmem:s30+$0x0] =	vst v51  }
0x1f1: {  	v51 =	vld [tilespmem:s0+$0x490]  }
0x1f2: {  	v52 =	vld [tilespmem:s0+$0x1D90]  }
0x1f3: {  	v60 =	vld [tilespmem:s0+$0x4A0]  }
0x1f4: {  	s20 =	sadd.s32 $0x490, s0;
	v61 =	vld [tilespmem:s0+$0x1DA0]  }
0x1f5: {  	s19 =	sadd.s32 s8, s20;
	s30 =	sadd.s32 $0x4A0, s0  }
0x1f6: {  	v62 =	vor.u32 s19, v0;
	s20 =	sadd.s32 s8, s30  }
0x1f7: {  	v63 =	vor.u32 s20, v0;
	v51 =	vsub.s32 v51, v62  }
0x1f8: {  	v58 =	vsub.s32 v60, v63;
	v51 =	vmul.u32 v52, v51  }
0x1f9: {  	v52 =	vmul.u32 v61, v58  }
0x1fa: {  	v51 =	vadd.s32 v62, v51  }
0x1fb: {  	v59 =	vadd.s32 v63, v52;
	[tilespmem:s0+$0x490] =	vst v51  }
0x1fc: {  	s6 =	simm.s32 $0xD200;
	[tilespmem:s0+$0x4A0] =	vst v59  }
0x1fd: {  	[tilespmem:s6], [sflag:$0x5] =	stream.indirect.gather [hbm4b:s5+s22], $0x80, s1, s22, $0xb8;
	[tilespmem:$0x1C200] =	vst v63  }
0x1fe: {  	_ =	swait.ge [sflag:s18], $0x2800  }
0x1ff: {  	[sflag:s18] =	ssyncset.done $0x0  }
0x200: {  	[sflag:s18] =	ssyncadd.s32 $0xFFFFD800  }
0x201: {  	v60 =	vld [tilespmem:s0+$0x4B0]  }
0x202: {  	v61 =	vld [tilespmem:s0+$0x1DB0]  }
0x203: {  	v53 =	vld [tilespmem:s0+$0x4C0]  }
0x204: {  	v54 =	vld [tilespmem:s0+$0x1DC0]  }
0x205: {  	s1 =	sadd.s32 $0x4B0, s0;
	v55 =	vld [tilespmem:s0+$0x4D0]  }
0x206: {  	s20 =	sadd.s32 s8, s1;
	v56 =	vld [tilespmem:s0+$0x1DD0]  }
0x207: {  	v57 =	vor.u32 s20, v0;
	v58 =	vld [tilespmem:s0+$0x4E0]  }
0x208: {  	s20 =	sadd.s32 $0x4C0, s0;
	v59 =	vld [tilespmem:s0+$0x1DE0];
	v51 =	vsub.s32 v60, v57  }
0x209: {  	s30 =	sadd.s32 $0x4D0, s0;
	s19 =	sadd.s32 s8, s20;
	v52 =	vld [tilespmem:s0+$0x4F0];
	v51 =	vmul.u32 v61, v51  }
0x20a: {  	s20 =	sadd.s32 s8, s30;
	s30 =	sadd.s32 $0x4E0, s0;
	v60 =	vor.u32 s19, v0;
	v61 =	vld [tilespmem:s0+$0x1DF0]  }
0x20b: {  	v53 =	vsub.s32 v53, v60;
	v51 =	vadd.s32 v57, v51;
	v57 =	vor.u32 s20, v0;
	s20 =	sadd.s32 s8, s30;
	s30 =	sadd.s32 $0x4F0, s0  }
0x20c: {  	v53 =	vmul.u32 v54, v53;
	v62 =	vsub.s32 v55, v57;
	v55 =	vor.u32 s20, v0;
	s20 =	sadd.s32 s8, s30  }
0x20d: {  	v54 =	vmul.u32 v56, v62;
	v63 =	vsub.s32 v58, v55;
	v58 =	vor.u32 s20, v0  }
0x20e: {  	[tilespmem:s0+$0x4B0] =	vst v51;
	v62 =	vadd.s32 v60, v53;
	v63 =	vmul.u32 v59, v63;
	v52 =	vsub.s32 v52, v58  }
0x20f: {  	[tilespmem:s0+$0x4C0] =	vst v62;
	v56 =	vadd.s32 v57, v54;
	v52 =	vmul.u32 v61, v52  }
0x210: {  	[tilespmem:s0+$0x4D0] =	vst v56;
	v57 =	vadd.s32 v55, v63  }
0x211: {  	[tilespmem:s0+$0x4E0] =	vst v57;
	v58 =	vadd.s32 v58, v52  }
0x212: {  	s7 =	simm.s32 $0xFA00;
	[tilespmem:s0+$0x4F0] =	vst v58  }
0x213: {  	[tilespmem:s7], [sflag:$0x6] =	stream.indirect.gather [hbm4b:s5+s22], $0x80, s1, s22, $0xb8;
	[tilespmem:$0x1C200] =	vst v63  }
0x214: {  	s1 =	sadd.s32 $0x500, s0;
	_ =	swait.ge [sflag:s23], $0x2800  }
0x215: {  	s20 =	sand.u32 $0x3F80, s1;
	[sflag:s23] =	ssyncset.done $0x0  }
0x216: {  	s19 =	sor.u32 s25, s20;
	[sflag:s23] =	ssyncadd.s32 $0xFFFFD800  }
0x217: {  	v59 =	vld [tilespmem:s19+$0x0]  }
0x218: {  	v60 =	vld [tilespmem:s19+$0x1900];
	_ =	sdelay $0x1  }
0x219: {  	s30 =	sadd.s32 s8, s1  }
0x21a: {  	v61 =	vor.u32 s30, v0  }
0x21b: {  	v51 =	vsub.s32 v59, v61  }
0x21c: {  	v51 =	vmul.u32 v60, v51;
	_ =	sdelay $0x1  }
0x21d: {  	v51 =	vadd.s32 v61, v51  }
0x21e: {  	[tilespmem:s19+$0x0] =	vst v51  }
0x21f: {  	v51 =	vld [tilespmem:s0+$0x510]  }
0x220: {  	v52 =	vld [tilespmem:s0+$0x1E10]  }
0x221: {  	v53 =	vld [tilespmem:s0+$0x520]  }
0x222: {  	v54 =	vld [tilespmem:s0+$0x1E20]  }
0x223: {  	v55 =	vld [tilespmem:s0+$0x530]  }
0x224: {  	s20 =	sadd.s32 $0x510, s0;
	v56 =	vld [tilespmem:s0+$0x1E30]  }
0x225: {  	s30 =	sadd.s32 $0x520, s0;
	s19 =	sadd.s32 s8, s20;
	v57 =	vld [tilespmem:s0+$0x540]  }
0x226: {  	s20 =	sadd.s32 s8, s30;
	s30 =	sadd.s32 $0x530, s0;
	v58 =	vor.u32 s19, v0;
	v59 =	vld [tilespmem:s0+$0x1E40]  }
0x227: {  	v60 =	vor.u32 s20, v0;
	s20 =	sadd.s32 s8, s30;
	s30 =	sadd.s32 $0x540, s0;
	v51 =	vsub.s32 v51, v58  }
0x228: {  	v62 =	vsub.s32 v53, v60;
	v53 =	vor.u32 s20, v0;
	s20 =	sadd.s32 s8, s30;
	v51 =	vmul.u32 v52, v51  }
0x229: {  	v52 =	vmul.u32 v54, v62;
	v63 =	vsub.s32 v55, v53;
	v61 =	vor.u32 s20, v0  }
0x22a: {  	v54 =	vmul.u32 v56, v63;
	v62 =	vsub.s32 v57, v61;
	v51 =	vadd.s32 v58, v51  }
0x22b: {  	v63 =	vadd.s32 v60, v52;
	v57 =	vmul.u32 v59, v62;
	[tilespmem:s0+$0x510] =	vst v51  }
0x22c: {  	[tilespmem:s0+$0x520] =	vst v63;
	v58 =	vadd.s32 v53, v54  }
0x22d: {  	[tilespmem:s0+$0x530] =	vst v58;
	v59 =	vadd.s32 v61, v57  }
0x22e: {  	s9 =	simm.s32 $0x12200;
	[tilespmem:s0+$0x540] =	vst v59  }
0x22f: {  	[tilespmem:s9], [sflag:$0x7] =	stream.indirect.gather [hbm4b:s5+s22], $0x80, s1, s22, $0xb8;
	[tilespmem:$0x1C200] =	vst v63  }
0x230: {  	_ =	swait.ge [sflag:s24], $0x2800  }
0x231: {  	[sflag:s24] =	ssyncset.done $0x0  }
0x232: {  	[sflag:s24] =	ssyncadd.s32 $0xFFFFD800  }
0x233: {  	v60 =	vld [tilespmem:s0+$0x550]  }
0x234: {  	v61 =	vld [tilespmem:s0+$0x1E50]  }
0x235: {  	v62 =	vld [tilespmem:s0+$0x560]  }
0x236: {  	v54 =	vld [tilespmem:s0+$0x1E60]  }
0x237: {  	s1 =	sadd.s32 $0x550, s0;
	v63 =	vld [tilespmem:s0+$0x570]  }
0x238: {  	s30 =	sadd.s32 $0x560, s0;
	s20 =	sadd.s32 s8, s1;
	v56 =	vld [tilespmem:s0+$0x1E70]  }
0x239: {  	v57 =	vor.u32 s20, v0;
	s20 =	sadd.s32 s8, s30;
	s30 =	sadd.s32 $0x570, s0  }
0x23a: {  	v51 =	vsub.s32 v60, v57;
	v60 =	vor.u32 s20, v0;
	s20 =	sadd.s32 s8, s30  }
0x23b: {  	v51 =	vmul.u32 v61, v51;
	v61 =	vsub.s32 v62, v60;
	v62 =	vor.u32 s20, v0  }
0x23c: {  	v52 =	vmul.u32 v54, v61;
	v63 =	vsub.s32 v63, v62  }
0x23d: {  	v51 =	vadd.s32 v57, v51;
	v54 =	vmul.u32 v56, v63  }
0x23e: {  	s20 =	sadd.s32 $0x580, s0;
	[tilespmem:s0+$0x550] =	vst v51;
	v55 =	vadd.s32 v60, v52  }
0x23f: {  	s30 =	sand.u32 $0x3F80, s20;
	[tilespmem:s0+$0x560] =	vst v55;
	v56 =	vadd.s32 v62, v54  }
0x240: {  	s30 =	sor.u32 s25, s30;
	[tilespmem:s0+$0x570] =	vst v56  }
0x241: {  	v51 =	vld [tilespmem:s30+$0x0]  }
0x242: {  	v57 =	vld [tilespmem:s30+$0x1900];
	_ =	sdelay $0x1  }
0x243: {  	s19 =	sadd.s32 s8, s20  }
0x244: {  	v58 =	vor.u32 s19, v0  }
0x245: {  	v51 =	vsub.s32 v51, v58  }
0x246: {  	v51 =	vmul.u32 v57, v51;
	_ =	sdelay $0x1  }
0x247: {  	v51 =	vadd.s32 v58, v51  }
0x248: {  	[tilespmem:s30+$0x0] =	vst v51  }
0x249: {  	v51 =	vld [tilespmem:s0+$0x590]  }
0x24a: {  	v59 =	vld [tilespmem:s0+$0x1E90]  }
0x24b: {  	s20 =	sadd.s32 $0x590, s0  }
0x24c: {  	s19 =	sadd.s32 s8, s20  }
0x24d: {  	v60 =	vor.u32 s19, v0  }
0x24e: {  	v51 =	vsub.s32 v51, v60  }
0x24f: {  	v51 =	vmul.u32 v59, v51;
	_ =	sdelay $0x1  }
0x250: {  	v51 =	vadd.s32 v60, v51  }
0x251: {  	s4 =	simm.s32 $0x14A00;
	[tilespmem:s0+$0x590] =	vst v51  }
0x252: {  	[tilespmem:s4], [sflag:$0x8] =	stream.indirect.gather [hbm4b:s5+s22], $0x80, s1, s22, $0xb8;
	[tilespmem:$0x1C200] =	vst v63  }
0x253: {  	_ =	swait.ge [sflag:s26], $0x2800  }
0x254: {  	[sflag:s26] =	ssyncset.done $0x0  }
0x255: {  	[sflag:s26] =	ssyncadd.s32 $0xFFFFD800  }
0x256: {  	v61 =	vld [tilespmem:s0+$0x5A0]  }
0x257: {  	v62 =	vld [tilespmem:s0+$0x1EA0]  }
0x258: {  	v53 =	vld [tilespmem:s0+$0x5B0]  }
0x259: {  	v54 =	vld [tilespmem:s0+$0x1EB0]  }
0x25a: {  	s1 =	sadd.s32 $0x5A0, s0;
	v55 =	vld [tilespmem:s0+$0x5C0]  }
0x25b: {  	s20 =	sadd.s32 s8, s1;
	v56 =	vld [tilespmem:s0+$0x1EC0]  }
0x25c: {  	v57 =	vor.u32 s20, v0;
	v58 =	vld [tilespmem:s0+$0x5D0]  }
0x25d: {  	s20 =	sadd.s32 $0x5B0, s0;
	v59 =	vld [tilespmem:s0+$0x1ED0];
	v51 =	vsub.s32 v61, v57  }
0x25e: {  	s30 =	sadd.s32 $0x5C0, s0;
	s19 =	sadd.s32 s8, s20;
	v52 =	vld [tilespmem:s0+$0x5E0];
	v51 =	vmul.u32 v62, v51  }
0x25f: {  	s20 =	sadd.s32 s8, s30;
	s30 =	sadd.s32 $0x5D0, s0;
	v60 =	vor.u32 s19, v0;
	v61 =	vld [tilespmem:s0+$0x1EE0]  }
0x260: {  	v53 =	vsub.s32 v53, v60;
	v51 =	vadd.s32 v57, v51;
	v57 =	vor.u32 s20, v0;
	s20 =	sadd.s32 s8, s30;
	s30 =	sadd.s32 $0x5E0, s0  }
0x261: {  	v53 =	vmul.u32 v54, v53;
	v63 =	vsub.s32 v55, v57;
	v55 =	vor.u32 s20, v0;
	s20 =	sadd.s32 s8, s30  }
0x262: {  	v54 =	vmul.u32 v56, v63;
	v56 =	vsub.s32 v58, v55;
	v62 =	vor.u32 s20, v0  }
0x263: {  	[tilespmem:s0+$0x5A0] =	vst v51;
	v63 =	vadd.s32 v60, v53;
	v59 =	vmul.u32 v59, v56;
	v52 =	vsub.s32 v52, v62  }
0x264: {  	[tilespmem:s0+$0x5B0] =	vst v63;
	v60 =	vadd.s32 v57, v54;
	v52 =	vmul.u32 v61, v52  }
0x265: {  	[tilespmem:s0+$0x5C0] =	vst v60;
	v61 =	vadd.s32 v55, v59  }
0x266: {  	[tilespmem:s0+$0x5D0] =	vst v61;
	v62 =	vadd.s32 v62, v52  }
0x267: {  	s10 =	simm.s32 $0x17200;
	[tilespmem:s0+$0x5E0] =	vst v62  }
0x268: {  	[tilespmem:s10], [sflag:$0x9] =	stream.indirect.gather [hbm4b:s5+s22], $0x80, s1, s22, $0xb8;
	[tilespmem:$0x1C200] =	vst v63  }
0x269: {  	_ =	swait.ge [sflag:s29], $0x2800  }
0x26a: {  	[sflag:s29] =	ssyncset.done $0x0  }
0x26b: {  	[sflag:s29] =	ssyncadd.s32 $0xFFFFD800  }
0x26c: {  	v63 =	vld [tilespmem:s0+$0x5F0]  }
0x26d: {  	v56 =	vld [tilespmem:s0+$0x1EF0]  }
0x26e: {  	s1 =	sadd.s32 $0x5F0, s0  }
0x26f: {  	s20 =	sadd.s32 s8, s1  }
0x270: {  	v57 =	vor.u32 s20, v0  }
0x271: {  	v51 =	vsub.s32 v63, v57  }
0x272: {  	v51 =	vmul.u32 v56, v51  }
0x273: {  	s20 =	sadd.s32 $0x600, s0  }
0x274: {  	s30 =	sand.u32 $0x3F80, s20;
	v51 =	vadd.s32 v57, v51  }
0x275: {  	s25 =	sor.u32 s25, s30;
	[tilespmem:s0+$0x5F0] =	vst v51  }
0x276: {  	v51 =	vld [tilespmem:s25+$0x0]  }
0x277: {  	v58 =	vld [tilespmem:s25+$0x1900];
	_ =	sdelay $0x1  }
0x278: {  	s19 =	sadd.s32 s8, s20  }
0x279: {  	v59 =	vor.u32 s19, v0  }
0x27a: {  	v51 =	vsub.s32 v51, v59  }
0x27b: {  	v51 =	vmul.u32 v58, v51;
	_ =	sdelay $0x1  }
0x27c: {  	v51 =	vadd.s32 v59, v51  }
0x27d: {  	[tilespmem:s25+$0x0] =	vst v51  }
0x27e: {  	v51 =	vld [tilespmem:s0+$0x610]  }
0x27f: {  	v52 =	vld [tilespmem:s0+$0x1F10]  }
0x280: {  	v60 =	vld [tilespmem:s0+$0x620]  }
0x281: {  	v54 =	vld [tilespmem:s0+$0x1F20]  }
0x282: {  	s25 =	sadd.s32 $0x610, s0;
	v61 =	vld [tilespmem:s0+$0x630]  }
0x283: {  	s20 =	sadd.s32 $0x620, s0;
	s19 =	sadd.s32 s8, s25;
	v56 =	vld [tilespmem:s0+$0x1F30]  }
0x284: {  	s25 =	sadd.s32 s8, s20;
	s20 =	sadd.s32 $0x630, s0;
	v57 =	vor.u32 s19, v0  }
0x285: {  	v62 =	vor.u32 s25, v0;
	s25 =	sadd.s32 s8, s20;
	v51 =	vsub.s32 v51, v57  }
0x286: {  	v63 =	vor.u32 s25, v0;
	v60 =	vsub.s32 v60, v62;
	v51 =	vmul.u32 v52, v51  }
0x287: {  	v61 =	vsub.s32 v61, v63;
	v52 =	vmul.u32 v54, v60  }
.Ltmp3:
0x288: {  	v53 =	vmul.u32 v56, v61;
	v51 =	vadd.s32 v57, v51;
	(pc) =	sbr.rel .LBB2_2-.Ltmp3, $4  }
0x289: {  	v62 =	vadd.s32 v62, v52;
	[tilespmem:s0+$0x610] =	vst v51  }
0x28a: {  	s11 =	simm.s32 $0x19A00;
	v63 =	vadd.s32 v63, v53;
	[tilespmem:s0+$0x620] =	vst v62  }
0x28b: {  	s31 =	sadd.s32 $0x1, s31;
	s30 =	simm.s32 $0x5A00;
	s19 =	simm.s32 $0x3200;
	[tilespmem:s0+$0x630] =	vst v63  }
0x28c: {  	[tilespmem:s11], [sflag:$0xA] =	stream.indirect.gather [hbm4b:s5+s22], $0x80, s1, s22, $0xb8;
	[tilespmem:$0x1C200] =	vst v63  }
.LBB2_5:
0x28d: {  	_ =	sfence.sel $0x180000  }
0x28e: {  	[bflag:$0x0] =	sbarrier.arrive $0xFFFF  }
0x28f: {  	_ =	strace $0x90000047  }
0x290: {  	s0 =	stileid.u32;
	[bflag:$0x2] =	sbarrier.arrive $0xFFFF  }
0x291: {  	p0 =	sne.s32 s0, $0x0;
	s0 =	rddreg [dreg:$0x2]  }
0x292: {  	s0 =	sadd.s32 @!p0 $0x100000, s0  }
0x293: {  	[sflag:s0] =	ssyncadd.tile.s32 @!p0 $0x1;
	_ =	shalt  }
.Lfunc_end2:
_tile_overlayer_lowered:
.L_overlay_start_2:
0x294: {  	(tag) =	ssettag $0x2  }
0x295: {  	s0 =	rddreg [dreg:$0x0];
	s2 =	stileid.u32  }
0x296: {  	s1 =	rddreg [dreg:$0x1];
	p0 =	sne.s32 s2, $0x0  }
0x297: {  	s3 =	rddreg [dreg:$0x2];
	[bflag:$0x3] =	sbarrier.arrive $0xFFFF;
	s2 =	simm.s32 @!p0 $0x1C15  }
0x298: {  	[timem:s3], [sflag:s2] =	dma.local @!p0 [hbm:s0], s1  }
0x299: {  	s0 =	simm.s32 @!p0 $0x15  }
0x29a: {  	_ =	swait.ge @!p0 [sflag:s0], s1  }
0x29b: {  	s1 =	ssub.s32 @!p0 $0x0, s1;
	[sflag:s0] =	ssyncset.done @!p0 $0x0  }
0x29c: {  	[sflag:s0] =	ssyncadd.s32 @!p0 s1  }
0x29d: {  	[bflag:$0x3] =	sbarrier.arrive $0xFFFF  }
0x29e: {  	_ =	shalt  }

</sc_bundles>
